<compile_context>
chip_gen: v7x
topology: tpu7x:2x2x1
jax: 0.10.2.dev20260603
libtpu: 0.0.44.dev20260713+nightly
codegen_flags: <defaults>
</compile_context>

<pallas_src>
import functools

import jax
import jax.numpy as jnp
from jax import lax
from jax.experimental import pallas as pl
from jax.experimental.pallas import tpu as pltpu
from jax.experimental.pallas import tpu_sc as plsc

E = 128
C = 5
B = 16384
NC = 2
NS = 16
NW = NC * NS
BPW = B // NW
CB = 16
NCHUNK = BPW // CB
NBUF = 4
LANES = 8


def _w2v_body(tgt_hbm, ctx_hbm, ttab_hbm, ctab_hbm, out_hbm,
              tidx_v, cidx_v, wbuf, cbuf, out_v, *sems):
    wid = lax.axis_index("s") * NC + lax.axis_index("c")
    base = wid * BPW

    pltpu.sync_copy(tgt_hbm.at[pl.ds(base, BPW)], tidx_v)
    pltpu.sync_copy(ctx_hbm.at[:, pl.ds(base, BPW)], cidx_v)

    def start(k, slot):
        sw, sc = sems[2 * slot], sems[2 * slot + 1]
        koff = pl.multiple_of(k * CB, 8)
        pltpu.make_async_copy(
            ttab_hbm.at[tidx_v.at[pl.ds(koff, CB)]], wbuf.at[slot], sw
        ).start()
        for c in range(C):
            pltpu.make_async_copy(
                ctab_hbm.at[cidx_v.at[c, pl.ds(koff, CB)]],
                cbuf.at[slot, pl.ds(c * CB, CB)], sc
            ).start()

    def wait(slot):
        sw, sc = sems[2 * slot], sems[2 * slot + 1]
        pltpu.make_async_copy(ttab_hbm.at[pl.ds(0, CB)], wbuf.at[slot], sw).wait()
        for c in range(C):
            pltpu.make_async_copy(
                ttab_hbm.at[pl.ds(0, CB)], cbuf.at[slot, pl.ds(c * CB, CB)], sc
            ).wait()

    lane = lax.iota(jnp.int32, 16)

    def compute(k, slot):
        def row_body(j, vecs):
            w = [wbuf[slot, j, pl.ds(16 * t, 16)] for t in range(LANES)]
            out = []
            for c in range(C):
                r = c * CB + j
                acc = w[0] * cbuf[slot, r, pl.ds(0, 16)]
                for t in range(1, LANES):
                    acc = acc + w[t] * cbuf[slot, r, pl.ds(16 * t, 16)]
                out.append(jnp.where(lane == j, jnp.sum(acc), vecs[c]))
            return tuple(out)

        init = tuple(jnp.zeros((16,), jnp.float32) for _ in range(C))
        vecs = lax.fori_loop(0, CB, row_body, init)
        koff = pl.multiple_of(k * CB, 16)
        for c in range(C):
            out_v[c, pl.ds(koff, 16)] = vecs[c]

    for s in range(NBUF - 1):
        start(s, s)

    def group_body(g, _):
        for b in range(NBUF):
            k = g * NBUF + b

            @pl.when(k + NBUF - 1 < NCHUNK)
            def _prefetch():
                start(k + NBUF - 1, (b + NBUF - 1) % NBUF)

            wait(b)
            compute(k, b)
        return _

    lax.fori_loop(0, NCHUNK // NBUF, group_body, None)
    pltpu.sync_copy(out_v, out_hbm.at[:, pl.ds(base, BPW)])


@jax.jit
def _w2v(tgt, ctx_t, ttab, ctab):
    mesh = plsc.VectorSubcoreMesh(core_axis_name="c", subcore_axis_name="s")
    f = functools.partial(
        pl.kernel,
        out_type=jax.ShapeDtypeStruct((C, B), jnp.float32),
        mesh=mesh,
        compiler_params=pltpu.CompilerParams(needs_layout_passes=False),
        scratch_types=[
            pltpu.VMEM((BPW,), jnp.int32),
            pltpu.VMEM((C, BPW), jnp.int32),
            pltpu.VMEM((NBUF, CB, E), jnp.float32),
            pltpu.VMEM((NBUF, CB * C, E), jnp.float32),
            pltpu.VMEM((C, BPW), jnp.float32),
        ] + [pltpu.SemaphoreType.DMA] * (2 * NBUF),
    )(_w2v_body)
    return f(tgt, ctx_t, ttab, ctab)


def kernel(target, context, target_table, context_table):
    if target.ndim == 2:
        target = jnp.squeeze(target, axis=1)
    out_t = _w2v(target, context.T, target_table, context_table)
    return out_t.T

# --- scband reference (transcript-rebuilt; emitter-appended) ---
"""Pipeline reference for scband-word2-vec-41051297415200 (READ-ONLY COPY).

The authoritative reference and input builder live on the scoring server;
editing this copy changes nothing except your own understanding.
"""

import jax, jax.numpy as jnp
import numpy as np

VOCAB_SIZE = 1000000
EMBED_DIM = 128
BATCH = 16384
NUM_NS = 4

def setup_inputs(seed: int = 0) -> dict:
    key = jax.random.key(seed)
    k1, k2, k3, k4 = jax.random.split(key, 4)
    target = jax.random.randint(k1, (BATCH,), 0, VOCAB_SIZE, dtype=jnp.int64 if jax.config.jax_enable_x64 else jnp.int32).astype(jnp.int32)
    context = jax.random.randint(k2, (BATCH, NUM_NS + 1), 0, VOCAB_SIZE).astype(jnp.int32)
    # Learned parameters: two embedding tables (keras Embedding default uniform init)
    target_table = jax.random.uniform(k3, (VOCAB_SIZE, EMBED_DIM), dtype=jnp.float32, minval=-0.05, maxval=0.05)
    context_table = jax.random.uniform(k4, (VOCAB_SIZE, EMBED_DIM), dtype=jnp.float32, minval=-0.05, maxval=0.05)
    return {"target": target, "context": context, "target_table": target_table, "context_table": context_table}

def reference(target, context, target_table, context_table):
    # Faithful translation of Word2Vec.call
    if target.ndim == 2:
        target = jnp.squeeze(target, axis=1)
    word_emb = jnp.take(target_table, target, axis=0)          # [B, E]
    context_emb = jnp.take(context_table, context, axis=0)     # [B, C, E]
    dots = jnp.einsum('be,bce->bc', word_emb, context_emb)     # [B, C]
    return dots

if __name__ == "__main__":
    import jax
    _d = setup_inputs()
    print(jax.jit(kernel)(*tuple(_d.values())))

</pallas_src>

<mosaic_0001>
#map = affine_map<(d0, d1) -> (0)>
#map1 = affine_map<(d0, d1) -> (0, 0)>
module attributes {stable_mosaic.version = 14 : i64} {
  func.func @_w2v_body(%arg0: i32, %arg1: i32, %arg2: memref<16384xi32, #tpu.memory_space<hbm>>, %arg3: memref<5x16384xi32, #tpu.memory_space<hbm>>, %arg4: memref<1000000x128xf32, #tpu.memory_space<hbm>>, %arg5: memref<1000000x128xf32, #tpu.memory_space<hbm>>, %arg6: memref<5x16384xf32, #tpu.memory_space<hbm>>, %arg7: memref<512xi32, #tpu.memory_space<vmem>>, %arg8: memref<5x512xi32, #tpu.memory_space<vmem>>, %arg9: memref<4x16x128xf32, #tpu.memory_space<vmem>>, %arg10: memref<4x80x128xf32, #tpu.memory_space<vmem>>, %arg11: memref<5x512xf32, #tpu.memory_space<vmem>>, %arg12: memref<!tpu.dma_semaphore, #tpu.memory_space<semaphore_mem>>, %arg13: memref<!tpu.dma_semaphore, #tpu.memory_space<semaphore_mem>>, %arg14: memref<!tpu.dma_semaphore, #tpu.memory_space<semaphore_mem>>, %arg15: memref<!tpu.dma_semaphore, #tpu.memory_space<semaphore_mem>>, %arg16: memref<!tpu.dma_semaphore, #tpu.memory_space<semaphore_mem>>, %arg17: memref<!tpu.dma_semaphore, #tpu.memory_space<semaphore_mem>>, %arg18: memref<!tpu.dma_semaphore, #tpu.memory_space<semaphore_mem>>, %arg19: memref<!tpu.dma_semaphore, #tpu.memory_space<semaphore_mem>>) attributes {dimension_semantics = [#tpu.dimension_semantics<core_parallel>, #tpu.dimension_semantics<subcore_parallel>], iteration_bounds = array<i64: 2, 16>, scalar_prefetch = 0 : i64, scratch_operands = 13 : i64, tpu.core_type = #tpu.core_type<sc_vector_subcore>, window_params = [{transform_indices = #map}, {transform_indices = #map1}, {transform_indices = #map1}, {transform_indices = #map1}, {transform_indices = #map1}]} {
    %mul3A = arith.constant 2 : i32
    %mul3A_0 = arith.muli %arg1, %mul3A : i32
    %add3A = arith.addi %mul3A_0, %arg0 : i32
    %mul3A_1 = arith.constant 512 : i32
    %mul3A_2 = arith.muli %add3A, %mul3A_1 : i32
    "tpu.region"() ({
      %run_scoped3A = tpu.sem_alloc : memref<!tpu.dma_semaphore, #tpu.memory_space<semaphore_mem>>
      %dma_start3A_203 = tpu.memref_slice %arg2[%mul3A_2] : memref<16384xi32, #tpu.memory_space<hbm>> -> memref<512xi32, #tpu.memory_space<hbm>>
      %dma_start3A_204 = tpu.memref_slice %arg2[%mul3A_2] : memref<16384xi32, #tpu.memory_space<hbm>> -> memref<512xi32, #tpu.memory_space<hbm>>
      tpu.enqueue_dma source(%dma_start3A_204 : memref<512xi32, #tpu.memory_space<hbm>>) target(%arg7 : memref<512xi32, #tpu.memory_space<vmem>>) target_semaphore(%run_scoped3A : memref<!tpu.dma_semaphore, #tpu.memory_space<semaphore_mem>>)
      %dma_wait3A = tpu.memref_slice %arg2[%mul3A_2] : memref<16384xi32, #tpu.memory_space<hbm>> -> memref<512xi32, #tpu.memory_space<hbm>>
      %dma_wait3A_205 = tpu.memref_slice %arg2[%mul3A_2] : memref<16384xi32, #tpu.memory_space<hbm>> -> memref<512xi32, #tpu.memory_space<hbm>>
      tpu.wait_dma2 semaphore(%run_scoped3A : memref<!tpu.dma_semaphore, #tpu.memory_space<semaphore_mem>>) src(%dma_wait3A_205 : memref<512xi32, #tpu.memory_space<hbm>>) dst(%arg7 : memref<512xi32, #tpu.memory_space<vmem>>)
      tpu.yield
    }) : () -> ()
    "tpu.region"() ({
      %run_scoped3A = tpu.sem_alloc : memref<!tpu.dma_semaphore, #tpu.memory_space<semaphore_mem>>
      %dma_start3A_203 = arith.constant 0 : i32
      %dma_start3A_204 = tpu.memref_slice %arg3[%dma_start3A_203, %mul3A_2] : memref<5x16384xi32, #tpu.memory_space<hbm>> -> memref<5x512xi32, #tpu.memory_space<hbm>>
      %dma_start3A_205 = arith.constant 0 : i32
      %dma_start3A_206 = tpu.memref_slice %arg3[%dma_start3A_205, %mul3A_2] : memref<5x16384xi32, #tpu.memory_space<hbm>> -> memref<5x512xi32, #tpu.memory_space<hbm>>
      tpu.enqueue_dma source(%dma_start3A_206 : memref<5x512xi32, #tpu.memory_space<hbm>>) target(%arg8 : memref<5x512xi32, #tpu.memory_space<vmem>>) target_semaphore(%run_scoped3A : memref<!tpu.dma_semaphore, #tpu.memory_space<semaphore_mem>>)
      %dma_wait3A = arith.constant 0 : i32
      %dma_wait3A_207 = tpu.memref_slice %arg3[%dma_wait3A, %mul3A_2] : memref<5x16384xi32, #tpu.memory_space<hbm>> -> memref<5x512xi32, #tpu.memory_space<hbm>>
      %dma_wait3A_208 = arith.constant 0 : i32
      %dma_wait3A_209 = tpu.memref_slice %arg3[%dma_wait3A_208, %mul3A_2] : memref<5x16384xi32, #tpu.memory_space<hbm>> -> memref<5x512xi32, #tpu.memory_space<hbm>>
      tpu.wait_dma2 semaphore(%run_scoped3A : memref<!tpu.dma_semaphore, #tpu.memory_space<semaphore_mem>>) src(%dma_wait3A_209 : memref<5x512xi32, #tpu.memory_space<hbm>>) dst(%arg8 : memref<5x512xi32, #tpu.memory_space<vmem>>)
      tpu.yield
    }) : () -> ()
    %iota3A = tpu.iota {dimensions = array<i32: 0>} : vector<16xi32>
    %multiple_of3A = arith.constant 0 : i32
    %multiple_of3A_3 = tpu.assume_multiple %multiple_of3A, 8 : i32
    %dma_start3A = arith.constant 0 : i32
    %dma_start3A_4 = arith.constant 0 : i32
    %dma_start3A_5 = arith.constant 0 : i32
    %dma_start3A_6 = tpu.memref_slice %arg9[%dma_start3A, %dma_start3A_4, %dma_start3A_5] : memref<4x16x128xf32, #tpu.memory_space<vmem>> -> memref<1x16x128xf32, #tpu.memory_space<vmem>>
    %dma_start3A_7 = tpu.memref_squeeze %dma_start3A_6 : memref<1x16x128xf32, #tpu.memory_space<vmem>> -> memref<16x128xf32, #tpu.memory_space<vmem>>
    %dma_start3A_8 = tpu.memref_slice %arg7[%multiple_of3A_3] : memref<512xi32, #tpu.memory_space<vmem>> -> memref<16xi32, #tpu.memory_space<vmem>>
    %dma_start3A_9 = arith.constant 0 : i32
    %dma_start3A_10 = arith.constant 0 : i32
    %dma_start3A_11 = tpu.memref_slice %arg4[%dma_start3A_9, %dma_start3A_10] : memref<1000000x128xf32, #tpu.memory_space<hbm>> -> memref<1000000x128xf32, #tpu.memory_space<hbm>>
    tpu.enqueue_indirect_dma source(%dma_start3A_11 : memref<1000000x128xf32, #tpu.memory_space<hbm>>) target(%dma_start3A_7 : memref<16x128xf32, #tpu.memory_space<vmem>>) offsets(%dma_start3A_8 : memref<16xi32, #tpu.memory_space<vmem>>) semaphore(%arg12 : memref<!tpu.dma_semaphore, #tpu.memory_space<semaphore_mem>>)
    %dma_start3A_12 = arith.constant 0 : i32
    %dma_start3A_13 = arith.constant 0 : i32
    %dma_start3A_14 = arith.constant 0 : i32
    %dma_start3A_15 = arith.constant 0 : i32
    %dma_start3A_16 = tpu.memref_slice %arg10[%dma_start3A_13, %dma_start3A_14, %dma_start3A_15] : memref<4x80x128xf32, #tpu.memory_space<vmem>> -> memref<1x16x128xf32, #tpu.memory_space<vmem>>
    %dma_start3A_17 = tpu.memref_squeeze %dma_start3A_16 : memref<1x16x128xf32, #tpu.memory_space<vmem>> -> memref<16x128xf32, #tpu.memory_space<vmem>>
    %dma_start3A_18 = tpu.memref_slice %arg8[%dma_start3A_12, %multiple_of3A_3] : memref<5x512xi32, #tpu.memory_space<vmem>> -> memref<1x16xi32, #tpu.memory_space<vmem>>
    %dma_start3A_19 = tpu.memref_squeeze %dma_start3A_18 : memref<1x16xi32, #tpu.memory_space<vmem>> -> memref<16xi32, #tpu.memory_space<vmem>>
    %dma_start3A_20 = arith.constant 0 : i32
    %dma_start3A_21 = arith.constant 0 : i32
    %dma_start3A_22 = tpu.memref_slice %arg5[%dma_start3A_20, %dma_start3A_21] : memref<1000000x128xf32, #tpu.memory_space<hbm>> -> memref<1000000x128xf32, #tpu.memory_space<hbm>>
    tpu.enqueue_indirect_dma source(%dma_start3A_22 : memref<1000000x128xf32, #tpu.memory_space<hbm>>) target(%dma_start3A_17 : memref<16x128xf32, #tpu.memory_space<vmem>>) offsets(%dma_start3A_19 : memref<16xi32, #tpu.memory_space<vmem>>) semaphore(%arg13 : memref<!tpu.dma_semaphore, #tpu.memory_space<semaphore_mem>>)
    %dma_start3A_23 = arith.constant 1 : i32
    %dma_start3A_24 = arith.constant 0 : i32
    %dma_start3A_25 = arith.constant 16 : i32
    %dma_start3A_26 = arith.constant 0 : i32
    %dma_start3A_27 = tpu.memref_slice %arg10[%dma_start3A_24, %dma_start3A_25, %dma_start3A_26] : memref<4x80x128xf32, #tpu.memory_space<vmem>> -> memref<1x16x128xf32, #tpu.memory_space<vmem>>
    %dma_start3A_28 = tpu.memref_squeeze %dma_start3A_27 : memref<1x16x128xf32, #tpu.memory_space<vmem>> -> memref<16x128xf32, #tpu.memory_space<vmem>>
    %dma_start3A_29 = tpu.memref_slice %arg8[%dma_start3A_23, %multiple_of3A_3] : memref<5x512xi32, #tpu.memory_space<vmem>> -> memref<1x16xi32, #tpu.memory_space<vmem>>
    %dma_start3A_30 = tpu.memref_squeeze %dma_start3A_29 : memref<1x16xi32, #tpu.memory_space<vmem>> -> memref<16xi32, #tpu.memory_space<vmem>>
    %dma_start3A_31 = arith.constant 0 : i32
    %dma_start3A_32 = arith.constant 0 : i32
    %dma_start3A_33 = tpu.memref_slice %arg5[%dma_start3A_31, %dma_start3A_32] : memref<1000000x128xf32, #tpu.memory_space<hbm>> -> memref<1000000x128xf32, #tpu.memory_space<hbm>>
    tpu.enqueue_indirect_dma source(%dma_start3A_33 : memref<1000000x128xf32, #tpu.memory_space<hbm>>) target(%dma_start3A_28 : memref<16x128xf32, #tpu.memory_space<vmem>>) offsets(%dma_start3A_30 : memref<16xi32, #tpu.memory_space<vmem>>) semaphore(%arg13 : memref<!tpu.dma_semaphore, #tpu.memory_space<semaphore_mem>>)
    %dma_start3A_34 = arith.constant 2 : i32
    %dma_start3A_35 = arith.constant 0 : i32
    %dma_start3A_36 = arith.constant 32 : i32
    %dma_start3A_37 = arith.constant 0 : i32
    %dma_start3A_38 = tpu.memref_slice %arg10[%dma_start3A_35, %dma_start3A_36, %dma_start3A_37] : memref<4x80x128xf32, #tpu.memory_space<vmem>> -> memref<1x16x128xf32, #tpu.memory_space<vmem>>
    %dma_start3A_39 = tpu.memref_squeeze %dma_start3A_38 : memref<1x16x128xf32, #tpu.memory_space<vmem>> -> memref<16x128xf32, #tpu.memory_space<vmem>>
    %dma_start3A_40 = tpu.memref_slice %arg8[%dma_start3A_34, %multiple_of3A_3] : memref<5x512xi32, #tpu.memory_space<vmem>> -> memref<1x16xi32, #tpu.memory_space<vmem>>
    %dma_start3A_41 = tpu.memref_squeeze %dma_start3A_40 : memref<1x16xi32, #tpu.memory_space<vmem>> -> memref<16xi32, #tpu.memory_space<vmem>>
    %dma_start3A_42 = arith.constant 0 : i32
    %dma_start3A_43 = arith.constant 0 : i32
    %dma_start3A_44 = tpu.memref_slice %arg5[%dma_start3A_42, %dma_start3A_43] : memref<1000000x128xf32, #tpu.memory_space<hbm>> -> memref<1000000x128xf32, #tpu.memory_space<hbm>>
    tpu.enqueue_indirect_dma source(%dma_start3A_44 : memref<1000000x128xf32, #tpu.memory_space<hbm>>) target(%dma_start3A_39 : memref<16x128xf32, #tpu.memory_space<vmem>>) offsets(%dma_start3A_41 : memref<16xi32, #tpu.memory_space<vmem>>) semaphore(%arg13 : memref<!tpu.dma_semaphore, #tpu.memory_space<semaphore_mem>>)
    %dma_start3A_45 = arith.constant 3 : i32
    %dma_start3A_46 = arith.constant 0 : i32
    %dma_start3A_47 = arith.constant 48 : i32
    %dma_start3A_48 = arith.constant 0 : i32
    %dma_start3A_49 = tpu.memref_slice %arg10[%dma_start3A_46, %dma_start3A_47, %dma_start3A_48] : memref<4x80x128xf32, #tpu.memory_space<vmem>> -> memref<1x16x128xf32, #tpu.memory_space<vmem>>
    %dma_start3A_50 = tpu.memref_squeeze %dma_start3A_49 : memref<1x16x128xf32, #tpu.memory_space<vmem>> -> memref<16x128xf32, #tpu.memory_space<vmem>>
    %dma_start3A_51 = tpu.memref_slice %arg8[%dma_start3A_45, %multiple_of3A_3] : memref<5x512xi32, #tpu.memory_space<vmem>> -> memref<1x16xi32, #tpu.memory_space<vmem>>
    %dma_start3A_52 = tpu.memref_squeeze %dma_start3A_51 : memref<1x16xi32, #tpu.memory_space<vmem>> -> memref<16xi32, #tpu.memory_space<vmem>>
    %dma_start3A_53 = arith.constant 0 : i32
    %dma_start3A_54 = arith.constant 0 : i32
    %dma_start3A_55 = tpu.memref_slice %arg5[%dma_start3A_53, %dma_start3A_54] : memref<1000000x128xf32, #tpu.memory_space<hbm>> -> memref<1000000x128xf32, #tpu.memory_space<hbm>>
    tpu.enqueue_indirect_dma source(%dma_start3A_55 : memref<1000000x128xf32, #tpu.memory_space<hbm>>) target(%dma_start3A_50 : memref<16x128xf32, #tpu.memory_space<vmem>>) offsets(%dma_start3A_52 : memref<16xi32, #tpu.memory_space<vmem>>) semaphore(%arg13 : memref<!tpu.dma_semaphore, #tpu.memory_space<semaphore_mem>>)
    %dma_start3A_56 = arith.constant 4 : i32
    %dma_start3A_57 = arith.constant 0 : i32
    %dma_start3A_58 = arith.constant 64 : i32
    %dma_start3A_59 = arith.constant 0 : i32
    %dma_start3A_60 = tpu.memref_slice %arg10[%dma_start3A_57, %dma_start3A_58, %dma_start3A_59] : memref<4x80x128xf32, #tpu.memory_space<vmem>> -> memref<1x16x128xf32, #tpu.memory_space<vmem>>
    %dma_start3A_61 = tpu.memref_squeeze %dma_start3A_60 : memref<1x16x128xf32, #tpu.memory_space<vmem>> -> memref<16x128xf32, #tpu.memory_space<vmem>>
    %dma_start3A_62 = tpu.memref_slice %arg8[%dma_start3A_56, %multiple_of3A_3] : memref<5x512xi32, #tpu.memory_space<vmem>> -> memref<1x16xi32, #tpu.memory_space<vmem>>
    %dma_start3A_63 = tpu.memref_squeeze %dma_start3A_62 : memref<1x16xi32, #tpu.memory_space<vmem>> -> memref<16xi32, #tpu.memory_space<vmem>>
    %dma_start3A_64 = arith.constant 0 : i32
    %dma_start3A_65 = arith.constant 0 : i32
    %dma_start3A_66 = tpu.memref_slice %arg5[%dma_start3A_64, %dma_start3A_65] : memref<1000000x128xf32, #tpu.memory_space<hbm>> -> memref<1000000x128xf32, #tpu.memory_space<hbm>>
    tpu.enqueue_indirect_dma source(%dma_start3A_66 : memref<1000000x128xf32, #tpu.memory_space<hbm>>) target(%dma_start3A_61 : memref<16x128xf32, #tpu.memory_space<vmem>>) offsets(%dma_start3A_63 : memref<16xi32, #tpu.memory_space<vmem>>) semaphore(%arg13 : memref<!tpu.dma_semaphore, #tpu.memory_space<semaphore_mem>>)
    %multiple_of3A_67 = arith.constant 16 : i32
    %multiple_of3A_68 = tpu.assume_multiple %multiple_of3A_67, 8 : i32
    %dma_start3A_69 = arith.constant 1 : i32
    %dma_start3A_70 = arith.constant 0 : i32
    %dma_start3A_71 = arith.constant 0 : i32
    %dma_start3A_72 = tpu.memref_slice %arg9[%dma_start3A_69, %dma_start3A_70, %dma_start3A_71] : memref<4x16x128xf32, #tpu.memory_space<vmem>> -> memref<1x16x128xf32, #tpu.memory_space<vmem>>
    %dma_start3A_73 = tpu.memref_squeeze %dma_start3A_72 : memref<1x16x128xf32, #tpu.memory_space<vmem>> -> memref<16x128xf32, #tpu.memory_space<vmem>>
    %dma_start3A_74 = tpu.memref_slice %arg7[%multiple_of3A_68] : memref<512xi32, #tpu.memory_space<vmem>> -> memref<16xi32, #tpu.memory_space<vmem>>
    %dma_start3A_75 = arith.constant 0 : i32
    %dma_start3A_76 = arith.constant 0 : i32
    %dma_start3A_77 = tpu.memref_slice %arg4[%dma_start3A_75, %dma_start3A_76] : memref<1000000x128xf32, #tpu.memory_space<hbm>> -> memref<1000000x128xf32, #tpu.memory_space<hbm>>
    tpu.enqueue_indirect_dma source(%dma_start3A_77 : memref<1000000x128xf32, #tpu.memory_space<hbm>>) target(%dma_start3A_73 : memref<16x128xf32, #tpu.memory_space<vmem>>) offsets(%dma_start3A_74 : memref<16xi32, #tpu.memory_space<vmem>>) semaphore(%arg14 : memref<!tpu.dma_semaphore, #tpu.memory_space<semaphore_mem>>)
    %dma_start3A_78 = arith.constant 0 : i32
    %dma_start3A_79 = arith.constant 1 : i32
    %dma_start3A_80 = arith.constant 0 : i32
    %dma_start3A_81 = arith.constant 0 : i32
    %dma_start3A_82 = tpu.memref_slice %arg10[%dma_start3A_79, %dma_start3A_80, %dma_start3A_81] : memref<4x80x128xf32, #tpu.memory_space<vmem>> -> memref<1x16x128xf32, #tpu.memory_space<vmem>>
    %dma_start3A_83 = tpu.memref_squeeze %dma_start3A_82 : memref<1x16x128xf32, #tpu.memory_space<vmem>> -> memref<16x128xf32, #tpu.memory_space<vmem>>
    %dma_start3A_84 = tpu.memref_slice %arg8[%dma_start3A_78, %multiple_of3A_68] : memref<5x512xi32, #tpu.memory_space<vmem>> -> memref<1x16xi32, #tpu.memory_space<vmem>>
    %dma_start3A_85 = tpu.memref_squeeze %dma_start3A_84 : memref<1x16xi32, #tpu.memory_space<vmem>> -> memref<16xi32, #tpu.memory_space<vmem>>
    %dma_start3A_86 = arith.constant 0 : i32
    %dma_start3A_87 = arith.constant 0 : i32
    %dma_start3A_88 = tpu.memref_slice %arg5[%dma_start3A_86, %dma_start3A_87] : memref<1000000x128xf32, #tpu.memory_space<hbm>> -> memref<1000000x128xf32, #tpu.memory_space<hbm>>
    tpu.enqueue_indirect_dma source(%dma_start3A_88 : memref<1000000x128xf32, #tpu.memory_space<hbm>>) target(%dma_start3A_83 : memref<16x128xf32, #tpu.memory_space<vmem>>) offsets(%dma_start3A_85 : memref<16xi32, #tpu.memory_space<vmem>>) semaphore(%arg15 : memref<!tpu.dma_semaphore, #tpu.memory_space<semaphore_mem>>)
    %dma_start3A_89 = arith.constant 1 : i32
    %dma_start3A_90 = arith.constant 1 : i32
    %dma_start3A_91 = arith.constant 16 : i32
    %dma_start3A_92 = arith.constant 0 : i32
    %dma_start3A_93 = tpu.memref_slice %arg10[%dma_start3A_90, %dma_start3A_91, %dma_start3A_92] : memref<4x80x128xf32, #tpu.memory_space<vmem>> -> memref<1x16x128xf32, #tpu.memory_space<vmem>>
    %dma_start3A_94 = tpu.memref_squeeze %dma_start3A_93 : memref<1x16x128xf32, #tpu.memory_space<vmem>> -> memref<16x128xf32, #tpu.memory_space<vmem>>
    %dma_start3A_95 = tpu.memref_slice %arg8[%dma_start3A_89, %multiple_of3A_68] : memref<5x512xi32, #tpu.memory_space<vmem>> -> memref<1x16xi32, #tpu.memory_space<vmem>>
    %dma_start3A_96 = tpu.memref_squeeze %dma_start3A_95 : memref<1x16xi32, #tpu.memory_space<vmem>> -> memref<16xi32, #tpu.memory_space<vmem>>
    %dma_start3A_97 = arith.constant 0 : i32
    %dma_start3A_98 = arith.constant 0 : i32
    %dma_start3A_99 = tpu.memref_slice %arg5[%dma_start3A_97, %dma_start3A_98] : memref<1000000x128xf32, #tpu.memory_space<hbm>> -> memref<1000000x128xf32, #tpu.memory_space<hbm>>
    tpu.enqueue_indirect_dma source(%dma_start3A_99 : memref<1000000x128xf32, #tpu.memory_space<hbm>>) target(%dma_start3A_94 : memref<16x128xf32, #tpu.memory_space<vmem>>) offsets(%dma_start3A_96 : memref<16xi32, #tpu.memory_space<vmem>>) semaphore(%arg15 : memref<!tpu.dma_semaphore, #tpu.memory_space<semaphore_mem>>)
    %dma_start3A_100 = arith.constant 2 : i32
    %dma_start3A_101 = arith.constant 1 : i32
    %dma_start3A_102 = arith.constant 32 : i32
    %dma_start3A_103 = arith.constant 0 : i32
    %dma_start3A_104 = tpu.memref_slice %arg10[%dma_start3A_101, %dma_start3A_102, %dma_start3A_103] : memref<4x80x128xf32, #tpu.memory_space<vmem>> -> memref<1x16x128xf32, #tpu.memory_space<vmem>>
    %dma_start3A_105 = tpu.memref_squeeze %dma_start3A_104 : memref<1x16x128xf32, #tpu.memory_space<vmem>> -> memref<16x128xf32, #tpu.memory_space<vmem>>
    %dma_start3A_106 = tpu.memref_slice %arg8[%dma_start3A_100, %multiple_of3A_68] : memref<5x512xi32, #tpu.memory_space<vmem>> -> memref<1x16xi32, #tpu.memory_space<vmem>>
    %dma_start3A_107 = tpu.memref_squeeze %dma_start3A_106 : memref<1x16xi32, #tpu.memory_space<vmem>> -> memref<16xi32, #tpu.memory_space<vmem>>
    %dma_start3A_108 = arith.constant 0 : i32
    %dma_start3A_109 = arith.constant 0 : i32
    %dma_start3A_110 = tpu.memref_slice %arg5[%dma_start3A_108, %dma_start3A_109] : memref<1000000x128xf32, #tpu.memory_space<hbm>> -> memref<1000000x128xf32, #tpu.memory_space<hbm>>
    tpu.enqueue_indirect_dma source(%dma_start3A_110 : memref<1000000x128xf32, #tpu.memory_space<hbm>>) target(%dma_start3A_105 : memref<16x128xf32, #tpu.memory_space<vmem>>) offsets(%dma_start3A_107 : memref<16xi32, #tpu.memory_space<vmem>>) semaphore(%arg15 : memref<!tpu.dma_semaphore, #tpu.memory_space<semaphore_mem>>)
    %dma_start3A_111 = arith.constant 3 : i32
    %dma_start3A_112 = arith.constant 1 : i32
    %dma_start3A_113 = arith.constant 48 : i32
    %dma_start3A_114 = arith.constant 0 : i32
    %dma_start3A_115 = tpu.memref_slice %arg10[%dma_start3A_112, %dma_start3A_113, %dma_start3A_114] : memref<4x80x128xf32, #tpu.memory_space<vmem>> -> memref<1x16x128xf32, #tpu.memory_space<vmem>>
    %dma_start3A_116 = tpu.memref_squeeze %dma_start3A_115 : memref<1x16x128xf32, #tpu.memory_space<vmem>> -> memref<16x128xf32, #tpu.memory_space<vmem>>
    %dma_start3A_117 = tpu.memref_slice %arg8[%dma_start3A_111, %multiple_of3A_68] : memref<5x512xi32, #tpu.memory_space<vmem>> -> memref<1x16xi32, #tpu.memory_space<vmem>>
    %dma_start3A_118 = tpu.memref_squeeze %dma_start3A_117 : memref<1x16xi32, #tpu.memory_space<vmem>> -> memref<16xi32, #tpu.memory_space<vmem>>
    %dma_start3A_119 = arith.constant 0 : i32
    %dma_start3A_120 = arith.constant 0 : i32
    %dma_start3A_121 = tpu.memref_slice %arg5[%dma_start3A_119, %dma_start3A_120] : memref<1000000x128xf32, #tpu.memory_space<hbm>> -> memref<1000000x128xf32, #tpu.memory_space<hbm>>
    tpu.enqueue_indirect_dma source(%dma_start3A_121 : memref<1000000x128xf32, #tpu.memory_space<hbm>>) target(%dma_start3A_116 : memref<16x128xf32, #tpu.memory_space<vmem>>) offsets(%dma_start3A_118 : memref<16xi32, #tpu.memory_space<vmem>>) semaphore(%arg15 : memref<!tpu.dma_semaphore, #tpu.memory_space<semaphore_mem>>)
    %dma_start3A_122 = arith.constant 4 : i32
    %dma_start3A_123 = arith.constant 1 : i32
    %dma_start3A_124 = arith.constant 64 : i32
    %dma_start3A_125 = arith.constant 0 : i32
    %dma_start3A_126 = tpu.memref_slice %arg10[%dma_start3A_123, %dma_start3A_124, %dma_start3A_125] : memref<4x80x128xf32, #tpu.memory_space<vmem>> -> memref<1x16x128xf32, #tpu.memory_space<vmem>>
    %dma_start3A_127 = tpu.memref_squeeze %dma_start3A_126 : memref<1x16x128xf32, #tpu.memory_space<vmem>> -> memref<16x128xf32, #tpu.memory_space<vmem>>
    %dma_start3A_128 = tpu.memref_slice %arg8[%dma_start3A_122, %multiple_of3A_68] : memref<5x512xi32, #tpu.memory_space<vmem>> -> memref<1x16xi32, #tpu.memory_space<vmem>>
    %dma_start3A_129 = tpu.memref_squeeze %dma_start3A_128 : memref<1x16xi32, #tpu.memory_space<vmem>> -> memref<16xi32, #tpu.memory_space<vmem>>
    %dma_start3A_130 = arith.constant 0 : i32
    %dma_start3A_131 = arith.constant 0 : i32
    %dma_start3A_132 = tpu.memref_slice %arg5[%dma_start3A_130, %dma_start3A_131] : memref<1000000x128xf32, #tpu.memory_space<hbm>> -> memref<1000000x128xf32, #tpu.memory_space<hbm>>
    tpu.enqueue_indirect_dma source(%dma_start3A_132 : memref<1000000x128xf32, #tpu.memory_space<hbm>>) target(%dma_start3A_127 : memref<16x128xf32, #tpu.memory_space<vmem>>) offsets(%dma_start3A_129 : memref<16xi32, #tpu.memory_space<vmem>>) semaphore(%arg15 : memref<!tpu.dma_semaphore, #tpu.memory_space<semaphore_mem>>)
    %multiple_of3A_133 = arith.constant 32 : i32
    %multiple_of3A_134 = tpu.assume_multiple %multiple_of3A_133, 8 : i32
    %dma_start3A_135 = arith.constant 2 : i32
    %dma_start3A_136 = arith.constant 0 : i32
    %dma_start3A_137 = arith.constant 0 : i32
    %dma_start3A_138 = tpu.memref_slice %arg9[%dma_start3A_135, %dma_start3A_136, %dma_start3A_137] : memref<4x16x128xf32, #tpu.memory_space<vmem>> -> memref<1x16x128xf32, #tpu.memory_space<vmem>>
    %dma_start3A_139 = tpu.memref_squeeze %dma_start3A_138 : memref<1x16x128xf32, #tpu.memory_space<vmem>> -> memref<16x128xf32, #tpu.memory_space<vmem>>
    %dma_start3A_140 = tpu.memref_slice %arg7[%multiple_of3A_134] : memref<512xi32, #tpu.memory_space<vmem>> -> memref<16xi32, #tpu.memory_space<vmem>>
    %dma_start3A_141 = arith.constant 0 : i32
    %dma_start3A_142 = arith.constant 0 : i32
    %dma_start3A_143 = tpu.memref_slice %arg4[%dma_start3A_141, %dma_start3A_142] : memref<1000000x128xf32, #tpu.memory_space<hbm>> -> memref<1000000x128xf32, #tpu.memory_space<hbm>>
    tpu.enqueue_indirect_dma source(%dma_start3A_143 : memref<1000000x128xf32, #tpu.memory_space<hbm>>) target(%dma_start3A_139 : memref<16x128xf32, #tpu.memory_space<vmem>>) offsets(%dma_start3A_140 : memref<16xi32, #tpu.memory_space<vmem>>) semaphore(%arg16 : memref<!tpu.dma_semaphore, #tpu.memory_space<semaphore_mem>>)
    %dma_start3A_144 = arith.constant 0 : i32
    %dma_start3A_145 = arith.constant 2 : i32
    %dma_start3A_146 = arith.constant 0 : i32
    %dma_start3A_147 = arith.constant 0 : i32
    %dma_start3A_148 = tpu.memref_slice %arg10[%dma_start3A_145, %dma_start3A_146, %dma_start3A_147] : memref<4x80x128xf32, #tpu.memory_space<vmem>> -> memref<1x16x128xf32, #tpu.memory_space<vmem>>
    %dma_start3A_149 = tpu.memref_squeeze %dma_start3A_148 : memref<1x16x128xf32, #tpu.memory_space<vmem>> -> memref<16x128xf32, #tpu.memory_space<vmem>>
    %dma_start3A_150 = tpu.memref_slice %arg8[%dma_start3A_144, %multiple_of3A_134] : memref<5x512xi32, #tpu.memory_space<vmem>> -> memref<1x16xi32, #tpu.memory_space<vmem>>
    %dma_start3A_151 = tpu.memref_squeeze %dma_start3A_150 : memref<1x16xi32, #tpu.memory_space<vmem>> -> memref<16xi32, #tpu.memory_space<vmem>>
    %dma_start3A_152 = arith.constant 0 : i32
    %dma_start3A_153 = arith.constant 0 : i32
    %dma_start3A_154 = tpu.memref_slice %arg5[%dma_start3A_152, %dma_start3A_153] : memref<1000000x128xf32, #tpu.memory_space<hbm>> -> memref<1000000x128xf32, #tpu.memory_space<hbm>>
    tpu.enqueue_indirect_dma source(%dma_start3A_154 : memref<1000000x128xf32, #tpu.memory_space<hbm>>) target(%dma_start3A_149 : memref<16x128xf32, #tpu.memory_space<vmem>>) offsets(%dma_start3A_151 : memref<16xi32, #tpu.memory_space<vmem>>) semaphore(%arg17 : memref<!tpu.dma_semaphore, #tpu.memory_space<semaphore_mem>>)
    %dma_start3A_155 = arith.constant 1 : i32
    %dma_start3A_156 = arith.constant 2 : i32
    %dma_start3A_157 = arith.constant 16 : i32
    %dma_start3A_158 = arith.constant 0 : i32
    %dma_start3A_159 = tpu.memref_slice %arg10[%dma_start3A_156, %dma_start3A_157, %dma_start3A_158] : memref<4x80x128xf32, #tpu.memory_space<vmem>> -> memref<1x16x128xf32, #tpu.memory_space<vmem>>
    %dma_start3A_160 = tpu.memref_squeeze %dma_start3A_159 : memref<1x16x128xf32, #tpu.memory_space<vmem>> -> memref<16x128xf32, #tpu.memory_space<vmem>>
    %dma_start3A_161 = tpu.memref_slice %arg8[%dma_start3A_155, %multiple_of3A_134] : memref<5x512xi32, #tpu.memory_space<vmem>> -> memref<1x16xi32, #tpu.memory_space<vmem>>
    %dma_start3A_162 = tpu.memref_squeeze %dma_start3A_161 : memref<1x16xi32, #tpu.memory_space<vmem>> -> memref<16xi32, #tpu.memory_space<vmem>>
    %dma_start3A_163 = arith.constant 0 : i32
    %dma_start3A_164 = arith.constant 0 : i32
    %dma_start3A_165 = tpu.memref_slice %arg5[%dma_start3A_163, %dma_start3A_164] : memref<1000000x128xf32, #tpu.memory_space<hbm>> -> memref<1000000x128xf32, #tpu.memory_space<hbm>>
    tpu.enqueue_indirect_dma source(%dma_start3A_165 : memref<1000000x128xf32, #tpu.memory_space<hbm>>) target(%dma_start3A_160 : memref<16x128xf32, #tpu.memory_space<vmem>>) offsets(%dma_start3A_162 : memref<16xi32, #tpu.memory_space<vmem>>) semaphore(%arg17 : memref<!tpu.dma_semaphore, #tpu.memory_space<semaphore_mem>>)
    %dma_start3A_166 = arith.constant 2 : i32
    %dma_start3A_167 = arith.constant 2 : i32
    %dma_start3A_168 = arith.constant 32 : i32
    %dma_start3A_169 = arith.constant 0 : i32
    %dma_start3A_170 = tpu.memref_slice %arg10[%dma_start3A_167, %dma_start3A_168, %dma_start3A_169] : memref<4x80x128xf32, #tpu.memory_space<vmem>> -> memref<1x16x128xf32, #tpu.memory_space<vmem>>
    %dma_start3A_171 = tpu.memref_squeeze %dma_start3A_170 : memref<1x16x128xf32, #tpu.memory_space<vmem>> -> memref<16x128xf32, #tpu.memory_space<vmem>>
    %dma_start3A_172 = tpu.memref_slice %arg8[%dma_start3A_166, %multiple_of3A_134] : memref<5x512xi32, #tpu.memory_space<vmem>> -> memref<1x16xi32, #tpu.memory_space<vmem>>
    %dma_start3A_173 = tpu.memref_squeeze %dma_start3A_172 : memref<1x16xi32, #tpu.memory_space<vmem>> -> memref<16xi32, #tpu.memory_space<vmem>>
    %dma_start3A_174 = arith.constant 0 : i32
    %dma_start3A_175 = arith.constant 0 : i32
    %dma_start3A_176 = tpu.memref_slice %arg5[%dma_start3A_174, %dma_start3A_175] : memref<1000000x128xf32, #tpu.memory_space<hbm>> -> memref<1000000x128xf32, #tpu.memory_space<hbm>>
    tpu.enqueue_indirect_dma source(%dma_start3A_176 : memref<1000000x128xf32, #tpu.memory_space<hbm>>) target(%dma_start3A_171 : memref<16x128xf32, #tpu.memory_space<vmem>>) offsets(%dma_start3A_173 : memref<16xi32, #tpu.memory_space<vmem>>) semaphore(%arg17 : memref<!tpu.dma_semaphore, #tpu.memory_space<semaphore_mem>>)
    %dma_start3A_177 = arith.constant 3 : i32
    %dma_start3A_178 = arith.constant 2 : i32
    %dma_start3A_179 = arith.constant 48 : i32
    %dma_start3A_180 = arith.constant 0 : i32
    %dma_start3A_181 = tpu.memref_slice %arg10[%dma_start3A_178, %dma_start3A_179, %dma_start3A_180] : memref<4x80x128xf32, #tpu.memory_space<vmem>> -> memref<1x16x128xf32, #tpu.memory_space<vmem>>
    %dma_start3A_182 = tpu.memref_squeeze %dma_start3A_181 : memref<1x16x128xf32, #tpu.memory_space<vmem>> -> memref<16x128xf32, #tpu.memory_space<vmem>>
    %dma_start3A_183 = tpu.memref_slice %arg8[%dma_start3A_177, %multiple_of3A_134] : memref<5x512xi32, #tpu.memory_space<vmem>> -> memref<1x16xi32, #tpu.memory_space<vmem>>
    %dma_start3A_184 = tpu.memref_squeeze %dma_start3A_183 : memref<1x16xi32, #tpu.memory_space<vmem>> -> memref<16xi32, #tpu.memory_space<vmem>>
    %dma_start3A_185 = arith.constant 0 : i32
    %dma_start3A_186 = arith.constant 0 : i32
    %dma_start3A_187 = tpu.memref_slice %arg5[%dma_start3A_185, %dma_start3A_186] : memref<1000000x128xf32, #tpu.memory_space<hbm>> -> memref<1000000x128xf32, #tpu.memory_space<hbm>>
    tpu.enqueue_indirect_dma source(%dma_start3A_187 : memref<1000000x128xf32, #tpu.memory_space<hbm>>) target(%dma_start3A_182 : memref<16x128xf32, #tpu.memory_space<vmem>>) offsets(%dma_start3A_184 : memref<16xi32, #tpu.memory_space<vmem>>) semaphore(%arg17 : memref<!tpu.dma_semaphore, #tpu.memory_space<semaphore_mem>>)
    %dma_start3A_188 = arith.constant 4 : i32
    %dma_start3A_189 = arith.constant 2 : i32
    %dma_start3A_190 = arith.constant 64 : i32
    %dma_start3A_191 = arith.constant 0 : i32
    %dma_start3A_192 = tpu.memref_slice %arg10[%dma_start3A_189, %dma_start3A_190, %dma_start3A_191] : memref<4x80x128xf32, #tpu.memory_space<vmem>> -> memref<1x16x128xf32, #tpu.memory_space<vmem>>
    %dma_start3A_193 = tpu.memref_squeeze %dma_start3A_192 : memref<1x16x128xf32, #tpu.memory_space<vmem>> -> memref<16x128xf32, #tpu.memory_space<vmem>>
    %dma_start3A_194 = tpu.memref_slice %arg8[%dma_start3A_188, %multiple_of3A_134] : memref<5x512xi32, #tpu.memory_space<vmem>> -> memref<1x16xi32, #tpu.memory_space<vmem>>
    %dma_start3A_195 = tpu.memref_squeeze %dma_start3A_194 : memref<1x16xi32, #tpu.memory_space<vmem>> -> memref<16xi32, #tpu.memory_space<vmem>>
    %dma_start3A_196 = arith.constant 0 : i32
    %dma_start3A_197 = arith.constant 0 : i32
    %dma_start3A_198 = tpu.memref_slice %arg5[%dma_start3A_196, %dma_start3A_197] : memref<1000000x128xf32, #tpu.memory_space<hbm>> -> memref<1000000x128xf32, #tpu.memory_space<hbm>>
    tpu.enqueue_indirect_dma source(%dma_start3A_198 : memref<1000000x128xf32, #tpu.memory_space<hbm>>) target(%dma_start3A_193 : memref<16x128xf32, #tpu.memory_space<vmem>>) offsets(%dma_start3A_195 : memref<16xi32, #tpu.memory_space<vmem>>) semaphore(%arg17 : memref<!tpu.dma_semaphore, #tpu.memory_space<semaphore_mem>>)
    %scan3A = arith.constant 0 : i32
    %scan3A_199 = arith.constant 8 : i32
    %scan3A_200 = arith.addi %scan3A, %scan3A_199 : i32
    %scan3A_201 = arith.constant 1 : i32
    scf.for %scan3A_203 = %scan3A to %scan3A_200 step %scan3A_201  : i32 {
      %mul3A_204 = arith.constant 4 : i32
      %mul3A_205 = arith.muli %scan3A_203, %mul3A_204 : i32
      %add3A_206 = arith.constant 0 : i32
      %add3A_207 = arith.addi %mul3A_205, %add3A_206 : i32
      %add3A_208 = arith.constant 4 : i32
      %add3A_209 = arith.addi %add3A_207, %add3A_208 : i32
      %sub3A = arith.constant 1 : i32
      %sub3A_210 = arith.subi %add3A_209, %sub3A : i32
      %lt3A = arith.constant 32 : i32
      %lt3A_211 = arith.cmpi slt, %sub3A_210, %lt3A : i32
      %convert_element_type3A = arith.extui %lt3A_211 : i1 to i32
      %cond3A = arith.constant 0 : i32
      %cond3A_212 = arith.cmpi ne, %convert_element_type3A, %cond3A : i32
      scf.if %cond3A_212 {
        %add3A_765 = arith.constant 4 : i32
        %add3A_766 = arith.addi %add3A_207, %add3A_765 : i32
        %sub3A_767 = arith.constant 1 : i32
        %sub3A_768 = arith.subi %add3A_766, %sub3A_767 : i32
        %mul3A_769 = arith.constant 16 : i32
        %mul3A_770 = arith.muli %sub3A_768, %mul3A_769 : i32
        %multiple_of3A_771 = tpu.assume_multiple %mul3A_770, 8 : i32
        %dma_start3A_772 = arith.constant 3 : i32
        %dma_start3A_773 = arith.constant 0 : i32
        %dma_start3A_774 = arith.constant 0 : i32
        %dma_start3A_775 = tpu.memref_slice %arg9[%dma_start3A_772, %dma_start3A_773, %dma_start3A_774] : memref<4x16x128xf32, #tpu.memory_space<vmem>> -> memref<1x16x128xf32, #tpu.memory_space<vmem>>
        %dma_start3A_776 = tpu.memref_squeeze %dma_start3A_775 : memref<1x16x128xf32, #tpu.memory_space<vmem>> -> memref<16x128xf32, #tpu.memory_space<vmem>>
        %dma_start3A_777 = tpu.memref_slice %arg7[%multiple_of3A_771] : memref<512xi32, #tpu.memory_space<vmem>> -> memref<16xi32, #tpu.memory_space<vmem>>
        %dma_start3A_778 = arith.constant 0 : i32
        %dma_start3A_779 = arith.constant 0 : i32
        %dma_start3A_780 = tpu.memref_slice %arg4[%dma_start3A_778, %dma_start3A_779] : memref<1000000x128xf32, #tpu.memory_space<hbm>> -> memref<1000000x128xf32, #tpu.memory_space<hbm>>
        tpu.enqueue_indirect_dma source(%dma_start3A_780 : memref<1000000x128xf32, #tpu.memory_space<hbm>>) target(%dma_start3A_776 : memref<16x128xf32, #tpu.memory_space<vmem>>) offsets(%dma_start3A_777 : memref<16xi32, #tpu.memory_space<vmem>>) semaphore(%arg18 : memref<!tpu.dma_semaphore, #tpu.memory_space<semaphore_mem>>)
        %dma_start3A_781 = arith.constant 0 : i32
        %dma_start3A_782 = arith.constant 3 : i32
        %dma_start3A_783 = arith.constant 0 : i32
        %dma_start3A_784 = arith.constant 0 : i32
        %dma_start3A_785 = tpu.memref_slice %arg10[%dma_start3A_782, %dma_start3A_783, %dma_start3A_784] : memref<4x80x128xf32, #tpu.memory_space<vmem>> -> memref<1x16x128xf32, #tpu.memory_space<vmem>>
        %dma_start3A_786 = tpu.memref_squeeze %dma_start3A_785 : memref<1x16x128xf32, #tpu.memory_space<vmem>> -> memref<16x128xf32, #tpu.memory_space<vmem>>
        %dma_start3A_787 = tpu.memref_slice %arg8[%dma_start3A_781, %multiple_of3A_771] : memref<5x512xi32, #tpu.memory_space<vmem>> -> memref<1x16xi32, #tpu.memory_space<vmem>>
        %dma_start3A_788 = tpu.memref_squeeze %dma_start3A_787 : memref<1x16xi32, #tpu.memory_space<vmem>> -> memref<16xi32, #tpu.memory_space<vmem>>
        %dma_start3A_789 = arith.constant 0 : i32
        %dma_start3A_790 = arith.constant 0 : i32
        %dma_start3A_791 = tpu.memref_slice %arg5[%dma_start3A_789, %dma_start3A_790] : memref<1000000x128xf32, #tpu.memory_space<hbm>> -> memref<1000000x128xf32, #tpu.memory_space<hbm>>
        tpu.enqueue_indirect_dma source(%dma_start3A_791 : memref<1000000x128xf32, #tpu.memory_space<hbm>>) target(%dma_start3A_786 : memref<16x128xf32, #tpu.memory_space<vmem>>) offsets(%dma_start3A_788 : memref<16xi32, #tpu.memory_space<vmem>>) semaphore(%arg19 : memref<!tpu.dma_semaphore, #tpu.memory_space<semaphore_mem>>)
        %dma_start3A_792 = arith.constant 1 : i32
        %dma_start3A_793 = arith.constant 3 : i32
        %dma_start3A_794 = arith.constant 16 : i32
        %dma_start3A_795 = arith.constant 0 : i32
        %dma_start3A_796 = tpu.memref_slice %arg10[%dma_start3A_793, %dma_start3A_794, %dma_start3A_795] : memref<4x80x128xf32, #tpu.memory_space<vmem>> -> memref<1x16x128xf32, #tpu.memory_space<vmem>>
        %dma_start3A_797 = tpu.memref_squeeze %dma_start3A_796 : memref<1x16x128xf32, #tpu.memory_space<vmem>> -> memref<16x128xf32, #tpu.memory_space<vmem>>
        %dma_start3A_798 = tpu.memref_slice %arg8[%dma_start3A_792, %multiple_of3A_771] : memref<5x512xi32, #tpu.memory_space<vmem>> -> memref<1x16xi32, #tpu.memory_space<vmem>>
        %dma_start3A_799 = tpu.memref_squeeze %dma_start3A_798 : memref<1x16xi32, #tpu.memory_space<vmem>> -> memref<16xi32, #tpu.memory_space<vmem>>
        %dma_start3A_800 = arith.constant 0 : i32
        %dma_start3A_801 = arith.constant 0 : i32
        %dma_start3A_802 = tpu.memref_slice %arg5[%dma_start3A_800, %dma_start3A_801] : memref<1000000x128xf32, #tpu.memory_space<hbm>> -> memref<1000000x128xf32, #tpu.memory_space<hbm>>
        tpu.enqueue_indirect_dma source(%dma_start3A_802 : memref<1000000x128xf32, #tpu.memory_space<hbm>>) target(%dma_start3A_797 : memref<16x128xf32, #tpu.memory_space<vmem>>) offsets(%dma_start3A_799 : memref<16xi32, #tpu.memory_space<vmem>>) semaphore(%arg19 : memref<!tpu.dma_semaphore, #tpu.memory_space<semaphore_mem>>)
        %dma_start3A_803 = arith.constant 2 : i32
        %dma_start3A_804 = arith.constant 3 : i32
        %dma_start3A_805 = arith.constant 32 : i32
        %dma_start3A_806 = arith.constant 0 : i32
        %dma_start3A_807 = tpu.memref_slice %arg10[%dma_start3A_804, %dma_start3A_805, %dma_start3A_806] : memref<4x80x128xf32, #tpu.memory_space<vmem>> -> memref<1x16x128xf32, #tpu.memory_space<vmem>>
        %dma_start3A_808 = tpu.memref_squeeze %dma_start3A_807 : memref<1x16x128xf32, #tpu.memory_space<vmem>> -> memref<16x128xf32, #tpu.memory_space<vmem>>
        %dma_start3A_809 = tpu.memref_slice %arg8[%dma_start3A_803, %multiple_of3A_771] : memref<5x512xi32, #tpu.memory_space<vmem>> -> memref<1x16xi32, #tpu.memory_space<vmem>>
        %dma_start3A_810 = tpu.memref_squeeze %dma_start3A_809 : memref<1x16xi32, #tpu.memory_space<vmem>> -> memref<16xi32, #tpu.memory_space<vmem>>
        %dma_start3A_811 = arith.constant 0 : i32
        %dma_start3A_812 = arith.constant 0 : i32
        %dma_start3A_813 = tpu.memref_slice %arg5[%dma_start3A_811, %dma_start3A_812] : memref<1000000x128xf32, #tpu.memory_space<hbm>> -> memref<1000000x128xf32, #tpu.memory_space<hbm>>
        tpu.enqueue_indirect_dma source(%dma_start3A_813 : memref<1000000x128xf32, #tpu.memory_space<hbm>>) target(%dma_start3A_808 : memref<16x128xf32, #tpu.memory_space<vmem>>) offsets(%dma_start3A_810 : memref<16xi32, #tpu.memory_space<vmem>>) semaphore(%arg19 : memref<!tpu.dma_semaphore, #tpu.memory_space<semaphore_mem>>)
        %dma_start3A_814 = arith.constant 3 : i32
        %dma_start3A_815 = arith.constant 3 : i32
        %dma_start3A_816 = arith.constant 48 : i32
        %dma_start3A_817 = arith.constant 0 : i32
        %dma_start3A_818 = tpu.memref_slice %arg10[%dma_start3A_815, %dma_start3A_816, %dma_start3A_817] : memref<4x80x128xf32, #tpu.memory_space<vmem>> -> memref<1x16x128xf32, #tpu.memory_space<vmem>>
        %dma_start3A_819 = tpu.memref_squeeze %dma_start3A_818 : memref<1x16x128xf32, #tpu.memory_space<vmem>> -> memref<16x128xf32, #tpu.memory_space<vmem>>
        %dma_start3A_820 = tpu.memref_slice %arg8[%dma_start3A_814, %multiple_of3A_771] : memref<5x512xi32, #tpu.memory_space<vmem>> -> memref<1x16xi32, #tpu.memory_space<vmem>>
        %dma_start3A_821 = tpu.memref_squeeze %dma_start3A_820 : memref<1x16xi32, #tpu.memory_space<vmem>> -> memref<16xi32, #tpu.memory_space<vmem>>
        %dma_start3A_822 = arith.constant 0 : i32
        %dma_start3A_823 = arith.constant 0 : i32
        %dma_start3A_824 = tpu.memref_slice %arg5[%dma_start3A_822, %dma_start3A_823] : memref<1000000x128xf32, #tpu.memory_space<hbm>> -> memref<1000000x128xf32, #tpu.memory_space<hbm>>
        tpu.enqueue_indirect_dma source(%dma_start3A_824 : memref<1000000x128xf32, #tpu.memory_space<hbm>>) target(%dma_start3A_819 : memref<16x128xf32, #tpu.memory_space<vmem>>) offsets(%dma_start3A_821 : memref<16xi32, #tpu.memory_space<vmem>>) semaphore(%arg19 : memref<!tpu.dma_semaphore, #tpu.memory_space<semaphore_mem>>)
        %dma_start3A_825 = arith.constant 4 : i32
        %dma_start3A_826 = arith.constant 3 : i32
        %dma_start3A_827 = arith.constant 64 : i32
        %dma_start3A_828 = arith.constant 0 : i32
        %dma_start3A_829 = tpu.memref_slice %arg10[%dma_start3A_826, %dma_start3A_827, %dma_start3A_828] : memref<4x80x128xf32, #tpu.memory_space<vmem>> -> memref<1x16x128xf32, #tpu.memory_space<vmem>>
        %dma_start3A_830 = tpu.memref_squeeze %dma_start3A_829 : memref<1x16x128xf32, #tpu.memory_space<vmem>> -> memref<16x128xf32, #tpu.memory_space<vmem>>
        %dma_start3A_831 = tpu.memref_slice %arg8[%dma_start3A_825, %multiple_of3A_771] : memref<5x512xi32, #tpu.memory_space<vmem>> -> memref<1x16xi32, #tpu.memory_space<vmem>>
        %dma_start3A_832 = tpu.memref_squeeze %dma_start3A_831 : memref<1x16xi32, #tpu.memory_space<vmem>> -> memref<16xi32, #tpu.memory_space<vmem>>
        %dma_start3A_833 = arith.constant 0 : i32
        %dma_start3A_834 = arith.constant 0 : i32
        %dma_start3A_835 = tpu.memref_slice %arg5[%dma_start3A_833, %dma_start3A_834] : memref<1000000x128xf32, #tpu.memory_space<hbm>> -> memref<1000000x128xf32, #tpu.memory_space<hbm>>
        tpu.enqueue_indirect_dma source(%dma_start3A_835 : memref<1000000x128xf32, #tpu.memory_space<hbm>>) target(%dma_start3A_830 : memref<16x128xf32, #tpu.memory_space<vmem>>) offsets(%dma_start3A_832 : memref<16xi32, #tpu.memory_space<vmem>>) semaphore(%arg19 : memref<!tpu.dma_semaphore, #tpu.memory_space<semaphore_mem>>)
      } else {
      }
      %dma_wait3A = arith.constant 0 : i32
      %dma_wait3A_213 = arith.constant 0 : i32
      %dma_wait3A_214 = arith.constant 0 : i32
      %dma_wait3A_215 = tpu.memref_slice %arg9[%dma_wait3A, %dma_wait3A_213, %dma_wait3A_214] : memref<4x16x128xf32, #tpu.memory_space<vmem>> -> memref<1x16x128xf32, #tpu.memory_space<vmem>>
      %dma_wait3A_216 = tpu.memref_squeeze %dma_wait3A_215 : memref<1x16x128xf32, #tpu.memory_space<vmem>> -> memref<16x128xf32, #tpu.memory_space<vmem>>
      %dma_wait3A_217 = arith.constant 0 : i32
      %dma_wait3A_218 = arith.constant 0 : i32
      %dma_wait3A_219 = tpu.memref_slice %arg4[%dma_wait3A_217, %dma_wait3A_218] : memref<1000000x128xf32, #tpu.memory_space<hbm>> -> memref<16x128xf32, #tpu.memory_space<hbm>>
      %dma_wait3A_220 = arith.constant 0 : i32
      %dma_wait3A_221 = arith.constant 0 : i32
      %dma_wait3A_222 = tpu.memref_slice %arg9[%dma_wait3A, %dma_wait3A_220, %dma_wait3A_221] : memref<4x16x128xf32, #tpu.memory_space<vmem>> -> memref<1x16x128xf32, #tpu.memory_space<vmem>>
      %dma_wait3A_223 = tpu.memref_squeeze %dma_wait3A_222 : memref<1x16x128xf32, #tpu.memory_space<vmem>> -> memref<16x128xf32, #tpu.memory_space<vmem>>
      %dma_wait3A_224 = arith.constant 0 : i32
      %dma_wait3A_225 = arith.constant 0 : i32
      %dma_wait3A_226 = tpu.memref_slice %arg4[%dma_wait3A_224, %dma_wait3A_225] : memref<1000000x128xf32, #tpu.memory_space<hbm>> -> memref<16x128xf32, #tpu.memory_space<hbm>>
      tpu.wait_dma2 semaphore(%arg12 : memref<!tpu.dma_semaphore, #tpu.memory_space<semaphore_mem>>) src(%dma_wait3A_226 : memref<16x128xf32, #tpu.memory_space<hbm>>) dst(%dma_wait3A_223 : memref<16x128xf32, #tpu.memory_space<vmem>>)
      %dma_wait3A_227 = arith.constant 0 : i32
      %dma_wait3A_228 = arith.constant 0 : i32
      %dma_wait3A_229 = arith.constant 0 : i32
      %dma_wait3A_230 = tpu.memref_slice %arg10[%dma_wait3A_227, %dma_wait3A_228, %dma_wait3A_229] : memref<4x80x128xf32, #tpu.memory_space<vmem>> -> memref<1x16x128xf32, #tpu.memory_space<vmem>>
      %dma_wait3A_231 = tpu.memref_squeeze %dma_wait3A_230 : memref<1x16x128xf32, #tpu.memory_space<vmem>> -> memref<16x128xf32, #tpu.memory_space<vmem>>
      %dma_wait3A_232 = arith.constant 0 : i32
      %dma_wait3A_233 = arith.constant 0 : i32
      %dma_wait3A_234 = tpu.memref_slice %arg4[%dma_wait3A_232, %dma_wait3A_233] : memref<1000000x128xf32, #tpu.memory_space<hbm>> -> memref<16x128xf32, #tpu.memory_space<hbm>>
      %dma_wait3A_235 = arith.constant 0 : i32
      %dma_wait3A_236 = arith.constant 0 : i32
      %dma_wait3A_237 = tpu.memref_slice %arg10[%dma_wait3A_227, %dma_wait3A_235, %dma_wait3A_236] : memref<4x80x128xf32, #tpu.memory_space<vmem>> -> memref<1x16x128xf32, #tpu.memory_space<vmem>>
      %dma_wait3A_238 = tpu.memref_squeeze %dma_wait3A_237 : memref<1x16x128xf32, #tpu.memory_space<vmem>> -> memref<16x128xf32, #tpu.memory_space<vmem>>
      %dma_wait3A_239 = arith.constant 0 : i32
      %dma_wait3A_240 = arith.constant 0 : i32
      %dma_wait3A_241 = tpu.memref_slice %arg4[%dma_wait3A_239, %dma_wait3A_240] : memref<1000000x128xf32, #tpu.memory_space<hbm>> -> memref<16x128xf32, #tpu.memory_space<hbm>>
      tpu.wait_dma2 semaphore(%arg13 : memref<!tpu.dma_semaphore, #tpu.memory_space<semaphore_mem>>) src(%dma_wait3A_241 : memref<16x128xf32, #tpu.memory_space<hbm>>) dst(%dma_wait3A_238 : memref<16x128xf32, #tpu.memory_space<vmem>>)
      %dma_wait3A_242 = arith.constant 0 : i32
      %dma_wait3A_243 = arith.constant 16 : i32
      %dma_wait3A_244 = arith.constant 0 : i32
      %dma_wait3A_245 = tpu.memref_slice %arg10[%dma_wait3A_242, %dma_wait3A_243, %dma_wait3A_244] : memref<4x80x128xf32, #tpu.memory_space<vmem>> -> memref<1x16x128xf32, #tpu.memory_space<vmem>>
      %dma_wait3A_246 = tpu.memref_squeeze %dma_wait3A_245 : memref<1x16x128xf32, #tpu.memory_space<vmem>> -> memref<16x128xf32, #tpu.memory_space<vmem>>
      %dma_wait3A_247 = arith.constant 0 : i32
      %dma_wait3A_248 = arith.constant 0 : i32
      %dma_wait3A_249 = tpu.memref_slice %arg4[%dma_wait3A_247, %dma_wait3A_248] : memref<1000000x128xf32, #tpu.memory_space<hbm>> -> memref<16x128xf32, #tpu.memory_space<hbm>>
      %dma_wait3A_250 = arith.constant 16 : i32
      %dma_wait3A_251 = arith.constant 0 : i32
      %dma_wait3A_252 = tpu.memref_slice %arg10[%dma_wait3A_242, %dma_wait3A_250, %dma_wait3A_251] : memref<4x80x128xf32, #tpu.memory_space<vmem>> -> memref<1x16x128xf32, #tpu.memory_space<vmem>>
      %dma_wait3A_253 = tpu.memref_squeeze %dma_wait3A_252 : memref<1x16x128xf32, #tpu.memory_space<vmem>> -> memref<16x128xf32, #tpu.memory_space<vmem>>
      %dma_wait3A_254 = arith.constant 0 : i32
      %dma_wait3A_255 = arith.constant 0 : i32
      %dma_wait3A_256 = tpu.memref_slice %arg4[%dma_wait3A_254, %dma_wait3A_255] : memref<1000000x128xf32, #tpu.memory_space<hbm>> -> memref<16x128xf32, #tpu.memory_space<hbm>>
      tpu.wait_dma2 semaphore(%arg13 : memref<!tpu.dma_semaphore, #tpu.memory_space<semaphore_mem>>) src(%dma_wait3A_256 : memref<16x128xf32, #tpu.memory_space<hbm>>) dst(%dma_wait3A_253 : memref<16x128xf32, #tpu.memory_space<vmem>>)
      %dma_wait3A_257 = arith.constant 0 : i32
      %dma_wait3A_258 = arith.constant 32 : i32
      %dma_wait3A_259 = arith.constant 0 : i32
      %dma_wait3A_260 = tpu.memref_slice %arg10[%dma_wait3A_257, %dma_wait3A_258, %dma_wait3A_259] : memref<4x80x128xf32, #tpu.memory_space<vmem>> -> memref<1x16x128xf32, #tpu.memory_space<vmem>>
      %dma_wait3A_261 = tpu.memref_squeeze %dma_wait3A_260 : memref<1x16x128xf32, #tpu.memory_space<vmem>> -> memref<16x128xf32, #tpu.memory_space<vmem>>
      %dma_wait3A_262 = arith.constant 0 : i32
      %dma_wait3A_263 = arith.constant 0 : i32
      %dma_wait3A_264 = tpu.memref_slice %arg4[%dma_wait3A_262, %dma_wait3A_263] : memref<1000000x128xf32, #tpu.memory_space<hbm>> -> memref<16x128xf32, #tpu.memory_space<hbm>>
      %dma_wait3A_265 = arith.constant 32 : i32
      %dma_wait3A_266 = arith.constant 0 : i32
      %dma_wait3A_267 = tpu.memref_slice %arg10[%dma_wait3A_257, %dma_wait3A_265, %dma_wait3A_266] : memref<4x80x128xf32, #tpu.memory_space<vmem>> -> memref<1x16x128xf32, #tpu.memory_space<vmem>>
      %dma_wait3A_268 = tpu.memref_squeeze %dma_wait3A_267 : memref<1x16x128xf32, #tpu.memory_space<vmem>> -> memref<16x128xf32, #tpu.memory_space<vmem>>
      %dma_wait3A_269 = arith.constant 0 : i32
      %dma_wait3A_270 = arith.constant 0 : i32
      %dma_wait3A_271 = tpu.memref_slice %arg4[%dma_wait3A_269, %dma_wait3A_270] : memref<1000000x128xf32, #tpu.memory_space<hbm>> -> memref<16x128xf32, #tpu.memory_space<hbm>>
      tpu.wait_dma2 semaphore(%arg13 : memref<!tpu.dma_semaphore, #tpu.memory_space<semaphore_mem>>) src(%dma_wait3A_271 : memref<16x128xf32, #tpu.memory_space<hbm>>) dst(%dma_wait3A_268 : memref<16x128xf32, #tpu.memory_space<vmem>>)
      %dma_wait3A_272 = arith.constant 0 : i32
      %dma_wait3A_273 = arith.constant 48 : i32
      %dma_wait3A_274 = arith.constant 0 : i32
      %dma_wait3A_275 = tpu.memref_slice %arg10[%dma_wait3A_272, %dma_wait3A_273, %dma_wait3A_274] : memref<4x80x128xf32, #tpu.memory_space<vmem>> -> memref<1x16x128xf32, #tpu.memory_space<vmem>>
      %dma_wait3A_276 = tpu.memref_squeeze %dma_wait3A_275 : memref<1x16x128xf32, #tpu.memory_space<vmem>> -> memref<16x128xf32, #tpu.memory_space<vmem>>
      %dma_wait3A_277 = arith.constant 0 : i32
      %dma_wait3A_278 = arith.constant 0 : i32
      %dma_wait3A_279 = tpu.memref_slice %arg4[%dma_wait3A_277, %dma_wait3A_278] : memref<1000000x128xf32, #tpu.memory_space<hbm>> -> memref<16x128xf32, #tpu.memory_space<hbm>>
      %dma_wait3A_280 = arith.constant 48 : i32
      %dma_wait3A_281 = arith.constant 0 : i32
      %dma_wait3A_282 = tpu.memref_slice %arg10[%dma_wait3A_272, %dma_wait3A_280, %dma_wait3A_281] : memref<4x80x128xf32, #tpu.memory_space<vmem>> -> memref<1x16x128xf32, #tpu.memory_space<vmem>>
      %dma_wait3A_283 = tpu.memref_squeeze %dma_wait3A_282 : memref<1x16x128xf32, #tpu.memory_space<vmem>> -> memref<16x128xf32, #tpu.memory_space<vmem>>
      %dma_wait3A_284 = arith.constant 0 : i32
      %dma_wait3A_285 = arith.constant 0 : i32
      %dma_wait3A_286 = tpu.memref_slice %arg4[%dma_wait3A_284, %dma_wait3A_285] : memref<1000000x128xf32, #tpu.memory_space<hbm>> -> memref<16x128xf32, #tpu.memory_space<hbm>>
      tpu.wait_dma2 semaphore(%arg13 : memref<!tpu.dma_semaphore, #tpu.memory_space<semaphore_mem>>) src(%dma_wait3A_286 : memref<16x128xf32, #tpu.memory_space<hbm>>) dst(%dma_wait3A_283 : memref<16x128xf32, #tpu.memory_space<vmem>>)
      %dma_wait3A_287 = arith.constant 0 : i32
      %dma_wait3A_288 = arith.constant 64 : i32
      %dma_wait3A_289 = arith.constant 0 : i32
      %dma_wait3A_290 = tpu.memref_slice %arg10[%dma_wait3A_287, %dma_wait3A_288, %dma_wait3A_289] : memref<4x80x128xf32, #tpu.memory_space<vmem>> -> memref<1x16x128xf32, #tpu.memory_space<vmem>>
      %dma_wait3A_291 = tpu.memref_squeeze %dma_wait3A_290 : memref<1x16x128xf32, #tpu.memory_space<vmem>> -> memref<16x128xf32, #tpu.memory_space<vmem>>
      %dma_wait3A_292 = arith.constant 0 : i32
      %dma_wait3A_293 = arith.constant 0 : i32
      %dma_wait3A_294 = tpu.memref_slice %arg4[%dma_wait3A_292, %dma_wait3A_293] : memref<1000000x128xf32, #tpu.memory_space<hbm>> -> memref<16x128xf32, #tpu.memory_space<hbm>>
      %dma_wait3A_295 = arith.constant 64 : i32
      %dma_wait3A_296 = arith.constant 0 : i32
      %dma_wait3A_297 = tpu.memref_slice %arg10[%dma_wait3A_287, %dma_wait3A_295, %dma_wait3A_296] : memref<4x80x128xf32, #tpu.memory_space<vmem>> -> memref<1x16x128xf32, #tpu.memory_space<vmem>>
      %dma_wait3A_298 = tpu.memref_squeeze %dma_wait3A_297 : memref<1x16x128xf32, #tpu.memory_space<vmem>> -> memref<16x128xf32, #tpu.memory_space<vmem>>
      %dma_wait3A_299 = arith.constant 0 : i32
      %dma_wait3A_300 = arith.constant 0 : i32
      %dma_wait3A_301 = tpu.memref_slice %arg4[%dma_wait3A_299, %dma_wait3A_300] : memref<1000000x128xf32, #tpu.memory_space<hbm>> -> memref<16x128xf32, #tpu.memory_space<hbm>>
      tpu.wait_dma2 semaphore(%arg13 : memref<!tpu.dma_semaphore, #tpu.memory_space<semaphore_mem>>) src(%dma_wait3A_301 : memref<16x128xf32, #tpu.memory_space<hbm>>) dst(%dma_wait3A_298 : memref<16x128xf32, #tpu.memory_space<vmem>>)
      %broadcast_in_dim3A = arith.constant 0.000000e+00 : f32
      %broadcast_in_dim3A_302 = vector.broadcast %broadcast_in_dim3A : f32 to vector<16xf32>
      %broadcast_in_dim3A_303 = arith.constant 0.000000e+00 : f32
      %broadcast_in_dim3A_304 = vector.broadcast %broadcast_in_dim3A_303 : f32 to vector<16xf32>
      %broadcast_in_dim3A_305 = arith.constant 0.000000e+00 : f32
      %broadcast_in_dim3A_306 = vector.broadcast %broadcast_in_dim3A_305 : f32 to vector<16xf32>
      %broadcast_in_dim3A_307 = arith.constant 0.000000e+00 : f32
      %broadcast_in_dim3A_308 = vector.broadcast %broadcast_in_dim3A_307 : f32 to vector<16xf32>
      %broadcast_in_dim3A_309 = arith.constant 0.000000e+00 : f32
      %broadcast_in_dim3A_310 = vector.broadcast %broadcast_in_dim3A_309 : f32 to vector<16xf32>
      %scan3A_311 = arith.constant 0 : i32
      %scan3A_312 = arith.constant 16 : i32
      %scan3A_313 = arith.addi %scan3A_311, %scan3A_312 : i32
      %scan3A_314 = arith.constant 1 : i32
      %scan3A_315:5 = scf.for %scan3A_765 = %scan3A_311 to %scan3A_313 step %scan3A_314 iter_args(%scan3A_766 = %broadcast_in_dim3A_302, %scan3A_767 = %broadcast_in_dim3A_304, %scan3A_768 = %broadcast_in_dim3A_306, %scan3A_769 = %broadcast_in_dim3A_308, %scan3A_770 = %broadcast_in_dim3A_310) -> (vector<16xf32>, vector<16xf32>, vector<16xf32>, vector<16xf32>, vector<16xf32>)  : i32 {
        %get3A = arith.constant 0 : i32
        %get3A_771 = arith.index_cast %get3A : i32 to index
        %get3A_772 = arith.index_cast %scan3A_765 : i32 to index
        %get3A_773 = arith.constant 0 : index
        %get3A_774 = tpu.vector_load %arg9[%get3A_771, %get3A_772, %get3A_773] {strides = array<i32>} : memref<4x16x128xf32, #tpu.memory_space<vmem>>, vector<16xf32>,
        %get3A_775 = arith.constant 0 : i32
        %get3A_776 = arith.index_cast %get3A_775 : i32 to index
        %get3A_777 = arith.index_cast %scan3A_765 : i32 to index
        %get3A_778 = arith.constant 16 : index
        %get3A_779 = tpu.vector_load %arg9[%get3A_776, %get3A_777, %get3A_778] {strides = array<i32>} : memref<4x16x128xf32, #tpu.memory_space<vmem>>, vector<16xf32>,
        %get3A_780 = arith.constant 0 : i32
        %get3A_781 = arith.index_cast %get3A_780 : i32 to index
        %get3A_782 = arith.index_cast %scan3A_765 : i32 to index
        %get3A_783 = arith.constant 32 : index
        %get3A_784 = tpu.vector_load %arg9[%get3A_781, %get3A_782, %get3A_783] {strides = array<i32>} : memref<4x16x128xf32, #tpu.memory_space<vmem>>, vector<16xf32>,
        %get3A_785 = arith.constant 0 : i32
        %get3A_786 = arith.index_cast %get3A_785 : i32 to index
        %get3A_787 = arith.index_cast %scan3A_765 : i32 to index
        %get3A_788 = arith.constant 48 : index
        %get3A_789 = tpu.vector_load %arg9[%get3A_786, %get3A_787, %get3A_788] {strides = array<i32>} : memref<4x16x128xf32, #tpu.memory_space<vmem>>, vector<16xf32>,
        %get3A_790 = arith.constant 0 : i32
        %get3A_791 = arith.index_cast %get3A_790 : i32 to index
        %get3A_792 = arith.index_cast %scan3A_765 : i32 to index
        %get3A_793 = arith.constant 64 : index
        %get3A_794 = tpu.vector_load %arg9[%get3A_791, %get3A_792, %get3A_793] {strides = array<i32>} : memref<4x16x128xf32, #tpu.memory_space<vmem>>, vector<16xf32>,
        %get3A_795 = arith.constant 0 : i32
        %get3A_796 = arith.index_cast %get3A_795 : i32 to index
        %get3A_797 = arith.index_cast %scan3A_765 : i32 to index
        %get3A_798 = arith.constant 80 : index
        %get3A_799 = tpu.vector_load %arg9[%get3A_796, %get3A_797, %get3A_798] {strides = array<i32>} : memref<4x16x128xf32, #tpu.memory_space<vmem>>, vector<16xf32>,
        %get3A_800 = arith.constant 0 : i32
        %get3A_801 = arith.index_cast %get3A_800 : i32 to index
        %get3A_802 = arith.index_cast %scan3A_765 : i32 to index
        %get3A_803 = arith.constant 96 : index
        %get3A_804 = tpu.vector_load %arg9[%get3A_801, %get3A_802, %get3A_803] {strides = array<i32>} : memref<4x16x128xf32, #tpu.memory_space<vmem>>, vector<16xf32>,
        %get3A_805 = arith.constant 0 : i32
        %get3A_806 = arith.index_cast %get3A_805 : i32 to index
        %get3A_807 = arith.index_cast %scan3A_765 : i32 to index
        %get3A_808 = arith.constant 112 : index
        %get3A_809 = tpu.vector_load %arg9[%get3A_806, %get3A_807, %get3A_808] {strides = array<i32>} : memref<4x16x128xf32, #tpu.memory_space<vmem>>, vector<16xf32>,
        %add3A_810 = arith.constant 0 : i32
        %add3A_811 = arith.addi %add3A_810, %scan3A_765 : i32
        %get3A_812 = arith.constant 0 : i32
        %get3A_813 = arith.index_cast %get3A_812 : i32 to index
        %get3A_814 = arith.index_cast %add3A_811 : i32 to index
        %get3A_815 = arith.constant 0 : index
        %get3A_816 = tpu.vector_load %arg10[%get3A_813, %get3A_814, %get3A_815] {strides = array<i32>} : memref<4x80x128xf32, #tpu.memory_space<vmem>>, vector<16xf32>,
        %mul3A_817 = arith.mulf %get3A_774, %get3A_816 : vector<16xf32>
        %get3A_818 = arith.constant 0 : i32
        %get3A_819 = arith.index_cast %get3A_818 : i32 to index
        %get3A_820 = arith.index_cast %add3A_811 : i32 to index
        %get3A_821 = arith.constant 16 : index
        %get3A_822 = tpu.vector_load %arg10[%get3A_819, %get3A_820, %get3A_821] {strides = array<i32>} : memref<4x80x128xf32, #tpu.memory_space<vmem>>, vector<16xf32>,
        %mul3A_823 = arith.mulf %get3A_779, %get3A_822 : vector<16xf32>
        %add3A_824 = arith.addf %mul3A_817, %mul3A_823 : vector<16xf32>
        %get3A_825 = arith.constant 0 : i32
        %get3A_826 = arith.index_cast %get3A_825 : i32 to index
        %get3A_827 = arith.index_cast %add3A_811 : i32 to index
        %get3A_828 = arith.constant 32 : index
        %get3A_829 = tpu.vector_load %arg10[%get3A_826, %get3A_827, %get3A_828] {strides = array<i32>} : memref<4x80x128xf32, #tpu.memory_space<vmem>>, vector<16xf32>,
        %mul3A_830 = arith.mulf %get3A_784, %get3A_829 : vector<16xf32>
        %add3A_831 = arith.addf %add3A_824, %mul3A_830 : vector<16xf32>
        %get3A_832 = arith.constant 0 : i32
        %get3A_833 = arith.index_cast %get3A_832 : i32 to index
        %get3A_834 = arith.index_cast %add3A_811 : i32 to index
        %get3A_835 = arith.constant 48 : index
        %get3A_836 = tpu.vector_load %arg10[%get3A_833, %get3A_834, %get3A_835] {strides = array<i32>} : memref<4x80x128xf32, #tpu.memory_space<vmem>>, vector<16xf32>,
        %mul3A_837 = arith.mulf %get3A_789, %get3A_836 : vector<16xf32>
        %add3A_838 = arith.addf %add3A_831, %mul3A_837 : vector<16xf32>
        %get3A_839 = arith.constant 0 : i32
        %get3A_840 = arith.index_cast %get3A_839 : i32 to index
        %get3A_841 = arith.index_cast %add3A_811 : i32 to index
        %get3A_842 = arith.constant 64 : index
        %get3A_843 = tpu.vector_load %arg10[%get3A_840, %get3A_841, %get3A_842] {strides = array<i32>} : memref<4x80x128xf32, #tpu.memory_space<vmem>>, vector<16xf32>,
        %mul3A_844 = arith.mulf %get3A_794, %get3A_843 : vector<16xf32>
        %add3A_845 = arith.addf %add3A_838, %mul3A_844 : vector<16xf32>
        %get3A_846 = arith.constant 0 : i32
        %get3A_847 = arith.index_cast %get3A_846 : i32 to index
        %get3A_848 = arith.index_cast %add3A_811 : i32 to index
        %get3A_849 = arith.constant 80 : index
        %get3A_850 = tpu.vector_load %arg10[%get3A_847, %get3A_848, %get3A_849] {strides = array<i32>} : memref<4x80x128xf32, #tpu.memory_space<vmem>>, vector<16xf32>,
        %mul3A_851 = arith.mulf %get3A_799, %get3A_850 : vector<16xf32>
        %add3A_852 = arith.addf %add3A_845, %mul3A_851 : vector<16xf32>
        %get3A_853 = arith.constant 0 : i32
        %get3A_854 = arith.index_cast %get3A_853 : i32 to index
        %get3A_855 = arith.index_cast %add3A_811 : i32 to index
        %get3A_856 = arith.constant 96 : index
        %get3A_857 = tpu.vector_load %arg10[%get3A_854, %get3A_855, %get3A_856] {strides = array<i32>} : memref<4x80x128xf32, #tpu.memory_space<vmem>>, vector<16xf32>,
        %mul3A_858 = arith.mulf %get3A_804, %get3A_857 : vector<16xf32>
        %add3A_859 = arith.addf %add3A_852, %mul3A_858 : vector<16xf32>
        %get3A_860 = arith.constant 0 : i32
        %get3A_861 = arith.index_cast %get3A_860 : i32 to index
        %get3A_862 = arith.index_cast %add3A_811 : i32 to index
        %get3A_863 = arith.constant 112 : index
        %get3A_864 = tpu.vector_load %arg10[%get3A_861, %get3A_862, %get3A_863] {strides = array<i32>} : memref<4x80x128xf32, #tpu.memory_space<vmem>>, vector<16xf32>,
        %mul3A_865 = arith.mulf %get3A_809, %get3A_864 : vector<16xf32>
        %add3A_866 = arith.addf %add3A_859, %mul3A_865 : vector<16xf32>
        %eq3A = vector.broadcast %scan3A_765 : i32 to vector<16xi32>
        %eq3A_867 = arith.cmpi eq, %iota3A, %eq3A : vector<16xi32>
        %reduce_sum3A = arith.constant true
        %reduce_sum3A_868 = vector.broadcast %reduce_sum3A : i1 to vector<16xi1>
        %reduce_sum3A_869 = tpu.scan <sum>, %add3A_866 masked %reduce_sum3A_868 : vector<16xf32>, vector<16xi1> -> vector<16xf32>
        %reduce_sum3A_870 = vector.extract %reduce_sum3A_869[15] : f32 from vector<16xf32>
        %broadcast_in_dim3A_871 = vector.broadcast %reduce_sum3A_870 : f32 to vector<16xf32>
        %select_n3A = arith.select %eq3A_867, %broadcast_in_dim3A_871, %scan3A_766 : vector<16xi1>, vector<16xf32>
        %add3A_872 = arith.constant 16 : i32
        %add3A_873 = arith.addi %add3A_872, %scan3A_765 : i32
        %get3A_874 = arith.constant 0 : i32
        %get3A_875 = arith.index_cast %get3A_874 : i32 to index
        %get3A_876 = arith.index_cast %add3A_873 : i32 to index
        %get3A_877 = arith.constant 0 : index
        %get3A_878 = tpu.vector_load %arg10[%get3A_875, %get3A_876, %get3A_877] {strides = array<i32>} : memref<4x80x128xf32, #tpu.memory_space<vmem>>, vector<16xf32>,
        %mul3A_879 = arith.mulf %get3A_774, %get3A_878 : vector<16xf32>
        %get3A_880 = arith.constant 0 : i32
        %get3A_881 = arith.index_cast %get3A_880 : i32 to index
        %get3A_882 = arith.index_cast %add3A_873 : i32 to index
        %get3A_883 = arith.constant 16 : index
        %get3A_884 = tpu.vector_load %arg10[%get3A_881, %get3A_882, %get3A_883] {strides = array<i32>} : memref<4x80x128xf32, #tpu.memory_space<vmem>>, vector<16xf32>,
        %mul3A_885 = arith.mulf %get3A_779, %get3A_884 : vector<16xf32>
        %add3A_886 = arith.addf %mul3A_879, %mul3A_885 : vector<16xf32>
        %get3A_887 = arith.constant 0 : i32
        %get3A_888 = arith.index_cast %get3A_887 : i32 to index
        %get3A_889 = arith.index_cast %add3A_873 : i32 to index
        %get3A_890 = arith.constant 32 : index
        %get3A_891 = tpu.vector_load %arg10[%get3A_888, %get3A_889, %get3A_890] {strides = array<i32>} : memref<4x80x128xf32, #tpu.memory_space<vmem>>, vector<16xf32>,
        %mul3A_892 = arith.mulf %get3A_784, %get3A_891 : vector<16xf32>
        %add3A_893 = arith.addf %add3A_886, %mul3A_892 : vector<16xf32>
        %get3A_894 = arith.constant 0 : i32
        %get3A_895 = arith.index_cast %get3A_894 : i32 to index
        %get3A_896 = arith.index_cast %add3A_873 : i32 to index
        %get3A_897 = arith.constant 48 : index
        %get3A_898 = tpu.vector_load %arg10[%get3A_895, %get3A_896, %get3A_897] {strides = array<i32>} : memref<4x80x128xf32, #tpu.memory_space<vmem>>, vector<16xf32>,
        %mul3A_899 = arith.mulf %get3A_789, %get3A_898 : vector<16xf32>
        %add3A_900 = arith.addf %add3A_893, %mul3A_899 : vector<16xf32>
        %get3A_901 = arith.constant 0 : i32
        %get3A_902 = arith.index_cast %get3A_901 : i32 to index
        %get3A_903 = arith.index_cast %add3A_873 : i32 to index
        %get3A_904 = arith.constant 64 : index
        %get3A_905 = tpu.vector_load %arg10[%get3A_902, %get3A_903, %get3A_904] {strides = array<i32>} : memref<4x80x128xf32, #tpu.memory_space<vmem>>, vector<16xf32>,
        %mul3A_906 = arith.mulf %get3A_794, %get3A_905 : vector<16xf32>
        %add3A_907 = arith.addf %add3A_900, %mul3A_906 : vector<16xf32>
        %get3A_908 = arith.constant 0 : i32
        %get3A_909 = arith.index_cast %get3A_908 : i32 to index
        %get3A_910 = arith.index_cast %add3A_873 : i32 to index
        %get3A_911 = arith.constant 80 : index
        %get3A_912 = tpu.vector_load %arg10[%get3A_909, %get3A_910, %get3A_911] {strides = array<i32>} : memref<4x80x128xf32, #tpu.memory_space<vmem>>, vector<16xf32>,
        %mul3A_913 = arith.mulf %get3A_799, %get3A_912 : vector<16xf32>
        %add3A_914 = arith.addf %add3A_907, %mul3A_913 : vector<16xf32>
        %get3A_915 = arith.constant 0 : i32
        %get3A_916 = arith.index_cast %get3A_915 : i32 to index
        %get3A_917 = arith.index_cast %add3A_873 : i32 to index
        %get3A_918 = arith.constant 96 : index
        %get3A_919 = tpu.vector_load %arg10[%get3A_916, %get3A_917, %get3A_918] {strides = array<i32>} : memref<4x80x128xf32, #tpu.memory_space<vmem>>, vector<16xf32>,
        %mul3A_920 = arith.mulf %get3A_804, %get3A_919 : vector<16xf32>
        %add3A_921 = arith.addf %add3A_914, %mul3A_920 : vector<16xf32>
        %get3A_922 = arith.constant 0 : i32
        %get3A_923 = arith.index_cast %get3A_922 : i32 to index
        %get3A_924 = arith.index_cast %add3A_873 : i32 to index
        %get3A_925 = arith.constant 112 : index
        %get3A_926 = tpu.vector_load %arg10[%get3A_923, %get3A_924, %get3A_925] {strides = array<i32>} : memref<4x80x128xf32, #tpu.memory_space<vmem>>, vector<16xf32>,
        %mul3A_927 = arith.mulf %get3A_809, %get3A_926 : vector<16xf32>
        %add3A_928 = arith.addf %add3A_921, %mul3A_927 : vector<16xf32>
        %eq3A_929 = vector.broadcast %scan3A_765 : i32 to vector<16xi32>
        %eq3A_930 = arith.cmpi eq, %iota3A, %eq3A_929 : vector<16xi32>
        %reduce_sum3A_931 = arith.constant true
        %reduce_sum3A_932 = vector.broadcast %reduce_sum3A_931 : i1 to vector<16xi1>
        %reduce_sum3A_933 = tpu.scan <sum>, %add3A_928 masked %reduce_sum3A_932 : vector<16xf32>, vector<16xi1> -> vector<16xf32>
        %reduce_sum3A_934 = vector.extract %reduce_sum3A_933[15] : f32 from vector<16xf32>
        %broadcast_in_dim3A_935 = vector.broadcast %reduce_sum3A_934 : f32 to vector<16xf32>
        %select_n3A_936 = arith.select %eq3A_930, %broadcast_in_dim3A_935, %scan3A_767 : vector<16xi1>, vector<16xf32>
        %add3A_937 = arith.constant 32 : i32
        %add3A_938 = arith.addi %add3A_937, %scan3A_765 : i32
        %get3A_939 = arith.constant 0 : i32
        %get3A_940 = arith.index_cast %get3A_939 : i32 to index
        %get3A_941 = arith.index_cast %add3A_938 : i32 to index
        %get3A_942 = arith.constant 0 : index
        %get3A_943 = tpu.vector_load %arg10[%get3A_940, %get3A_941, %get3A_942] {strides = array<i32>} : memref<4x80x128xf32, #tpu.memory_space<vmem>>, vector<16xf32>,
        %mul3A_944 = arith.mulf %get3A_774, %get3A_943 : vector<16xf32>
        %get3A_945 = arith.constant 0 : i32
        %get3A_946 = arith.index_cast %get3A_945 : i32 to index
        %get3A_947 = arith.index_cast %add3A_938 : i32 to index
        %get3A_948 = arith.constant 16 : index
        %get3A_949 = tpu.vector_load %arg10[%get3A_946, %get3A_947, %get3A_948] {strides = array<i32>} : memref<4x80x128xf32, #tpu.memory_space<vmem>>, vector<16xf32>,
        %mul3A_950 = arith.mulf %get3A_779, %get3A_949 : vector<16xf32>
        %add3A_951 = arith.addf %mul3A_944, %mul3A_950 : vector<16xf32>
        %get3A_952 = arith.constant 0 : i32
        %get3A_953 = arith.index_cast %get3A_952 : i32 to index
        %get3A_954 = arith.index_cast %add3A_938 : i32 to index
        %get3A_955 = arith.constant 32 : index
        %get3A_956 = tpu.vector_load %arg10[%get3A_953, %get3A_954, %get3A_955] {strides = array<i32>} : memref<4x80x128xf32, #tpu.memory_space<vmem>>, vector<16xf32>,
        %mul3A_957 = arith.mulf %get3A_784, %get3A_956 : vector<16xf32>
        %add3A_958 = arith.addf %add3A_951, %mul3A_957 : vector<16xf32>
        %get3A_959 = arith.constant 0 : i32
        %get3A_960 = arith.index_cast %get3A_959 : i32 to index
        %get3A_961 = arith.index_cast %add3A_938 : i32 to index
        %get3A_962 = arith.constant 48 : index
        %get3A_963 = tpu.vector_load %arg10[%get3A_960, %get3A_961, %get3A_962] {strides = array<i32>} : memref<4x80x128xf32, #tpu.memory_space<vmem>>, vector<16xf32>,
        %mul3A_964 = arith.mulf %get3A_789, %get3A_963 : vector<16xf32>
        %add3A_965 = arith.addf %add3A_958, %mul3A_964 : vector<16xf32>
        %get3A_966 = arith.constant 0 : i32
        %get3A_967 = arith.index_cast %get3A_966 : i32 to index
        %get3A_968 = arith.index_cast %add3A_938 : i32 to index
        %get3A_969 = arith.constant 64 : index
        %get3A_970 = tpu.vector_load %arg10[%get3A_967, %get3A_968, %get3A_969] {strides = array<i32>} : memref<4x80x128xf32, #tpu.memory_space<vmem>>, vector<16xf32>,
        %mul3A_971 = arith.mulf %get3A_794, %get3A_970 : vector<16xf32>
        %add3A_972 = arith.addf %add3A_965, %mul3A_971 : vector<16xf32>
        %get3A_973 = arith.constant 0 : i32
        %get3A_974 = arith.index_cast %get3A_973 : i32 to index
        %get3A_975 = arith.index_cast %add3A_938 : i32 to index
        %get3A_976 = arith.constant 80 : index
        %get3A_977 = tpu.vector_load %arg10[%get3A_974, %get3A_975, %get3A_976] {strides = array<i32>} : memref<4x80x128xf32, #tpu.memory_space<vmem>>, vector<16xf32>,
        %mul3A_978 = arith.mulf %get3A_799, %get3A_977 : vector<16xf32>
        %add3A_979 = arith.addf %add3A_972, %mul3A_978 : vector<16xf32>
        %get3A_980 = arith.constant 0 : i32
        %get3A_981 = arith.index_cast %get3A_980 : i32 to index
        %get3A_982 = arith.index_cast %add3A_938 : i32 to index
        %get3A_983 = arith.constant 96 : index
        %get3A_984 = tpu.vector_load %arg10[%get3A_981, %get3A_982, %get3A_983] {strides = array<i32>} : memref<4x80x128xf32, #tpu.memory_space<vmem>>, vector<16xf32>,
        %mul3A_985 = arith.mulf %get3A_804, %get3A_984 : vector<16xf32>
        %add3A_986 = arith.addf %add3A_979, %mul3A_985 : vector<16xf32>
        %get3A_987 = arith.constant 0 : i32
        %get3A_988 = arith.index_cast %get3A_987 : i32 to index
        %get3A_989 = arith.index_cast %add3A_938 : i32 to index
        %get3A_990 = arith.constant 112 : index
        %get3A_991 = tpu.vector_load %arg10[%get3A_988, %get3A_989, %get3A_990] {strides = array<i32>} : memref<4x80x128xf32, #tpu.memory_space<vmem>>, vector<16xf32>,
        %mul3A_992 = arith.mulf %get3A_809, %get3A_991 : vector<16xf32>
        %add3A_993 = arith.addf %add3A_986, %mul3A_992 : vector<16xf32>
        %eq3A_994 = vector.broadcast %scan3A_765 : i32 to vector<16xi32>
        %eq3A_995 = arith.cmpi eq, %iota3A, %eq3A_994 : vector<16xi32>
        %reduce_sum3A_996 = arith.constant true
        %reduce_sum3A_997 = vector.broadcast %reduce_sum3A_996 : i1 to vector<16xi1>
        %reduce_sum3A_998 = tpu.scan <sum>, %add3A_993 masked %reduce_sum3A_997 : vector<16xf32>, vector<16xi1> -> vector<16xf32>
        %reduce_sum3A_999 = vector.extract %reduce_sum3A_998[15] : f32 from vector<16xf32>
        %broadcast_in_dim3A_1000 = vector.broadcast %reduce_sum3A_999 : f32 to vector<16xf32>
        %select_n3A_1001 = arith.select %eq3A_995, %broadcast_in_dim3A_1000, %scan3A_768 : vector<16xi1>, vector<16xf32>
        %add3A_1002 = arith.constant 48 : i32
        %add3A_1003 = arith.addi %add3A_1002, %scan3A_765 : i32
        %get3A_1004 = arith.constant 0 : i32
        %get3A_1005 = arith.index_cast %get3A_1004 : i32 to index
        %get3A_1006 = arith.index_cast %add3A_1003 : i32 to index
        %get3A_1007 = arith.constant 0 : index
        %get3A_1008 = tpu.vector_load %arg10[%get3A_1005, %get3A_1006, %get3A_1007] {strides = array<i32>} : memref<4x80x128xf32, #tpu.memory_space<vmem>>, vector<16xf32>,
        %mul3A_1009 = arith.mulf %get3A_774, %get3A_1008 : vector<16xf32>
        %get3A_1010 = arith.constant 0 : i32
        %get3A_1011 = arith.index_cast %get3A_1010 : i32 to index
        %get3A_1012 = arith.index_cast %add3A_1003 : i32 to index
        %get3A_1013 = arith.constant 16 : index
        %get3A_1014 = tpu.vector_load %arg10[%get3A_1011, %get3A_1012, %get3A_1013] {strides = array<i32>} : memref<4x80x128xf32, #tpu.memory_space<vmem>>, vector<16xf32>,
        %mul3A_1015 = arith.mulf %get3A_779, %get3A_1014 : vector<16xf32>
        %add3A_1016 = arith.addf %mul3A_1009, %mul3A_1015 : vector<16xf32>
        %get3A_1017 = arith.constant 0 : i32
        %get3A_1018 = arith.index_cast %get3A_1017 : i32 to index
        %get3A_1019 = arith.index_cast %add3A_1003 : i32 to index
        %get3A_1020 = arith.constant 32 : index
        %get3A_1021 = tpu.vector_load %arg10[%get3A_1018, %get3A_1019, %get3A_1020] {strides = array<i32>} : memref<4x80x128xf32, #tpu.memory_space<vmem>>, vector<16xf32>,
        %mul3A_1022 = arith.mulf %get3A_784, %get3A_1021 : vector<16xf32>
        %add3A_1023 = arith.addf %add3A_1016, %mul3A_1022 : vector<16xf32>
        %get3A_1024 = arith.constant 0 : i32
        %get3A_1025 = arith.index_cast %get3A_1024 : i32 to index
        %get3A_1026 = arith.index_cast %add3A_1003 : i32 to index
        %get3A_1027 = arith.constant 48 : index
        %get3A_1028 = tpu.vector_load %arg10[%get3A_1025, %get3A_1026, %get3A_1027] {strides = array<i32>} : memref<4x80x128xf32, #tpu.memory_space<vmem>>, vector<16xf32>,
        %mul3A_1029 = arith.mulf %get3A_789, %get3A_1028 : vector<16xf32>
        %add3A_1030 = arith.addf %add3A_1023, %mul3A_1029 : vector<16xf32>
        %get3A_1031 = arith.constant 0 : i32
        %get3A_1032 = arith.index_cast %get3A_1031 : i32 to index
        %get3A_1033 = arith.index_cast %add3A_1003 : i32 to index
        %get3A_1034 = arith.constant 64 : index
        %get3A_1035 = tpu.vector_load %arg10[%get3A_1032, %get3A_1033, %get3A_1034] {strides = array<i32>} : memref<4x80x128xf32, #tpu.memory_space<vmem>>, vector<16xf32>,
        %mul3A_1036 = arith.mulf %get3A_794, %get3A_1035 : vector<16xf32>
        %add3A_1037 = arith.addf %add3A_1030, %mul3A_1036 : vector<16xf32>
        %get3A_1038 = arith.constant 0 : i32
        %get3A_1039 = arith.index_cast %get3A_1038 : i32 to index
        %get3A_1040 = arith.index_cast %add3A_1003 : i32 to index
        %get3A_1041 = arith.constant 80 : index
        %get3A_1042 = tpu.vector_load %arg10[%get3A_1039, %get3A_1040, %get3A_1041] {strides = array<i32>} : memref<4x80x128xf32, #tpu.memory_space<vmem>>, vector<16xf32>,
        %mul3A_1043 = arith.mulf %get3A_799, %get3A_1042 : vector<16xf32>
        %add3A_1044 = arith.addf %add3A_1037, %mul3A_1043 : vector<16xf32>
        %get3A_1045 = arith.constant 0 : i32
        %get3A_1046 = arith.index_cast %get3A_1045 : i32 to index
        %get3A_1047 = arith.index_cast %add3A_1003 : i32 to index
        %get3A_1048 = arith.constant 96 : index
        %get3A_1049 = tpu.vector_load %arg10[%get3A_1046, %get3A_1047, %get3A_1048] {strides = array<i32>} : memref<4x80x128xf32, #tpu.memory_space<vmem>>, vector<16xf32>,
        %mul3A_1050 = arith.mulf %get3A_804, %get3A_1049 : vector<16xf32>
        %add3A_1051 = arith.addf %add3A_1044, %mul3A_1050 : vector<16xf32>
        %get3A_1052 = arith.constant 0 : i32
        %get3A_1053 = arith.index_cast %get3A_1052 : i32 to index
        %get3A_1054 = arith.index_cast %add3A_1003 : i32 to index
        %get3A_1055 = arith.constant 112 : index
        %get3A_1056 = tpu.vector_load %arg10[%get3A_1053, %get3A_1054, %get3A_1055] {strides = array<i32>} : memref<4x80x128xf32, #tpu.memory_space<vmem>>, vector<16xf32>,
        %mul3A_1057 = arith.mulf %get3A_809, %get3A_1056 : vector<16xf32>
        %add3A_1058 = arith.addf %add3A_1051, %mul3A_1057 : vector<16xf32>
        %eq3A_1059 = vector.broadcast %scan3A_765 : i32 to vector<16xi32>
        %eq3A_1060 = arith.cmpi eq, %iota3A, %eq3A_1059 : vector<16xi32>
        %reduce_sum3A_1061 = arith.constant true
        %reduce_sum3A_1062 = vector.broadcast %reduce_sum3A_1061 : i1 to vector<16xi1>
        %reduce_sum3A_1063 = tpu.scan <sum>, %add3A_1058 masked %reduce_sum3A_1062 : vector<16xf32>, vector<16xi1> -> vector<16xf32>
        %reduce_sum3A_1064 = vector.extract %reduce_sum3A_1063[15] : f32 from vector<16xf32>
        %broadcast_in_dim3A_1065 = vector.broadcast %reduce_sum3A_1064 : f32 to vector<16xf32>
        %select_n3A_1066 = arith.select %eq3A_1060, %broadcast_in_dim3A_1065, %scan3A_769 : vector<16xi1>, vector<16xf32>
        %add3A_1067 = arith.constant 64 : i32
        %add3A_1068 = arith.addi %add3A_1067, %scan3A_765 : i32
        %get3A_1069 = arith.constant 0 : i32
        %get3A_1070 = arith.index_cast %get3A_1069 : i32 to index
        %get3A_1071 = arith.index_cast %add3A_1068 : i32 to index
        %get3A_1072 = arith.constant 0 : index
        %get3A_1073 = tpu.vector_load %arg10[%get3A_1070, %get3A_1071, %get3A_1072] {strides = array<i32>} : memref<4x80x128xf32, #tpu.memory_space<vmem>>, vector<16xf32>,
        %mul3A_1074 = arith.mulf %get3A_774, %get3A_1073 : vector<16xf32>
        %get3A_1075 = arith.constant 0 : i32
        %get3A_1076 = arith.index_cast %get3A_1075 : i32 to index
        %get3A_1077 = arith.index_cast %add3A_1068 : i32 to index
        %get3A_1078 = arith.constant 16 : index
        %get3A_1079 = tpu.vector_load %arg10[%get3A_1076, %get3A_1077, %get3A_1078] {strides = array<i32>} : memref<4x80x128xf32, #tpu.memory_space<vmem>>, vector<16xf32>,
        %mul3A_1080 = arith.mulf %get3A_779, %get3A_1079 : vector<16xf32>
        %add3A_1081 = arith.addf %mul3A_1074, %mul3A_1080 : vector<16xf32>
        %get3A_1082 = arith.constant 0 : i32
        %get3A_1083 = arith.index_cast %get3A_1082 : i32 to index
        %get3A_1084 = arith.index_cast %add3A_1068 : i32 to index
        %get3A_1085 = arith.constant 32 : index
        %get3A_1086 = tpu.vector_load %arg10[%get3A_1083, %get3A_1084, %get3A_1085] {strides = array<i32>} : memref<4x80x128xf32, #tpu.memory_space<vmem>>, vector<16xf32>,
        %mul3A_1087 = arith.mulf %get3A_784, %get3A_1086 : vector<16xf32>
        %add3A_1088 = arith.addf %add3A_1081, %mul3A_1087 : vector<16xf32>
        %get3A_1089 = arith.constant 0 : i32
        %get3A_1090 = arith.index_cast %get3A_1089 : i32 to index
        %get3A_1091 = arith.index_cast %add3A_1068 : i32 to index
        %get3A_1092 = arith.constant 48 : index
        %get3A_1093 = tpu.vector_load %arg10[%get3A_1090, %get3A_1091, %get3A_1092] {strides = array<i32>} : memref<4x80x128xf32, #tpu.memory_space<vmem>>, vector<16xf32>,
        %mul3A_1094 = arith.mulf %get3A_789, %get3A_1093 : vector<16xf32>
        %add3A_1095 = arith.addf %add3A_1088, %mul3A_1094 : vector<16xf32>
        %get3A_1096 = arith.constant 0 : i32
        %get3A_1097 = arith.index_cast %get3A_1096 : i32 to index
        %get3A_1098 = arith.index_cast %add3A_1068 : i32 to index
        %get3A_1099 = arith.constant 64 : index
        %get3A_1100 = tpu.vector_load %arg10[%get3A_1097, %get3A_1098, %get3A_1099] {strides = array<i32>} : memref<4x80x128xf32, #tpu.memory_space<vmem>>, vector<16xf32>,
        %mul3A_1101 = arith.mulf %get3A_794, %get3A_1100 : vector<16xf32>
        %add3A_1102 = arith.addf %add3A_1095, %mul3A_1101 : vector<16xf32>
        %get3A_1103 = arith.constant 0 : i32
        %get3A_1104 = arith.index_cast %get3A_1103 : i32 to index
        %get3A_1105 = arith.index_cast %add3A_1068 : i32 to index
        %get3A_1106 = arith.constant 80 : index
        %get3A_1107 = tpu.vector_load %arg10[%get3A_1104, %get3A_1105, %get3A_1106] {strides = array<i32>} : memref<4x80x128xf32, #tpu.memory_space<vmem>>, vector<16xf32>,
        %mul3A_1108 = arith.mulf %get3A_799, %get3A_1107 : vector<16xf32>
        %add3A_1109 = arith.addf %add3A_1102, %mul3A_1108 : vector<16xf32>
        %get3A_1110 = arith.constant 0 : i32
        %get3A_1111 = arith.index_cast %get3A_1110 : i32 to index
        %get3A_1112 = arith.index_cast %add3A_1068 : i32 to index
        %get3A_1113 = arith.constant 96 : index
        %get3A_1114 = tpu.vector_load %arg10[%get3A_1111, %get3A_1112, %get3A_1113] {strides = array<i32>} : memref<4x80x128xf32, #tpu.memory_space<vmem>>, vector<16xf32>,
        %mul3A_1115 = arith.mulf %get3A_804, %get3A_1114 : vector<16xf32>
        %add3A_1116 = arith.addf %add3A_1109, %mul3A_1115 : vector<16xf32>
        %get3A_1117 = arith.constant 0 : i32
        %get3A_1118 = arith.index_cast %get3A_1117 : i32 to index
        %get3A_1119 = arith.index_cast %add3A_1068 : i32 to index
        %get3A_1120 = arith.constant 112 : index
        %get3A_1121 = tpu.vector_load %arg10[%get3A_1118, %get3A_1119, %get3A_1120] {strides = array<i32>} : memref<4x80x128xf32, #tpu.memory_space<vmem>>, vector<16xf32>,
        %mul3A_1122 = arith.mulf %get3A_809, %get3A_1121 : vector<16xf32>
        %add3A_1123 = arith.addf %add3A_1116, %mul3A_1122 : vector<16xf32>
        %eq3A_1124 = vector.broadcast %scan3A_765 : i32 to vector<16xi32>
        %eq3A_1125 = arith.cmpi eq, %iota3A, %eq3A_1124 : vector<16xi32>
        %reduce_sum3A_1126 = arith.constant true
        %reduce_sum3A_1127 = vector.broadcast %reduce_sum3A_1126 : i1 to vector<16xi1>
        %reduce_sum3A_1128 = tpu.scan <sum>, %add3A_1123 masked %reduce_sum3A_1127 : vector<16xf32>, vector<16xi1> -> vector<16xf32>
        %reduce_sum3A_1129 = vector.extract %reduce_sum3A_1128[15] : f32 from vector<16xf32>
        %broadcast_in_dim3A_1130 = vector.broadcast %reduce_sum3A_1129 : f32 to vector<16xf32>
        %select_n3A_1131 = arith.select %eq3A_1125, %broadcast_in_dim3A_1130, %scan3A_770 : vector<16xi1>, vector<16xf32>
        scf.yield %select_n3A, %select_n3A_936, %select_n3A_1001, %select_n3A_1066, %select_n3A_1131 : vector<16xf32>, vector<16xf32>, vector<16xf32>, vector<16xf32>, vector<16xf32>
      }
      %scan3A_316 = arith.constant 16 : i32
      %mul3A_317 = arith.constant 16 : i32
      %mul3A_318 = arith.muli %add3A_207, %mul3A_317 : i32
      %multiple_of3A_319 = tpu.assume_multiple %mul3A_318, 16 : i32
      %swap3A = arith.constant 0 : i32
      %swap3A_320 = arith.index_cast %swap3A : i32 to index
      %swap3A_321 = arith.index_cast %multiple_of3A_319 : i32 to index
      %swap3A_322 = tpu.vector_load %arg11[%swap3A_320, %swap3A_321] {strides = array<i32>} : memref<5x512xf32, #tpu.memory_space<vmem>>, vector<16xf32>,
      tpu.vector_store %arg11[%swap3A_320, %swap3A_321], %scan3A_315#0 {strides = array<i32>} : memref<5x512xf32, #tpu.memory_space<vmem>>, vector<16xf32>,
      %swap3A_323 = arith.constant 1 : i32
      %swap3A_324 = arith.index_cast %swap3A_323 : i32 to index
      %swap3A_325 = arith.index_cast %multiple_of3A_319 : i32 to index
      %swap3A_326 = tpu.vector_load %arg11[%swap3A_324, %swap3A_325] {strides = array<i32>} : memref<5x512xf32, #tpu.memory_space<vmem>>, vector<16xf32>,
      tpu.vector_store %arg11[%swap3A_324, %swap3A_325], %scan3A_315#1 {strides = array<i32>} : memref<5x512xf32, #tpu.memory_space<vmem>>, vector<16xf32>,
      %swap3A_327 = arith.constant 2 : i32
      %swap3A_328 = arith.index_cast %swap3A_327 : i32 to index
      %swap3A_329 = arith.index_cast %multiple_of3A_319 : i32 to index
      %swap3A_330 = tpu.vector_load %arg11[%swap3A_328, %swap3A_329] {strides = array<i32>} : memref<5x512xf32, #tpu.memory_space<vmem>>, vector<16xf32>,
      tpu.vector_store %arg11[%swap3A_328, %swap3A_329], %scan3A_315#2 {strides = array<i32>} : memref<5x512xf32, #tpu.memory_space<vmem>>, vector<16xf32>,
      %swap3A_331 = arith.constant 3 : i32
      %swap3A_332 = arith.index_cast %swap3A_331 : i32 to index
      %swap3A_333 = arith.index_cast %multiple_of3A_319 : i32 to index
      %swap3A_334 = tpu.vector_load %arg11[%swap3A_332, %swap3A_333] {strides = array<i32>} : memref<5x512xf32, #tpu.memory_space<vmem>>, vector<16xf32>,
      tpu.vector_store %arg11[%swap3A_332, %swap3A_333], %scan3A_315#3 {strides = array<i32>} : memref<5x512xf32, #tpu.memory_space<vmem>>, vector<16xf32>,
      %swap3A_335 = arith.constant 4 : i32
      %swap3A_336 = arith.index_cast %swap3A_335 : i32 to index
      %swap3A_337 = arith.index_cast %multiple_of3A_319 : i32 to index
      %swap3A_338 = tpu.vector_load %arg11[%swap3A_336, %swap3A_337] {strides = array<i32>} : memref<5x512xf32, #tpu.memory_space<vmem>>, vector<16xf32>,
      tpu.vector_store %arg11[%swap3A_336, %swap3A_337], %scan3A_315#4 {strides = array<i32>} : memref<5x512xf32, #tpu.memory_space<vmem>>, vector<16xf32>,
      %mul3A_339 = arith.constant 4 : i32
      %mul3A_340 = arith.muli %scan3A_203, %mul3A_339 : i32
      %add3A_341 = arith.constant 1 : i32
      %add3A_342 = arith.addi %mul3A_340, %add3A_341 : i32
      %add3A_343 = arith.constant 4 : i32
      %add3A_344 = arith.addi %add3A_342, %add3A_343 : i32
      %sub3A_345 = arith.constant 1 : i32
      %sub3A_346 = arith.subi %add3A_344, %sub3A_345 : i32
      %lt3A_347 = arith.constant 32 : i32
      %lt3A_348 = arith.cmpi slt, %sub3A_346, %lt3A_347 : i32
      %convert_element_type3A_349 = arith.extui %lt3A_348 : i1 to i32
      %cond3A_350 = arith.constant 0 : i32
      %cond3A_351 = arith.cmpi ne, %convert_element_type3A_349, %cond3A_350 : i32
      scf.if %cond3A_351 {
        %add3A_765 = arith.constant 4 : i32
        %add3A_766 = arith.addi %add3A_342, %add3A_765 : i32
        %sub3A_767 = arith.constant 1 : i32
        %sub3A_768 = arith.subi %add3A_766, %sub3A_767 : i32
        %mul3A_769 = arith.constant 16 : i32
        %mul3A_770 = arith.muli %sub3A_768, %mul3A_769 : i32
        %multiple_of3A_771 = tpu.assume_multiple %mul3A_770, 8 : i32
        %dma_start3A_772 = arith.constant 0 : i32
        %dma_start3A_773 = arith.constant 0 : i32
        %dma_start3A_774 = arith.constant 0 : i32
        %dma_start3A_775 = tpu.memref_slice %arg9[%dma_start3A_772, %dma_start3A_773, %dma_start3A_774] : memref<4x16x128xf32, #tpu.memory_space<vmem>> -> memref<1x16x128xf32, #tpu.memory_space<vmem>>
        %dma_start3A_776 = tpu.memref_squeeze %dma_start3A_775 : memref<1x16x128xf32, #tpu.memory_space<vmem>> -> memref<16x128xf32, #tpu.memory_space<vmem>>
        %dma_start3A_777 = tpu.memref_slice %arg7[%multiple_of3A_771] : memref<512xi32, #tpu.memory_space<vmem>> -> memref<16xi32, #tpu.memory_space<vmem>>
        %dma_start3A_778 = arith.constant 0 : i32
        %dma_start3A_779 = arith.constant 0 : i32
        %dma_start3A_780 = tpu.memref_slice %arg4[%dma_start3A_778, %dma_start3A_779] : memref<1000000x128xf32, #tpu.memory_space<hbm>> -> memref<1000000x128xf32, #tpu.memory_space<hbm>>
        tpu.enqueue_indirect_dma source(%dma_start3A_780 : memref<1000000x128xf32, #tpu.memory_space<hbm>>) target(%dma_start3A_776 : memref<16x128xf32, #tpu.memory_space<vmem>>) offsets(%dma_start3A_777 : memref<16xi32, #tpu.memory_space<vmem>>) semaphore(%arg12 : memref<!tpu.dma_semaphore, #tpu.memory_space<semaphore_mem>>)
        %dma_start3A_781 = arith.constant 0 : i32
        %dma_start3A_782 = arith.constant 0 : i32
        %dma_start3A_783 = arith.constant 0 : i32
        %dma_start3A_784 = arith.constant 0 : i32
        %dma_start3A_785 = tpu.memref_slice %arg10[%dma_start3A_782, %dma_start3A_783, %dma_start3A_784] : memref<4x80x128xf32, #tpu.memory_space<vmem>> -> memref<1x16x128xf32, #tpu.memory_space<vmem>>
        %dma_start3A_786 = tpu.memref_squeeze %dma_start3A_785 : memref<1x16x128xf32, #tpu.memory_space<vmem>> -> memref<16x128xf32, #tpu.memory_space<vmem>>
        %dma_start3A_787 = tpu.memref_slice %arg8[%dma_start3A_781, %multiple_of3A_771] : memref<5x512xi32, #tpu.memory_space<vmem>> -> memref<1x16xi32, #tpu.memory_space<vmem>>
        %dma_start3A_788 = tpu.memref_squeeze %dma_start3A_787 : memref<1x16xi32, #tpu.memory_space<vmem>> -> memref<16xi32, #tpu.memory_space<vmem>>
        %dma_start3A_789 = arith.constant 0 : i32
        %dma_start3A_790 = arith.constant 0 : i32
        %dma_start3A_791 = tpu.memref_slice %arg5[%dma_start3A_789, %dma_start3A_790] : memref<1000000x128xf32, #tpu.memory_space<hbm>> -> memref<1000000x128xf32, #tpu.memory_space<hbm>>
        tpu.enqueue_indirect_dma source(%dma_start3A_791 : memref<1000000x128xf32, #tpu.memory_space<hbm>>) target(%dma_start3A_786 : memref<16x128xf32, #tpu.memory_space<vmem>>) offsets(%dma_start3A_788 : memref<16xi32, #tpu.memory_space<vmem>>) semaphore(%arg13 : memref<!tpu.dma_semaphore, #tpu.memory_space<semaphore_mem>>)
        %dma_start3A_792 = arith.constant 1 : i32
        %dma_start3A_793 = arith.constant 0 : i32
        %dma_start3A_794 = arith.constant 16 : i32
        %dma_start3A_795 = arith.constant 0 : i32
        %dma_start3A_796 = tpu.memref_slice %arg10[%dma_start3A_793, %dma_start3A_794, %dma_start3A_795] : memref<4x80x128xf32, #tpu.memory_space<vmem>> -> memref<1x16x128xf32, #tpu.memory_space<vmem>>
        %dma_start3A_797 = tpu.memref_squeeze %dma_start3A_796 : memref<1x16x128xf32, #tpu.memory_space<vmem>> -> memref<16x128xf32, #tpu.memory_space<vmem>>
        %dma_start3A_798 = tpu.memref_slice %arg8[%dma_start3A_792, %multiple_of3A_771] : memref<5x512xi32, #tpu.memory_space<vmem>> -> memref<1x16xi32, #tpu.memory_space<vmem>>
        %dma_start3A_799 = tpu.memref_squeeze %dma_start3A_798 : memref<1x16xi32, #tpu.memory_space<vmem>> -> memref<16xi32, #tpu.memory_space<vmem>>
        %dma_start3A_800 = arith.constant 0 : i32
        %dma_start3A_801 = arith.constant 0 : i32
        %dma_start3A_802 = tpu.memref_slice %arg5[%dma_start3A_800, %dma_start3A_801] : memref<1000000x128xf32, #tpu.memory_space<hbm>> -> memref<1000000x128xf32, #tpu.memory_space<hbm>>
        tpu.enqueue_indirect_dma source(%dma_start3A_802 : memref<1000000x128xf32, #tpu.memory_space<hbm>>) target(%dma_start3A_797 : memref<16x128xf32, #tpu.memory_space<vmem>>) offsets(%dma_start3A_799 : memref<16xi32, #tpu.memory_space<vmem>>) semaphore(%arg13 : memref<!tpu.dma_semaphore, #tpu.memory_space<semaphore_mem>>)
        %dma_start3A_803 = arith.constant 2 : i32
        %dma_start3A_804 = arith.constant 0 : i32
        %dma_start3A_805 = arith.constant 32 : i32
        %dma_start3A_806 = arith.constant 0 : i32
        %dma_start3A_807 = tpu.memref_slice %arg10[%dma_start3A_804, %dma_start3A_805, %dma_start3A_806] : memref<4x80x128xf32, #tpu.memory_space<vmem>> -> memref<1x16x128xf32, #tpu.memory_space<vmem>>
        %dma_start3A_808 = tpu.memref_squeeze %dma_start3A_807 : memref<1x16x128xf32, #tpu.memory_space<vmem>> -> memref<16x128xf32, #tpu.memory_space<vmem>>
        %dma_start3A_809 = tpu.memref_slice %arg8[%dma_start3A_803, %multiple_of3A_771] : memref<5x512xi32, #tpu.memory_space<vmem>> -> memref<1x16xi32, #tpu.memory_space<vmem>>
        %dma_start3A_810 = tpu.memref_squeeze %dma_start3A_809 : memref<1x16xi32, #tpu.memory_space<vmem>> -> memref<16xi32, #tpu.memory_space<vmem>>
        %dma_start3A_811 = arith.constant 0 : i32
        %dma_start3A_812 = arith.constant 0 : i32
        %dma_start3A_813 = tpu.memref_slice %arg5[%dma_start3A_811, %dma_start3A_812] : memref<1000000x128xf32, #tpu.memory_space<hbm>> -> memref<1000000x128xf32, #tpu.memory_space<hbm>>
        tpu.enqueue_indirect_dma source(%dma_start3A_813 : memref<1000000x128xf32, #tpu.memory_space<hbm>>) target(%dma_start3A_808 : memref<16x128xf32, #tpu.memory_space<vmem>>) offsets(%dma_start3A_810 : memref<16xi32, #tpu.memory_space<vmem>>) semaphore(%arg13 : memref<!tpu.dma_semaphore, #tpu.memory_space<semaphore_mem>>)
        %dma_start3A_814 = arith.constant 3 : i32
        %dma_start3A_815 = arith.constant 0 : i32
        %dma_start3A_816 = arith.constant 48 : i32
        %dma_start3A_817 = arith.constant 0 : i32
        %dma_start3A_818 = tpu.memref_slice %arg10[%dma_start3A_815, %dma_start3A_816, %dma_start3A_817] : memref<4x80x128xf32, #tpu.memory_space<vmem>> -> memref<1x16x128xf32, #tpu.memory_space<vmem>>
        %dma_start3A_819 = tpu.memref_squeeze %dma_start3A_818 : memref<1x16x128xf32, #tpu.memory_space<vmem>> -> memref<16x128xf32, #tpu.memory_space<vmem>>
        %dma_start3A_820 = tpu.memref_slice %arg8[%dma_start3A_814, %multiple_of3A_771] : memref<5x512xi32, #tpu.memory_space<vmem>> -> memref<1x16xi32, #tpu.memory_space<vmem>>
        %dma_start3A_821 = tpu.memref_squeeze %dma_start3A_820 : memref<1x16xi32, #tpu.memory_space<vmem>> -> memref<16xi32, #tpu.memory_space<vmem>>
        %dma_start3A_822 = arith.constant 0 : i32
        %dma_start3A_823 = arith.constant 0 : i32
        %dma_start3A_824 = tpu.memref_slice %arg5[%dma_start3A_822, %dma_start3A_823] : memref<1000000x128xf32, #tpu.memory_space<hbm>> -> memref<1000000x128xf32, #tpu.memory_space<hbm>>
        tpu.enqueue_indirect_dma source(%dma_start3A_824 : memref<1000000x128xf32, #tpu.memory_space<hbm>>) target(%dma_start3A_819 : memref<16x128xf32, #tpu.memory_space<vmem>>) offsets(%dma_start3A_821 : memref<16xi32, #tpu.memory_space<vmem>>) semaphore(%arg13 : memref<!tpu.dma_semaphore, #tpu.memory_space<semaphore_mem>>)
        %dma_start3A_825 = arith.constant 4 : i32
        %dma_start3A_826 = arith.constant 0 : i32
        %dma_start3A_827 = arith.constant 64 : i32
        %dma_start3A_828 = arith.constant 0 : i32
        %dma_start3A_829 = tpu.memref_slice %arg10[%dma_start3A_826, %dma_start3A_827, %dma_start3A_828] : memref<4x80x128xf32, #tpu.memory_space<vmem>> -> memref<1x16x128xf32, #tpu.memory_space<vmem>>
        %dma_start3A_830 = tpu.memref_squeeze %dma_start3A_829 : memref<1x16x128xf32, #tpu.memory_space<vmem>> -> memref<16x128xf32, #tpu.memory_space<vmem>>
        %dma_start3A_831 = tpu.memref_slice %arg8[%dma_start3A_825, %multiple_of3A_771] : memref<5x512xi32, #tpu.memory_space<vmem>> -> memref<1x16xi32, #tpu.memory_space<vmem>>
        %dma_start3A_832 = tpu.memref_squeeze %dma_start3A_831 : memref<1x16xi32, #tpu.memory_space<vmem>> -> memref<16xi32, #tpu.memory_space<vmem>>
        %dma_start3A_833 = arith.constant 0 : i32
        %dma_start3A_834 = arith.constant 0 : i32
        %dma_start3A_835 = tpu.memref_slice %arg5[%dma_start3A_833, %dma_start3A_834] : memref<1000000x128xf32, #tpu.memory_space<hbm>> -> memref<1000000x128xf32, #tpu.memory_space<hbm>>
        tpu.enqueue_indirect_dma source(%dma_start3A_835 : memref<1000000x128xf32, #tpu.memory_space<hbm>>) target(%dma_start3A_830 : memref<16x128xf32, #tpu.memory_space<vmem>>) offsets(%dma_start3A_832 : memref<16xi32, #tpu.memory_space<vmem>>) semaphore(%arg13 : memref<!tpu.dma_semaphore, #tpu.memory_space<semaphore_mem>>)
      } else {
      }
      %dma_wait3A_352 = arith.constant 1 : i32
      %dma_wait3A_353 = arith.constant 0 : i32
      %dma_wait3A_354 = arith.constant 0 : i32
      %dma_wait3A_355 = tpu.memref_slice %arg9[%dma_wait3A_352, %dma_wait3A_353, %dma_wait3A_354] : memref<4x16x128xf32, #tpu.memory_space<vmem>> -> memref<1x16x128xf32, #tpu.memory_space<vmem>>
      %dma_wait3A_356 = tpu.memref_squeeze %dma_wait3A_355 : memref<1x16x128xf32, #tpu.memory_space<vmem>> -> memref<16x128xf32, #tpu.memory_space<vmem>>
      %dma_wait3A_357 = arith.constant 0 : i32
      %dma_wait3A_358 = arith.constant 0 : i32
      %dma_wait3A_359 = tpu.memref_slice %arg4[%dma_wait3A_357, %dma_wait3A_358] : memref<1000000x128xf32, #tpu.memory_space<hbm>> -> memref<16x128xf32, #tpu.memory_space<hbm>>
      %dma_wait3A_360 = arith.constant 0 : i32
      %dma_wait3A_361 = arith.constant 0 : i32
      %dma_wait3A_362 = tpu.memref_slice %arg9[%dma_wait3A_352, %dma_wait3A_360, %dma_wait3A_361] : memref<4x16x128xf32, #tpu.memory_space<vmem>> -> memref<1x16x128xf32, #tpu.memory_space<vmem>>
      %dma_wait3A_363 = tpu.memref_squeeze %dma_wait3A_362 : memref<1x16x128xf32, #tpu.memory_space<vmem>> -> memref<16x128xf32, #tpu.memory_space<vmem>>
      %dma_wait3A_364 = arith.constant 0 : i32
      %dma_wait3A_365 = arith.constant 0 : i32
      %dma_wait3A_366 = tpu.memref_slice %arg4[%dma_wait3A_364, %dma_wait3A_365] : memref<1000000x128xf32, #tpu.memory_space<hbm>> -> memref<16x128xf32, #tpu.memory_space<hbm>>
      tpu.wait_dma2 semaphore(%arg14 : memref<!tpu.dma_semaphore, #tpu.memory_space<semaphore_mem>>) src(%dma_wait3A_366 : memref<16x128xf32, #tpu.memory_space<hbm>>) dst(%dma_wait3A_363 : memref<16x128xf32, #tpu.memory_space<vmem>>)
      %dma_wait3A_367 = arith.constant 1 : i32
      %dma_wait3A_368 = arith.constant 0 : i32
      %dma_wait3A_369 = arith.constant 0 : i32
      %dma_wait3A_370 = tpu.memref_slice %arg10[%dma_wait3A_367, %dma_wait3A_368, %dma_wait3A_369] : memref<4x80x128xf32, #tpu.memory_space<vmem>> -> memref<1x16x128xf32, #tpu.memory_space<vmem>>
      %dma_wait3A_371 = tpu.memref_squeeze %dma_wait3A_370 : memref<1x16x128xf32, #tpu.memory_space<vmem>> -> memref<16x128xf32, #tpu.memory_space<vmem>>
      %dma_wait3A_372 = arith.constant 0 : i32
      %dma_wait3A_373 = arith.constant 0 : i32
      %dma_wait3A_374 = tpu.memref_slice %arg4[%dma_wait3A_372, %dma_wait3A_373] : memref<1000000x128xf32, #tpu.memory_space<hbm>> -> memref<16x128xf32, #tpu.memory_space<hbm>>
      %dma_wait3A_375 = arith.constant 0 : i32
      %dma_wait3A_376 = arith.constant 0 : i32
      %dma_wait3A_377 = tpu.memref_slice %arg10[%dma_wait3A_367, %dma_wait3A_375, %dma_wait3A_376] : memref<4x80x128xf32, #tpu.memory_space<vmem>> -> memref<1x16x128xf32, #tpu.memory_space<vmem>>
      %dma_wait3A_378 = tpu.memref_squeeze %dma_wait3A_377 : memref<1x16x128xf32, #tpu.memory_space<vmem>> -> memref<16x128xf32, #tpu.memory_space<vmem>>
      %dma_wait3A_379 = arith.constant 0 : i32
      %dma_wait3A_380 = arith.constant 0 : i32
      %dma_wait3A_381 = tpu.memref_slice %arg4[%dma_wait3A_379, %dma_wait3A_380] : memref<1000000x128xf32, #tpu.memory_space<hbm>> -> memref<16x128xf32, #tpu.memory_space<hbm>>
      tpu.wait_dma2 semaphore(%arg15 : memref<!tpu.dma_semaphore, #tpu.memory_space<semaphore_mem>>) src(%dma_wait3A_381 : memref<16x128xf32, #tpu.memory_space<hbm>>) dst(%dma_wait3A_378 : memref<16x128xf32, #tpu.memory_space<vmem>>)
      %dma_wait3A_382 = arith.constant 1 : i32
      %dma_wait3A_383 = arith.constant 16 : i32
      %dma_wait3A_384 = arith.constant 0 : i32
      %dma_wait3A_385 = tpu.memref_slice %arg10[%dma_wait3A_382, %dma_wait3A_383, %dma_wait3A_384] : memref<4x80x128xf32, #tpu.memory_space<vmem>> -> memref<1x16x128xf32, #tpu.memory_space<vmem>>
      %dma_wait3A_386 = tpu.memref_squeeze %dma_wait3A_385 : memref<1x16x128xf32, #tpu.memory_space<vmem>> -> memref<16x128xf32, #tpu.memory_space<vmem>>
      %dma_wait3A_387 = arith.constant 0 : i32
      %dma_wait3A_388 = arith.constant 0 : i32
      %dma_wait3A_389 = tpu.memref_slice %arg4[%dma_wait3A_387, %dma_wait3A_388] : memref<1000000x128xf32, #tpu.memory_space<hbm>> -> memref<16x128xf32, #tpu.memory_space<hbm>>
      %dma_wait3A_390 = arith.constant 16 : i32
      %dma_wait3A_391 = arith.constant 0 : i32
      %dma_wait3A_392 = tpu.memref_slice %arg10[%dma_wait3A_382, %dma_wait3A_390, %dma_wait3A_391] : memref<4x80x128xf32, #tpu.memory_space<vmem>> -> memref<1x16x128xf32, #tpu.memory_space<vmem>>
      %dma_wait3A_393 = tpu.memref_squeeze %dma_wait3A_392 : memref<1x16x128xf32, #tpu.memory_space<vmem>> -> memref<16x128xf32, #tpu.memory_space<vmem>>
      %dma_wait3A_394 = arith.constant 0 : i32
      %dma_wait3A_395 = arith.constant 0 : i32
      %dma_wait3A_396 = tpu.memref_slice %arg4[%dma_wait3A_394, %dma_wait3A_395] : memref<1000000x128xf32, #tpu.memory_space<hbm>> -> memref<16x128xf32, #tpu.memory_space<hbm>>
      tpu.wait_dma2 semaphore(%arg15 : memref<!tpu.dma_semaphore, #tpu.memory_space<semaphore_mem>>) src(%dma_wait3A_396 : memref<16x128xf32, #tpu.memory_space<hbm>>) dst(%dma_wait3A_393 : memref<16x128xf32, #tpu.memory_space<vmem>>)
      %dma_wait3A_397 = arith.constant 1 : i32
      %dma_wait3A_398 = arith.constant 32 : i32
      %dma_wait3A_399 = arith.constant 0 : i32
      %dma_wait3A_400 = tpu.memref_slice %arg10[%dma_wait3A_397, %dma_wait3A_398, %dma_wait3A_399] : memref<4x80x128xf32, #tpu.memory_space<vmem>> -> memref<1x16x128xf32, #tpu.memory_space<vmem>>
      %dma_wait3A_401 = tpu.memref_squeeze %dma_wait3A_400 : memref<1x16x128xf32, #tpu.memory_space<vmem>> -> memref<16x128xf32, #tpu.memory_space<vmem>>
      %dma_wait3A_402 = arith.constant 0 : i32
      %dma_wait3A_403 = arith.constant 0 : i32
      %dma_wait3A_404 = tpu.memref_slice %arg4[%dma_wait3A_402, %dma_wait3A_403] : memref<1000000x128xf32, #tpu.memory_space<hbm>> -> memref<16x128xf32, #tpu.memory_space<hbm>>
      %dma_wait3A_405 = arith.constant 32 : i32
      %dma_wait3A_406 = arith.constant 0 : i32
      %dma_wait3A_407 = tpu.memref_slice %arg10[%dma_wait3A_397, %dma_wait3A_405, %dma_wait3A_406] : memref<4x80x128xf32, #tpu.memory_space<vmem>> -> memref<1x16x128xf32, #tpu.memory_space<vmem>>
      %dma_wait3A_408 = tpu.memref_squeeze %dma_wait3A_407 : memref<1x16x128xf32, #tpu.memory_space<vmem>> -> memref<16x128xf32, #tpu.memory_space<vmem>>
      %dma_wait3A_409 = arith.constant 0 : i32
      %dma_wait3A_410 = arith.constant 0 : i32
      %dma_wait3A_411 = tpu.memref_slice %arg4[%dma_wait3A_409, %dma_wait3A_410] : memref<1000000x128xf32, #tpu.memory_space<hbm>> -> memref<16x128xf32, #tpu.memory_space<hbm>>
      tpu.wait_dma2 semaphore(%arg15 : memref<!tpu.dma_semaphore, #tpu.memory_space<semaphore_mem>>) src(%dma_wait3A_411 : memref<16x128xf32, #tpu.memory_space<hbm>>) dst(%dma_wait3A_408 : memref<16x128xf32, #tpu.memory_space<vmem>>)
      %dma_wait3A_412 = arith.constant 1 : i32
      %dma_wait3A_413 = arith.constant 48 : i32
      %dma_wait3A_414 = arith.constant 0 : i32
      %dma_wait3A_415 = tpu.memref_slice %arg10[%dma_wait3A_412, %dma_wait3A_413, %dma_wait3A_414] : memref<4x80x128xf32, #tpu.memory_space<vmem>> -> memref<1x16x128xf32, #tpu.memory_space<vmem>>
      %dma_wait3A_416 = tpu.memref_squeeze %dma_wait3A_415 : memref<1x16x128xf32, #tpu.memory_space<vmem>> -> memref<16x128xf32, #tpu.memory_space<vmem>>
      %dma_wait3A_417 = arith.constant 0 : i32
      %dma_wait3A_418 = arith.constant 0 : i32
      %dma_wait3A_419 = tpu.memref_slice %arg4[%dma_wait3A_417, %dma_wait3A_418] : memref<1000000x128xf32, #tpu.memory_space<hbm>> -> memref<16x128xf32, #tpu.memory_space<hbm>>
      %dma_wait3A_420 = arith.constant 48 : i32
      %dma_wait3A_421 = arith.constant 0 : i32
      %dma_wait3A_422 = tpu.memref_slice %arg10[%dma_wait3A_412, %dma_wait3A_420, %dma_wait3A_421] : memref<4x80x128xf32, #tpu.memory_space<vmem>> -> memref<1x16x128xf32, #tpu.memory_space<vmem>>
      %dma_wait3A_423 = tpu.memref_squeeze %dma_wait3A_422 : memref<1x16x128xf32, #tpu.memory_space<vmem>> -> memref<16x128xf32, #tpu.memory_space<vmem>>
      %dma_wait3A_424 = arith.constant 0 : i32
      %dma_wait3A_425 = arith.constant 0 : i32
      %dma_wait3A_426 = tpu.memref_slice %arg4[%dma_wait3A_424, %dma_wait3A_425] : memref<1000000x128xf32, #tpu.memory_space<hbm>> -> memref<16x128xf32, #tpu.memory_space<hbm>>
      tpu.wait_dma2 semaphore(%arg15 : memref<!tpu.dma_semaphore, #tpu.memory_space<semaphore_mem>>) src(%dma_wait3A_426 : memref<16x128xf32, #tpu.memory_space<hbm>>) dst(%dma_wait3A_423 : memref<16x128xf32, #tpu.memory_space<vmem>>)
      %dma_wait3A_427 = arith.constant 1 : i32
      %dma_wait3A_428 = arith.constant 64 : i32
      %dma_wait3A_429 = arith.constant 0 : i32
      %dma_wait3A_430 = tpu.memref_slice %arg10[%dma_wait3A_427, %dma_wait3A_428, %dma_wait3A_429] : memref<4x80x128xf32, #tpu.memory_space<vmem>> -> memref<1x16x128xf32, #tpu.memory_space<vmem>>
      %dma_wait3A_431 = tpu.memref_squeeze %dma_wait3A_430 : memref<1x16x128xf32, #tpu.memory_space<vmem>> -> memref<16x128xf32, #tpu.memory_space<vmem>>
      %dma_wait3A_432 = arith.constant 0 : i32
      %dma_wait3A_433 = arith.constant 0 : i32
      %dma_wait3A_434 = tpu.memref_slice %arg4[%dma_wait3A_432, %dma_wait3A_433] : memref<1000000x128xf32, #tpu.memory_space<hbm>> -> memref<16x128xf32, #tpu.memory_space<hbm>>
      %dma_wait3A_435 = arith.constant 64 : i32
      %dma_wait3A_436 = arith.constant 0 : i32
      %dma_wait3A_437 = tpu.memref_slice %arg10[%dma_wait3A_427, %dma_wait3A_435, %dma_wait3A_436] : memref<4x80x128xf32, #tpu.memory_space<vmem>> -> memref<1x16x128xf32, #tpu.memory_space<vmem>>
      %dma_wait3A_438 = tpu.memref_squeeze %dma_wait3A_437 : memref<1x16x128xf32, #tpu.memory_space<vmem>> -> memref<16x128xf32, #tpu.memory_space<vmem>>
      %dma_wait3A_439 = arith.constant 0 : i32
      %dma_wait3A_440 = arith.constant 0 : i32
      %dma_wait3A_441 = tpu.memref_slice %arg4[%dma_wait3A_439, %dma_wait3A_440] : memref<1000000x128xf32, #tpu.memory_space<hbm>> -> memref<16x128xf32, #tpu.memory_space<hbm>>
      tpu.wait_dma2 semaphore(%arg15 : memref<!tpu.dma_semaphore, #tpu.memory_space<semaphore_mem>>) src(%dma_wait3A_441 : memref<16x128xf32, #tpu.memory_space<hbm>>) dst(%dma_wait3A_438 : memref<16x128xf32, #tpu.memory_space<vmem>>)
      %broadcast_in_dim3A_442 = arith.constant 0.000000e+00 : f32
      %broadcast_in_dim3A_443 = vector.broadcast %broadcast_in_dim3A_442 : f32 to vector<16xf32>
      %broadcast_in_dim3A_444 = arith.constant 0.000000e+00 : f32
      %broadcast_in_dim3A_445 = vector.broadcast %broadcast_in_dim3A_444 : f32 to vector<16xf32>
      %broadcast_in_dim3A_446 = arith.constant 0.000000e+00 : f32
      %broadcast_in_dim3A_447 = vector.broadcast %broadcast_in_dim3A_446 : f32 to vector<16xf32>
      %broadcast_in_dim3A_448 = arith.constant 0.000000e+00 : f32
      %broadcast_in_dim3A_449 = vector.broadcast %broadcast_in_dim3A_448 : f32 to vector<16xf32>
      %broadcast_in_dim3A_450 = arith.constant 0.000000e+00 : f32
      %broadcast_in_dim3A_451 = vector.broadcast %broadcast_in_dim3A_450 : f32 to vector<16xf32>
      %scan3A_452 = arith.constant 0 : i32
      %scan3A_453 = arith.constant 16 : i32
      %scan3A_454 = arith.addi %scan3A_452, %scan3A_453 : i32
      %scan3A_455 = arith.constant 1 : i32
      %scan3A_456:5 = scf.for %scan3A_765 = %scan3A_452 to %scan3A_454 step %scan3A_455 iter_args(%scan3A_766 = %broadcast_in_dim3A_443, %scan3A_767 = %broadcast_in_dim3A_445, %scan3A_768 = %broadcast_in_dim3A_447, %scan3A_769 = %broadcast_in_dim3A_449, %scan3A_770 = %broadcast_in_dim3A_451) -> (vector<16xf32>, vector<16xf32>, vector<16xf32>, vector<16xf32>, vector<16xf32>)  : i32 {
        %get3A = arith.constant 1 : i32
        %get3A_771 = arith.index_cast %get3A : i32 to index
        %get3A_772 = arith.index_cast %scan3A_765 : i32 to index
        %get3A_773 = arith.constant 0 : index
        %get3A_774 = tpu.vector_load %arg9[%get3A_771, %get3A_772, %get3A_773] {strides = array<i32>} : memref<4x16x128xf32, #tpu.memory_space<vmem>>, vector<16xf32>,
        %get3A_775 = arith.constant 1 : i32
        %get3A_776 = arith.index_cast %get3A_775 : i32 to index
        %get3A_777 = arith.index_cast %scan3A_765 : i32 to index
        %get3A_778 = arith.constant 16 : index
        %get3A_779 = tpu.vector_load %arg9[%get3A_776, %get3A_777, %get3A_778] {strides = array<i32>} : memref<4x16x128xf32, #tpu.memory_space<vmem>>, vector<16xf32>,
        %get3A_780 = arith.constant 1 : i32
        %get3A_781 = arith.index_cast %get3A_780 : i32 to index
        %get3A_782 = arith.index_cast %scan3A_765 : i32 to index
        %get3A_783 = arith.constant 32 : index
        %get3A_784 = tpu.vector_load %arg9[%get3A_781, %get3A_782, %get3A_783] {strides = array<i32>} : memref<4x16x128xf32, #tpu.memory_space<vmem>>, vector<16xf32>,
        %get3A_785 = arith.constant 1 : i32
        %get3A_786 = arith.index_cast %get3A_785 : i32 to index
        %get3A_787 = arith.index_cast %scan3A_765 : i32 to index
        %get3A_788 = arith.constant 48 : index
        %get3A_789 = tpu.vector_load %arg9[%get3A_786, %get3A_787, %get3A_788] {strides = array<i32>} : memref<4x16x128xf32, #tpu.memory_space<vmem>>, vector<16xf32>,
        %get3A_790 = arith.constant 1 : i32
        %get3A_791 = arith.index_cast %get3A_790 : i32 to index
        %get3A_792 = arith.index_cast %scan3A_765 : i32 to index
        %get3A_793 = arith.constant 64 : index
        %get3A_794 = tpu.vector_load %arg9[%get3A_791, %get3A_792, %get3A_793] {strides = array<i32>} : memref<4x16x128xf32, #tpu.memory_space<vmem>>, vector<16xf32>,
        %get3A_795 = arith.constant 1 : i32
        %get3A_796 = arith.index_cast %get3A_795 : i32 to index
        %get3A_797 = arith.index_cast %scan3A_765 : i32 to index
        %get3A_798 = arith.constant 80 : index
        %get3A_799 = tpu.vector_load %arg9[%get3A_796, %get3A_797, %get3A_798] {strides = array<i32>} : memref<4x16x128xf32, #tpu.memory_space<vmem>>, vector<16xf32>,
        %get3A_800 = arith.constant 1 : i32
        %get3A_801 = arith.index_cast %get3A_800 : i32 to index
        %get3A_802 = arith.index_cast %scan3A_765 : i32 to index
        %get3A_803 = arith.constant 96 : index
        %get3A_804 = tpu.vector_load %arg9[%get3A_801, %get3A_802, %get3A_803] {strides = array<i32>} : memref<4x16x128xf32, #tpu.memory_space<vmem>>, vector<16xf32>,
        %get3A_805 = arith.constant 1 : i32
        %get3A_806 = arith.index_cast %get3A_805 : i32 to index
        %get3A_807 = arith.index_cast %scan3A_765 : i32 to index
        %get3A_808 = arith.constant 112 : index
        %get3A_809 = tpu.vector_load %arg9[%get3A_806, %get3A_807, %get3A_808] {strides = array<i32>} : memref<4x16x128xf32, #tpu.memory_space<vmem>>, vector<16xf32>,
        %add3A_810 = arith.constant 0 : i32
        %add3A_811 = arith.addi %add3A_810, %scan3A_765 : i32
        %get3A_812 = arith.constant 1 : i32
        %get3A_813 = arith.index_cast %get3A_812 : i32 to index
        %get3A_814 = arith.index_cast %add3A_811 : i32 to index
        %get3A_815 = arith.constant 0 : index
        %get3A_816 = tpu.vector_load %arg10[%get3A_813, %get3A_814, %get3A_815] {strides = array<i32>} : memref<4x80x128xf32, #tpu.memory_space<vmem>>, vector<16xf32>,
        %mul3A_817 = arith.mulf %get3A_774, %get3A_816 : vector<16xf32>
        %get3A_818 = arith.constant 1 : i32
        %get3A_819 = arith.index_cast %get3A_818 : i32 to index
        %get3A_820 = arith.index_cast %add3A_811 : i32 to index
        %get3A_821 = arith.constant 16 : index
        %get3A_822 = tpu.vector_load %arg10[%get3A_819, %get3A_820, %get3A_821] {strides = array<i32>} : memref<4x80x128xf32, #tpu.memory_space<vmem>>, vector<16xf32>,
        %mul3A_823 = arith.mulf %get3A_779, %get3A_822 : vector<16xf32>
        %add3A_824 = arith.addf %mul3A_817, %mul3A_823 : vector<16xf32>
        %get3A_825 = arith.constant 1 : i32
        %get3A_826 = arith.index_cast %get3A_825 : i32 to index
        %get3A_827 = arith.index_cast %add3A_811 : i32 to index
        %get3A_828 = arith.constant 32 : index
        %get3A_829 = tpu.vector_load %arg10[%get3A_826, %get3A_827, %get3A_828] {strides = array<i32>} : memref<4x80x128xf32, #tpu.memory_space<vmem>>, vector<16xf32>,
        %mul3A_830 = arith.mulf %get3A_784, %get3A_829 : vector<16xf32>
        %add3A_831 = arith.addf %add3A_824, %mul3A_830 : vector<16xf32>
        %get3A_832 = arith.constant 1 : i32
        %get3A_833 = arith.index_cast %get3A_832 : i32 to index
        %get3A_834 = arith.index_cast %add3A_811 : i32 to index
        %get3A_835 = arith.constant 48 : index
        %get3A_836 = tpu.vector_load %arg10[%get3A_833, %get3A_834, %get3A_835] {strides = array<i32>} : memref<4x80x128xf32, #tpu.memory_space<vmem>>, vector<16xf32>,
        %mul3A_837 = arith.mulf %get3A_789, %get3A_836 : vector<16xf32>
        %add3A_838 = arith.addf %add3A_831, %mul3A_837 : vector<16xf32>
        %get3A_839 = arith.constant 1 : i32
        %get3A_840 = arith.index_cast %get3A_839 : i32 to index
        %get3A_841 = arith.index_cast %add3A_811 : i32 to index
        %get3A_842 = arith.constant 64 : index
        %get3A_843 = tpu.vector_load %arg10[%get3A_840, %get3A_841, %get3A_842] {strides = array<i32>} : memref<4x80x128xf32, #tpu.memory_space<vmem>>, vector<16xf32>,
        %mul3A_844 = arith.mulf %get3A_794, %get3A_843 : vector<16xf32>
        %add3A_845 = arith.addf %add3A_838, %mul3A_844 : vector<16xf32>
        %get3A_846 = arith.constant 1 : i32
        %get3A_847 = arith.index_cast %get3A_846 : i32 to index
        %get3A_848 = arith.index_cast %add3A_811 : i32 to index
        %get3A_849 = arith.constant 80 : index
        %get3A_850 = tpu.vector_load %arg10[%get3A_847, %get3A_848, %get3A_849] {strides = array<i32>} : memref<4x80x128xf32, #tpu.memory_space<vmem>>, vector<16xf32>,
        %mul3A_851 = arith.mulf %get3A_799, %get3A_850 : vector<16xf32>
        %add3A_852 = arith.addf %add3A_845, %mul3A_851 : vector<16xf32>
        %get3A_853 = arith.constant 1 : i32
        %get3A_854 = arith.index_cast %get3A_853 : i32 to index
        %get3A_855 = arith.index_cast %add3A_811 : i32 to index
        %get3A_856 = arith.constant 96 : index
        %get3A_857 = tpu.vector_load %arg10[%get3A_854, %get3A_855, %get3A_856] {strides = array<i32>} : memref<4x80x128xf32, #tpu.memory_space<vmem>>, vector<16xf32>,
        %mul3A_858 = arith.mulf %get3A_804, %get3A_857 : vector<16xf32>
        %add3A_859 = arith.addf %add3A_852, %mul3A_858 : vector<16xf32>
        %get3A_860 = arith.constant 1 : i32
        %get3A_861 = arith.index_cast %get3A_860 : i32 to index
        %get3A_862 = arith.index_cast %add3A_811 : i32 to index
        %get3A_863 = arith.constant 112 : index
        %get3A_864 = tpu.vector_load %arg10[%get3A_861, %get3A_862, %get3A_863] {strides = array<i32>} : memref<4x80x128xf32, #tpu.memory_space<vmem>>, vector<16xf32>,
        %mul3A_865 = arith.mulf %get3A_809, %get3A_864 : vector<16xf32>
        %add3A_866 = arith.addf %add3A_859, %mul3A_865 : vector<16xf32>
        %eq3A = vector.broadcast %scan3A_765 : i32 to vector<16xi32>
        %eq3A_867 = arith.cmpi eq, %iota3A, %eq3A : vector<16xi32>
        %reduce_sum3A = arith.constant true
        %reduce_sum3A_868 = vector.broadcast %reduce_sum3A : i1 to vector<16xi1>
        %reduce_sum3A_869 = tpu.scan <sum>, %add3A_866 masked %reduce_sum3A_868 : vector<16xf32>, vector<16xi1> -> vector<16xf32>
        %reduce_sum3A_870 = vector.extract %reduce_sum3A_869[15] : f32 from vector<16xf32>
        %broadcast_in_dim3A_871 = vector.broadcast %reduce_sum3A_870 : f32 to vector<16xf32>
        %select_n3A = arith.select %eq3A_867, %broadcast_in_dim3A_871, %scan3A_766 : vector<16xi1>, vector<16xf32>
        %add3A_872 = arith.constant 16 : i32
        %add3A_873 = arith.addi %add3A_872, %scan3A_765 : i32
        %get3A_874 = arith.constant 1 : i32
        %get3A_875 = arith.index_cast %get3A_874 : i32 to index
        %get3A_876 = arith.index_cast %add3A_873 : i32 to index
        %get3A_877 = arith.constant 0 : index
        %get3A_878 = tpu.vector_load %arg10[%get3A_875, %get3A_876, %get3A_877] {strides = array<i32>} : memref<4x80x128xf32, #tpu.memory_space<vmem>>, vector<16xf32>,
        %mul3A_879 = arith.mulf %get3A_774, %get3A_878 : vector<16xf32>
        %get3A_880 = arith.constant 1 : i32
        %get3A_881 = arith.index_cast %get3A_880 : i32 to index
        %get3A_882 = arith.index_cast %add3A_873 : i32 to index
        %get3A_883 = arith.constant 16 : index
        %get3A_884 = tpu.vector_load %arg10[%get3A_881, %get3A_882, %get3A_883] {strides = array<i32>} : memref<4x80x128xf32, #tpu.memory_space<vmem>>, vector<16xf32>,
        %mul3A_885 = arith.mulf %get3A_779, %get3A_884 : vector<16xf32>
        %add3A_886 = arith.addf %mul3A_879, %mul3A_885 : vector<16xf32>
        %get3A_887 = arith.constant 1 : i32
        %get3A_888 = arith.index_cast %get3A_887 : i32 to index
        %get3A_889 = arith.index_cast %add3A_873 : i32 to index
        %get3A_890 = arith.constant 32 : index
        %get3A_891 = tpu.vector_load %arg10[%get3A_888, %get3A_889, %get3A_890] {strides = array<i32>} : memref<4x80x128xf32, #tpu.memory_space<vmem>>, vector<16xf32>,
        %mul3A_892 = arith.mulf %get3A_784, %get3A_891 : vector<16xf32>
        %add3A_893 = arith.addf %add3A_886, %mul3A_892 : vector<16xf32>
        %get3A_894 = arith.constant 1 : i32
        %get3A_895 = arith.index_cast %get3A_894 : i32 to index
        %get3A_896 = arith.index_cast %add3A_873 : i32 to index
        %get3A_897 = arith.constant 48 : index
        %get3A_898 = tpu.vector_load %arg10[%get3A_895, %get3A_896, %get3A_897] {strides = array<i32>} : memref<4x80x128xf32, #tpu.memory_space<vmem>>, vector<16xf32>,
        %mul3A_899 = arith.mulf %get3A_789, %get3A_898 : vector<16xf32>
        %add3A_900 = arith.addf %add3A_893, %mul3A_899 : vector<16xf32>
        %get3A_901 = arith.constant 1 : i32
        %get3A_902 = arith.index_cast %get3A_901 : i32 to index
        %get3A_903 = arith.index_cast %add3A_873 : i32 to index
        %get3A_904 = arith.constant 64 : index
        %get3A_905 = tpu.vector_load %arg10[%get3A_902, %get3A_903, %get3A_904] {strides = array<i32>} : memref<4x80x128xf32, #tpu.memory_space<vmem>>, vector<16xf32>,
        %mul3A_906 = arith.mulf %get3A_794, %get3A_905 : vector<16xf32>
        %add3A_907 = arith.addf %add3A_900, %mul3A_906 : vector<16xf32>
        %get3A_908 = arith.constant 1 : i32
        %get3A_909 = arith.index_cast %get3A_908 : i32 to index
        %get3A_910 = arith.index_cast %add3A_873 : i32 to index
        %get3A_911 = arith.constant 80 : index
        %get3A_912 = tpu.vector_load %arg10[%get3A_909, %get3A_910, %get3A_911] {strides = array<i32>} : memref<4x80x128xf32, #tpu.memory_space<vmem>>, vector<16xf32>,
        %mul3A_913 = arith.mulf %get3A_799, %get3A_912 : vector<16xf32>
        %add3A_914 = arith.addf %add3A_907, %mul3A_913 : vector<16xf32>
        %get3A_915 = arith.constant 1 : i32
        %get3A_916 = arith.index_cast %get3A_915 : i32 to index
        %get3A_917 = arith.index_cast %add3A_873 : i32 to index
        %get3A_918 = arith.constant 96 : index
        %get3A_919 = tpu.vector_load %arg10[%get3A_916, %get3A_917, %get3A_918] {strides = array<i32>} : memref<4x80x128xf32, #tpu.memory_space<vmem>>, vector<16xf32>,
        %mul3A_920 = arith.mulf %get3A_804, %get3A_919 : vector<16xf32>
        %add3A_921 = arith.addf %add3A_914, %mul3A_920 : vector<16xf32>
        %get3A_922 = arith.constant 1 : i32
        %get3A_923 = arith.index_cast %get3A_922 : i32 to index
        %get3A_924 = arith.index_cast %add3A_873 : i32 to index
        %get3A_925 = arith.constant 112 : index
        %get3A_926 = tpu.vector_load %arg10[%get3A_923, %get3A_924, %get3A_925] {strides = array<i32>} : memref<4x80x128xf32, #tpu.memory_space<vmem>>, vector<16xf32>,
        %mul3A_927 = arith.mulf %get3A_809, %get3A_926 : vector<16xf32>
        %add3A_928 = arith.addf %add3A_921, %mul3A_927 : vector<16xf32>
        %eq3A_929 = vector.broadcast %scan3A_765 : i32 to vector<16xi32>
        %eq3A_930 = arith.cmpi eq, %iota3A, %eq3A_929 : vector<16xi32>
        %reduce_sum3A_931 = arith.constant true
        %reduce_sum3A_932 = vector.broadcast %reduce_sum3A_931 : i1 to vector<16xi1>
        %reduce_sum3A_933 = tpu.scan <sum>, %add3A_928 masked %reduce_sum3A_932 : vector<16xf32>, vector<16xi1> -> vector<16xf32>
        %reduce_sum3A_934 = vector.extract %reduce_sum3A_933[15] : f32 from vector<16xf32>
        %broadcast_in_dim3A_935 = vector.broadcast %reduce_sum3A_934 : f32 to vector<16xf32>
        %select_n3A_936 = arith.select %eq3A_930, %broadcast_in_dim3A_935, %scan3A_767 : vector<16xi1>, vector<16xf32>
        %add3A_937 = arith.constant 32 : i32
        %add3A_938 = arith.addi %add3A_937, %scan3A_765 : i32
        %get3A_939 = arith.constant 1 : i32
        %get3A_940 = arith.index_cast %get3A_939 : i32 to index
        %get3A_941 = arith.index_cast %add3A_938 : i32 to index
        %get3A_942 = arith.constant 0 : index
        %get3A_943 = tpu.vector_load %arg10[%get3A_940, %get3A_941, %get3A_942] {strides = array<i32>} : memref<4x80x128xf32, #tpu.memory_space<vmem>>, vector<16xf32>,
        %mul3A_944 = arith.mulf %get3A_774, %get3A_943 : vector<16xf32>
        %get3A_945 = arith.constant 1 : i32
        %get3A_946 = arith.index_cast %get3A_945 : i32 to index
        %get3A_947 = arith.index_cast %add3A_938 : i32 to index
        %get3A_948 = arith.constant 16 : index
        %get3A_949 = tpu.vector_load %arg10[%get3A_946, %get3A_947, %get3A_948] {strides = array<i32>} : memref<4x80x128xf32, #tpu.memory_space<vmem>>, vector<16xf32>,
        %mul3A_950 = arith.mulf %get3A_779, %get3A_949 : vector<16xf32>
        %add3A_951 = arith.addf %mul3A_944, %mul3A_950 : vector<16xf32>
        %get3A_952 = arith.constant 1 : i32
        %get3A_953 = arith.index_cast %get3A_952 : i32 to index
        %get3A_954 = arith.index_cast %add3A_938 : i32 to index
        %get3A_955 = arith.constant 32 : index
        %get3A_956 = tpu.vector_load %arg10[%get3A_953, %get3A_954, %get3A_955] {strides = array<i32>} : memref<4x80x128xf32, #tpu.memory_space<vmem>>, vector<16xf32>,
        %mul3A_957 = arith.mulf %get3A_784, %get3A_956 : vector<16xf32>
        %add3A_958 = arith.addf %add3A_951, %mul3A_957 : vector<16xf32>
        %get3A_959 = arith.constant 1 : i32
        %get3A_960 = arith.index_cast %get3A_959 : i32 to index
        %get3A_961 = arith.index_cast %add3A_938 : i32 to index
        %get3A_962 = arith.constant 48 : index
        %get3A_963 = tpu.vector_load %arg10[%get3A_960, %get3A_961, %get3A_962] {strides = array<i32>} : memref<4x80x128xf32, #tpu.memory_space<vmem>>, vector<16xf32>,
        %mul3A_964 = arith.mulf %get3A_789, %get3A_963 : vector<16xf32>
        %add3A_965 = arith.addf %add3A_958, %mul3A_964 : vector<16xf32>
        %get3A_966 = arith.constant 1 : i32
        %get3A_967 = arith.index_cast %get3A_966 : i32 to index
        %get3A_968 = arith.index_cast %add3A_938 : i32 to index
        %get3A_969 = arith.constant 64 : index
        %get3A_970 = tpu.vector_load %arg10[%get3A_967, %get3A_968, %get3A_969] {strides = array<i32>} : memref<4x80x128xf32, #tpu.memory_space<vmem>>, vector<16xf32>,
        %mul3A_971 = arith.mulf %get3A_794, %get3A_970 : vector<16xf32>
        %add3A_972 = arith.addf %add3A_965, %mul3A_971 : vector<16xf32>
        %get3A_973 = arith.constant 1 : i32
        %get3A_974 = arith.index_cast %get3A_973 : i32 to index
        %get3A_975 = arith.index_cast %add3A_938 : i32 to index
        %get3A_976 = arith.constant 80 : index
        %get3A_977 = tpu.vector_load %arg10[%get3A_974, %get3A_975, %get3A_976] {strides = array<i32>} : memref<4x80x128xf32, #tpu.memory_space<vmem>>, vector<16xf32>,
        %mul3A_978 = arith.mulf %get3A_799, %get3A_977 : vector<16xf32>
        %add3A_979 = arith.addf %add3A_972, %mul3A_978 : vector<16xf32>
        %get3A_980 = arith.constant 1 : i32
        %get3A_981 = arith.index_cast %get3A_980 : i32 to index
        %get3A_982 = arith.index_cast %add3A_938 : i32 to index
        %get3A_983 = arith.constant 96 : index
        %get3A_984 = tpu.vector_load %arg10[%get3A_981, %get3A_982, %get3A_983] {strides = array<i32>} : memref<4x80x128xf32, #tpu.memory_space<vmem>>, vector<16xf32>,
        %mul3A_985 = arith.mulf %get3A_804, %get3A_984 : vector<16xf32>
        %add3A_986 = arith.addf %add3A_979, %mul3A_985 : vector<16xf32>
        %get3A_987 = arith.constant 1 : i32
        %get3A_988 = arith.index_cast %get3A_987 : i32 to index
        %get3A_989 = arith.index_cast %add3A_938 : i32 to index
        %get3A_990 = arith.constant 112 : index
        %get3A_991 = tpu.vector_load %arg10[%get3A_988, %get3A_989, %get3A_990] {strides = array<i32>} : memref<4x80x128xf32, #tpu.memory_space<vmem>>, vector<16xf32>,
        %mul3A_992 = arith.mulf %get3A_809, %get3A_991 : vector<16xf32>
        %add3A_993 = arith.addf %add3A_986, %mul3A_992 : vector<16xf32>
        %eq3A_994 = vector.broadcast %scan3A_765 : i32 to vector<16xi32>
        %eq3A_995 = arith.cmpi eq, %iota3A, %eq3A_994 : vector<16xi32>
        %reduce_sum3A_996 = arith.constant true
        %reduce_sum3A_997 = vector.broadcast %reduce_sum3A_996 : i1 to vector<16xi1>
        %reduce_sum3A_998 = tpu.scan <sum>, %add3A_993 masked %reduce_sum3A_997 : vector<16xf32>, vector<16xi1> -> vector<16xf32>
        %reduce_sum3A_999 = vector.extract %reduce_sum3A_998[15] : f32 from vector<16xf32>
        %broadcast_in_dim3A_1000 = vector.broadcast %reduce_sum3A_999 : f32 to vector<16xf32>
        %select_n3A_1001 = arith.select %eq3A_995, %broadcast_in_dim3A_1000, %scan3A_768 : vector<16xi1>, vector<16xf32>
        %add3A_1002 = arith.constant 48 : i32
        %add3A_1003 = arith.addi %add3A_1002, %scan3A_765 : i32
        %get3A_1004 = arith.constant 1 : i32
        %get3A_1005 = arith.index_cast %get3A_1004 : i32 to index
        %get3A_1006 = arith.index_cast %add3A_1003 : i32 to index
        %get3A_1007 = arith.constant 0 : index
        %get3A_1008 = tpu.vector_load %arg10[%get3A_1005, %get3A_1006, %get3A_1007] {strides = array<i32>} : memref<4x80x128xf32, #tpu.memory_space<vmem>>, vector<16xf32>,
        %mul3A_1009 = arith.mulf %get3A_774, %get3A_1008 : vector<16xf32>
        %get3A_1010 = arith.constant 1 : i32
        %get3A_1011 = arith.index_cast %get3A_1010 : i32 to index
        %get3A_1012 = arith.index_cast %add3A_1003 : i32 to index
        %get3A_1013 = arith.constant 16 : index
        %get3A_1014 = tpu.vector_load %arg10[%get3A_1011, %get3A_1012, %get3A_1013] {strides = array<i32>} : memref<4x80x128xf32, #tpu.memory_space<vmem>>, vector<16xf32>,
        %mul3A_1015 = arith.mulf %get3A_779, %get3A_1014 : vector<16xf32>
        %add3A_1016 = arith.addf %mul3A_1009, %mul3A_1015 : vector<16xf32>
        %get3A_1017 = arith.constant 1 : i32
        %get3A_1018 = arith.index_cast %get3A_1017 : i32 to index
        %get3A_1019 = arith.index_cast %add3A_1003 : i32 to index
        %get3A_1020 = arith.constant 32 : index
        %get3A_1021 = tpu.vector_load %arg10[%get3A_1018, %get3A_1019, %get3A_1020] {strides = array<i32>} : memref<4x80x128xf32, #tpu.memory_space<vmem>>, vector<16xf32>,
        %mul3A_1022 = arith.mulf %get3A_784, %get3A_1021 : vector<16xf32>
        %add3A_1023 = arith.addf %add3A_1016, %mul3A_1022 : vector<16xf32>
        %get3A_1024 = arith.constant 1 : i32
        %get3A_1025 = arith.index_cast %get3A_1024 : i32 to index
        %get3A_1026 = arith.index_cast %add3A_1003 : i32 to index
        %get3A_1027 = arith.constant 48 : index
        %get3A_1028 = tpu.vector_load %arg10[%get3A_1025, %get3A_1026, %get3A_1027] {strides = array<i32>} : memref<4x80x128xf32, #tpu.memory_space<vmem>>, vector<16xf32>,
        %mul3A_1029 = arith.mulf %get3A_789, %get3A_1028 : vector<16xf32>
        %add3A_1030 = arith.addf %add3A_1023, %mul3A_1029 : vector<16xf32>
        %get3A_1031 = arith.constant 1 : i32
        %get3A_1032 = arith.index_cast %get3A_1031 : i32 to index
        %get3A_1033 = arith.index_cast %add3A_1003 : i32 to index
        %get3A_1034 = arith.constant 64 : index
        %get3A_1035 = tpu.vector_load %arg10[%get3A_1032, %get3A_1033, %get3A_1034] {strides = array<i32>} : memref<4x80x128xf32, #tpu.memory_space<vmem>>, vector<16xf32>,
        %mul3A_1036 = arith.mulf %get3A_794, %get3A_1035 : vector<16xf32>
        %add3A_1037 = arith.addf %add3A_1030, %mul3A_1036 : vector<16xf32>
        %get3A_1038 = arith.constant 1 : i32
        %get3A_1039 = arith.index_cast %get3A_1038 : i32 to index
        %get3A_1040 = arith.index_cast %add3A_1003 : i32 to index
        %get3A_1041 = arith.constant 80 : index
        %get3A_1042 = tpu.vector_load %arg10[%get3A_1039, %get3A_1040, %get3A_1041] {strides = array<i32>} : memref<4x80x128xf32, #tpu.memory_space<vmem>>, vector<16xf32>,
        %mul3A_1043 = arith.mulf %get3A_799, %get3A_1042 : vector<16xf32>
        %add3A_1044 = arith.addf %add3A_1037, %mul3A_1043 : vector<16xf32>
        %get3A_1045 = arith.constant 1 : i32
        %get3A_1046 = arith.index_cast %get3A_1045 : i32 to index
        %get3A_1047 = arith.index_cast %add3A_1003 : i32 to index
        %get3A_1048 = arith.constant 96 : index
        %get3A_1049 = tpu.vector_load %arg10[%get3A_1046, %get3A_1047, %get3A_1048] {strides = array<i32>} : memref<4x80x128xf32, #tpu.memory_space<vmem>>, vector<16xf32>,
        %mul3A_1050 = arith.mulf %get3A_804, %get3A_1049 : vector<16xf32>
        %add3A_1051 = arith.addf %add3A_1044, %mul3A_1050 : vector<16xf32>
        %get3A_1052 = arith.constant 1 : i32
        %get3A_1053 = arith.index_cast %get3A_1052 : i32 to index
        %get3A_1054 = arith.index_cast %add3A_1003 : i32 to index
        %get3A_1055 = arith.constant 112 : index
        %get3A_1056 = tpu.vector_load %arg10[%get3A_1053, %get3A_1054, %get3A_1055] {strides = array<i32>} : memref<4x80x128xf32, #tpu.memory_space<vmem>>, vector<16xf32>,
        %mul3A_1057 = arith.mulf %get3A_809, %get3A_1056 : vector<16xf32>
        %add3A_1058 = arith.addf %add3A_1051, %mul3A_1057 : vector<16xf32>
        %eq3A_1059 = vector.broadcast %scan3A_765 : i32 to vector<16xi32>
        %eq3A_1060 = arith.cmpi eq, %iota3A, %eq3A_1059 : vector<16xi32>
        %reduce_sum3A_1061 = arith.constant true
        %reduce_sum3A_1062 = vector.broadcast %reduce_sum3A_1061 : i1 to vector<16xi1>
        %reduce_sum3A_1063 = tpu.scan <sum>, %add3A_1058 masked %reduce_sum3A_1062 : vector<16xf32>, vector<16xi1> -> vector<16xf32>
        %reduce_sum3A_1064 = vector.extract %reduce_sum3A_1063[15] : f32 from vector<16xf32>
        %broadcast_in_dim3A_1065 = vector.broadcast %reduce_sum3A_1064 : f32 to vector<16xf32>
        %select_n3A_1066 = arith.select %eq3A_1060, %broadcast_in_dim3A_1065, %scan3A_769 : vector<16xi1>, vector<16xf32>
        %add3A_1067 = arith.constant 64 : i32
        %add3A_1068 = arith.addi %add3A_1067, %scan3A_765 : i32
        %get3A_1069 = arith.constant 1 : i32
        %get3A_1070 = arith.index_cast %get3A_1069 : i32 to index
        %get3A_1071 = arith.index_cast %add3A_1068 : i32 to index
        %get3A_1072 = arith.constant 0 : index
        %get3A_1073 = tpu.vector_load %arg10[%get3A_1070, %get3A_1071, %get3A_1072] {strides = array<i32>} : memref<4x80x128xf32, #tpu.memory_space<vmem>>, vector<16xf32>,
        %mul3A_1074 = arith.mulf %get3A_774, %get3A_1073 : vector<16xf32>
        %get3A_1075 = arith.constant 1 : i32
        %get3A_1076 = arith.index_cast %get3A_1075 : i32 to index
        %get3A_1077 = arith.index_cast %add3A_1068 : i32 to index
        %get3A_1078 = arith.constant 16 : index
        %get3A_1079 = tpu.vector_load %arg10[%get3A_1076, %get3A_1077, %get3A_1078] {strides = array<i32>} : memref<4x80x128xf32, #tpu.memory_space<vmem>>, vector<16xf32>,
        %mul3A_1080 = arith.mulf %get3A_779, %get3A_1079 : vector<16xf32>
        %add3A_1081 = arith.addf %mul3A_1074, %mul3A_1080 : vector<16xf32>
        %get3A_1082 = arith.constant 1 : i32
        %get3A_1083 = arith.index_cast %get3A_1082 : i32 to index
        %get3A_1084 = arith.index_cast %add3A_1068 : i32 to index
        %get3A_1085 = arith.constant 32 : index
        %get3A_1086 = tpu.vector_load %arg10[%get3A_1083, %get3A_1084, %get3A_1085] {strides = array<i32>} : memref<4x80x128xf32, #tpu.memory_space<vmem>>, vector<16xf32>,
        %mul3A_1087 = arith.mulf %get3A_784, %get3A_1086 : vector<16xf32>
        %add3A_1088 = arith.addf %add3A_1081, %mul3A_1087 : vector<16xf32>
        %get3A_1089 = arith.constant 1 : i32
        %get3A_1090 = arith.index_cast %get3A_1089 : i32 to index
        %get3A_1091 = arith.index_cast %add3A_1068 : i32 to index
        %get3A_1092 = arith.constant 48 : index
        %get3A_1093 = tpu.vector_load %arg10[%get3A_1090, %get3A_1091, %get3A_1092] {strides = array<i32>} : memref<4x80x128xf32, #tpu.memory_space<vmem>>, vector<16xf32>,
        %mul3A_1094 = arith.mulf %get3A_789, %get3A_1093 : vector<16xf32>
        %add3A_1095 = arith.addf %add3A_1088, %mul3A_1094 : vector<16xf32>
        %get3A_1096 = arith.constant 1 : i32
        %get3A_1097 = arith.index_cast %get3A_1096 : i32 to index
        %get3A_1098 = arith.index_cast %add3A_1068 : i32 to index
        %get3A_1099 = arith.constant 64 : index
        %get3A_1100 = tpu.vector_load %arg10[%get3A_1097, %get3A_1098, %get3A_1099] {strides = array<i32>} : memref<4x80x128xf32, #tpu.memory_space<vmem>>, vector<16xf32>,
        %mul3A_1101 = arith.mulf %get3A_794, %get3A_1100 : vector<16xf32>
        %add3A_1102 = arith.addf %add3A_1095, %mul3A_1101 : vector<16xf32>
        %get3A_1103 = arith.constant 1 : i32
        %get3A_1104 = arith.index_cast %get3A_1103 : i32 to index
        %get3A_1105 = arith.index_cast %add3A_1068 : i32 to index
        %get3A_1106 = arith.constant 80 : index
        %get3A_1107 = tpu.vector_load %arg10[%get3A_1104, %get3A_1105, %get3A_1106] {strides = array<i32>} : memref<4x80x128xf32, #tpu.memory_space<vmem>>, vector<16xf32>,
        %mul3A_1108 = arith.mulf %get3A_799, %get3A_1107 : vector<16xf32>
        %add3A_1109 = arith.addf %add3A_1102, %mul3A_1108 : vector<16xf32>
        %get3A_1110 = arith.constant 1 : i32
        %get3A_1111 = arith.index_cast %get3A_1110 : i32 to index
        %get3A_1112 = arith.index_cast %add3A_1068 : i32 to index
        %get3A_1113 = arith.constant 96 : index
        %get3A_1114 = tpu.vector_load %arg10[%get3A_1111, %get3A_1112, %get3A_1113] {strides = array<i32>} : memref<4x80x128xf32, #tpu.memory_space<vmem>>, vector<16xf32>,
        %mul3A_1115 = arith.mulf %get3A_804, %get3A_1114 : vector<16xf32>
        %add3A_1116 = arith.addf %add3A_1109, %mul3A_1115 : vector<16xf32>
        %get3A_1117 = arith.constant 1 : i32
        %get3A_1118 = arith.index_cast %get3A_1117 : i32 to index
        %get3A_1119 = arith.index_cast %add3A_1068 : i32 to index
        %get3A_1120 = arith.constant 112 : index
        %get3A_1121 = tpu.vector_load %arg10[%get3A_1118, %get3A_1119, %get3A_1120] {strides = array<i32>} : memref<4x80x128xf32, #tpu.memory_space<vmem>>, vector<16xf32>,
        %mul3A_1122 = arith.mulf %get3A_809, %get3A_1121 : vector<16xf32>
        %add3A_1123 = arith.addf %add3A_1116, %mul3A_1122 : vector<16xf32>
        %eq3A_1124 = vector.broadcast %scan3A_765 : i32 to vector<16xi32>
        %eq3A_1125 = arith.cmpi eq, %iota3A, %eq3A_1124 : vector<16xi32>
        %reduce_sum3A_1126 = arith.constant true
        %reduce_sum3A_1127 = vector.broadcast %reduce_sum3A_1126 : i1 to vector<16xi1>
        %reduce_sum3A_1128 = tpu.scan <sum>, %add3A_1123 masked %reduce_sum3A_1127 : vector<16xf32>, vector<16xi1> -> vector<16xf32>
        %reduce_sum3A_1129 = vector.extract %reduce_sum3A_1128[15] : f32 from vector<16xf32>
        %broadcast_in_dim3A_1130 = vector.broadcast %reduce_sum3A_1129 : f32 to vector<16xf32>
        %select_n3A_1131 = arith.select %eq3A_1125, %broadcast_in_dim3A_1130, %scan3A_770 : vector<16xi1>, vector<16xf32>
        scf.yield %select_n3A, %select_n3A_936, %select_n3A_1001, %select_n3A_1066, %select_n3A_1131 : vector<16xf32>, vector<16xf32>, vector<16xf32>, vector<16xf32>, vector<16xf32>
      }
      %scan3A_457 = arith.constant 16 : i32
      %mul3A_458 = arith.constant 16 : i32
      %mul3A_459 = arith.muli %add3A_342, %mul3A_458 : i32
      %multiple_of3A_460 = tpu.assume_multiple %mul3A_459, 16 : i32
      %swap3A_461 = arith.constant 0 : i32
      %swap3A_462 = arith.index_cast %swap3A_461 : i32 to index
      %swap3A_463 = arith.index_cast %multiple_of3A_460 : i32 to index
      %swap3A_464 = tpu.vector_load %arg11[%swap3A_462, %swap3A_463] {strides = array<i32>} : memref<5x512xf32, #tpu.memory_space<vmem>>, vector<16xf32>,
      tpu.vector_store %arg11[%swap3A_462, %swap3A_463], %scan3A_456#0 {strides = array<i32>} : memref<5x512xf32, #tpu.memory_space<vmem>>, vector<16xf32>,
      %swap3A_465 = arith.constant 1 : i32
      %swap3A_466 = arith.index_cast %swap3A_465 : i32 to index
      %swap3A_467 = arith.index_cast %multiple_of3A_460 : i32 to index
      %swap3A_468 = tpu.vector_load %arg11[%swap3A_466, %swap3A_467] {strides = array<i32>} : memref<5x512xf32, #tpu.memory_space<vmem>>, vector<16xf32>,
      tpu.vector_store %arg11[%swap3A_466, %swap3A_467], %scan3A_456#1 {strides = array<i32>} : memref<5x512xf32, #tpu.memory_space<vmem>>, vector<16xf32>,
      %swap3A_469 = arith.constant 2 : i32
      %swap3A_470 = arith.index_cast %swap3A_469 : i32 to index
      %swap3A_471 = arith.index_cast %multiple_of3A_460 : i32 to index
      %swap3A_472 = tpu.vector_load %arg11[%swap3A_470, %swap3A_471] {strides = array<i32>} : memref<5x512xf32, #tpu.memory_space<vmem>>, vector<16xf32>,
      tpu.vector_store %arg11[%swap3A_470, %swap3A_471], %scan3A_456#2 {strides = array<i32>} : memref<5x512xf32, #tpu.memory_space<vmem>>, vector<16xf32>,
      %swap3A_473 = arith.constant 3 : i32
      %swap3A_474 = arith.index_cast %swap3A_473 : i32 to index
      %swap3A_475 = arith.index_cast %multiple_of3A_460 : i32 to index
      %swap3A_476 = tpu.vector_load %arg11[%swap3A_474, %swap3A_475] {strides = array<i32>} : memref<5x512xf32, #tpu.memory_space<vmem>>, vector<16xf32>,
      tpu.vector_store %arg11[%swap3A_474, %swap3A_475], %scan3A_456#3 {strides = array<i32>} : memref<5x512xf32, #tpu.memory_space<vmem>>, vector<16xf32>,
      %swap3A_477 = arith.constant 4 : i32
      %swap3A_478 = arith.index_cast %swap3A_477 : i32 to index
      %swap3A_479 = arith.index_cast %multiple_of3A_460 : i32 to index
      %swap3A_480 = tpu.vector_load %arg11[%swap3A_478, %swap3A_479] {strides = array<i32>} : memref<5x512xf32, #tpu.memory_space<vmem>>, vector<16xf32>,
      tpu.vector_store %arg11[%swap3A_478, %swap3A_479], %scan3A_456#4 {strides = array<i32>} : memref<5x512xf32, #tpu.memory_space<vmem>>, vector<16xf32>,
      %mul3A_481 = arith.constant 4 : i32
      %mul3A_482 = arith.muli %scan3A_203, %mul3A_481 : i32
      %add3A_483 = arith.constant 2 : i32
      %add3A_484 = arith.addi %mul3A_482, %add3A_483 : i32
      %add3A_485 = arith.constant 4 : i32
      %add3A_486 = arith.addi %add3A_484, %add3A_485 : i32
      %sub3A_487 = arith.constant 1 : i32
      %sub3A_488 = arith.subi %add3A_486, %sub3A_487 : i32
      %lt3A_489 = arith.constant 32 : i32
      %lt3A_490 = arith.cmpi slt, %sub3A_488, %lt3A_489 : i32
      %convert_element_type3A_491 = arith.extui %lt3A_490 : i1 to i32
      %cond3A_492 = arith.constant 0 : i32
      %cond3A_493 = arith.cmpi ne, %convert_element_type3A_491, %cond3A_492 : i32
      scf.if %cond3A_493 {
        %add3A_765 = arith.constant 4 : i32
        %add3A_766 = arith.addi %add3A_484, %add3A_765 : i32
        %sub3A_767 = arith.constant 1 : i32
        %sub3A_768 = arith.subi %add3A_766, %sub3A_767 : i32
        %mul3A_769 = arith.constant 16 : i32
        %mul3A_770 = arith.muli %sub3A_768, %mul3A_769 : i32
        %multiple_of3A_771 = tpu.assume_multiple %mul3A_770, 8 : i32
        %dma_start3A_772 = arith.constant 1 : i32
        %dma_start3A_773 = arith.constant 0 : i32
        %dma_start3A_774 = arith.constant 0 : i32
        %dma_start3A_775 = tpu.memref_slice %arg9[%dma_start3A_772, %dma_start3A_773, %dma_start3A_774] : memref<4x16x128xf32, #tpu.memory_space<vmem>> -> memref<1x16x128xf32, #tpu.memory_space<vmem>>
        %dma_start3A_776 = tpu.memref_squeeze %dma_start3A_775 : memref<1x16x128xf32, #tpu.memory_space<vmem>> -> memref<16x128xf32, #tpu.memory_space<vmem>>
        %dma_start3A_777 = tpu.memref_slice %arg7[%multiple_of3A_771] : memref<512xi32, #tpu.memory_space<vmem>> -> memref<16xi32, #tpu.memory_space<vmem>>
        %dma_start3A_778 = arith.constant 0 : i32
        %dma_start3A_779 = arith.constant 0 : i32
        %dma_start3A_780 = tpu.memref_slice %arg4[%dma_start3A_778, %dma_start3A_779] : memref<1000000x128xf32, #tpu.memory_space<hbm>> -> memref<1000000x128xf32, #tpu.memory_space<hbm>>
        tpu.enqueue_indirect_dma source(%dma_start3A_780 : memref<1000000x128xf32, #tpu.memory_space<hbm>>) target(%dma_start3A_776 : memref<16x128xf32, #tpu.memory_space<vmem>>) offsets(%dma_start3A_777 : memref<16xi32, #tpu.memory_space<vmem>>) semaphore(%arg14 : memref<!tpu.dma_semaphore, #tpu.memory_space<semaphore_mem>>)
        %dma_start3A_781 = arith.constant 0 : i32
        %dma_start3A_782 = arith.constant 1 : i32
        %dma_start3A_783 = arith.constant 0 : i32
        %dma_start3A_784 = arith.constant 0 : i32
        %dma_start3A_785 = tpu.memref_slice %arg10[%dma_start3A_782, %dma_start3A_783, %dma_start3A_784] : memref<4x80x128xf32, #tpu.memory_space<vmem>> -> memref<1x16x128xf32, #tpu.memory_space<vmem>>
        %dma_start3A_786 = tpu.memref_squeeze %dma_start3A_785 : memref<1x16x128xf32, #tpu.memory_space<vmem>> -> memref<16x128xf32, #tpu.memory_space<vmem>>
        %dma_start3A_787 = tpu.memref_slice %arg8[%dma_start3A_781, %multiple_of3A_771] : memref<5x512xi32, #tpu.memory_space<vmem>> -> memref<1x16xi32, #tpu.memory_space<vmem>>
        %dma_start3A_788 = tpu.memref_squeeze %dma_start3A_787 : memref<1x16xi32, #tpu.memory_space<vmem>> -> memref<16xi32, #tpu.memory_space<vmem>>
        %dma_start3A_789 = arith.constant 0 : i32
        %dma_start3A_790 = arith.constant 0 : i32
        %dma_start3A_791 = tpu.memref_slice %arg5[%dma_start3A_789, %dma_start3A_790] : memref<1000000x128xf32, #tpu.memory_space<hbm>> -> memref<1000000x128xf32, #tpu.memory_space<hbm>>
        tpu.enqueue_indirect_dma source(%dma_start3A_791 : memref<1000000x128xf32, #tpu.memory_space<hbm>>) target(%dma_start3A_786 : memref<16x128xf32, #tpu.memory_space<vmem>>) offsets(%dma_start3A_788 : memref<16xi32, #tpu.memory_space<vmem>>) semaphore(%arg15 : memref<!tpu.dma_semaphore, #tpu.memory_space<semaphore_mem>>)
        %dma_start3A_792 = arith.constant 1 : i32
        %dma_start3A_793 = arith.constant 1 : i32
        %dma_start3A_794 = arith.constant 16 : i32
        %dma_start3A_795 = arith.constant 0 : i32
        %dma_start3A_796 = tpu.memref_slice %arg10[%dma_start3A_793, %dma_start3A_794, %dma_start3A_795] : memref<4x80x128xf32, #tpu.memory_space<vmem>> -> memref<1x16x128xf32, #tpu.memory_space<vmem>>
        %dma_start3A_797 = tpu.memref_squeeze %dma_start3A_796 : memref<1x16x128xf32, #tpu.memory_space<vmem>> -> memref<16x128xf32, #tpu.memory_space<vmem>>
        %dma_start3A_798 = tpu.memref_slice %arg8[%dma_start3A_792, %multiple_of3A_771] : memref<5x512xi32, #tpu.memory_space<vmem>> -> memref<1x16xi32, #tpu.memory_space<vmem>>
        %dma_start3A_799 = tpu.memref_squeeze %dma_start3A_798 : memref<1x16xi32, #tpu.memory_space<vmem>> -> memref<16xi32, #tpu.memory_space<vmem>>
        %dma_start3A_800 = arith.constant 0 : i32
        %dma_start3A_801 = arith.constant 0 : i32
        %dma_start3A_802 = tpu.memref_slice %arg5[%dma_start3A_800, %dma_start3A_801] : memref<1000000x128xf32, #tpu.memory_space<hbm>> -> memref<1000000x128xf32, #tpu.memory_space<hbm>>
        tpu.enqueue_indirect_dma source(%dma_start3A_802 : memref<1000000x128xf32, #tpu.memory_space<hbm>>) target(%dma_start3A_797 : memref<16x128xf32, #tpu.memory_space<vmem>>) offsets(%dma_start3A_799 : memref<16xi32, #tpu.memory_space<vmem>>) semaphore(%arg15 : memref<!tpu.dma_semaphore, #tpu.memory_space<semaphore_mem>>)
        %dma_start3A_803 = arith.constant 2 : i32
        %dma_start3A_804 = arith.constant 1 : i32
        %dma_start3A_805 = arith.constant 32 : i32
        %dma_start3A_806 = arith.constant 0 : i32
        %dma_start3A_807 = tpu.memref_slice %arg10[%dma_start3A_804, %dma_start3A_805, %dma_start3A_806] : memref<4x80x128xf32, #tpu.memory_space<vmem>> -> memref<1x16x128xf32, #tpu.memory_space<vmem>>
        %dma_start3A_808 = tpu.memref_squeeze %dma_start3A_807 : memref<1x16x128xf32, #tpu.memory_space<vmem>> -> memref<16x128xf32, #tpu.memory_space<vmem>>
        %dma_start3A_809 = tpu.memref_slice %arg8[%dma_start3A_803, %multiple_of3A_771] : memref<5x512xi32, #tpu.memory_space<vmem>> -> memref<1x16xi32, #tpu.memory_space<vmem>>
        %dma_start3A_810 = tpu.memref_squeeze %dma_start3A_809 : memref<1x16xi32, #tpu.memory_space<vmem>> -> memref<16xi32, #tpu.memory_space<vmem>>
        %dma_start3A_811 = arith.constant 0 : i32
        %dma_start3A_812 = arith.constant 0 : i32
        %dma_start3A_813 = tpu.memref_slice %arg5[%dma_start3A_811, %dma_start3A_812] : memref<1000000x128xf32, #tpu.memory_space<hbm>> -> memref<1000000x128xf32, #tpu.memory_space<hbm>>
        tpu.enqueue_indirect_dma source(%dma_start3A_813 : memref<1000000x128xf32, #tpu.memory_space<hbm>>) target(%dma_start3A_808 : memref<16x128xf32, #tpu.memory_space<vmem>>) offsets(%dma_start3A_810 : memref<16xi32, #tpu.memory_space<vmem>>) semaphore(%arg15 : memref<!tpu.dma_semaphore, #tpu.memory_space<semaphore_mem>>)
        %dma_start3A_814 = arith.constant 3 : i32
        %dma_start3A_815 = arith.constant 1 : i32
        %dma_start3A_816 = arith.constant 48 : i32
        %dma_start3A_817 = arith.constant 0 : i32
        %dma_start3A_818 = tpu.memref_slice %arg10[%dma_start3A_815, %dma_start3A_816, %dma_start3A_817] : memref<4x80x128xf32, #tpu.memory_space<vmem>> -> memref<1x16x128xf32, #tpu.memory_space<vmem>>
        %dma_start3A_819 = tpu.memref_squeeze %dma_start3A_818 : memref<1x16x128xf32, #tpu.memory_space<vmem>> -> memref<16x128xf32, #tpu.memory_space<vmem>>
        %dma_start3A_820 = tpu.memref_slice %arg8[%dma_start3A_814, %multiple_of3A_771] : memref<5x512xi32, #tpu.memory_space<vmem>> -> memref<1x16xi32, #tpu.memory_space<vmem>>
        %dma_start3A_821 = tpu.memref_squeeze %dma_start3A_820 : memref<1x16xi32, #tpu.memory_space<vmem>> -> memref<16xi32, #tpu.memory_space<vmem>>
        %dma_start3A_822 = arith.constant 0 : i32
        %dma_start3A_823 = arith.constant 0 : i32
        %dma_start3A_824 = tpu.memref_slice %arg5[%dma_start3A_822, %dma_start3A_823] : memref<1000000x128xf32, #tpu.memory_space<hbm>> -> memref<1000000x128xf32, #tpu.memory_space<hbm>>
        tpu.enqueue_indirect_dma source(%dma_start3A_824 : memref<1000000x128xf32, #tpu.memory_space<hbm>>) target(%dma_start3A_819 : memref<16x128xf32, #tpu.memory_space<vmem>>) offsets(%dma_start3A_821 : memref<16xi32, #tpu.memory_space<vmem>>) semaphore(%arg15 : memref<!tpu.dma_semaphore, #tpu.memory_space<semaphore_mem>>)
        %dma_start3A_825 = arith.constant 4 : i32
        %dma_start3A_826 = arith.constant 1 : i32
        %dma_start3A_827 = arith.constant 64 : i32
        %dma_start3A_828 = arith.constant 0 : i32
        %dma_start3A_829 = tpu.memref_slice %arg10[%dma_start3A_826, %dma_start3A_827, %dma_start3A_828] : memref<4x80x128xf32, #tpu.memory_space<vmem>> -> memref<1x16x128xf32, #tpu.memory_space<vmem>>
        %dma_start3A_830 = tpu.memref_squeeze %dma_start3A_829 : memref<1x16x128xf32, #tpu.memory_space<vmem>> -> memref<16x128xf32, #tpu.memory_space<vmem>>
        %dma_start3A_831 = tpu.memref_slice %arg8[%dma_start3A_825, %multiple_of3A_771] : memref<5x512xi32, #tpu.memory_space<vmem>> -> memref<1x16xi32, #tpu.memory_space<vmem>>
        %dma_start3A_832 = tpu.memref_squeeze %dma_start3A_831 : memref<1x16xi32, #tpu.memory_space<vmem>> -> memref<16xi32, #tpu.memory_space<vmem>>
        %dma_start3A_833 = arith.constant 0 : i32
        %dma_start3A_834 = arith.constant 0 : i32
        %dma_start3A_835 = tpu.memref_slice %arg5[%dma_start3A_833, %dma_start3A_834] : memref<1000000x128xf32, #tpu.memory_space<hbm>> -> memref<1000000x128xf32, #tpu.memory_space<hbm>>
        tpu.enqueue_indirect_dma source(%dma_start3A_835 : memref<1000000x128xf32, #tpu.memory_space<hbm>>) target(%dma_start3A_830 : memref<16x128xf32, #tpu.memory_space<vmem>>) offsets(%dma_start3A_832 : memref<16xi32, #tpu.memory_space<vmem>>) semaphore(%arg15 : memref<!tpu.dma_semaphore, #tpu.memory_space<semaphore_mem>>)
      } else {
      }
      %dma_wait3A_494 = arith.constant 2 : i32
      %dma_wait3A_495 = arith.constant 0 : i32
      %dma_wait3A_496 = arith.constant 0 : i32
      %dma_wait3A_497 = tpu.memref_slice %arg9[%dma_wait3A_494, %dma_wait3A_495, %dma_wait3A_496] : memref<4x16x128xf32, #tpu.memory_space<vmem>> -> memref<1x16x128xf32, #tpu.memory_space<vmem>>
      %dma_wait3A_498 = tpu.memref_squeeze %dma_wait3A_497 : memref<1x16x128xf32, #tpu.memory_space<vmem>> -> memref<16x128xf32, #tpu.memory_space<vmem>>
      %dma_wait3A_499 = arith.constant 0 : i32
      %dma_wait3A_500 = arith.constant 0 : i32
      %dma_wait3A_501 = tpu.memref_slice %arg4[%dma_wait3A_499, %dma_wait3A_500] : memref<1000000x128xf32, #tpu.memory_space<hbm>> -> memref<16x128xf32, #tpu.memory_space<hbm>>
      %dma_wait3A_502 = arith.constant 0 : i32
      %dma_wait3A_503 = arith.constant 0 : i32
      %dma_wait3A_504 = tpu.memref_slice %arg9[%dma_wait3A_494, %dma_wait3A_502, %dma_wait3A_503] : memref<4x16x128xf32, #tpu.memory_space<vmem>> -> memref<1x16x128xf32, #tpu.memory_space<vmem>>
      %dma_wait3A_505 = tpu.memref_squeeze %dma_wait3A_504 : memref<1x16x128xf32, #tpu.memory_space<vmem>> -> memref<16x128xf32, #tpu.memory_space<vmem>>
      %dma_wait3A_506 = arith.constant 0 : i32
      %dma_wait3A_507 = arith.constant 0 : i32
      %dma_wait3A_508 = tpu.memref_slice %arg4[%dma_wait3A_506, %dma_wait3A_507] : memref<1000000x128xf32, #tpu.memory_space<hbm>> -> memref<16x128xf32, #tpu.memory_space<hbm>>
      tpu.wait_dma2 semaphore(%arg16 : memref<!tpu.dma_semaphore, #tpu.memory_space<semaphore_mem>>) src(%dma_wait3A_508 : memref<16x128xf32, #tpu.memory_space<hbm>>) dst(%dma_wait3A_505 : memref<16x128xf32, #tpu.memory_space<vmem>>)
      %dma_wait3A_509 = arith.constant 2 : i32
      %dma_wait3A_510 = arith.constant 0 : i32
      %dma_wait3A_511 = arith.constant 0 : i32
      %dma_wait3A_512 = tpu.memref_slice %arg10[%dma_wait3A_509, %dma_wait3A_510, %dma_wait3A_511] : memref<4x80x128xf32, #tpu.memory_space<vmem>> -> memref<1x16x128xf32, #tpu.memory_space<vmem>>
      %dma_wait3A_513 = tpu.memref_squeeze %dma_wait3A_512 : memref<1x16x128xf32, #tpu.memory_space<vmem>> -> memref<16x128xf32, #tpu.memory_space<vmem>>
      %dma_wait3A_514 = arith.constant 0 : i32
      %dma_wait3A_515 = arith.constant 0 : i32
      %dma_wait3A_516 = tpu.memref_slice %arg4[%dma_wait3A_514, %dma_wait3A_515] : memref<1000000x128xf32, #tpu.memory_space<hbm>> -> memref<16x128xf32, #tpu.memory_space<hbm>>
      %dma_wait3A_517 = arith.constant 0 : i32
      %dma_wait3A_518 = arith.constant 0 : i32
      %dma_wait3A_519 = tpu.memref_slice %arg10[%dma_wait3A_509, %dma_wait3A_517, %dma_wait3A_518] : memref<4x80x128xf32, #tpu.memory_space<vmem>> -> memref<1x16x128xf32, #tpu.memory_space<vmem>>
      %dma_wait3A_520 = tpu.memref_squeeze %dma_wait3A_519 : memref<1x16x128xf32, #tpu.memory_space<vmem>> -> memref<16x128xf32, #tpu.memory_space<vmem>>
      %dma_wait3A_521 = arith.constant 0 : i32
      %dma_wait3A_522 = arith.constant 0 : i32
      %dma_wait3A_523 = tpu.memref_slice %arg4[%dma_wait3A_521, %dma_wait3A_522] : memref<1000000x128xf32, #tpu.memory_space<hbm>> -> memref<16x128xf32, #tpu.memory_space<hbm>>
      tpu.wait_dma2 semaphore(%arg17 : memref<!tpu.dma_semaphore, #tpu.memory_space<semaphore_mem>>) src(%dma_wait3A_523 : memref<16x128xf32, #tpu.memory_space<hbm>>) dst(%dma_wait3A_520 : memref<16x128xf32, #tpu.memory_space<vmem>>)
      %dma_wait3A_524 = arith.constant 2 : i32
      %dma_wait3A_525 = arith.constant 16 : i32
      %dma_wait3A_526 = arith.constant 0 : i32
      %dma_wait3A_527 = tpu.memref_slice %arg10[%dma_wait3A_524, %dma_wait3A_525, %dma_wait3A_526] : memref<4x80x128xf32, #tpu.memory_space<vmem>> -> memref<1x16x128xf32, #tpu.memory_space<vmem>>
      %dma_wait3A_528 = tpu.memref_squeeze %dma_wait3A_527 : memref<1x16x128xf32, #tpu.memory_space<vmem>> -> memref<16x128xf32, #tpu.memory_space<vmem>>
      %dma_wait3A_529 = arith.constant 0 : i32
      %dma_wait3A_530 = arith.constant 0 : i32
      %dma_wait3A_531 = tpu.memref_slice %arg4[%dma_wait3A_529, %dma_wait3A_530] : memref<1000000x128xf32, #tpu.memory_space<hbm>> -> memref<16x128xf32, #tpu.memory_space<hbm>>
      %dma_wait3A_532 = arith.constant 16 : i32
      %dma_wait3A_533 = arith.constant 0 : i32
      %dma_wait3A_534 = tpu.memref_slice %arg10[%dma_wait3A_524, %dma_wait3A_532, %dma_wait3A_533] : memref<4x80x128xf32, #tpu.memory_space<vmem>> -> memref<1x16x128xf32, #tpu.memory_space<vmem>>
      %dma_wait3A_535 = tpu.memref_squeeze %dma_wait3A_534 : memref<1x16x128xf32, #tpu.memory_space<vmem>> -> memref<16x128xf32, #tpu.memory_space<vmem>>
      %dma_wait3A_536 = arith.constant 0 : i32
      %dma_wait3A_537 = arith.constant 0 : i32
      %dma_wait3A_538 = tpu.memref_slice %arg4[%dma_wait3A_536, %dma_wait3A_537] : memref<1000000x128xf32, #tpu.memory_space<hbm>> -> memref<16x128xf32, #tpu.memory_space<hbm>>
      tpu.wait_dma2 semaphore(%arg17 : memref<!tpu.dma_semaphore, #tpu.memory_space<semaphore_mem>>) src(%dma_wait3A_538 : memref<16x128xf32, #tpu.memory_space<hbm>>) dst(%dma_wait3A_535 : memref<16x128xf32, #tpu.memory_space<vmem>>)
      %dma_wait3A_539 = arith.constant 2 : i32
      %dma_wait3A_540 = arith.constant 32 : i32
      %dma_wait3A_541 = arith.constant 0 : i32
      %dma_wait3A_542 = tpu.memref_slice %arg10[%dma_wait3A_539, %dma_wait3A_540, %dma_wait3A_541] : memref<4x80x128xf32, #tpu.memory_space<vmem>> -> memref<1x16x128xf32, #tpu.memory_space<vmem>>
      %dma_wait3A_543 = tpu.memref_squeeze %dma_wait3A_542 : memref<1x16x128xf32, #tpu.memory_space<vmem>> -> memref<16x128xf32, #tpu.memory_space<vmem>>
      %dma_wait3A_544 = arith.constant 0 : i32
      %dma_wait3A_545 = arith.constant 0 : i32
      %dma_wait3A_546 = tpu.memref_slice %arg4[%dma_wait3A_544, %dma_wait3A_545] : memref<1000000x128xf32, #tpu.memory_space<hbm>> -> memref<16x128xf32, #tpu.memory_space<hbm>>
      %dma_wait3A_547 = arith.constant 32 : i32
      %dma_wait3A_548 = arith.constant 0 : i32
      %dma_wait3A_549 = tpu.memref_slice %arg10[%dma_wait3A_539, %dma_wait3A_547, %dma_wait3A_548] : memref<4x80x128xf32, #tpu.memory_space<vmem>> -> memref<1x16x128xf32, #tpu.memory_space<vmem>>
      %dma_wait3A_550 = tpu.memref_squeeze %dma_wait3A_549 : memref<1x16x128xf32, #tpu.memory_space<vmem>> -> memref<16x128xf32, #tpu.memory_space<vmem>>
      %dma_wait3A_551 = arith.constant 0 : i32
      %dma_wait3A_552 = arith.constant 0 : i32
      %dma_wait3A_553 = tpu.memref_slice %arg4[%dma_wait3A_551, %dma_wait3A_552] : memref<1000000x128xf32, #tpu.memory_space<hbm>> -> memref<16x128xf32, #tpu.memory_space<hbm>>
      tpu.wait_dma2 semaphore(%arg17 : memref<!tpu.dma_semaphore, #tpu.memory_space<semaphore_mem>>) src(%dma_wait3A_553 : memref<16x128xf32, #tpu.memory_space<hbm>>) dst(%dma_wait3A_550 : memref<16x128xf32, #tpu.memory_space<vmem>>)
      %dma_wait3A_554 = arith.constant 2 : i32
      %dma_wait3A_555 = arith.constant 48 : i32
      %dma_wait3A_556 = arith.constant 0 : i32
      %dma_wait3A_557 = tpu.memref_slice %arg10[%dma_wait3A_554, %dma_wait3A_555, %dma_wait3A_556] : memref<4x80x128xf32, #tpu.memory_space<vmem>> -> memref<1x16x128xf32, #tpu.memory_space<vmem>>
      %dma_wait3A_558 = tpu.memref_squeeze %dma_wait3A_557 : memref<1x16x128xf32, #tpu.memory_space<vmem>> -> memref<16x128xf32, #tpu.memory_space<vmem>>
      %dma_wait3A_559 = arith.constant 0 : i32
      %dma_wait3A_560 = arith.constant 0 : i32
      %dma_wait3A_561 = tpu.memref_slice %arg4[%dma_wait3A_559, %dma_wait3A_560] : memref<1000000x128xf32, #tpu.memory_space<hbm>> -> memref<16x128xf32, #tpu.memory_space<hbm>>
      %dma_wait3A_562 = arith.constant 48 : i32
      %dma_wait3A_563 = arith.constant 0 : i32
      %dma_wait3A_564 = tpu.memref_slice %arg10[%dma_wait3A_554, %dma_wait3A_562, %dma_wait3A_563] : memref<4x80x128xf32, #tpu.memory_space<vmem>> -> memref<1x16x128xf32, #tpu.memory_space<vmem>>
      %dma_wait3A_565 = tpu.memref_squeeze %dma_wait3A_564 : memref<1x16x128xf32, #tpu.memory_space<vmem>> -> memref<16x128xf32, #tpu.memory_space<vmem>>
      %dma_wait3A_566 = arith.constant 0 : i32
      %dma_wait3A_567 = arith.constant 0 : i32
      %dma_wait3A_568 = tpu.memref_slice %arg4[%dma_wait3A_566, %dma_wait3A_567] : memref<1000000x128xf32, #tpu.memory_space<hbm>> -> memref<16x128xf32, #tpu.memory_space<hbm>>
      tpu.wait_dma2 semaphore(%arg17 : memref<!tpu.dma_semaphore, #tpu.memory_space<semaphore_mem>>) src(%dma_wait3A_568 : memref<16x128xf32, #tpu.memory_space<hbm>>) dst(%dma_wait3A_565 : memref<16x128xf32, #tpu.memory_space<vmem>>)
      %dma_wait3A_569 = arith.constant 2 : i32
      %dma_wait3A_570 = arith.constant 64 : i32
      %dma_wait3A_571 = arith.constant 0 : i32
      %dma_wait3A_572 = tpu.memref_slice %arg10[%dma_wait3A_569, %dma_wait3A_570, %dma_wait3A_571] : memref<4x80x128xf32, #tpu.memory_space<vmem>> -> memref<1x16x128xf32, #tpu.memory_space<vmem>>
      %dma_wait3A_573 = tpu.memref_squeeze %dma_wait3A_572 : memref<1x16x128xf32, #tpu.memory_space<vmem>> -> memref<16x128xf32, #tpu.memory_space<vmem>>
      %dma_wait3A_574 = arith.constant 0 : i32
      %dma_wait3A_575 = arith.constant 0 : i32
      %dma_wait3A_576 = tpu.memref_slice %arg4[%dma_wait3A_574, %dma_wait3A_575] : memref<1000000x128xf32, #tpu.memory_space<hbm>> -> memref<16x128xf32, #tpu.memory_space<hbm>>
      %dma_wait3A_577 = arith.constant 64 : i32
      %dma_wait3A_578 = arith.constant 0 : i32
      %dma_wait3A_579 = tpu.memref_slice %arg10[%dma_wait3A_569, %dma_wait3A_577, %dma_wait3A_578] : memref<4x80x128xf32, #tpu.memory_space<vmem>> -> memref<1x16x128xf32, #tpu.memory_space<vmem>>
      %dma_wait3A_580 = tpu.memref_squeeze %dma_wait3A_579 : memref<1x16x128xf32, #tpu.memory_space<vmem>> -> memref<16x128xf32, #tpu.memory_space<vmem>>
      %dma_wait3A_581 = arith.constant 0 : i32
      %dma_wait3A_582 = arith.constant 0 : i32
      %dma_wait3A_583 = tpu.memref_slice %arg4[%dma_wait3A_581, %dma_wait3A_582] : memref<1000000x128xf32, #tpu.memory_space<hbm>> -> memref<16x128xf32, #tpu.memory_space<hbm>>
      tpu.wait_dma2 semaphore(%arg17 : memref<!tpu.dma_semaphore, #tpu.memory_space<semaphore_mem>>) src(%dma_wait3A_583 : memref<16x128xf32, #tpu.memory_space<hbm>>) dst(%dma_wait3A_580 : memref<16x128xf32, #tpu.memory_space<vmem>>)
      %broadcast_in_dim3A_584 = arith.constant 0.000000e+00 : f32
      %broadcast_in_dim3A_585 = vector.broadcast %broadcast_in_dim3A_584 : f32 to vector<16xf32>
      %broadcast_in_dim3A_586 = arith.constant 0.000000e+00 : f32
      %broadcast_in_dim3A_587 = vector.broadcast %broadcast_in_dim3A_586 : f32 to vector<16xf32>
      %broadcast_in_dim3A_588 = arith.constant 0.000000e+00 : f32
      %broadcast_in_dim3A_589 = vector.broadcast %broadcast_in_dim3A_588 : f32 to vector<16xf32>
      %broadcast_in_dim3A_590 = arith.constant 0.000000e+00 : f32
      %broadcast_in_dim3A_591 = vector.broadcast %broadcast_in_dim3A_590 : f32 to vector<16xf32>
      %broadcast_in_dim3A_592 = arith.constant 0.000000e+00 : f32
      %broadcast_in_dim3A_593 = vector.broadcast %broadcast_in_dim3A_592 : f32 to vector<16xf32>
      %scan3A_594 = arith.constant 0 : i32
      %scan3A_595 = arith.constant 16 : i32
      %scan3A_596 = arith.addi %scan3A_594, %scan3A_595 : i32
      %scan3A_597 = arith.constant 1 : i32
      %scan3A_598:5 = scf.for %scan3A_765 = %scan3A_594 to %scan3A_596 step %scan3A_597 iter_args(%scan3A_766 = %broadcast_in_dim3A_585, %scan3A_767 = %broadcast_in_dim3A_587, %scan3A_768 = %broadcast_in_dim3A_589, %scan3A_769 = %broadcast_in_dim3A_591, %scan3A_770 = %broadcast_in_dim3A_593) -> (vector<16xf32>, vector<16xf32>, vector<16xf32>, vector<16xf32>, vector<16xf32>)  : i32 {
        %get3A = arith.constant 2 : i32
        %get3A_771 = arith.index_cast %get3A : i32 to index
        %get3A_772 = arith.index_cast %scan3A_765 : i32 to index
        %get3A_773 = arith.constant 0 : index
        %get3A_774 = tpu.vector_load %arg9[%get3A_771, %get3A_772, %get3A_773] {strides = array<i32>} : memref<4x16x128xf32, #tpu.memory_space<vmem>>, vector<16xf32>,
        %get3A_775 = arith.constant 2 : i32
        %get3A_776 = arith.index_cast %get3A_775 : i32 to index
        %get3A_777 = arith.index_cast %scan3A_765 : i32 to index
        %get3A_778 = arith.constant 16 : index
        %get3A_779 = tpu.vector_load %arg9[%get3A_776, %get3A_777, %get3A_778] {strides = array<i32>} : memref<4x16x128xf32, #tpu.memory_space<vmem>>, vector<16xf32>,
        %get3A_780 = arith.constant 2 : i32
        %get3A_781 = arith.index_cast %get3A_780 : i32 to index
        %get3A_782 = arith.index_cast %scan3A_765 : i32 to index
        %get3A_783 = arith.constant 32 : index
        %get3A_784 = tpu.vector_load %arg9[%get3A_781, %get3A_782, %get3A_783] {strides = array<i32>} : memref<4x16x128xf32, #tpu.memory_space<vmem>>, vector<16xf32>,
        %get3A_785 = arith.constant 2 : i32
        %get3A_786 = arith.index_cast %get3A_785 : i32 to index
        %get3A_787 = arith.index_cast %scan3A_765 : i32 to index
        %get3A_788 = arith.constant 48 : index
        %get3A_789 = tpu.vector_load %arg9[%get3A_786, %get3A_787, %get3A_788] {strides = array<i32>} : memref<4x16x128xf32, #tpu.memory_space<vmem>>, vector<16xf32>,
        %get3A_790 = arith.constant 2 : i32
        %get3A_791 = arith.index_cast %get3A_790 : i32 to index
        %get3A_792 = arith.index_cast %scan3A_765 : i32 to index
        %get3A_793 = arith.constant 64 : index
        %get3A_794 = tpu.vector_load %arg9[%get3A_791, %get3A_792, %get3A_793] {strides = array<i32>} : memref<4x16x128xf32, #tpu.memory_space<vmem>>, vector<16xf32>,
        %get3A_795 = arith.constant 2 : i32
        %get3A_796 = arith.index_cast %get3A_795 : i32 to index
        %get3A_797 = arith.index_cast %scan3A_765 : i32 to index
        %get3A_798 = arith.constant 80 : index
        %get3A_799 = tpu.vector_load %arg9[%get3A_796, %get3A_797, %get3A_798] {strides = array<i32>} : memref<4x16x128xf32, #tpu.memory_space<vmem>>, vector<16xf32>,
        %get3A_800 = arith.constant 2 : i32
        %get3A_801 = arith.index_cast %get3A_800 : i32 to index
        %get3A_802 = arith.index_cast %scan3A_765 : i32 to index
        %get3A_803 = arith.constant 96 : index
        %get3A_804 = tpu.vector_load %arg9[%get3A_801, %get3A_802, %get3A_803] {strides = array<i32>} : memref<4x16x128xf32, #tpu.memory_space<vmem>>, vector<16xf32>,
        %get3A_805 = arith.constant 2 : i32
        %get3A_806 = arith.index_cast %get3A_805 : i32 to index
        %get3A_807 = arith.index_cast %scan3A_765 : i32 to index
        %get3A_808 = arith.constant 112 : index
        %get3A_809 = tpu.vector_load %arg9[%get3A_806, %get3A_807, %get3A_808] {strides = array<i32>} : memref<4x16x128xf32, #tpu.memory_space<vmem>>, vector<16xf32>,
        %add3A_810 = arith.constant 0 : i32
        %add3A_811 = arith.addi %add3A_810, %scan3A_765 : i32
        %get3A_812 = arith.constant 2 : i32
        %get3A_813 = arith.index_cast %get3A_812 : i32 to index
        %get3A_814 = arith.index_cast %add3A_811 : i32 to index
        %get3A_815 = arith.constant 0 : index
        %get3A_816 = tpu.vector_load %arg10[%get3A_813, %get3A_814, %get3A_815] {strides = array<i32>} : memref<4x80x128xf32, #tpu.memory_space<vmem>>, vector<16xf32>,
        %mul3A_817 = arith.mulf %get3A_774, %get3A_816 : vector<16xf32>
        %get3A_818 = arith.constant 2 : i32
        %get3A_819 = arith.index_cast %get3A_818 : i32 to index
        %get3A_820 = arith.index_cast %add3A_811 : i32 to index
        %get3A_821 = arith.constant 16 : index
        %get3A_822 = tpu.vector_load %arg10[%get3A_819, %get3A_820, %get3A_821] {strides = array<i32>} : memref<4x80x128xf32, #tpu.memory_space<vmem>>, vector<16xf32>,
        %mul3A_823 = arith.mulf %get3A_779, %get3A_822 : vector<16xf32>
        %add3A_824 = arith.addf %mul3A_817, %mul3A_823 : vector<16xf32>
        %get3A_825 = arith.constant 2 : i32
        %get3A_826 = arith.index_cast %get3A_825 : i32 to index
        %get3A_827 = arith.index_cast %add3A_811 : i32 to index
        %get3A_828 = arith.constant 32 : index
        %get3A_829 = tpu.vector_load %arg10[%get3A_826, %get3A_827, %get3A_828] {strides = array<i32>} : memref<4x80x128xf32, #tpu.memory_space<vmem>>, vector<16xf32>,
        %mul3A_830 = arith.mulf %get3A_784, %get3A_829 : vector<16xf32>
        %add3A_831 = arith.addf %add3A_824, %mul3A_830 : vector<16xf32>
        %get3A_832 = arith.constant 2 : i32
        %get3A_833 = arith.index_cast %get3A_832 : i32 to index
        %get3A_834 = arith.index_cast %add3A_811 : i32 to index
        %get3A_835 = arith.constant 48 : index
        %get3A_836 = tpu.vector_load %arg10[%get3A_833, %get3A_834, %get3A_835] {strides = array<i32>} : memref<4x80x128xf32, #tpu.memory_space<vmem>>, vector<16xf32>,
        %mul3A_837 = arith.mulf %get3A_789, %get3A_836 : vector<16xf32>
        %add3A_838 = arith.addf %add3A_831, %mul3A_837 : vector<16xf32>
        %get3A_839 = arith.constant 2 : i32
        %get3A_840 = arith.index_cast %get3A_839 : i32 to index
        %get3A_841 = arith.index_cast %add3A_811 : i32 to index
        %get3A_842 = arith.constant 64 : index
        %get3A_843 = tpu.vector_load %arg10[%get3A_840, %get3A_841, %get3A_842] {strides = array<i32>} : memref<4x80x128xf32, #tpu.memory_space<vmem>>, vector<16xf32>,
        %mul3A_844 = arith.mulf %get3A_794, %get3A_843 : vector<16xf32>
        %add3A_845 = arith.addf %add3A_838, %mul3A_844 : vector<16xf32>
        %get3A_846 = arith.constant 2 : i32
        %get3A_847 = arith.index_cast %get3A_846 : i32 to index
        %get3A_848 = arith.index_cast %add3A_811 : i32 to index
        %get3A_849 = arith.constant 80 : index
        %get3A_850 = tpu.vector_load %arg10[%get3A_847, %get3A_848, %get3A_849] {strides = array<i32>} : memref<4x80x128xf32, #tpu.memory_space<vmem>>, vector<16xf32>,
        %mul3A_851 = arith.mulf %get3A_799, %get3A_850 : vector<16xf32>
        %add3A_852 = arith.addf %add3A_845, %mul3A_851 : vector<16xf32>
        %get3A_853 = arith.constant 2 : i32
        %get3A_854 = arith.index_cast %get3A_853 : i32 to index
        %get3A_855 = arith.index_cast %add3A_811 : i32 to index
        %get3A_856 = arith.constant 96 : index
        %get3A_857 = tpu.vector_load %arg10[%get3A_854, %get3A_855, %get3A_856] {strides = array<i32>} : memref<4x80x128xf32, #tpu.memory_space<vmem>>, vector<16xf32>,
        %mul3A_858 = arith.mulf %get3A_804, %get3A_857 : vector<16xf32>
        %add3A_859 = arith.addf %add3A_852, %mul3A_858 : vector<16xf32>
        %get3A_860 = arith.constant 2 : i32
        %get3A_861 = arith.index_cast %get3A_860 : i32 to index
        %get3A_862 = arith.index_cast %add3A_811 : i32 to index
        %get3A_863 = arith.constant 112 : index
        %get3A_864 = tpu.vector_load %arg10[%get3A_861, %get3A_862, %get3A_863] {strides = array<i32>} : memref<4x80x128xf32, #tpu.memory_space<vmem>>, vector<16xf32>,
        %mul3A_865 = arith.mulf %get3A_809, %get3A_864 : vector<16xf32>
        %add3A_866 = arith.addf %add3A_859, %mul3A_865 : vector<16xf32>
        %eq3A = vector.broadcast %scan3A_765 : i32 to vector<16xi32>
        %eq3A_867 = arith.cmpi eq, %iota3A, %eq3A : vector<16xi32>
        %reduce_sum3A = arith.constant true
        %reduce_sum3A_868 = vector.broadcast %reduce_sum3A : i1 to vector<16xi1>
        %reduce_sum3A_869 = tpu.scan <sum>, %add3A_866 masked %reduce_sum3A_868 : vector<16xf32>, vector<16xi1> -> vector<16xf32>
        %reduce_sum3A_870 = vector.extract %reduce_sum3A_869[15] : f32 from vector<16xf32>
        %broadcast_in_dim3A_871 = vector.broadcast %reduce_sum3A_870 : f32 to vector<16xf32>
        %select_n3A = arith.select %eq3A_867, %broadcast_in_dim3A_871, %scan3A_766 : vector<16xi1>, vector<16xf32>
        %add3A_872 = arith.constant 16 : i32
        %add3A_873 = arith.addi %add3A_872, %scan3A_765 : i32
        %get3A_874 = arith.constant 2 : i32
        %get3A_875 = arith.index_cast %get3A_874 : i32 to index
        %get3A_876 = arith.index_cast %add3A_873 : i32 to index
        %get3A_877 = arith.constant 0 : index
        %get3A_878 = tpu.vector_load %arg10[%get3A_875, %get3A_876, %get3A_877] {strides = array<i32>} : memref<4x80x128xf32, #tpu.memory_space<vmem>>, vector<16xf32>,
        %mul3A_879 = arith.mulf %get3A_774, %get3A_878 : vector<16xf32>
        %get3A_880 = arith.constant 2 : i32
        %get3A_881 = arith.index_cast %get3A_880 : i32 to index
        %get3A_882 = arith.index_cast %add3A_873 : i32 to index
        %get3A_883 = arith.constant 16 : index
        %get3A_884 = tpu.vector_load %arg10[%get3A_881, %get3A_882, %get3A_883] {strides = array<i32>} : memref<4x80x128xf32, #tpu.memory_space<vmem>>, vector<16xf32>,
        %mul3A_885 = arith.mulf %get3A_779, %get3A_884 : vector<16xf32>
        %add3A_886 = arith.addf %mul3A_879, %mul3A_885 : vector<16xf32>
        %get3A_887 = arith.constant 2 : i32
        %get3A_888 = arith.index_cast %get3A_887 : i32 to index
        %get3A_889 = arith.index_cast %add3A_873 : i32 to index
        %get3A_890 = arith.constant 32 : index
        %get3A_891 = tpu.vector_load %arg10[%get3A_888, %get3A_889, %get3A_890] {strides = array<i32>} : memref<4x80x128xf32, #tpu.memory_space<vmem>>, vector<16xf32>,
        %mul3A_892 = arith.mulf %get3A_784, %get3A_891 : vector<16xf32>
        %add3A_893 = arith.addf %add3A_886, %mul3A_892 : vector<16xf32>
        %get3A_894 = arith.constant 2 : i32
        %get3A_895 = arith.index_cast %get3A_894 : i32 to index
        %get3A_896 = arith.index_cast %add3A_873 : i32 to index
        %get3A_897 = arith.constant 48 : index
        %get3A_898 = tpu.vector_load %arg10[%get3A_895, %get3A_896, %get3A_897] {strides = array<i32>} : memref<4x80x128xf32, #tpu.memory_space<vmem>>, vector<16xf32>,
        %mul3A_899 = arith.mulf %get3A_789, %get3A_898 : vector<16xf32>
        %add3A_900 = arith.addf %add3A_893, %mul3A_899 : vector<16xf32>
        %get3A_901 = arith.constant 2 : i32
        %get3A_902 = arith.index_cast %get3A_901 : i32 to index
        %get3A_903 = arith.index_cast %add3A_873 : i32 to index
        %get3A_904 = arith.constant 64 : index
        %get3A_905 = tpu.vector_load %arg10[%get3A_902, %get3A_903, %get3A_904] {strides = array<i32>} : memref<4x80x128xf32, #tpu.memory_space<vmem>>, vector<16xf32>,
        %mul3A_906 = arith.mulf %get3A_794, %get3A_905 : vector<16xf32>
        %add3A_907 = arith.addf %add3A_900, %mul3A_906 : vector<16xf32>
        %get3A_908 = arith.constant 2 : i32
        %get3A_909 = arith.index_cast %get3A_908 : i32 to index
        %get3A_910 = arith.index_cast %add3A_873 : i32 to index
        %get3A_911 = arith.constant 80 : index
        %get3A_912 = tpu.vector_load %arg10[%get3A_909, %get3A_910, %get3A_911] {strides = array<i32>} : memref<4x80x128xf32, #tpu.memory_space<vmem>>, vector<16xf32>,
        %mul3A_913 = arith.mulf %get3A_799, %get3A_912 : vector<16xf32>
        %add3A_914 = arith.addf %add3A_907, %mul3A_913 : vector<16xf32>
        %get3A_915 = arith.constant 2 : i32
        %get3A_916 = arith.index_cast %get3A_915 : i32 to index
        %get3A_917 = arith.index_cast %add3A_873 : i32 to index
        %get3A_918 = arith.constant 96 : index
        %get3A_919 = tpu.vector_load %arg10[%get3A_916, %get3A_917, %get3A_918] {strides = array<i32>} : memref<4x80x128xf32, #tpu.memory_space<vmem>>, vector<16xf32>,
        %mul3A_920 = arith.mulf %get3A_804, %get3A_919 : vector<16xf32>
        %add3A_921 = arith.addf %add3A_914, %mul3A_920 : vector<16xf32>
        %get3A_922 = arith.constant 2 : i32
        %get3A_923 = arith.index_cast %get3A_922 : i32 to index
        %get3A_924 = arith.index_cast %add3A_873 : i32 to index
        %get3A_925 = arith.constant 112 : index
        %get3A_926 = tpu.vector_load %arg10[%get3A_923, %get3A_924, %get3A_925] {strides = array<i32>} : memref<4x80x128xf32, #tpu.memory_space<vmem>>, vector<16xf32>,
        %mul3A_927 = arith.mulf %get3A_809, %get3A_926 : vector<16xf32>
        %add3A_928 = arith.addf %add3A_921, %mul3A_927 : vector<16xf32>
        %eq3A_929 = vector.broadcast %scan3A_765 : i32 to vector<16xi32>
        %eq3A_930 = arith.cmpi eq, %iota3A, %eq3A_929 : vector<16xi32>
        %reduce_sum3A_931 = arith.constant true
        %reduce_sum3A_932 = vector.broadcast %reduce_sum3A_931 : i1 to vector<16xi1>
        %reduce_sum3A_933 = tpu.scan <sum>, %add3A_928 masked %reduce_sum3A_932 : vector<16xf32>, vector<16xi1> -> vector<16xf32>
        %reduce_sum3A_934 = vector.extract %reduce_sum3A_933[15] : f32 from vector<16xf32>
        %broadcast_in_dim3A_935 = vector.broadcast %reduce_sum3A_934 : f32 to vector<16xf32>
        %select_n3A_936 = arith.select %eq3A_930, %broadcast_in_dim3A_935, %scan3A_767 : vector<16xi1>, vector<16xf32>
        %add3A_937 = arith.constant 32 : i32
        %add3A_938 = arith.addi %add3A_937, %scan3A_765 : i32
        %get3A_939 = arith.constant 2 : i32
        %get3A_940 = arith.index_cast %get3A_939 : i32 to index
        %get3A_941 = arith.index_cast %add3A_938 : i32 to index
        %get3A_942 = arith.constant 0 : index
        %get3A_943 = tpu.vector_load %arg10[%get3A_940, %get3A_941, %get3A_942] {strides = array<i32>} : memref<4x80x128xf32, #tpu.memory_space<vmem>>, vector<16xf32>,
        %mul3A_944 = arith.mulf %get3A_774, %get3A_943 : vector<16xf32>
        %get3A_945 = arith.constant 2 : i32
        %get3A_946 = arith.index_cast %get3A_945 : i32 to index
        %get3A_947 = arith.index_cast %add3A_938 : i32 to index
        %get3A_948 = arith.constant 16 : index
        %get3A_949 = tpu.vector_load %arg10[%get3A_946, %get3A_947, %get3A_948] {strides = array<i32>} : memref<4x80x128xf32, #tpu.memory_space<vmem>>, vector<16xf32>,
        %mul3A_950 = arith.mulf %get3A_779, %get3A_949 : vector<16xf32>
        %add3A_951 = arith.addf %mul3A_944, %mul3A_950 : vector<16xf32>
        %get3A_952 = arith.constant 2 : i32
        %get3A_953 = arith.index_cast %get3A_952 : i32 to index
        %get3A_954 = arith.index_cast %add3A_938 : i32 to index
        %get3A_955 = arith.constant 32 : index
        %get3A_956 = tpu.vector_load %arg10[%get3A_953, %get3A_954, %get3A_955] {strides = array<i32>} : memref<4x80x128xf32, #tpu.memory_space<vmem>>, vector<16xf32>,
        %mul3A_957 = arith.mulf %get3A_784, %get3A_956 : vector<16xf32>
        %add3A_958 = arith.addf %add3A_951, %mul3A_957 : vector<16xf32>
        %get3A_959 = arith.constant 2 : i32
        %get3A_960 = arith.index_cast %get3A_959 : i32 to index
        %get3A_961 = arith.index_cast %add3A_938 : i32 to index
        %get3A_962 = arith.constant 48 : index
        %get3A_963 = tpu.vector_load %arg10[%get3A_960, %get3A_961, %get3A_962] {strides = array<i32>} : memref<4x80x128xf32, #tpu.memory_space<vmem>>, vector<16xf32>,
        %mul3A_964 = arith.mulf %get3A_789, %get3A_963 : vector<16xf32>
        %add3A_965 = arith.addf %add3A_958, %mul3A_964 : vector<16xf32>
        %get3A_966 = arith.constant 2 : i32
        %get3A_967 = arith.index_cast %get3A_966 : i32 to index
        %get3A_968 = arith.index_cast %add3A_938 : i32 to index
        %get3A_969 = arith.constant 64 : index
        %get3A_970 = tpu.vector_load %arg10[%get3A_967, %get3A_968, %get3A_969] {strides = array<i32>} : memref<4x80x128xf32, #tpu.memory_space<vmem>>, vector<16xf32>,
        %mul3A_971 = arith.mulf %get3A_794, %get3A_970 : vector<16xf32>
        %add3A_972 = arith.addf %add3A_965, %mul3A_971 : vector<16xf32>
        %get3A_973 = arith.constant 2 : i32
        %get3A_974 = arith.index_cast %get3A_973 : i32 to index
        %get3A_975 = arith.index_cast %add3A_938 : i32 to index
        %get3A_976 = arith.constant 80 : index
        %get3A_977 = tpu.vector_load %arg10[%get3A_974, %get3A_975, %get3A_976] {strides = array<i32>} : memref<4x80x128xf32, #tpu.memory_space<vmem>>, vector<16xf32>,
        %mul3A_978 = arith.mulf %get3A_799, %get3A_977 : vector<16xf32>
        %add3A_979 = arith.addf %add3A_972, %mul3A_978 : vector<16xf32>
        %get3A_980 = arith.constant 2 : i32
        %get3A_981 = arith.index_cast %get3A_980 : i32 to index
        %get3A_982 = arith.index_cast %add3A_938 : i32 to index
        %get3A_983 = arith.constant 96 : index
        %get3A_984 = tpu.vector_load %arg10[%get3A_981, %get3A_982, %get3A_983] {strides = array<i32>} : memref<4x80x128xf32, #tpu.memory_space<vmem>>, vector<16xf32>,
        %mul3A_985 = arith.mulf %get3A_804, %get3A_984 : vector<16xf32>
        %add3A_986 = arith.addf %add3A_979, %mul3A_985 : vector<16xf32>
        %get3A_987 = arith.constant 2 : i32
        %get3A_988 = arith.index_cast %get3A_987 : i32 to index
        %get3A_989 = arith.index_cast %add3A_938 : i32 to index
        %get3A_990 = arith.constant 112 : index
        %get3A_991 = tpu.vector_load %arg10[%get3A_988, %get3A_989, %get3A_990] {strides = array<i32>} : memref<4x80x128xf32, #tpu.memory_space<vmem>>, vector<16xf32>,
        %mul3A_992 = arith.mulf %get3A_809, %get3A_991 : vector<16xf32>
        %add3A_993 = arith.addf %add3A_986, %mul3A_992 : vector<16xf32>
        %eq3A_994 = vector.broadcast %scan3A_765 : i32 to vector<16xi32>
        %eq3A_995 = arith.cmpi eq, %iota3A, %eq3A_994 : vector<16xi32>
        %reduce_sum3A_996 = arith.constant true
        %reduce_sum3A_997 = vector.broadcast %reduce_sum3A_996 : i1 to vector<16xi1>
        %reduce_sum3A_998 = tpu.scan <sum>, %add3A_993 masked %reduce_sum3A_997 : vector<16xf32>, vector<16xi1> -> vector<16xf32>
        %reduce_sum3A_999 = vector.extract %reduce_sum3A_998[15] : f32 from vector<16xf32>
        %broadcast_in_dim3A_1000 = vector.broadcast %reduce_sum3A_999 : f32 to vector<16xf32>
        %select_n3A_1001 = arith.select %eq3A_995, %broadcast_in_dim3A_1000, %scan3A_768 : vector<16xi1>, vector<16xf32>
        %add3A_1002 = arith.constant 48 : i32
        %add3A_1003 = arith.addi %add3A_1002, %scan3A_765 : i32
        %get3A_1004 = arith.constant 2 : i32
        %get3A_1005 = arith.index_cast %get3A_1004 : i32 to index
        %get3A_1006 = arith.index_cast %add3A_1003 : i32 to index
        %get3A_1007 = arith.constant 0 : index
        %get3A_1008 = tpu.vector_load %arg10[%get3A_1005, %get3A_1006, %get3A_1007] {strides = array<i32>} : memref<4x80x128xf32, #tpu.memory_space<vmem>>, vector<16xf32>,
        %mul3A_1009 = arith.mulf %get3A_774, %get3A_1008 : vector<16xf32>
        %get3A_1010 = arith.constant 2 : i32
        %get3A_1011 = arith.index_cast %get3A_1010 : i32 to index
        %get3A_1012 = arith.index_cast %add3A_1003 : i32 to index
        %get3A_1013 = arith.constant 16 : index
        %get3A_1014 = tpu.vector_load %arg10[%get3A_1011, %get3A_1012, %get3A_1013] {strides = array<i32>} : memref<4x80x128xf32, #tpu.memory_space<vmem>>, vector<16xf32>,
        %mul3A_1015 = arith.mulf %get3A_779, %get3A_1014 : vector<16xf32>
        %add3A_1016 = arith.addf %mul3A_1009, %mul3A_1015 : vector<16xf32>
        %get3A_1017 = arith.constant 2 : i32
        %get3A_1018 = arith.index_cast %get3A_1017 : i32 to index
        %get3A_1019 = arith.index_cast %add3A_1003 : i32 to index
        %get3A_1020 = arith.constant 32 : index
        %get3A_1021 = tpu.vector_load %arg10[%get3A_1018, %get3A_1019, %get3A_1020] {strides = array<i32>} : memref<4x80x128xf32, #tpu.memory_space<vmem>>, vector<16xf32>,
        %mul3A_1022 = arith.mulf %get3A_784, %get3A_1021 : vector<16xf32>
        %add3A_1023 = arith.addf %add3A_1016, %mul3A_1022 : vector<16xf32>
        %get3A_1024 = arith.constant 2 : i32
        %get3A_1025 = arith.index_cast %get3A_1024 : i32 to index
        %get3A_1026 = arith.index_cast %add3A_1003 : i32 to index
        %get3A_1027 = arith.constant 48 : index
        %get3A_1028 = tpu.vector_load %arg10[%get3A_1025, %get3A_1026, %get3A_1027] {strides = array<i32>} : memref<4x80x128xf32, #tpu.memory_space<vmem>>, vector<16xf32>,
        %mul3A_1029 = arith.mulf %get3A_789, %get3A_1028 : vector<16xf32>
        %add3A_1030 = arith.addf %add3A_1023, %mul3A_1029 : vector<16xf32>
        %get3A_1031 = arith.constant 2 : i32
        %get3A_1032 = arith.index_cast %get3A_1031 : i32 to index
        %get3A_1033 = arith.index_cast %add3A_1003 : i32 to index
        %get3A_1034 = arith.constant 64 : index
        %get3A_1035 = tpu.vector_load %arg10[%get3A_1032, %get3A_1033, %get3A_1034] {strides = array<i32>} : memref<4x80x128xf32, #tpu.memory_space<vmem>>, vector<16xf32>,
        %mul3A_1036 = arith.mulf %get3A_794, %get3A_1035 : vector<16xf32>
        %add3A_1037 = arith.addf %add3A_1030, %mul3A_1036 : vector<16xf32>
        %get3A_1038 = arith.constant 2 : i32
        %get3A_1039 = arith.index_cast %get3A_1038 : i32 to index
        %get3A_1040 = arith.index_cast %add3A_1003 : i32 to index
        %get3A_1041 = arith.constant 80 : index
        %get3A_1042 = tpu.vector_load %arg10[%get3A_1039, %get3A_1040, %get3A_1041] {strides = array<i32>} : memref<4x80x128xf32, #tpu.memory_space<vmem>>, vector<16xf32>,
        %mul3A_1043 = arith.mulf %get3A_799, %get3A_1042 : vector<16xf32>
        %add3A_1044 = arith.addf %add3A_1037, %mul3A_1043 : vector<16xf32>
        %get3A_1045 = arith.constant 2 : i32
        %get3A_1046 = arith.index_cast %get3A_1045 : i32 to index
        %get3A_1047 = arith.index_cast %add3A_1003 : i32 to index
        %get3A_1048 = arith.constant 96 : index
        %get3A_1049 = tpu.vector_load %arg10[%get3A_1046, %get3A_1047, %get3A_1048] {strides = array<i32>} : memref<4x80x128xf32, #tpu.memory_space<vmem>>, vector<16xf32>,
        %mul3A_1050 = arith.mulf %get3A_804, %get3A_1049 : vector<16xf32>
        %add3A_1051 = arith.addf %add3A_1044, %mul3A_1050 : vector<16xf32>
        %get3A_1052 = arith.constant 2 : i32
        %get3A_1053 = arith.index_cast %get3A_1052 : i32 to index
        %get3A_1054 = arith.index_cast %add3A_1003 : i32 to index
        %get3A_1055 = arith.constant 112 : index
        %get3A_1056 = tpu.vector_load %arg10[%get3A_1053, %get3A_1054, %get3A_1055] {strides = array<i32>} : memref<4x80x128xf32, #tpu.memory_space<vmem>>, vector<16xf32>,
        %mul3A_1057 = arith.mulf %get3A_809, %get3A_1056 : vector<16xf32>
        %add3A_1058 = arith.addf %add3A_1051, %mul3A_1057 : vector<16xf32>
        %eq3A_1059 = vector.broadcast %scan3A_765 : i32 to vector<16xi32>
        %eq3A_1060 = arith.cmpi eq, %iota3A, %eq3A_1059 : vector<16xi32>
        %reduce_sum3A_1061 = arith.constant true
        %reduce_sum3A_1062 = vector.broadcast %reduce_sum3A_1061 : i1 to vector<16xi1>
        %reduce_sum3A_1063 = tpu.scan <sum>, %add3A_1058 masked %reduce_sum3A_1062 : vector<16xf32>, vector<16xi1> -> vector<16xf32>
        %reduce_sum3A_1064 = vector.extract %reduce_sum3A_1063[15] : f32 from vector<16xf32>
        %broadcast_in_dim3A_1065 = vector.broadcast %reduce_sum3A_1064 : f32 to vector<16xf32>
        %select_n3A_1066 = arith.select %eq3A_1060, %broadcast_in_dim3A_1065, %scan3A_769 : vector<16xi1>, vector<16xf32>
        %add3A_1067 = arith.constant 64 : i32
        %add3A_1068 = arith.addi %add3A_1067, %scan3A_765 : i32
        %get3A_1069 = arith.constant 2 : i32
        %get3A_1070 = arith.index_cast %get3A_1069 : i32 to index
        %get3A_1071 = arith.index_cast %add3A_1068 : i32 to index
        %get3A_1072 = arith.constant 0 : index
        %get3A_1073 = tpu.vector_load %arg10[%get3A_1070, %get3A_1071, %get3A_1072] {strides = array<i32>} : memref<4x80x128xf32, #tpu.memory_space<vmem>>, vector<16xf32>,
        %mul3A_1074 = arith.mulf %get3A_774, %get3A_1073 : vector<16xf32>
        %get3A_1075 = arith.constant 2 : i32
        %get3A_1076 = arith.index_cast %get3A_1075 : i32 to index
        %get3A_1077 = arith.index_cast %add3A_1068 : i32 to index
        %get3A_1078 = arith.constant 16 : index
        %get3A_1079 = tpu.vector_load %arg10[%get3A_1076, %get3A_1077, %get3A_1078] {strides = array<i32>} : memref<4x80x128xf32, #tpu.memory_space<vmem>>, vector<16xf32>,
        %mul3A_1080 = arith.mulf %get3A_779, %get3A_1079 : vector<16xf32>
        %add3A_1081 = arith.addf %mul3A_1074, %mul3A_1080 : vector<16xf32>
        %get3A_1082 = arith.constant 2 : i32
        %get3A_1083 = arith.index_cast %get3A_1082 : i32 to index
        %get3A_1084 = arith.index_cast %add3A_1068 : i32 to index
        %get3A_1085 = arith.constant 32 : index
        %get3A_1086 = tpu.vector_load %arg10[%get3A_1083, %get3A_1084, %get3A_1085] {strides = array<i32>} : memref<4x80x128xf32, #tpu.memory_space<vmem>>, vector<16xf32>,
        %mul3A_1087 = arith.mulf %get3A_784, %get3A_1086 : vector<16xf32>
        %add3A_1088 = arith.addf %add3A_1081, %mul3A_1087 : vector<16xf32>
        %get3A_1089 = arith.constant 2 : i32
        %get3A_1090 = arith.index_cast %get3A_1089 : i32 to index
        %get3A_1091 = arith.index_cast %add3A_1068 : i32 to index
        %get3A_1092 = arith.constant 48 : index
        %get3A_1093 = tpu.vector_load %arg10[%get3A_1090, %get3A_1091, %get3A_1092] {strides = array<i32>} : memref<4x80x128xf32, #tpu.memory_space<vmem>>, vector<16xf32>,
        %mul3A_1094 = arith.mulf %get3A_789, %get3A_1093 : vector<16xf32>
        %add3A_1095 = arith.addf %add3A_1088, %mul3A_1094 : vector<16xf32>
        %get3A_1096 = arith.constant 2 : i32
        %get3A_1097 = arith.index_cast %get3A_1096 : i32 to index
        %get3A_1098 = arith.index_cast %add3A_1068 : i32 to index
        %get3A_1099 = arith.constant 64 : index
        %get3A_1100 = tpu.vector_load %arg10[%get3A_1097, %get3A_1098, %get3A_1099] {strides = array<i32>} : memref<4x80x128xf32, #tpu.memory_space<vmem>>, vector<16xf32>,
        %mul3A_1101 = arith.mulf %get3A_794, %get3A_1100 : vector<16xf32>
        %add3A_1102 = arith.addf %add3A_1095, %mul3A_1101 : vector<16xf32>
        %get3A_1103 = arith.constant 2 : i32
        %get3A_1104 = arith.index_cast %get3A_1103 : i32 to index
        %get3A_1105 = arith.index_cast %add3A_1068 : i32 to index
        %get3A_1106 = arith.constant 80 : index
        %get3A_1107 = tpu.vector_load %arg10[%get3A_1104, %get3A_1105, %get3A_1106] {strides = array<i32>} : memref<4x80x128xf32, #tpu.memory_space<vmem>>, vector<16xf32>,
        %mul3A_1108 = arith.mulf %get3A_799, %get3A_1107 : vector<16xf32>
        %add3A_1109 = arith.addf %add3A_1102, %mul3A_1108 : vector<16xf32>
        %get3A_1110 = arith.constant 2 : i32
        %get3A_1111 = arith.index_cast %get3A_1110 : i32 to index
        %get3A_1112 = arith.index_cast %add3A_1068 : i32 to index
        %get3A_1113 = arith.constant 96 : index
        %get3A_1114 = tpu.vector_load %arg10[%get3A_1111, %get3A_1112, %get3A_1113] {strides = array<i32>} : memref<4x80x128xf32, #tpu.memory_space<vmem>>, vector<16xf32>,
        %mul3A_1115 = arith.mulf %get3A_804, %get3A_1114 : vector<16xf32>
        %add3A_1116 = arith.addf %add3A_1109, %mul3A_1115 : vector<16xf32>
        %get3A_1117 = arith.constant 2 : i32
        %get3A_1118 = arith.index_cast %get3A_1117 : i32 to index
        %get3A_1119 = arith.index_cast %add3A_1068 : i32 to index
        %get3A_1120 = arith.constant 112 : index
        %get3A_1121 = tpu.vector_load %arg10[%get3A_1118, %get3A_1119, %get3A_1120] {strides = array<i32>} : memref<4x80x128xf32, #tpu.memory_space<vmem>>, vector<16xf32>,
        %mul3A_1122 = arith.mulf %get3A_809, %get3A_1121 : vector<16xf32>
        %add3A_1123 = arith.addf %add3A_1116, %mul3A_1122 : vector<16xf32>
        %eq3A_1124 = vector.broadcast %scan3A_765 : i32 to vector<16xi32>
        %eq3A_1125 = arith.cmpi eq, %iota3A, %eq3A_1124 : vector<16xi32>
        %reduce_sum3A_1126 = arith.constant true
        %reduce_sum3A_1127 = vector.broadcast %reduce_sum3A_1126 : i1 to vector<16xi1>
        %reduce_sum3A_1128 = tpu.scan <sum>, %add3A_1123 masked %reduce_sum3A_1127 : vector<16xf32>, vector<16xi1> -> vector<16xf32>
        %reduce_sum3A_1129 = vector.extract %reduce_sum3A_1128[15] : f32 from vector<16xf32>
        %broadcast_in_dim3A_1130 = vector.broadcast %reduce_sum3A_1129 : f32 to vector<16xf32>
        %select_n3A_1131 = arith.select %eq3A_1125, %broadcast_in_dim3A_1130, %scan3A_770 : vector<16xi1>, vector<16xf32>
        scf.yield %select_n3A, %select_n3A_936, %select_n3A_1001, %select_n3A_1066, %select_n3A_1131 : vector<16xf32>, vector<16xf32>, vector<16xf32>, vector<16xf32>, vector<16xf32>
      }
      %scan3A_599 = arith.constant 16 : i32
      %mul3A_600 = arith.constant 16 : i32
      %mul3A_601 = arith.muli %add3A_484, %mul3A_600 : i32
      %multiple_of3A_602 = tpu.assume_multiple %mul3A_601, 16 : i32
      %swap3A_603 = arith.constant 0 : i32
      %swap3A_604 = arith.index_cast %swap3A_603 : i32 to index
      %swap3A_605 = arith.index_cast %multiple_of3A_602 : i32 to index
      %swap3A_606 = tpu.vector_load %arg11[%swap3A_604, %swap3A_605] {strides = array<i32>} : memref<5x512xf32, #tpu.memory_space<vmem>>, vector<16xf32>,
      tpu.vector_store %arg11[%swap3A_604, %swap3A_605], %scan3A_598#0 {strides = array<i32>} : memref<5x512xf32, #tpu.memory_space<vmem>>, vector<16xf32>,
      %swap3A_607 = arith.constant 1 : i32
      %swap3A_608 = arith.index_cast %swap3A_607 : i32 to index
      %swap3A_609 = arith.index_cast %multiple_of3A_602 : i32 to index
      %swap3A_610 = tpu.vector_load %arg11[%swap3A_608, %swap3A_609] {strides = array<i32>} : memref<5x512xf32, #tpu.memory_space<vmem>>, vector<16xf32>,
      tpu.vector_store %arg11[%swap3A_608, %swap3A_609], %scan3A_598#1 {strides = array<i32>} : memref<5x512xf32, #tpu.memory_space<vmem>>, vector<16xf32>,
      %swap3A_611 = arith.constant 2 : i32
      %swap3A_612 = arith.index_cast %swap3A_611 : i32 to index
      %swap3A_613 = arith.index_cast %multiple_of3A_602 : i32 to index
      %swap3A_614 = tpu.vector_load %arg11[%swap3A_612, %swap3A_613] {strides = array<i32>} : memref<5x512xf32, #tpu.memory_space<vmem>>, vector<16xf32>,
      tpu.vector_store %arg11[%swap3A_612, %swap3A_613], %scan3A_598#2 {strides = array<i32>} : memref<5x512xf32, #tpu.memory_space<vmem>>, vector<16xf32>,
      %swap3A_615 = arith.constant 3 : i32
      %swap3A_616 = arith.index_cast %swap3A_615 : i32 to index
      %swap3A_617 = arith.index_cast %multiple_of3A_602 : i32 to index
      %swap3A_618 = tpu.vector_load %arg11[%swap3A_616, %swap3A_617] {strides = array<i32>} : memref<5x512xf32, #tpu.memory_space<vmem>>, vector<16xf32>,
      tpu.vector_store %arg11[%swap3A_616, %swap3A_617], %scan3A_598#3 {strides = array<i32>} : memref<5x512xf32, #tpu.memory_space<vmem>>, vector<16xf32>,
      %swap3A_619 = arith.constant 4 : i32
      %swap3A_620 = arith.index_cast %swap3A_619 : i32 to index
      %swap3A_621 = arith.index_cast %multiple_of3A_602 : i32 to index
      %swap3A_622 = tpu.vector_load %arg11[%swap3A_620, %swap3A_621] {strides = array<i32>} : memref<5x512xf32, #tpu.memory_space<vmem>>, vector<16xf32>,
      tpu.vector_store %arg11[%swap3A_620, %swap3A_621], %scan3A_598#4 {strides = array<i32>} : memref<5x512xf32, #tpu.memory_space<vmem>>, vector<16xf32>,
      %mul3A_623 = arith.constant 4 : i32
      %mul3A_624 = arith.muli %scan3A_203, %mul3A_623 : i32
      %add3A_625 = arith.constant 3 : i32
      %add3A_626 = arith.addi %mul3A_624, %add3A_625 : i32
      %add3A_627 = arith.constant 4 : i32
      %add3A_628 = arith.addi %add3A_626, %add3A_627 : i32
      %sub3A_629 = arith.constant 1 : i32
      %sub3A_630 = arith.subi %add3A_628, %sub3A_629 : i32
      %lt3A_631 = arith.constant 32 : i32
      %lt3A_632 = arith.cmpi slt, %sub3A_630, %lt3A_631 : i32
      %convert_element_type3A_633 = arith.extui %lt3A_632 : i1 to i32
      %cond3A_634 = arith.constant 0 : i32
      %cond3A_635 = arith.cmpi ne, %convert_element_type3A_633, %cond3A_634 : i32
      scf.if %cond3A_635 {
        %add3A_765 = arith.constant 4 : i32
        %add3A_766 = arith.addi %add3A_626, %add3A_765 : i32
        %sub3A_767 = arith.constant 1 : i32
        %sub3A_768 = arith.subi %add3A_766, %sub3A_767 : i32
        %mul3A_769 = arith.constant 16 : i32
        %mul3A_770 = arith.muli %sub3A_768, %mul3A_769 : i32
        %multiple_of3A_771 = tpu.assume_multiple %mul3A_770, 8 : i32
        %dma_start3A_772 = arith.constant 2 : i32
        %dma_start3A_773 = arith.constant 0 : i32
        %dma_start3A_774 = arith.constant 0 : i32
        %dma_start3A_775 = tpu.memref_slice %arg9[%dma_start3A_772, %dma_start3A_773, %dma_start3A_774] : memref<4x16x128xf32, #tpu.memory_space<vmem>> -> memref<1x16x128xf32, #tpu.memory_space<vmem>>
        %dma_start3A_776 = tpu.memref_squeeze %dma_start3A_775 : memref<1x16x128xf32, #tpu.memory_space<vmem>> -> memref<16x128xf32, #tpu.memory_space<vmem>>
        %dma_start3A_777 = tpu.memref_slice %arg7[%multiple_of3A_771] : memref<512xi32, #tpu.memory_space<vmem>> -> memref<16xi32, #tpu.memory_space<vmem>>
        %dma_start3A_778 = arith.constant 0 : i32
        %dma_start3A_779 = arith.constant 0 : i32
        %dma_start3A_780 = tpu.memref_slice %arg4[%dma_start3A_778, %dma_start3A_779] : memref<1000000x128xf32, #tpu.memory_space<hbm>> -> memref<1000000x128xf32, #tpu.memory_space<hbm>>
        tpu.enqueue_indirect_dma source(%dma_start3A_780 : memref<1000000x128xf32, #tpu.memory_space<hbm>>) target(%dma_start3A_776 : memref<16x128xf32, #tpu.memory_space<vmem>>) offsets(%dma_start3A_777 : memref<16xi32, #tpu.memory_space<vmem>>) semaphore(%arg16 : memref<!tpu.dma_semaphore, #tpu.memory_space<semaphore_mem>>)
        %dma_start3A_781 = arith.constant 0 : i32
        %dma_start3A_782 = arith.constant 2 : i32
        %dma_start3A_783 = arith.constant 0 : i32
        %dma_start3A_784 = arith.constant 0 : i32
        %dma_start3A_785 = tpu.memref_slice %arg10[%dma_start3A_782, %dma_start3A_783, %dma_start3A_784] : memref<4x80x128xf32, #tpu.memory_space<vmem>> -> memref<1x16x128xf32, #tpu.memory_space<vmem>>
        %dma_start3A_786 = tpu.memref_squeeze %dma_start3A_785 : memref<1x16x128xf32, #tpu.memory_space<vmem>> -> memref<16x128xf32, #tpu.memory_space<vmem>>
        %dma_start3A_787 = tpu.memref_slice %arg8[%dma_start3A_781, %multiple_of3A_771] : memref<5x512xi32, #tpu.memory_space<vmem>> -> memref<1x16xi32, #tpu.memory_space<vmem>>
        %dma_start3A_788 = tpu.memref_squeeze %dma_start3A_787 : memref<1x16xi32, #tpu.memory_space<vmem>> -> memref<16xi32, #tpu.memory_space<vmem>>
        %dma_start3A_789 = arith.constant 0 : i32
        %dma_start3A_790 = arith.constant 0 : i32
        %dma_start3A_791 = tpu.memref_slice %arg5[%dma_start3A_789, %dma_start3A_790] : memref<1000000x128xf32, #tpu.memory_space<hbm>> -> memref<1000000x128xf32, #tpu.memory_space<hbm>>
        tpu.enqueue_indirect_dma source(%dma_start3A_791 : memref<1000000x128xf32, #tpu.memory_space<hbm>>) target(%dma_start3A_786 : memref<16x128xf32, #tpu.memory_space<vmem>>) offsets(%dma_start3A_788 : memref<16xi32, #tpu.memory_space<vmem>>) semaphore(%arg17 : memref<!tpu.dma_semaphore, #tpu.memory_space<semaphore_mem>>)
        %dma_start3A_792 = arith.constant 1 : i32
        %dma_start3A_793 = arith.constant 2 : i32
        %dma_start3A_794 = arith.constant 16 : i32
        %dma_start3A_795 = arith.constant 0 : i32
        %dma_start3A_796 = tpu.memref_slice %arg10[%dma_start3A_793, %dma_start3A_794, %dma_start3A_795] : memref<4x80x128xf32, #tpu.memory_space<vmem>> -> memref<1x16x128xf32, #tpu.memory_space<vmem>>
        %dma_start3A_797 = tpu.memref_squeeze %dma_start3A_796 : memref<1x16x128xf32, #tpu.memory_space<vmem>> -> memref<16x128xf32, #tpu.memory_space<vmem>>
        %dma_start3A_798 = tpu.memref_slice %arg8[%dma_start3A_792, %multiple_of3A_771] : memref<5x512xi32, #tpu.memory_space<vmem>> -> memref<1x16xi32, #tpu.memory_space<vmem>>
        %dma_start3A_799 = tpu.memref_squeeze %dma_start3A_798 : memref<1x16xi32, #tpu.memory_space<vmem>> -> memref<16xi32, #tpu.memory_space<vmem>>
        %dma_start3A_800 = arith.constant 0 : i32
        %dma_start3A_801 = arith.constant 0 : i32
        %dma_start3A_802 = tpu.memref_slice %arg5[%dma_start3A_800, %dma_start3A_801] : memref<1000000x128xf32, #tpu.memory_space<hbm>> -> memref<1000000x128xf32, #tpu.memory_space<hbm>>
        tpu.enqueue_indirect_dma source(%dma_start3A_802 : memref<1000000x128xf32, #tpu.memory_space<hbm>>) target(%dma_start3A_797 : memref<16x128xf32, #tpu.memory_space<vmem>>) offsets(%dma_start3A_799 : memref<16xi32, #tpu.memory_space<vmem>>) semaphore(%arg17 : memref<!tpu.dma_semaphore, #tpu.memory_space<semaphore_mem>>)
        %dma_start3A_803 = arith.constant 2 : i32
        %dma_start3A_804 = arith.constant 2 : i32
        %dma_start3A_805 = arith.constant 32 : i32
        %dma_start3A_806 = arith.constant 0 : i32
        %dma_start3A_807 = tpu.memref_slice %arg10[%dma_start3A_804, %dma_start3A_805, %dma_start3A_806] : memref<4x80x128xf32, #tpu.memory_space<vmem>> -> memref<1x16x128xf32, #tpu.memory_space<vmem>>
        %dma_start3A_808 = tpu.memref_squeeze %dma_start3A_807 : memref<1x16x128xf32, #tpu.memory_space<vmem>> -> memref<16x128xf32, #tpu.memory_space<vmem>>
        %dma_start3A_809 = tpu.memref_slice %arg8[%dma_start3A_803, %multiple_of3A_771] : memref<5x512xi32, #tpu.memory_space<vmem>> -> memref<1x16xi32, #tpu.memory_space<vmem>>
        %dma_start3A_810 = tpu.memref_squeeze %dma_start3A_809 : memref<1x16xi32, #tpu.memory_space<vmem>> -> memref<16xi32, #tpu.memory_space<vmem>>
        %dma_start3A_811 = arith.constant 0 : i32
        %dma_start3A_812 = arith.constant 0 : i32
        %dma_start3A_813 = tpu.memref_slice %arg5[%dma_start3A_811, %dma_start3A_812] : memref<1000000x128xf32, #tpu.memory_space<hbm>> -> memref<1000000x128xf32, #tpu.memory_space<hbm>>
        tpu.enqueue_indirect_dma source(%dma_start3A_813 : memref<1000000x128xf32, #tpu.memory_space<hbm>>) target(%dma_start3A_808 : memref<16x128xf32, #tpu.memory_space<vmem>>) offsets(%dma_start3A_810 : memref<16xi32, #tpu.memory_space<vmem>>) semaphore(%arg17 : memref<!tpu.dma_semaphore, #tpu.memory_space<semaphore_mem>>)
        %dma_start3A_814 = arith.constant 3 : i32
        %dma_start3A_815 = arith.constant 2 : i32
        %dma_start3A_816 = arith.constant 48 : i32
        %dma_start3A_817 = arith.constant 0 : i32
        %dma_start3A_818 = tpu.memref_slice %arg10[%dma_start3A_815, %dma_start3A_816, %dma_start3A_817] : memref<4x80x128xf32, #tpu.memory_space<vmem>> -> memref<1x16x128xf32, #tpu.memory_space<vmem>>
        %dma_start3A_819 = tpu.memref_squeeze %dma_start3A_818 : memref<1x16x128xf32, #tpu.memory_space<vmem>> -> memref<16x128xf32, #tpu.memory_space<vmem>>
        %dma_start3A_820 = tpu.memref_slice %arg8[%dma_start3A_814, %multiple_of3A_771] : memref<5x512xi32, #tpu.memory_space<vmem>> -> memref<1x16xi32, #tpu.memory_space<vmem>>
        %dma_start3A_821 = tpu.memref_squeeze %dma_start3A_820 : memref<1x16xi32, #tpu.memory_space<vmem>> -> memref<16xi32, #tpu.memory_space<vmem>>
        %dma_start3A_822 = arith.constant 0 : i32
        %dma_start3A_823 = arith.constant 0 : i32
        %dma_start3A_824 = tpu.memref_slice %arg5[%dma_start3A_822, %dma_start3A_823] : memref<1000000x128xf32, #tpu.memory_space<hbm>> -> memref<1000000x128xf32, #tpu.memory_space<hbm>>
        tpu.enqueue_indirect_dma source(%dma_start3A_824 : memref<1000000x128xf32, #tpu.memory_space<hbm>>) target(%dma_start3A_819 : memref<16x128xf32, #tpu.memory_space<vmem>>) offsets(%dma_start3A_821 : memref<16xi32, #tpu.memory_space<vmem>>) semaphore(%arg17 : memref<!tpu.dma_semaphore, #tpu.memory_space<semaphore_mem>>)
        %dma_start3A_825 = arith.constant 4 : i32
        %dma_start3A_826 = arith.constant 2 : i32
        %dma_start3A_827 = arith.constant 64 : i32
        %dma_start3A_828 = arith.constant 0 : i32
        %dma_start3A_829 = tpu.memref_slice %arg10[%dma_start3A_826, %dma_start3A_827, %dma_start3A_828] : memref<4x80x128xf32, #tpu.memory_space<vmem>> -> memref<1x16x128xf32, #tpu.memory_space<vmem>>
        %dma_start3A_830 = tpu.memref_squeeze %dma_start3A_829 : memref<1x16x128xf32, #tpu.memory_space<vmem>> -> memref<16x128xf32, #tpu.memory_space<vmem>>
        %dma_start3A_831 = tpu.memref_slice %arg8[%dma_start3A_825, %multiple_of3A_771] : memref<5x512xi32, #tpu.memory_space<vmem>> -> memref<1x16xi32, #tpu.memory_space<vmem>>
        %dma_start3A_832 = tpu.memref_squeeze %dma_start3A_831 : memref<1x16xi32, #tpu.memory_space<vmem>> -> memref<16xi32, #tpu.memory_space<vmem>>
        %dma_start3A_833 = arith.constant 0 : i32
        %dma_start3A_834 = arith.constant 0 : i32
        %dma_start3A_835 = tpu.memref_slice %arg5[%dma_start3A_833, %dma_start3A_834] : memref<1000000x128xf32, #tpu.memory_space<hbm>> -> memref<1000000x128xf32, #tpu.memory_space<hbm>>
        tpu.enqueue_indirect_dma source(%dma_start3A_835 : memref<1000000x128xf32, #tpu.memory_space<hbm>>) target(%dma_start3A_830 : memref<16x128xf32, #tpu.memory_space<vmem>>) offsets(%dma_start3A_832 : memref<16xi32, #tpu.memory_space<vmem>>) semaphore(%arg17 : memref<!tpu.dma_semaphore, #tpu.memory_space<semaphore_mem>>)
      } else {
      }
      %dma_wait3A_636 = arith.constant 3 : i32
      %dma_wait3A_637 = arith.constant 0 : i32
      %dma_wait3A_638 = arith.constant 0 : i32
      %dma_wait3A_639 = tpu.memref_slice %arg9[%dma_wait3A_636, %dma_wait3A_637, %dma_wait3A_638] : memref<4x16x128xf32, #tpu.memory_space<vmem>> -> memref<1x16x128xf32, #tpu.memory_space<vmem>>
      %dma_wait3A_640 = tpu.memref_squeeze %dma_wait3A_639 : memref<1x16x128xf32, #tpu.memory_space<vmem>> -> memref<16x128xf32, #tpu.memory_space<vmem>>
      %dma_wait3A_641 = arith.constant 0 : i32
      %dma_wait3A_642 = arith.constant 0 : i32
      %dma_wait3A_643 = tpu.memref_slice %arg4[%dma_wait3A_641, %dma_wait3A_642] : memref<1000000x128xf32, #tpu.memory_space<hbm>> -> memref<16x128xf32, #tpu.memory_space<hbm>>
      %dma_wait3A_644 = arith.constant 0 : i32
      %dma_wait3A_645 = arith.constant 0 : i32
      %dma_wait3A_646 = tpu.memref_slice %arg9[%dma_wait3A_636, %dma_wait3A_644, %dma_wait3A_645] : memref<4x16x128xf32, #tpu.memory_space<vmem>> -> memref<1x16x128xf32, #tpu.memory_space<vmem>>
      %dma_wait3A_647 = tpu.memref_squeeze %dma_wait3A_646 : memref<1x16x128xf32, #tpu.memory_space<vmem>> -> memref<16x128xf32, #tpu.memory_space<vmem>>
      %dma_wait3A_648 = arith.constant 0 : i32
      %dma_wait3A_649 = arith.constant 0 : i32
      %dma_wait3A_650 = tpu.memref_slice %arg4[%dma_wait3A_648, %dma_wait3A_649] : memref<1000000x128xf32, #tpu.memory_space<hbm>> -> memref<16x128xf32, #tpu.memory_space<hbm>>
      tpu.wait_dma2 semaphore(%arg18 : memref<!tpu.dma_semaphore, #tpu.memory_space<semaphore_mem>>) src(%dma_wait3A_650 : memref<16x128xf32, #tpu.memory_space<hbm>>) dst(%dma_wait3A_647 : memref<16x128xf32, #tpu.memory_space<vmem>>)
      %dma_wait3A_651 = arith.constant 3 : i32
      %dma_wait3A_652 = arith.constant 0 : i32
      %dma_wait3A_653 = arith.constant 0 : i32
      %dma_wait3A_654 = tpu.memref_slice %arg10[%dma_wait3A_651, %dma_wait3A_652, %dma_wait3A_653] : memref<4x80x128xf32, #tpu.memory_space<vmem>> -> memref<1x16x128xf32, #tpu.memory_space<vmem>>
      %dma_wait3A_655 = tpu.memref_squeeze %dma_wait3A_654 : memref<1x16x128xf32, #tpu.memory_space<vmem>> -> memref<16x128xf32, #tpu.memory_space<vmem>>
      %dma_wait3A_656 = arith.constant 0 : i32
      %dma_wait3A_657 = arith.constant 0 : i32
      %dma_wait3A_658 = tpu.memref_slice %arg4[%dma_wait3A_656, %dma_wait3A_657] : memref<1000000x128xf32, #tpu.memory_space<hbm>> -> memref<16x128xf32, #tpu.memory_space<hbm>>
      %dma_wait3A_659 = arith.constant 0 : i32
      %dma_wait3A_660 = arith.constant 0 : i32
      %dma_wait3A_661 = tpu.memref_slice %arg10[%dma_wait3A_651, %dma_wait3A_659, %dma_wait3A_660] : memref<4x80x128xf32, #tpu.memory_space<vmem>> -> memref<1x16x128xf32, #tpu.memory_space<vmem>>
      %dma_wait3A_662 = tpu.memref_squeeze %dma_wait3A_661 : memref<1x16x128xf32, #tpu.memory_space<vmem>> -> memref<16x128xf32, #tpu.memory_space<vmem>>
      %dma_wait3A_663 = arith.constant 0 : i32
      %dma_wait3A_664 = arith.constant 0 : i32
      %dma_wait3A_665 = tpu.memref_slice %arg4[%dma_wait3A_663, %dma_wait3A_664] : memref<1000000x128xf32, #tpu.memory_space<hbm>> -> memref<16x128xf32, #tpu.memory_space<hbm>>
      tpu.wait_dma2 semaphore(%arg19 : memref<!tpu.dma_semaphore, #tpu.memory_space<semaphore_mem>>) src(%dma_wait3A_665 : memref<16x128xf32, #tpu.memory_space<hbm>>) dst(%dma_wait3A_662 : memref<16x128xf32, #tpu.memory_space<vmem>>)
      %dma_wait3A_666 = arith.constant 3 : i32
      %dma_wait3A_667 = arith.constant 16 : i32
      %dma_wait3A_668 = arith.constant 0 : i32
      %dma_wait3A_669 = tpu.memref_slice %arg10[%dma_wait3A_666, %dma_wait3A_667, %dma_wait3A_668] : memref<4x80x128xf32, #tpu.memory_space<vmem>> -> memref<1x16x128xf32, #tpu.memory_space<vmem>>
      %dma_wait3A_670 = tpu.memref_squeeze %dma_wait3A_669 : memref<1x16x128xf32, #tpu.memory_space<vmem>> -> memref<16x128xf32, #tpu.memory_space<vmem>>
      %dma_wait3A_671 = arith.constant 0 : i32
      %dma_wait3A_672 = arith.constant 0 : i32
      %dma_wait3A_673 = tpu.memref_slice %arg4[%dma_wait3A_671, %dma_wait3A_672] : memref<1000000x128xf32, #tpu.memory_space<hbm>> -> memref<16x128xf32, #tpu.memory_space<hbm>>
      %dma_wait3A_674 = arith.constant 16 : i32
      %dma_wait3A_675 = arith.constant 0 : i32
      %dma_wait3A_676 = tpu.memref_slice %arg10[%dma_wait3A_666, %dma_wait3A_674, %dma_wait3A_675] : memref<4x80x128xf32, #tpu.memory_space<vmem>> -> memref<1x16x128xf32, #tpu.memory_space<vmem>>
      %dma_wait3A_677 = tpu.memref_squeeze %dma_wait3A_676 : memref<1x16x128xf32, #tpu.memory_space<vmem>> -> memref<16x128xf32, #tpu.memory_space<vmem>>
      %dma_wait3A_678 = arith.constant 0 : i32
      %dma_wait3A_679 = arith.constant 0 : i32
      %dma_wait3A_680 = tpu.memref_slice %arg4[%dma_wait3A_678, %dma_wait3A_679] : memref<1000000x128xf32, #tpu.memory_space<hbm>> -> memref<16x128xf32, #tpu.memory_space<hbm>>
      tpu.wait_dma2 semaphore(%arg19 : memref<!tpu.dma_semaphore, #tpu.memory_space<semaphore_mem>>) src(%dma_wait3A_680 : memref<16x128xf32, #tpu.memory_space<hbm>>) dst(%dma_wait3A_677 : memref<16x128xf32, #tpu.memory_space<vmem>>)
      %dma_wait3A_681 = arith.constant 3 : i32
      %dma_wait3A_682 = arith.constant 32 : i32
      %dma_wait3A_683 = arith.constant 0 : i32
      %dma_wait3A_684 = tpu.memref_slice %arg10[%dma_wait3A_681, %dma_wait3A_682, %dma_wait3A_683] : memref<4x80x128xf32, #tpu.memory_space<vmem>> -> memref<1x16x128xf32, #tpu.memory_space<vmem>>
      %dma_wait3A_685 = tpu.memref_squeeze %dma_wait3A_684 : memref<1x16x128xf32, #tpu.memory_space<vmem>> -> memref<16x128xf32, #tpu.memory_space<vmem>>
      %dma_wait3A_686 = arith.constant 0 : i32
      %dma_wait3A_687 = arith.constant 0 : i32
      %dma_wait3A_688 = tpu.memref_slice %arg4[%dma_wait3A_686, %dma_wait3A_687] : memref<1000000x128xf32, #tpu.memory_space<hbm>> -> memref<16x128xf32, #tpu.memory_space<hbm>>
      %dma_wait3A_689 = arith.constant 32 : i32
      %dma_wait3A_690 = arith.constant 0 : i32
      %dma_wait3A_691 = tpu.memref_slice %arg10[%dma_wait3A_681, %dma_wait3A_689, %dma_wait3A_690] : memref<4x80x128xf32, #tpu.memory_space<vmem>> -> memref<1x16x128xf32, #tpu.memory_space<vmem>>
      %dma_wait3A_692 = tpu.memref_squeeze %dma_wait3A_691 : memref<1x16x128xf32, #tpu.memory_space<vmem>> -> memref<16x128xf32, #tpu.memory_space<vmem>>
      %dma_wait3A_693 = arith.constant 0 : i32
      %dma_wait3A_694 = arith.constant 0 : i32
      %dma_wait3A_695 = tpu.memref_slice %arg4[%dma_wait3A_693, %dma_wait3A_694] : memref<1000000x128xf32, #tpu.memory_space<hbm>> -> memref<16x128xf32, #tpu.memory_space<hbm>>
      tpu.wait_dma2 semaphore(%arg19 : memref<!tpu.dma_semaphore, #tpu.memory_space<semaphore_mem>>) src(%dma_wait3A_695 : memref<16x128xf32, #tpu.memory_space<hbm>>) dst(%dma_wait3A_692 : memref<16x128xf32, #tpu.memory_space<vmem>>)
      %dma_wait3A_696 = arith.constant 3 : i32
      %dma_wait3A_697 = arith.constant 48 : i32
      %dma_wait3A_698 = arith.constant 0 : i32
      %dma_wait3A_699 = tpu.memref_slice %arg10[%dma_wait3A_696, %dma_wait3A_697, %dma_wait3A_698] : memref<4x80x128xf32, #tpu.memory_space<vmem>> -> memref<1x16x128xf32, #tpu.memory_space<vmem>>
      %dma_wait3A_700 = tpu.memref_squeeze %dma_wait3A_699 : memref<1x16x128xf32, #tpu.memory_space<vmem>> -> memref<16x128xf32, #tpu.memory_space<vmem>>
      %dma_wait3A_701 = arith.constant 0 : i32
      %dma_wait3A_702 = arith.constant 0 : i32
      %dma_wait3A_703 = tpu.memref_slice %arg4[%dma_wait3A_701, %dma_wait3A_702] : memref<1000000x128xf32, #tpu.memory_space<hbm>> -> memref<16x128xf32, #tpu.memory_space<hbm>>
      %dma_wait3A_704 = arith.constant 48 : i32
      %dma_wait3A_705 = arith.constant 0 : i32
      %dma_wait3A_706 = tpu.memref_slice %arg10[%dma_wait3A_696, %dma_wait3A_704, %dma_wait3A_705] : memref<4x80x128xf32, #tpu.memory_space<vmem>> -> memref<1x16x128xf32, #tpu.memory_space<vmem>>
      %dma_wait3A_707 = tpu.memref_squeeze %dma_wait3A_706 : memref<1x16x128xf32, #tpu.memory_space<vmem>> -> memref<16x128xf32, #tpu.memory_space<vmem>>
      %dma_wait3A_708 = arith.constant 0 : i32
      %dma_wait3A_709 = arith.constant 0 : i32
      %dma_wait3A_710 = tpu.memref_slice %arg4[%dma_wait3A_708, %dma_wait3A_709] : memref<1000000x128xf32, #tpu.memory_space<hbm>> -> memref<16x128xf32, #tpu.memory_space<hbm>>
      tpu.wait_dma2 semaphore(%arg19 : memref<!tpu.dma_semaphore, #tpu.memory_space<semaphore_mem>>) src(%dma_wait3A_710 : memref<16x128xf32, #tpu.memory_space<hbm>>) dst(%dma_wait3A_707 : memref<16x128xf32, #tpu.memory_space<vmem>>)
      %dma_wait3A_711 = arith.constant 3 : i32
      %dma_wait3A_712 = arith.constant 64 : i32
      %dma_wait3A_713 = arith.constant 0 : i32
      %dma_wait3A_714 = tpu.memref_slice %arg10[%dma_wait3A_711, %dma_wait3A_712, %dma_wait3A_713] : memref<4x80x128xf32, #tpu.memory_space<vmem>> -> memref<1x16x128xf32, #tpu.memory_space<vmem>>
      %dma_wait3A_715 = tpu.memref_squeeze %dma_wait3A_714 : memref<1x16x128xf32, #tpu.memory_space<vmem>> -> memref<16x128xf32, #tpu.memory_space<vmem>>
      %dma_wait3A_716 = arith.constant 0 : i32
      %dma_wait3A_717 = arith.constant 0 : i32
      %dma_wait3A_718 = tpu.memref_slice %arg4[%dma_wait3A_716, %dma_wait3A_717] : memref<1000000x128xf32, #tpu.memory_space<hbm>> -> memref<16x128xf32, #tpu.memory_space<hbm>>
      %dma_wait3A_719 = arith.constant 64 : i32
      %dma_wait3A_720 = arith.constant 0 : i32
      %dma_wait3A_721 = tpu.memref_slice %arg10[%dma_wait3A_711, %dma_wait3A_719, %dma_wait3A_720] : memref<4x80x128xf32, #tpu.memory_space<vmem>> -> memref<1x16x128xf32, #tpu.memory_space<vmem>>
      %dma_wait3A_722 = tpu.memref_squeeze %dma_wait3A_721 : memref<1x16x128xf32, #tpu.memory_space<vmem>> -> memref<16x128xf32, #tpu.memory_space<vmem>>
      %dma_wait3A_723 = arith.constant 0 : i32
      %dma_wait3A_724 = arith.constant 0 : i32
      %dma_wait3A_725 = tpu.memref_slice %arg4[%dma_wait3A_723, %dma_wait3A_724] : memref<1000000x128xf32, #tpu.memory_space<hbm>> -> memref<16x128xf32, #tpu.memory_space<hbm>>
      tpu.wait_dma2 semaphore(%arg19 : memref<!tpu.dma_semaphore, #tpu.memory_space<semaphore_mem>>) src(%dma_wait3A_725 : memref<16x128xf32, #tpu.memory_space<hbm>>) dst(%dma_wait3A_722 : memref<16x128xf32, #tpu.memory_space<vmem>>)
      %broadcast_in_dim3A_726 = arith.constant 0.000000e+00 : f32
      %broadcast_in_dim3A_727 = vector.broadcast %broadcast_in_dim3A_726 : f32 to vector<16xf32>
      %broadcast_in_dim3A_728 = arith.constant 0.000000e+00 : f32
      %broadcast_in_dim3A_729 = vector.broadcast %broadcast_in_dim3A_728 : f32 to vector<16xf32>
      %broadcast_in_dim3A_730 = arith.constant 0.000000e+00 : f32
      %broadcast_in_dim3A_731 = vector.broadcast %broadcast_in_dim3A_730 : f32 to vector<16xf32>
      %broadcast_in_dim3A_732 = arith.constant 0.000000e+00 : f32
      %broadcast_in_dim3A_733 = vector.broadcast %broadcast_in_dim3A_732 : f32 to vector<16xf32>
      %broadcast_in_dim3A_734 = arith.constant 0.000000e+00 : f32
      %broadcast_in_dim3A_735 = vector.broadcast %broadcast_in_dim3A_734 : f32 to vector<16xf32>
      %scan3A_736 = arith.constant 0 : i32
      %scan3A_737 = arith.constant 16 : i32
      %scan3A_738 = arith.addi %scan3A_736, %scan3A_737 : i32
      %scan3A_739 = arith.constant 1 : i32
      %scan3A_740:5 = scf.for %scan3A_765 = %scan3A_736 to %scan3A_738 step %scan3A_739 iter_args(%scan3A_766 = %broadcast_in_dim3A_727, %scan3A_767 = %broadcast_in_dim3A_729, %scan3A_768 = %broadcast_in_dim3A_731, %scan3A_769 = %broadcast_in_dim3A_733, %scan3A_770 = %broadcast_in_dim3A_735) -> (vector<16xf32>, vector<16xf32>, vector<16xf32>, vector<16xf32>, vector<16xf32>)  : i32 {
        %get3A = arith.constant 3 : i32
        %get3A_771 = arith.index_cast %get3A : i32 to index
        %get3A_772 = arith.index_cast %scan3A_765 : i32 to index
        %get3A_773 = arith.constant 0 : index
        %get3A_774 = tpu.vector_load %arg9[%get3A_771, %get3A_772, %get3A_773] {strides = array<i32>} : memref<4x16x128xf32, #tpu.memory_space<vmem>>, vector<16xf32>,
        %get3A_775 = arith.constant 3 : i32
        %get3A_776 = arith.index_cast %get3A_775 : i32 to index
        %get3A_777 = arith.index_cast %scan3A_765 : i32 to index
        %get3A_778 = arith.constant 16 : index
        %get3A_779 = tpu.vector_load %arg9[%get3A_776, %get3A_777, %get3A_778] {strides = array<i32>} : memref<4x16x128xf32, #tpu.memory_space<vmem>>, vector<16xf32>,
        %get3A_780 = arith.constant 3 : i32
        %get3A_781 = arith.index_cast %get3A_780 : i32 to index
        %get3A_782 = arith.index_cast %scan3A_765 : i32 to index
        %get3A_783 = arith.constant 32 : index
        %get3A_784 = tpu.vector_load %arg9[%get3A_781, %get3A_782, %get3A_783] {strides = array<i32>} : memref<4x16x128xf32, #tpu.memory_space<vmem>>, vector<16xf32>,
        %get3A_785 = arith.constant 3 : i32
        %get3A_786 = arith.index_cast %get3A_785 : i32 to index
        %get3A_787 = arith.index_cast %scan3A_765 : i32 to index
        %get3A_788 = arith.constant 48 : index
        %get3A_789 = tpu.vector_load %arg9[%get3A_786, %get3A_787, %get3A_788] {strides = array<i32>} : memref<4x16x128xf32, #tpu.memory_space<vmem>>, vector<16xf32>,
        %get3A_790 = arith.constant 3 : i32
        %get3A_791 = arith.index_cast %get3A_790 : i32 to index
        %get3A_792 = arith.index_cast %scan3A_765 : i32 to index
        %get3A_793 = arith.constant 64 : index
        %get3A_794 = tpu.vector_load %arg9[%get3A_791, %get3A_792, %get3A_793] {strides = array<i32>} : memref<4x16x128xf32, #tpu.memory_space<vmem>>, vector<16xf32>,
        %get3A_795 = arith.constant 3 : i32
        %get3A_796 = arith.index_cast %get3A_795 : i32 to index
        %get3A_797 = arith.index_cast %scan3A_765 : i32 to index
        %get3A_798 = arith.constant 80 : index
        %get3A_799 = tpu.vector_load %arg9[%get3A_796, %get3A_797, %get3A_798] {strides = array<i32>} : memref<4x16x128xf32, #tpu.memory_space<vmem>>, vector<16xf32>,
        %get3A_800 = arith.constant 3 : i32
        %get3A_801 = arith.index_cast %get3A_800 : i32 to index
        %get3A_802 = arith.index_cast %scan3A_765 : i32 to index
        %get3A_803 = arith.constant 96 : index
        %get3A_804 = tpu.vector_load %arg9[%get3A_801, %get3A_802, %get3A_803] {strides = array<i32>} : memref<4x16x128xf32, #tpu.memory_space<vmem>>, vector<16xf32>,
        %get3A_805 = arith.constant 3 : i32
        %get3A_806 = arith.index_cast %get3A_805 : i32 to index
        %get3A_807 = arith.index_cast %scan3A_765 : i32 to index
        %get3A_808 = arith.constant 112 : index
        %get3A_809 = tpu.vector_load %arg9[%get3A_806, %get3A_807, %get3A_808] {strides = array<i32>} : memref<4x16x128xf32, #tpu.memory_space<vmem>>, vector<16xf32>,
        %add3A_810 = arith.constant 0 : i32
        %add3A_811 = arith.addi %add3A_810, %scan3A_765 : i32
        %get3A_812 = arith.constant 3 : i32
        %get3A_813 = arith.index_cast %get3A_812 : i32 to index
        %get3A_814 = arith.index_cast %add3A_811 : i32 to index
        %get3A_815 = arith.constant 0 : index
        %get3A_816 = tpu.vector_load %arg10[%get3A_813, %get3A_814, %get3A_815] {strides = array<i32>} : memref<4x80x128xf32, #tpu.memory_space<vmem>>, vector<16xf32>,
        %mul3A_817 = arith.mulf %get3A_774, %get3A_816 : vector<16xf32>
        %get3A_818 = arith.constant 3 : i32
        %get3A_819 = arith.index_cast %get3A_818 : i32 to index
        %get3A_820 = arith.index_cast %add3A_811 : i32 to index
        %get3A_821 = arith.constant 16 : index
        %get3A_822 = tpu.vector_load %arg10[%get3A_819, %get3A_820, %get3A_821] {strides = array<i32>} : memref<4x80x128xf32, #tpu.memory_space<vmem>>, vector<16xf32>,
        %mul3A_823 = arith.mulf %get3A_779, %get3A_822 : vector<16xf32>
        %add3A_824 = arith.addf %mul3A_817, %mul3A_823 : vector<16xf32>
        %get3A_825 = arith.constant 3 : i32
        %get3A_826 = arith.index_cast %get3A_825 : i32 to index
        %get3A_827 = arith.index_cast %add3A_811 : i32 to index
        %get3A_828 = arith.constant 32 : index
        %get3A_829 = tpu.vector_load %arg10[%get3A_826, %get3A_827, %get3A_828] {strides = array<i32>} : memref<4x80x128xf32, #tpu.memory_space<vmem>>, vector<16xf32>,
        %mul3A_830 = arith.mulf %get3A_784, %get3A_829 : vector<16xf32>
        %add3A_831 = arith.addf %add3A_824, %mul3A_830 : vector<16xf32>
        %get3A_832 = arith.constant 3 : i32
        %get3A_833 = arith.index_cast %get3A_832 : i32 to index
        %get3A_834 = arith.index_cast %add3A_811 : i32 to index
        %get3A_835 = arith.constant 48 : index
        %get3A_836 = tpu.vector_load %arg10[%get3A_833, %get3A_834, %get3A_835] {strides = array<i32>} : memref<4x80x128xf32, #tpu.memory_space<vmem>>, vector<16xf32>,
        %mul3A_837 = arith.mulf %get3A_789, %get3A_836 : vector<16xf32>
        %add3A_838 = arith.addf %add3A_831, %mul3A_837 : vector<16xf32>
        %get3A_839 = arith.constant 3 : i32
        %get3A_840 = arith.index_cast %get3A_839 : i32 to index
        %get3A_841 = arith.index_cast %add3A_811 : i32 to index
        %get3A_842 = arith.constant 64 : index
        %get3A_843 = tpu.vector_load %arg10[%get3A_840, %get3A_841, %get3A_842] {strides = array<i32>} : memref<4x80x128xf32, #tpu.memory_space<vmem>>, vector<16xf32>,
        %mul3A_844 = arith.mulf %get3A_794, %get3A_843 : vector<16xf32>
        %add3A_845 = arith.addf %add3A_838, %mul3A_844 : vector<16xf32>
        %get3A_846 = arith.constant 3 : i32
        %get3A_847 = arith.index_cast %get3A_846 : i32 to index
        %get3A_848 = arith.index_cast %add3A_811 : i32 to index
        %get3A_849 = arith.constant 80 : index
        %get3A_850 = tpu.vector_load %arg10[%get3A_847, %get3A_848, %get3A_849] {strides = array<i32>} : memref<4x80x128xf32, #tpu.memory_space<vmem>>, vector<16xf32>,
        %mul3A_851 = arith.mulf %get3A_799, %get3A_850 : vector<16xf32>
        %add3A_852 = arith.addf %add3A_845, %mul3A_851 : vector<16xf32>
        %get3A_853 = arith.constant 3 : i32
        %get3A_854 = arith.index_cast %get3A_853 : i32 to index
        %get3A_855 = arith.index_cast %add3A_811 : i32 to index
        %get3A_856 = arith.constant 96 : index
        %get3A_857 = tpu.vector_load %arg10[%get3A_854, %get3A_855, %get3A_856] {strides = array<i32>} : memref<4x80x128xf32, #tpu.memory_space<vmem>>, vector<16xf32>,
        %mul3A_858 = arith.mulf %get3A_804, %get3A_857 : vector<16xf32>
        %add3A_859 = arith.addf %add3A_852, %mul3A_858 : vector<16xf32>
        %get3A_860 = arith.constant 3 : i32
        %get3A_861 = arith.index_cast %get3A_860 : i32 to index
        %get3A_862 = arith.index_cast %add3A_811 : i32 to index
        %get3A_863 = arith.constant 112 : index
        %get3A_864 = tpu.vector_load %arg10[%get3A_861, %get3A_862, %get3A_863] {strides = array<i32>} : memref<4x80x128xf32, #tpu.memory_space<vmem>>, vector<16xf32>,
        %mul3A_865 = arith.mulf %get3A_809, %get3A_864 : vector<16xf32>
        %add3A_866 = arith.addf %add3A_859, %mul3A_865 : vector<16xf32>
        %eq3A = vector.broadcast %scan3A_765 : i32 to vector<16xi32>
        %eq3A_867 = arith.cmpi eq, %iota3A, %eq3A : vector<16xi32>
        %reduce_sum3A = arith.constant true
        %reduce_sum3A_868 = vector.broadcast %reduce_sum3A : i1 to vector<16xi1>
        %reduce_sum3A_869 = tpu.scan <sum>, %add3A_866 masked %reduce_sum3A_868 : vector<16xf32>, vector<16xi1> -> vector<16xf32>
        %reduce_sum3A_870 = vector.extract %reduce_sum3A_869[15] : f32 from vector<16xf32>
        %broadcast_in_dim3A_871 = vector.broadcast %reduce_sum3A_870 : f32 to vector<16xf32>
        %select_n3A = arith.select %eq3A_867, %broadcast_in_dim3A_871, %scan3A_766 : vector<16xi1>, vector<16xf32>
        %add3A_872 = arith.constant 16 : i32
        %add3A_873 = arith.addi %add3A_872, %scan3A_765 : i32
        %get3A_874 = arith.constant 3 : i32
        %get3A_875 = arith.index_cast %get3A_874 : i32 to index
        %get3A_876 = arith.index_cast %add3A_873 : i32 to index
        %get3A_877 = arith.constant 0 : index
        %get3A_878 = tpu.vector_load %arg10[%get3A_875, %get3A_876, %get3A_877] {strides = array<i32>} : memref<4x80x128xf32, #tpu.memory_space<vmem>>, vector<16xf32>,
        %mul3A_879 = arith.mulf %get3A_774, %get3A_878 : vector<16xf32>
        %get3A_880 = arith.constant 3 : i32
        %get3A_881 = arith.index_cast %get3A_880 : i32 to index
        %get3A_882 = arith.index_cast %add3A_873 : i32 to index
        %get3A_883 = arith.constant 16 : index
        %get3A_884 = tpu.vector_load %arg10[%get3A_881, %get3A_882, %get3A_883] {strides = array<i32>} : memref<4x80x128xf32, #tpu.memory_space<vmem>>, vector<16xf32>,
        %mul3A_885 = arith.mulf %get3A_779, %get3A_884 : vector<16xf32>
        %add3A_886 = arith.addf %mul3A_879, %mul3A_885 : vector<16xf32>
        %get3A_887 = arith.constant 3 : i32
        %get3A_888 = arith.index_cast %get3A_887 : i32 to index
        %get3A_889 = arith.index_cast %add3A_873 : i32 to index
        %get3A_890 = arith.constant 32 : index
        %get3A_891 = tpu.vector_load %arg10[%get3A_888, %get3A_889, %get3A_890] {strides = array<i32>} : memref<4x80x128xf32, #tpu.memory_space<vmem>>, vector<16xf32>,
        %mul3A_892 = arith.mulf %get3A_784, %get3A_891 : vector<16xf32>
        %add3A_893 = arith.addf %add3A_886, %mul3A_892 : vector<16xf32>
        %get3A_894 = arith.constant 3 : i32
        %get3A_895 = arith.index_cast %get3A_894 : i32 to index
        %get3A_896 = arith.index_cast %add3A_873 : i32 to index
        %get3A_897 = arith.constant 48 : index
        %get3A_898 = tpu.vector_load %arg10[%get3A_895, %get3A_896, %get3A_897] {strides = array<i32>} : memref<4x80x128xf32, #tpu.memory_space<vmem>>, vector<16xf32>,
        %mul3A_899 = arith.mulf %get3A_789, %get3A_898 : vector<16xf32>
        %add3A_900 = arith.addf %add3A_893, %mul3A_899 : vector<16xf32>
        %get3A_901 = arith.constant 3 : i32
        %get3A_902 = arith.index_cast %get3A_901 : i32 to index
        %get3A_903 = arith.index_cast %add3A_873 : i32 to index
        %get3A_904 = arith.constant 64 : index
        %get3A_905 = tpu.vector_load %arg10[%get3A_902, %get3A_903, %get3A_904] {strides = array<i32>} : memref<4x80x128xf32, #tpu.memory_space<vmem>>, vector<16xf32>,
        %mul3A_906 = arith.mulf %get3A_794, %get3A_905 : vector<16xf32>
        %add3A_907 = arith.addf %add3A_900, %mul3A_906 : vector<16xf32>
        %get3A_908 = arith.constant 3 : i32
        %get3A_909 = arith.index_cast %get3A_908 : i32 to index
        %get3A_910 = arith.index_cast %add3A_873 : i32 to index
        %get3A_911 = arith.constant 80 : index
        %get3A_912 = tpu.vector_load %arg10[%get3A_909, %get3A_910, %get3A_911] {strides = array<i32>} : memref<4x80x128xf32, #tpu.memory_space<vmem>>, vector<16xf32>,
        %mul3A_913 = arith.mulf %get3A_799, %get3A_912 : vector<16xf32>
        %add3A_914 = arith.addf %add3A_907, %mul3A_913 : vector<16xf32>
        %get3A_915 = arith.constant 3 : i32
        %get3A_916 = arith.index_cast %get3A_915 : i32 to index
        %get3A_917 = arith.index_cast %add3A_873 : i32 to index
        %get3A_918 = arith.constant 96 : index
        %get3A_919 = tpu.vector_load %arg10[%get3A_916, %get3A_917, %get3A_918] {strides = array<i32>} : memref<4x80x128xf32, #tpu.memory_space<vmem>>, vector<16xf32>,
        %mul3A_920 = arith.mulf %get3A_804, %get3A_919 : vector<16xf32>
        %add3A_921 = arith.addf %add3A_914, %mul3A_920 : vector<16xf32>
        %get3A_922 = arith.constant 3 : i32
        %get3A_923 = arith.index_cast %get3A_922 : i32 to index
        %get3A_924 = arith.index_cast %add3A_873 : i32 to index
        %get3A_925 = arith.constant 112 : index
        %get3A_926 = tpu.vector_load %arg10[%get3A_923, %get3A_924, %get3A_925] {strides = array<i32>} : memref<4x80x128xf32, #tpu.memory_space<vmem>>, vector<16xf32>,
        %mul3A_927 = arith.mulf %get3A_809, %get3A_926 : vector<16xf32>
        %add3A_928 = arith.addf %add3A_921, %mul3A_927 : vector<16xf32>
        %eq3A_929 = vector.broadcast %scan3A_765 : i32 to vector<16xi32>
        %eq3A_930 = arith.cmpi eq, %iota3A, %eq3A_929 : vector<16xi32>
        %reduce_sum3A_931 = arith.constant true
        %reduce_sum3A_932 = vector.broadcast %reduce_sum3A_931 : i1 to vector<16xi1>
        %reduce_sum3A_933 = tpu.scan <sum>, %add3A_928 masked %reduce_sum3A_932 : vector<16xf32>, vector<16xi1> -> vector<16xf32>
        %reduce_sum3A_934 = vector.extract %reduce_sum3A_933[15] : f32 from vector<16xf32>
        %broadcast_in_dim3A_935 = vector.broadcast %reduce_sum3A_934 : f32 to vector<16xf32>
        %select_n3A_936 = arith.select %eq3A_930, %broadcast_in_dim3A_935, %scan3A_767 : vector<16xi1>, vector<16xf32>
        %add3A_937 = arith.constant 32 : i32
        %add3A_938 = arith.addi %add3A_937, %scan3A_765 : i32
        %get3A_939 = arith.constant 3 : i32
        %get3A_940 = arith.index_cast %get3A_939 : i32 to index
        %get3A_941 = arith.index_cast %add3A_938 : i32 to index
        %get3A_942 = arith.constant 0 : index
        %get3A_943 = tpu.vector_load %arg10[%get3A_940, %get3A_941, %get3A_942] {strides = array<i32>} : memref<4x80x128xf32, #tpu.memory_space<vmem>>, vector<16xf32>,
        %mul3A_944 = arith.mulf %get3A_774, %get3A_943 : vector<16xf32>
        %get3A_945 = arith.constant 3 : i32
        %get3A_946 = arith.index_cast %get3A_945 : i32 to index
        %get3A_947 = arith.index_cast %add3A_938 : i32 to index
        %get3A_948 = arith.constant 16 : index
        %get3A_949 = tpu.vector_load %arg10[%get3A_946, %get3A_947, %get3A_948] {strides = array<i32>} : memref<4x80x128xf32, #tpu.memory_space<vmem>>, vector<16xf32>,
        %mul3A_950 = arith.mulf %get3A_779, %get3A_949 : vector<16xf32>
        %add3A_951 = arith.addf %mul3A_944, %mul3A_950 : vector<16xf32>
        %get3A_952 = arith.constant 3 : i32
        %get3A_953 = arith.index_cast %get3A_952 : i32 to index
        %get3A_954 = arith.index_cast %add3A_938 : i32 to index
        %get3A_955 = arith.constant 32 : index
        %get3A_956 = tpu.vector_load %arg10[%get3A_953, %get3A_954, %get3A_955] {strides = array<i32>} : memref<4x80x128xf32, #tpu.memory_space<vmem>>, vector<16xf32>,
        %mul3A_957 = arith.mulf %get3A_784, %get3A_956 : vector<16xf32>
        %add3A_958 = arith.addf %add3A_951, %mul3A_957 : vector<16xf32>
        %get3A_959 = arith.constant 3 : i32
        %get3A_960 = arith.index_cast %get3A_959 : i32 to index
        %get3A_961 = arith.index_cast %add3A_938 : i32 to index
        %get3A_962 = arith.constant 48 : index
        %get3A_963 = tpu.vector_load %arg10[%get3A_960, %get3A_961, %get3A_962] {strides = array<i32>} : memref<4x80x128xf32, #tpu.memory_space<vmem>>, vector<16xf32>,
        %mul3A_964 = arith.mulf %get3A_789, %get3A_963 : vector<16xf32>
        %add3A_965 = arith.addf %add3A_958, %mul3A_964 : vector<16xf32>
        %get3A_966 = arith.constant 3 : i32
        %get3A_967 = arith.index_cast %get3A_966 : i32 to index
        %get3A_968 = arith.index_cast %add3A_938 : i32 to index
        %get3A_969 = arith.constant 64 : index
        %get3A_970 = tpu.vector_load %arg10[%get3A_967, %get3A_968, %get3A_969] {strides = array<i32>} : memref<4x80x128xf32, #tpu.memory_space<vmem>>, vector<16xf32>,
        %mul3A_971 = arith.mulf %get3A_794, %get3A_970 : vector<16xf32>
        %add3A_972 = arith.addf %add3A_965, %mul3A_971 : vector<16xf32>
        %get3A_973 = arith.constant 3 : i32
        %get3A_974 = arith.index_cast %get3A_973 : i32 to index
        %get3A_975 = arith.index_cast %add3A_938 : i32 to index
        %get3A_976 = arith.constant 80 : index
        %get3A_977 = tpu.vector_load %arg10[%get3A_974, %get3A_975, %get3A_976] {strides = array<i32>} : memref<4x80x128xf32, #tpu.memory_space<vmem>>, vector<16xf32>,
        %mul3A_978 = arith.mulf %get3A_799, %get3A_977 : vector<16xf32>
        %add3A_979 = arith.addf %add3A_972, %mul3A_978 : vector<16xf32>
        %get3A_980 = arith.constant 3 : i32
        %get3A_981 = arith.index_cast %get3A_980 : i32 to index
        %get3A_982 = arith.index_cast %add3A_938 : i32 to index
        %get3A_983 = arith.constant 96 : index
        %get3A_984 = tpu.vector_load %arg10[%get3A_981, %get3A_982, %get3A_983] {strides = array<i32>} : memref<4x80x128xf32, #tpu.memory_space<vmem>>, vector<16xf32>,
        %mul3A_985 = arith.mulf %get3A_804, %get3A_984 : vector<16xf32>
        %add3A_986 = arith.addf %add3A_979, %mul3A_985 : vector<16xf32>
        %get3A_987 = arith.constant 3 : i32
        %get3A_988 = arith.index_cast %get3A_987 : i32 to index
        %get3A_989 = arith.index_cast %add3A_938 : i32 to index
        %get3A_990 = arith.constant 112 : index
        %get3A_991 = tpu.vector_load %arg10[%get3A_988, %get3A_989, %get3A_990] {strides = array<i32>} : memref<4x80x128xf32, #tpu.memory_space<vmem>>, vector<16xf32>,
        %mul3A_992 = arith.mulf %get3A_809, %get3A_991 : vector<16xf32>
        %add3A_993 = arith.addf %add3A_986, %mul3A_992 : vector<16xf32>
        %eq3A_994 = vector.broadcast %scan3A_765 : i32 to vector<16xi32>
        %eq3A_995 = arith.cmpi eq, %iota3A, %eq3A_994 : vector<16xi32>
        %reduce_sum3A_996 = arith.constant true
        %reduce_sum3A_997 = vector.broadcast %reduce_sum3A_996 : i1 to vector<16xi1>
        %reduce_sum3A_998 = tpu.scan <sum>, %add3A_993 masked %reduce_sum3A_997 : vector<16xf32>, vector<16xi1> -> vector<16xf32>
        %reduce_sum3A_999 = vector.extract %reduce_sum3A_998[15] : f32 from vector<16xf32>
        %broadcast_in_dim3A_1000 = vector.broadcast %reduce_sum3A_999 : f32 to vector<16xf32>
        %select_n3A_1001 = arith.select %eq3A_995, %broadcast_in_dim3A_1000, %scan3A_768 : vector<16xi1>, vector<16xf32>
        %add3A_1002 = arith.constant 48 : i32
        %add3A_1003 = arith.addi %add3A_1002, %scan3A_765 : i32
        %get3A_1004 = arith.constant 3 : i32
        %get3A_1005 = arith.index_cast %get3A_1004 : i32 to index
        %get3A_1006 = arith.index_cast %add3A_1003 : i32 to index
        %get3A_1007 = arith.constant 0 : index
        %get3A_1008 = tpu.vector_load %arg10[%get3A_1005, %get3A_1006, %get3A_1007] {strides = array<i32>} : memref<4x80x128xf32, #tpu.memory_space<vmem>>, vector<16xf32>,
        %mul3A_1009 = arith.mulf %get3A_774, %get3A_1008 : vector<16xf32>
        %get3A_1010 = arith.constant 3 : i32
        %get3A_1011 = arith.index_cast %get3A_1010 : i32 to index
        %get3A_1012 = arith.index_cast %add3A_1003 : i32 to index
        %get3A_1013 = arith.constant 16 : index
        %get3A_1014 = tpu.vector_load %arg10[%get3A_1011, %get3A_1012, %get3A_1013] {strides = array<i32>} : memref<4x80x128xf32, #tpu.memory_space<vmem>>, vector<16xf32>,
        %mul3A_1015 = arith.mulf %get3A_779, %get3A_1014 : vector<16xf32>
        %add3A_1016 = arith.addf %mul3A_1009, %mul3A_1015 : vector<16xf32>
        %get3A_1017 = arith.constant 3 : i32
        %get3A_1018 = arith.index_cast %get3A_1017 : i32 to index
        %get3A_1019 = arith.index_cast %add3A_1003 : i32 to index
        %get3A_1020 = arith.constant 32 : index
        %get3A_1021 = tpu.vector_load %arg10[%get3A_1018, %get3A_1019, %get3A_1020] {strides = array<i32>} : memref<4x80x128xf32, #tpu.memory_space<vmem>>, vector<16xf32>,
        %mul3A_1022 = arith.mulf %get3A_784, %get3A_1021 : vector<16xf32>
        %add3A_1023 = arith.addf %add3A_1016, %mul3A_1022 : vector<16xf32>
        %get3A_1024 = arith.constant 3 : i32
        %get3A_1025 = arith.index_cast %get3A_1024 : i32 to index
        %get3A_1026 = arith.index_cast %add3A_1003 : i32 to index
        %get3A_1027 = arith.constant 48 : index
        %get3A_1028 = tpu.vector_load %arg10[%get3A_1025, %get3A_1026, %get3A_1027] {strides = array<i32>} : memref<4x80x128xf32, #tpu.memory_space<vmem>>, vector<16xf32>,
        %mul3A_1029 = arith.mulf %get3A_789, %get3A_1028 : vector<16xf32>
        %add3A_1030 = arith.addf %add3A_1023, %mul3A_1029 : vector<16xf32>
        %get3A_1031 = arith.constant 3 : i32
        %get3A_1032 = arith.index_cast %get3A_1031 : i32 to index
        %get3A_1033 = arith.index_cast %add3A_1003 : i32 to index
        %get3A_1034 = arith.constant 64 : index
        %get3A_1035 = tpu.vector_load %arg10[%get3A_1032, %get3A_1033, %get3A_1034] {strides = array<i32>} : memref<4x80x128xf32, #tpu.memory_space<vmem>>, vector<16xf32>,
        %mul3A_1036 = arith.mulf %get3A_794, %get3A_1035 : vector<16xf32>
        %add3A_1037 = arith.addf %add3A_1030, %mul3A_1036 : vector<16xf32>
        %get3A_1038 = arith.constant 3 : i32
        %get3A_1039 = arith.index_cast %get3A_1038 : i32 to index
        %get3A_1040 = arith.index_cast %add3A_1003 : i32 to index
        %get3A_1041 = arith.constant 80 : index
        %get3A_1042 = tpu.vector_load %arg10[%get3A_1039, %get3A_1040, %get3A_1041] {strides = array<i32>} : memref<4x80x128xf32, #tpu.memory_space<vmem>>, vector<16xf32>,
        %mul3A_1043 = arith.mulf %get3A_799, %get3A_1042 : vector<16xf32>
        %add3A_1044 = arith.addf %add3A_1037, %mul3A_1043 : vector<16xf32>
        %get3A_1045 = arith.constant 3 : i32
        %get3A_1046 = arith.index_cast %get3A_1045 : i32 to index
        %get3A_1047 = arith.index_cast %add3A_1003 : i32 to index
        %get3A_1048 = arith.constant 96 : index
        %get3A_1049 = tpu.vector_load %arg10[%get3A_1046, %get3A_1047, %get3A_1048] {strides = array<i32>} : memref<4x80x128xf32, #tpu.memory_space<vmem>>, vector<16xf32>,
        %mul3A_1050 = arith.mulf %get3A_804, %get3A_1049 : vector<16xf32>
        %add3A_1051 = arith.addf %add3A_1044, %mul3A_1050 : vector<16xf32>
        %get3A_1052 = arith.constant 3 : i32
        %get3A_1053 = arith.index_cast %get3A_1052 : i32 to index
        %get3A_1054 = arith.index_cast %add3A_1003 : i32 to index
        %get3A_1055 = arith.constant 112 : index
        %get3A_1056 = tpu.vector_load %arg10[%get3A_1053, %get3A_1054, %get3A_1055] {strides = array<i32>} : memref<4x80x128xf32, #tpu.memory_space<vmem>>, vector<16xf32>,
        %mul3A_1057 = arith.mulf %get3A_809, %get3A_1056 : vector<16xf32>
        %add3A_1058 = arith.addf %add3A_1051, %mul3A_1057 : vector<16xf32>
        %eq3A_1059 = vector.broadcast %scan3A_765 : i32 to vector<16xi32>
        %eq3A_1060 = arith.cmpi eq, %iota3A, %eq3A_1059 : vector<16xi32>
        %reduce_sum3A_1061 = arith.constant true
        %reduce_sum3A_1062 = vector.broadcast %reduce_sum3A_1061 : i1 to vector<16xi1>
        %reduce_sum3A_1063 = tpu.scan <sum>, %add3A_1058 masked %reduce_sum3A_1062 : vector<16xf32>, vector<16xi1> -> vector<16xf32>
        %reduce_sum3A_1064 = vector.extract %reduce_sum3A_1063[15] : f32 from vector<16xf32>
        %broadcast_in_dim3A_1065 = vector.broadcast %reduce_sum3A_1064 : f32 to vector<16xf32>
        %select_n3A_1066 = arith.select %eq3A_1060, %broadcast_in_dim3A_1065, %scan3A_769 : vector<16xi1>, vector<16xf32>
        %add3A_1067 = arith.constant 64 : i32
        %add3A_1068 = arith.addi %add3A_1067, %scan3A_765 : i32
        %get3A_1069 = arith.constant 3 : i32
        %get3A_1070 = arith.index_cast %get3A_1069 : i32 to index
        %get3A_1071 = arith.index_cast %add3A_1068 : i32 to index
        %get3A_1072 = arith.constant 0 : index
        %get3A_1073 = tpu.vector_load %arg10[%get3A_1070, %get3A_1071, %get3A_1072] {strides = array<i32>} : memref<4x80x128xf32, #tpu.memory_space<vmem>>, vector<16xf32>,
        %mul3A_1074 = arith.mulf %get3A_774, %get3A_1073 : vector<16xf32>
        %get3A_1075 = arith.constant 3 : i32
        %get3A_1076 = arith.index_cast %get3A_1075 : i32 to index
        %get3A_1077 = arith.index_cast %add3A_1068 : i32 to index
        %get3A_1078 = arith.constant 16 : index
        %get3A_1079 = tpu.vector_load %arg10[%get3A_1076, %get3A_1077, %get3A_1078] {strides = array<i32>} : memref<4x80x128xf32, #tpu.memory_space<vmem>>, vector<16xf32>,
        %mul3A_1080 = arith.mulf %get3A_779, %get3A_1079 : vector<16xf32>
        %add3A_1081 = arith.addf %mul3A_1074, %mul3A_1080 : vector<16xf32>
        %get3A_1082 = arith.constant 3 : i32
        %get3A_1083 = arith.index_cast %get3A_1082 : i32 to index
        %get3A_1084 = arith.index_cast %add3A_1068 : i32 to index
        %get3A_1085 = arith.constant 32 : index
        %get3A_1086 = tpu.vector_load %arg10[%get3A_1083, %get3A_1084, %get3A_1085] {strides = array<i32>} : memref<4x80x128xf32, #tpu.memory_space<vmem>>, vector<16xf32>,
        %mul3A_1087 = arith.mulf %get3A_784, %get3A_1086 : vector<16xf32>
        %add3A_1088 = arith.addf %add3A_1081, %mul3A_1087 : vector<16xf32>
        %get3A_1089 = arith.constant 3 : i32
        %get3A_1090 = arith.index_cast %get3A_1089 : i32 to index
        %get3A_1091 = arith.index_cast %add3A_1068 : i32 to index
        %get3A_1092 = arith.constant 48 : index
        %get3A_1093 = tpu.vector_load %arg10[%get3A_1090, %get3A_1091, %get3A_1092] {strides = array<i32>} : memref<4x80x128xf32, #tpu.memory_space<vmem>>, vector<16xf32>,
        %mul3A_1094 = arith.mulf %get3A_789, %get3A_1093 : vector<16xf32>
        %add3A_1095 = arith.addf %add3A_1088, %mul3A_1094 : vector<16xf32>
        %get3A_1096 = arith.constant 3 : i32
        %get3A_1097 = arith.index_cast %get3A_1096 : i32 to index
        %get3A_1098 = arith.index_cast %add3A_1068 : i32 to index
        %get3A_1099 = arith.constant 64 : index
        %get3A_1100 = tpu.vector_load %arg10[%get3A_1097, %get3A_1098, %get3A_1099] {strides = array<i32>} : memref<4x80x128xf32, #tpu.memory_space<vmem>>, vector<16xf32>,
        %mul3A_1101 = arith.mulf %get3A_794, %get3A_1100 : vector<16xf32>
        %add3A_1102 = arith.addf %add3A_1095, %mul3A_1101 : vector<16xf32>
        %get3A_1103 = arith.constant 3 : i32
        %get3A_1104 = arith.index_cast %get3A_1103 : i32 to index
        %get3A_1105 = arith.index_cast %add3A_1068 : i32 to index
        %get3A_1106 = arith.constant 80 : index
        %get3A_1107 = tpu.vector_load %arg10[%get3A_1104, %get3A_1105, %get3A_1106] {strides = array<i32>} : memref<4x80x128xf32, #tpu.memory_space<vmem>>, vector<16xf32>,
        %mul3A_1108 = arith.mulf %get3A_799, %get3A_1107 : vector<16xf32>
        %add3A_1109 = arith.addf %add3A_1102, %mul3A_1108 : vector<16xf32>
        %get3A_1110 = arith.constant 3 : i32
        %get3A_1111 = arith.index_cast %get3A_1110 : i32 to index
        %get3A_1112 = arith.index_cast %add3A_1068 : i32 to index
        %get3A_1113 = arith.constant 96 : index
        %get3A_1114 = tpu.vector_load %arg10[%get3A_1111, %get3A_1112, %get3A_1113] {strides = array<i32>} : memref<4x80x128xf32, #tpu.memory_space<vmem>>, vector<16xf32>,
        %mul3A_1115 = arith.mulf %get3A_804, %get3A_1114 : vector<16xf32>
        %add3A_1116 = arith.addf %add3A_1109, %mul3A_1115 : vector<16xf32>
        %get3A_1117 = arith.constant 3 : i32
        %get3A_1118 = arith.index_cast %get3A_1117 : i32 to index
        %get3A_1119 = arith.index_cast %add3A_1068 : i32 to index
        %get3A_1120 = arith.constant 112 : index
        %get3A_1121 = tpu.vector_load %arg10[%get3A_1118, %get3A_1119, %get3A_1120] {strides = array<i32>} : memref<4x80x128xf32, #tpu.memory_space<vmem>>, vector<16xf32>,
        %mul3A_1122 = arith.mulf %get3A_809, %get3A_1121 : vector<16xf32>
        %add3A_1123 = arith.addf %add3A_1116, %mul3A_1122 : vector<16xf32>
        %eq3A_1124 = vector.broadcast %scan3A_765 : i32 to vector<16xi32>
        %eq3A_1125 = arith.cmpi eq, %iota3A, %eq3A_1124 : vector<16xi32>
        %reduce_sum3A_1126 = arith.constant true
        %reduce_sum3A_1127 = vector.broadcast %reduce_sum3A_1126 : i1 to vector<16xi1>
        %reduce_sum3A_1128 = tpu.scan <sum>, %add3A_1123 masked %reduce_sum3A_1127 : vector<16xf32>, vector<16xi1> -> vector<16xf32>
        %reduce_sum3A_1129 = vector.extract %reduce_sum3A_1128[15] : f32 from vector<16xf32>
        %broadcast_in_dim3A_1130 = vector.broadcast %reduce_sum3A_1129 : f32 to vector<16xf32>
        %select_n3A_1131 = arith.select %eq3A_1125, %broadcast_in_dim3A_1130, %scan3A_770 : vector<16xi1>, vector<16xf32>
        scf.yield %select_n3A, %select_n3A_936, %select_n3A_1001, %select_n3A_1066, %select_n3A_1131 : vector<16xf32>, vector<16xf32>, vector<16xf32>, vector<16xf32>, vector<16xf32>
      }
      %scan3A_741 = arith.constant 16 : i32
      %mul3A_742 = arith.constant 16 : i32
      %mul3A_743 = arith.muli %add3A_626, %mul3A_742 : i32
      %multiple_of3A_744 = tpu.assume_multiple %mul3A_743, 16 : i32
      %swap3A_745 = arith.constant 0 : i32
      %swap3A_746 = arith.index_cast %swap3A_745 : i32 to index
      %swap3A_747 = arith.index_cast %multiple_of3A_744 : i32 to index
      %swap3A_748 = tpu.vector_load %arg11[%swap3A_746, %swap3A_747] {strides = array<i32>} : memref<5x512xf32, #tpu.memory_space<vmem>>, vector<16xf32>,
      tpu.vector_store %arg11[%swap3A_746, %swap3A_747], %scan3A_740#0 {strides = array<i32>} : memref<5x512xf32, #tpu.memory_space<vmem>>, vector<16xf32>,
      %swap3A_749 = arith.constant 1 : i32
      %swap3A_750 = arith.index_cast %swap3A_749 : i32 to index
      %swap3A_751 = arith.index_cast %multiple_of3A_744 : i32 to index
      %swap3A_752 = tpu.vector_load %arg11[%swap3A_750, %swap3A_751] {strides = array<i32>} : memref<5x512xf32, #tpu.memory_space<vmem>>, vector<16xf32>,
      tpu.vector_store %arg11[%swap3A_750, %swap3A_751], %scan3A_740#1 {strides = array<i32>} : memref<5x512xf32, #tpu.memory_space<vmem>>, vector<16xf32>,
      %swap3A_753 = arith.constant 2 : i32
      %swap3A_754 = arith.index_cast %swap3A_753 : i32 to index
      %swap3A_755 = arith.index_cast %multiple_of3A_744 : i32 to index
      %swap3A_756 = tpu.vector_load %arg11[%swap3A_754, %swap3A_755] {strides = array<i32>} : memref<5x512xf32, #tpu.memory_space<vmem>>, vector<16xf32>,
      tpu.vector_store %arg11[%swap3A_754, %swap3A_755], %scan3A_740#2 {strides = array<i32>} : memref<5x512xf32, #tpu.memory_space<vmem>>, vector<16xf32>,
      %swap3A_757 = arith.constant 3 : i32
      %swap3A_758 = arith.index_cast %swap3A_757 : i32 to index
      %swap3A_759 = arith.index_cast %multiple_of3A_744 : i32 to index
      %swap3A_760 = tpu.vector_load %arg11[%swap3A_758, %swap3A_759] {strides = array<i32>} : memref<5x512xf32, #tpu.memory_space<vmem>>, vector<16xf32>,
      tpu.vector_store %arg11[%swap3A_758, %swap3A_759], %scan3A_740#3 {strides = array<i32>} : memref<5x512xf32, #tpu.memory_space<vmem>>, vector<16xf32>,
      %swap3A_761 = arith.constant 4 : i32
      %swap3A_762 = arith.index_cast %swap3A_761 : i32 to index
      %swap3A_763 = arith.index_cast %multiple_of3A_744 : i32 to index
      %swap3A_764 = tpu.vector_load %arg11[%swap3A_762, %swap3A_763] {strides = array<i32>} : memref<5x512xf32, #tpu.memory_space<vmem>>, vector<16xf32>,
      tpu.vector_store %arg11[%swap3A_762, %swap3A_763], %scan3A_740#4 {strides = array<i32>} : memref<5x512xf32, #tpu.memory_space<vmem>>, vector<16xf32>,
    }
    %scan3A_202 = arith.constant 8 : i32
    "tpu.region"() ({
      %run_scoped3A = tpu.sem_alloc : memref<!tpu.dma_semaphore, #tpu.memory_space<semaphore_mem>>
      %dma_start3A_203 = arith.constant 0 : i32
      %dma_start3A_204 = tpu.memref_slice %arg6[%dma_start3A_203, %mul3A_2] : memref<5x16384xf32, #tpu.memory_space<hbm>> -> memref<5x512xf32, #tpu.memory_space<hbm>>
      %dma_start3A_205 = arith.constant 0 : i32
      %dma_start3A_206 = tpu.memref_slice %arg6[%dma_start3A_205, %mul3A_2] : memref<5x16384xf32, #tpu.memory_space<hbm>> -> memref<5x512xf32, #tpu.memory_space<hbm>>
      tpu.enqueue_dma source(%arg11 : memref<5x512xf32, #tpu.memory_space<vmem>>) target(%dma_start3A_206 : memref<5x512xf32, #tpu.memory_space<hbm>>) target_semaphore(%run_scoped3A : memref<!tpu.dma_semaphore, #tpu.memory_space<semaphore_mem>>)
      %dma_wait3A = arith.constant 0 : i32
      %dma_wait3A_207 = tpu.memref_slice %arg6[%dma_wait3A, %mul3A_2] : memref<5x16384xf32, #tpu.memory_space<hbm>> -> memref<5x512xf32, #tpu.memory_space<hbm>>
      %dma_wait3A_208 = arith.constant 0 : i32
      %dma_wait3A_209 = tpu.memref_slice %arg6[%dma_wait3A_208, %mul3A_2] : memref<5x16384xf32, #tpu.memory_space<hbm>> -> memref<5x512xf32, #tpu.memory_space<hbm>>
      tpu.wait_dma2 semaphore(%run_scoped3A : memref<!tpu.dma_semaphore, #tpu.memory_space<semaphore_mem>>) src(%arg11 : memref<5x512xf32, #tpu.memory_space<vmem>>) dst(%dma_wait3A_209 : memref<5x512xf32, #tpu.memory_space<hbm>>)
      tpu.yield
    }) : () -> ()
    return
  }
}

</mosaic_0001>

<sc_bundles>
// kernel: _w2v.3.cloned.1.call-start
scs
__scs_entry_jumppad:
0x0: {  	(pc) =	sbr.rel $0x88, $3  }
0x1: {  	(tag) =	ssettag $0x0;
	lr =	simm.s32 $0x1  }
0x2: {  	[smem:$0x3F9D] =	sst lr;
	_ =	strace $0xD0000000  }
0x3: {  	_ = 	snop  }
0x4: {  	_ = 	snop  }
0x5: {  	_ = 	snop  }
0x6: {  	_ = 	snop  }
0x7: {  	_ = 	snop  }
__scs_overlays_trampoline_lowered:
0x8: {  	[smem:$0x3FAC] =	sst s0  }
0x9: {  	[smem:$0x3FAD] =	sst s1  }
0xa: {  	[smem:$0x3FAE] =	sst s2  }
0xb: {  	[smem:$0x3FAF] =	sst s3  }
0xc: {  	[smem:$0x3FB0] =	sst s4  }
0xd: {  	[smem:$0x3FB1] =	sst s5  }
0xe: {  	[smem:$0x3FB2] =	sst s6  }
0xf: {  	[smem:$0x3FB3] =	sst s7  }
0x10: {  	[smem:$0x3FB4] =	sst s8  }
0x11: {  	[smem:$0x3FB5] =	sst s9;
	s0 =	simm.s32 @!p0 $0x0  }
0x12: {  	s1 =	sld [smem:$0x3F9B];
	s0 =	simm.s32 @p0 $0x1  }
0x13: {  	[smem:$0x3FB6] =	sst s0;
	s0 =	simm.s32 @!p1 $0x0  }
0x14: {  	s2 =	sld [smem:$0x3F9A];
	s0 =	simm.s32 @p1 $0x1  }
0x15: {  	[smem:$0x3FB7] =	sst s0;
	s0 =	simm.s32 @!p2 $0x0  }
0x16: {  	s3 =	sld [smem:$0x3FDB];
	s0 =	simm.s32 @p2 $0x1  }
0x17: {  	s4 =	simm.s32 $0x1BF5;
	[smem:$0x3FB9] =	sst s0  }
0x18: {  	s0 =	sld [smem:$0x3F9C];
	_ =	swait.ge [sflag:s4], $0x0  }
0x19: {  	s7 =	sld [smem:$0x3F9D]  }
0x1a: {  	s8 =	sadd.s32 $0xFFFFE003, lr  }
0x1b: {  	s9 =	sadd.s32 $0xFFFFFEF7, lr;
	s5 =	simm.s32 $0xFFFFFFFF;
	p2 =	slt.u32 s8, $0xFFFFF086  }
0x1c: {  	p1 =	slt.u32 s9, $0xF7A;
	s5 =	simm.s32 @!p2 $0x0  }
0x1d: {  	s5 =	simm.s32 @p1 $0x1;
	p0 =	seq.s32 s7, s2  }
0x1e: {  	s7 =	smul.u32 @!p0 $0xF7A, s2;
	p2 =	seq.s32 @!p0 s5, $0x0  }
0x1f: {  	s9 =	smul.u32 $0xF7A, s1;
	s8 =	simm.s32 @!p0 $0x1BF5;
	p2 =	por !p2, p0  }
0x20: {  	[sflag:s8] =	ssyncset.s32 @!p0 $0xFFFFF086;
	s6 =	sadd.s32 @!p0 s3, s7;
	s7 =	simm.s32 @!p0 $0x108  }
0x21: {  	s3 =	sadd.s32 s3, s9;
	s6 =	sadd.s32 @!p0 $0x88, s6;
	s7 =	simm.s32 @p2 $0x1082  }
0x22: {  	[simem:s7], [sflag:s8] =	dma.local @!p0 [hbm:s6], $0xF7A  }
0x23: {  	s9 =	sor.u32 $0xD0000000, s2;
	s6 =	simm.s32 $0x108;
	_ =	swait.ge @!p0 [sflag:s8], $0x0  }
0x24: {  	s3 =	sadd.s32 $0x88, s3;
	s6 =	simm.s32 @!p1 $0x1082;
	[sflag:s4] =	ssyncset.s32 $0xFFFFF086  }
0x25: {  	[simem:s6], [sflag:s4] =	dma.local [hbm:s3], $0xF7A  }
0x26: {  	[smem:$0x3F9D] =	sst s1;
	(tag) =	ssettag s2;
	_ =	strace s9  }
0x27: {  	s1 =	sld [smem:$0x3FAD]  }
0x28: {  	s2 =	sld [smem:$0x3FAE]  }
0x29: {  	s4 =	sld [smem:$0x3FB0]  }
0x2a: {  	p0 =	seq.s32 s5, $0x0;
	s5 =	sld [smem:$0x3FB1]  }
0x2b: {  	s6 =	sld [smem:$0x3FB2]  }
0x2c: {  	s7 =	sld [smem:$0x3FB3]  }
0x2d: {  	s3 =	simm.s32 $0x108;
	s8 =	sld [smem:$0x3FB4]  }
0x2e: {  	s3 =	simm.s32 @!p0 $0x1082;
	s9 =	sld [smem:$0x3FB5]  }
0x2f: {  	lr =	sadd.s32 s0, s3;
	s0 =	sld [smem:$0x3FAC]  }
0x30: {  	s3 =	sld [smem:$0x3FAF]  }
0x31: {  	[smem:$0x3FB8] =	sst s10  }
0x32: {  	s10 =	sld [smem:$0x3FB6];
	_ =	sdelay $0x3  }
0x33: {  	p0 =	seq.s32 s10, $0x1;
	s10 =	sld [smem:$0x3FB8];
	_ =	sdelay $0x3  }
0x34: {  	[smem:$0x3FB8] =	sst s10  }
0x35: {  	s10 =	sld [smem:$0x3FB7];
	_ =	sdelay $0x3  }
0x36: {  	p1 =	seq.s32 s10, $0x1;
	s10 =	sld [smem:$0x3FB8];
	_ =	sdelay $0x3  }
0x37: {  	[smem:$0x3FB8] =	sst s10  }
0x38: {  	s10 =	sld [smem:$0x3FB9]  }
0x39: {  	_ = 	snop;
	(pc) =	sbr.ind lr, $3  }
0x3a: {  	_ = 	snop  }
0x3b: {  	_ = 	snop  }
0x3c: {  	p2 =	seq.s32 s10, $0x1;
	s10 =	sld [smem:$0x3FB8]  }
0x3d: {  	_ =	shalt  }
0x3e: {  	_ =	shalt  }
0x3f: {  	_ =	shalt  }
0x40: {  	_ =	shalt  }
0x41: {  	_ =	shalt  }
0x42: {  	_ =	shalt  }
0x43: {  	_ =	shalt  }
0x44: {  	_ =	shalt  }
0x45: {  	_ =	shalt  }
0x46: {  	_ =	shalt  }
0x47: {  	_ =	shalt  }
0x48: {  	_ =	shalt  }
0x49: {  	_ =	shalt  }
0x4a: {  	_ =	shalt  }
0x4b: {  	_ =	shalt  }
0x4c: {  	_ =	shalt  }
0x4d: {  	_ =	shalt  }
0x4e: {  	_ =	shalt  }
0x4f: {  	_ =	shalt  }
0x50: {  	_ =	shalt  }
0x51: {  	_ =	shalt  }
0x52: {  	_ =	shalt  }
0x53: {  	_ =	shalt  }
0x54: {  	_ =	shalt  }
0x55: {  	_ =	shalt  }
0x56: {  	_ =	shalt  }
0x57: {  	_ =	shalt  }
0x58: {  	_ =	shalt  }
0x59: {  	_ =	shalt  }
0x5a: {  	_ =	shalt  }
0x5b: {  	_ =	shalt  }
0x5c: {  	_ =	shalt  }
0x5d: {  	_ =	shalt  }
0x5e: {  	_ =	shalt  }
0x5f: {  	_ =	shalt  }
0x60: {  	_ =	shalt  }
0x61: {  	_ =	shalt  }
0x62: {  	_ =	shalt  }
0x63: {  	_ =	shalt  }
0x64: {  	_ =	shalt  }
0x65: {  	_ =	shalt  }
0x66: {  	_ =	shalt  }
0x67: {  	_ =	shalt  }
0x68: {  	_ =	shalt  }
0x69: {  	_ =	shalt  }
0x6a: {  	_ =	shalt  }
0x6b: {  	_ =	shalt  }
0x6c: {  	_ =	shalt  }
0x6d: {  	_ =	shalt  }
0x6e: {  	_ =	shalt  }
0x6f: {  	_ =	shalt  }
0x70: {  	_ =	shalt  }
0x71: {  	_ =	shalt  }
0x72: {  	_ =	shalt  }
0x73: {  	_ =	shalt  }
0x74: {  	_ =	shalt  }
0x75: {  	_ =	shalt  }
0x76: {  	_ =	shalt  }
0x77: {  	_ =	shalt  }
0x78: {  	_ =	shalt  }
0x79: {  	_ =	shalt  }
0x7a: {  	_ =	shalt  }
0x7b: {  	_ =	shalt  }
0x7c: {  	_ =	shalt  }
0x7d: {  	_ =	shalt  }
0x7e: {  	_ =	shalt  }
0x7f: {  	_ =	shalt  }
0x80: {  	_ =	shalt  }
0x81: {  	_ =	shalt  }
0x82: {  	_ =	shalt  }
0x83: {  	_ =	shalt  }
0x84: {  	_ =	shalt  }
0x85: {  	_ =	shalt  }
0x86: {  	_ =	shalt  }
0x87: {  	_ =	shalt  }
.Lfunc_end0:
.L_simem_size_0:
called_computation_lowered:
.L_overlay_start_0:
0x88: {  	s2 =	sld [smem:$0x3FD9]  }
0x89: {  	s3 =	sld [smem:$0x3FFE];
	_ =	sdelay $0x1  }
0x8a: {  	s1 =	srdreg.scid  }
0x8b: {  	s0 =	sand.u32 $0x1, s1  }
0x8c: {  	s18 =	sshll.u32 s0, $0xA;
	s2 =	sadd.s32 s3, s2  }
0x8d: {  	s2 =	sadd.s32 s2, s18  }
0x8e: {  	[smem:$0x3FC4] =	sst s2  }
0x8f: {  	_ = 	snop  }
0x90: {  	s2 =	sld [smem:$0x3FC9]  }
0x91: {  	s19 =	sld [smem:$0x3FC8]  }
0x92: {  	s4 =	sld [smem:$0x3FC7]  }
0x93: {  	s5 =	sld [smem:$0x3FC6]  }
0x94: {  	s6 =	sld [smem:$0x3FD0];
	(tm) =	ssettm $0x1  }
0x95: {  	s7 =	sld [smem:$0x3FFB];
	_ =	sdelay $0x3  }
0x96: {  	_ =	strace s7  }
0x97: {  	s7 =	sld [smem:$0x3FFC];
	_ =	sdelay $0x3  }
0x98: {  	_ =	strace s7  }
0x99: {  	s7 =	sld [smem:$0x3FFD];
	_ =	sdelay $0x3  }
0x9a: {  	_ =	strace s7  }
0x9b: {  	_ =	strace $0x8FFFFFFF  }
0x9c: {  	s20 =	sld [smem:$0x3FDB];
	_ =	sdelay $0x1  }
0x9d: {  	s8 =	simm.s32 $_scs_section_size  }
0x9e: {  	s9 =	simm.s32 $_size__tile_overlayer_lowered;
	s10 =	simm.s32 $_tile_overlayer_lowered  }
0x9f: {  	s23 =	simm.s32 $0x1BFF;
	s22 =	sshll.u32 s10, $0x1;
	s7 =	sadd.s32 s8, s20  }
0xa0: {  	s11 =	simm.s32 $0x0;
	s21 =	sshll.u32 s9, $0x1;
	s9 =	sadd.s32 s22, s7  }
0xa1: {  	[timem:s11], [sflag:s23] =	dma.local [hbm:s9], s21  }
0xa2: {  	_ =	swait.ge [sflag:s23], s21  }
0xa3: {  	s8 =	ssub.s32 $0x0, s21;
	[sflag:s23] =	ssyncset.done $0x0  }
0xa4: {  	[sflag:s23] =	ssyncadd.s32 s8;
	_ =	sdelay $0x1  }
0xa5: {  	s24 =	simm.s32 $0x1B8B  }
0xa6: {  	_ =	swait.ge [sflag:s24], $0x1  }
0xa7: {  	[sflag:s24] =	ssyncset.done $0x0  }
0xa8: {  	s25 =	simm.s32 $0x1B8E;
	[sflag:s24] =	ssyncadd.s32 $0xFFFFFFFF  }
0xa9: {  	s26 =	simm.s32 $execute0_lowered;
	[smem:$0x3FD2] =	sst s25  }
0xaa: {  	s8 =	sshll.u32 s26, $0x1;
	_ =	strace $0x80000046;
	[dreg:$0x1] =	wrdreg $0xFFFFFFFF  }
0xab: {  	s28 =	simm.s32 $_size_execute0_lowered;
	s7 =	sadd.s32 s7, s8;
	[dreg:$0x0] =	wrdreg $0x0  }
0xac: {  	s8 =	sshll.u32 s28, $0x1;
	[dreg:$0x2] =	wrdreg s7  }
0xad: {  	[dreg:$0x3] =	wrdreg s8  }
0xae: {  	[dreg:$0x4] =	wrdreg $0xC0  }
0xaf: {  	_ =	task [dreg:s11], $0x5FFFF  }
0xb0: {  	[dreg:$0x1] =	wrdreg $0xFFFFFFFF  }
0xb1: {  	[dreg:$0x0] =	wrdreg $0x60  }
0xb2: {  	[dreg:$0x2] =	wrdreg s2  }
0xb3: {  	[dreg:$0x3] =	wrdreg s19  }
0xb4: {  	[dreg:$0x4] =	wrdreg s4  }
0xb5: {  	[dreg:$0x5] =	wrdreg s5  }
0xb6: {  	[dreg:$0x6] =	wrdreg s6  }
0xb7: {  	[dreg:$0x7] =	wrdreg $0x9  }
0xb8: {  	_ =	task.clear_ibuf [dreg:s11], $0x8FFFF;
	_ =	strace $0x90000046  }
0xb9: {  	s29 =	simm.s32 $0x9;
	_ =	strace $0x80000048  }
0xba: {  	_ =	swait.ge [sflag:s29], $0x1  }
0xbb: {  	[sflag:s29] =	ssyncadd.s32 $0xFFFFFFFF  }
0xbc: {  	_ =	strace $0x90000048  }
0xbd: {  	_ =	sfence  }
0xbe: {  	s30 =	sld [smem:$0x0];
	_ =	sdelay $0x2  }
0xbf: {  	s31 =	sshll.u32 s1, $0xD;
	s1 =	sshrl.u32 s1, $0x2  }
0xc0: {  	s3 =	sand.u32 $0x4000, s31;
	s1 =	sadd.s32 s1, s30  }
0xc1: {  	s0 =	sor.u32 s3, s0;
	s1 =	sshll.u32 s1, $0x11  }
0xc2: {  	s0 =	sor.u32 s1, s0  }
0xc3: {  	s0 =	sadd.s32 $0x8F2B, s0  }
0xc4: {  	[sflag:s0] =	ssyncadd.remote.s32 $0x1  }
0xc5: {  	_ =	sfence.sel $0xFFFF  }
0xc6: {  	[dreg:$0x0] =	wrdreg $0xFFFFFFFF;
	(pc) =	sbr.abs _section_cstart, $3  }
0xc7: {  	[dreg:$0x1] =	wrdreg $0xFFFFFFFF  }
0xc8: {  	_ =	task.clear_ibuf [dreg:s11], $0x2FFFF;
	_ =	strace $0x9FFFFFFF  }
0xc9: {  	(tm) =	ssettm $0x7FFFFFFF  }
tec
execute0_lowered:
.L_overlay_start_1:
0x0: {  	(tag) =	ssettag $0x1  }
0x1: {  	s0 =	rddreg [dreg:$0x0]  }
0x2: {  	s2 =	rddreg [dreg:$0x1]  }
0x3: {  	s1 =	rddreg [dreg:$0x2]  }
0x4: {  	s3 =	rddreg [dreg:$0x3]  }
0x5: {  	s5 =	rddreg [dreg:$0x4]  }
0x6: {  	s4 =	srdreg.scid;
	s7 =	stileid.u32  }
0x7: {  	s11 =	simm.s32 $0x10;
	s28 =	simm.s32 $0xBA00;
	s29 =	simm.s32 $0xC200  }
0x8: {  	s30 =	simm.s32 $0xCA00;
	s31 =	simm.s32 $0x1;
	s12 =	simm.s32 $0x4  }
0x9: {  	s13 =	simm.s32 $0x5;
	s14 =	simm.s32 $0x6;
	s15 =	simm.s32 $0x7  }
0xa: {  	s16 =	simm.s32 $0x8;
	s18 =	simm.s32 $0x0;
	s6 =	sand.u32 $0x1, s4  }
0xb: {  	s4 =	simm.s32 $0x0;
	s7 =	sshll.u32 s7, $0xA;
	s8 =	sshll.u32 s6, $0x9  }
0xc: {  	[smem:$0x7FF] =	sst s4;
	s6 =	ssub.s32 $0x2, s6;
	s7 =	sor.u32 s8, s7  }
0xd: {  	_ =	strace $0x80000047;
	s23 =	sshrl.u32 s6, $0x1;
	s9 =	sshrl.u32 s7, $0x3  }
0xe: {  	s6 =	ssub.s32 s6, s23;
	s24 =	sadd.s32 s2, s7;
	s25 =	sadd.s32 s5, s7  }
0xf: {  	s2 =	simm.s32 $0x3;
	s0 =	sadd.s32 s0, s9;
	[dreg:$0x7] =	wrdreg s24  }
0x10: {  	[dreg:$0x8] =	wrdreg s25;
	s26 =	smax.u32 s6, $0x1;
	s6 =	simm.s32 $0x9  }
0x11: {  	s24 =	simm.s32 $0x2A00;
	s25 =	simm.s32 $0xAA00;
	[dreg:$0x6] =	wrdreg s0  }
0x12: {  	v0 =	vlaneseq.u32;
	[dreg:$0x9] =	wrdreg s26;
	s26 =	simm.s32 $0xB200;
	s0 =	simm.s32 $0x2  }
.LBB2_1:
0x13: {  	s5 =	rddreg [dreg:$0x6]  }
0x14: {  	[tilespmem:s4], [sflag:$0x9] =	stream.linear.gather [hbm4b:s5+s4], $0x200, $0x38;
	[tilespmem:$0xE200] =	vst v63  }
0x15: {  	_ =	swait.ge [sflag:s6], $0x200  }
0x16: {  	[sflag:s6] =	ssyncset.done $0x0  }
0x17: {  	s7 =	simm.s32 $0x200;
	s23 =	rddreg [dreg:$0x7];
	[sflag:s6] =	ssyncadd.s32 $0xFFFFFE00  }
0x18: {  	[tilespmem:s7], [sflag:$0x9] =	stream.linear.gather [hbm4b:s23+s4], $0x1000, $0x38;
	[tilespmem:$0xE200] =	vst v63  }
0x19: {  	_ =	swait.ge [sflag:s6], $0x1000  }
0x1a: {  	[sflag:s6] =	ssyncset.done $0x0  }
0x1b: {  	[sflag:s6] =	ssyncadd.s32 $0xFFFFF000;
	s6 =	simm.s32 $0x1200  }
0x1c: {  	[tilespmem:s6], [sflag:$0x1] =	stream.indirect.gather [hbm4b:s1+s11], $0x80, s4, s11, $0xb8;
	[tilespmem:$0xE200] =	vst v63  }
0x1d: {  	s8 =	simm.s32 $0x3200  }
0x1e: {  	[tilespmem:s8], [sflag:$0x2] =	stream.indirect.gather [hbm4b:s3+s11], $0x80, s7, s11, $0xb8;
	[tilespmem:$0xE200] =	vst v63  }
0x1f: {  	s9 =	simm.s32 $0x280;
	s10 =	simm.s32 $0x3A00  }
0x20: {  	[tilespmem:s10], [sflag:$0x2] =	stream.indirect.gather [hbm4b:s3+s11], $0x80, s9, s11, $0xb8;
	[tilespmem:$0xE200] =	vst v63  }
0x21: {  	s17 =	simm.s32 $0x300;
	s19 =	simm.s32 $0x4200  }
0x22: {  	[tilespmem:s19], [sflag:$0x2] =	stream.indirect.gather [hbm4b:s3+s11], $0x80, s17, s11, $0xb8;
	[tilespmem:$0xE200] =	vst v63  }
0x23: {  	s20 =	simm.s32 $0x380;
	s21 =	simm.s32 $0x4A00  }
0x24: {  	[tilespmem:s21], [sflag:$0x2] =	stream.indirect.gather [hbm4b:s3+s11], $0x80, s20, s11, $0xb8;
	[tilespmem:$0xE200] =	vst v63  }
0x25: {  	s22 =	simm.s32 $0x400;
	s23 =	simm.s32 $0x5200  }
0x26: {  	[tilespmem:s23], [sflag:$0x2] =	stream.indirect.gather [hbm4b:s3+s11], $0x80, s22, s11, $0xb8;
	[tilespmem:$0xE200] =	vst v63  }
0x27: {  	s6 =	simm.s32 $0x1A00  }
0x28: {  	[tilespmem:s6], [sflag:$0x3] =	stream.indirect.gather [hbm4b:s1+s11], $0x80, s11, s11, $0xb8;
	[tilespmem:$0xE200] =	vst v63  }
0x29: {  	s7 =	simm.s32 $0x210;
	s8 =	simm.s32 $0x5A00  }
0x2a: {  	[tilespmem:s8], [sflag:$0x4] =	stream.indirect.gather [hbm4b:s3+s11], $0x80, s7, s11, $0xb8;
	[tilespmem:$0xE200] =	vst v63  }
0x2b: {  	s9 =	simm.s32 $0x290;
	s10 =	simm.s32 $0x6200  }
0x2c: {  	[tilespmem:s10], [sflag:$0x4] =	stream.indirect.gather [hbm4b:s3+s11], $0x80, s9, s11, $0xb8;
	[tilespmem:$0xE200] =	vst v63  }
0x2d: {  	s17 =	simm.s32 $0x310;
	s19 =	simm.s32 $0x6A00  }
0x2e: {  	[tilespmem:s19], [sflag:$0x4] =	stream.indirect.gather [hbm4b:s3+s11], $0x80, s17, s11, $0xb8;
	[tilespmem:$0xE200] =	vst v63  }
0x2f: {  	s20 =	simm.s32 $0x390;
	s21 =	simm.s32 $0x7200  }
0x30: {  	[tilespmem:s21], [sflag:$0x4] =	stream.indirect.gather [hbm4b:s3+s11], $0x80, s20, s11, $0xb8;
	[tilespmem:$0xE200] =	vst v63  }
0x31: {  	s22 =	simm.s32 $0x410;
	s23 =	simm.s32 $0x7A00  }
0x32: {  	[tilespmem:s23], [sflag:$0x4] =	stream.indirect.gather [hbm4b:s3+s11], $0x80, s22, s11, $0xb8;
	[tilespmem:$0xE200] =	vst v63  }
0x33: {  	s5 =	simm.s32 $0x20;
	s6 =	simm.s32 $0x2200  }
0x34: {  	[tilespmem:s6], [sflag:$0x5] =	stream.indirect.gather [hbm4b:s1+s11], $0x80, s5, s11, $0xb8;
	[tilespmem:$0xE200] =	vst v63  }
0x35: {  	s7 =	simm.s32 $0x220;
	s8 =	simm.s32 $0x8200  }
0x36: {  	[tilespmem:s8], [sflag:$0x6] =	stream.indirect.gather [hbm4b:s3+s11], $0x80, s7, s11, $0xb8;
	[tilespmem:$0xE200] =	vst v63  }
0x37: {  	s9 =	simm.s32 $0x2A0;
	s10 =	simm.s32 $0x8A00  }
0x38: {  	[tilespmem:s10], [sflag:$0x6] =	stream.indirect.gather [hbm4b:s3+s11], $0x80, s9, s11, $0xb8;
	[tilespmem:$0xE200] =	vst v63  }
0x39: {  	s17 =	simm.s32 $0x320;
	s19 =	simm.s32 $0x9200  }
0x3a: {  	[tilespmem:s19], [sflag:$0x6] =	stream.indirect.gather [hbm4b:s3+s11], $0x80, s17, s11, $0xb8;
	[tilespmem:$0xE200] =	vst v63  }
0x3b: {  	s20 =	simm.s32 $0x3A0;
	s21 =	simm.s32 $0x9A00  }
0x3c: {  	[tilespmem:s21], [sflag:$0x6] =	stream.indirect.gather [hbm4b:s3+s11], $0x80, s20, s11, $0xb8;
	[tilespmem:$0xE200] =	vst v63  }
0x3d: {  	s22 =	simm.s32 $0x420;
	s23 =	simm.s32 $0xA200;
	s19 =	simm.s32 $0x0  }
0x3e: {  	[tilespmem:s23], [sflag:$0x6] =	stream.indirect.gather [hbm4b:s3+s11], $0x80, s22, s11, $0xb8;
	[tilespmem:$0xE200] =	vst v63  }
.LBB2_2:
0x3f: {  	s10 =	sshll.u32 s19, $0x6  }
0x40: {  	s23 =	sshll.u32 s19, $0x9;
	s5 =	sor.u32 $0x30, s10  }
0x41: {  	[tilespmem:s24], [sflag:$0x7] =	stream.indirect.gather [hbm4b:s1+s11], $0x80, s5, s11, $0xb8;
	[tilespmem:$0xE200] =	vst v63  }
0x42: {  	s17 =	sand.u32 $0xC00, s23;
	s21 =	sand.u32 $0x70, s5  }
0x43: {  	s5 =	sor.u32 s21, s17  }
0x44: {  	s6 =	sor.u32 $0x200, s5  }
0x45: {  	[tilespmem:s25], [sflag:$0x8] =	stream.indirect.gather [hbm4b:s3+s11], $0x80, s6, s11, $0xb8;
	[tilespmem:$0xE200] =	vst v63  }
0x46: {  	s22 =	sor.u32 $0x280, s5  }
0x47: {  	[tilespmem:s26], [sflag:$0x8] =	stream.indirect.gather [hbm4b:s3+s11], $0x80, s22, s11, $0xb8;
	[tilespmem:$0xE200] =	vst v63  }
0x48: {  	s7 =	sor.u32 s21, s23;
	s4 =	sor.u32 $0x300, s5  }
0x49: {  	[tilespmem:s28], [sflag:$0x8] =	stream.indirect.gather [hbm4b:s3+s11], $0x80, s4, s11, $0xb8;
	[tilespmem:$0xE200] =	vst v63  }
0x4a: {  	s5 =	sor.u32 $0x380, s5;
	s20 =	sor.u32 $0x200, s7  }
0x4b: {  	[tilespmem:s29], [sflag:$0x8] =	stream.indirect.gather [hbm4b:s3+s11], $0x80, s5, s11, $0xb8;
	[tilespmem:$0xE200] =	vst v63  }
0x4c: {  	s5 =	sadd.s32 $0x200, s20  }
0x4d: {  	[tilespmem:s30], [sflag:$0x8] =	stream.indirect.gather [hbm4b:s3+s11], $0x80, s5, s11, $0xb8;
	[tilespmem:$0xE200] =	vst v63  }
0x4e: {  	_ =	swait.ge [sflag:s31], $0x800  }
0x4f: {  	[sflag:s31] =	ssyncset.done $0x0  }
0x50: {  	[sflag:s31] =	ssyncadd.s32 $0xFFFFF800  }
0x51: {  	_ =	swait.ge [sflag:s0], $0x800  }
0x52: {  	[sflag:s0] =	ssyncset.done $0x0  }
0x53: {  	[sflag:s0] =	ssyncadd.s32 $0xFFFFF800  }
0x54: {  	_ =	swait.ge [sflag:s0], $0x800  }
0x55: {  	[sflag:s0] =	ssyncset.done $0x0  }
0x56: {  	[sflag:s0] =	ssyncadd.s32 $0xFFFFF800  }
0x57: {  	_ =	swait.ge [sflag:s0], $0x800  }
0x58: {  	[sflag:s0] =	ssyncset.done $0x0  }
0x59: {  	[sflag:s0] =	ssyncadd.s32 $0xFFFFF800  }
0x5a: {  	_ =	swait.ge [sflag:s0], $0x800  }
0x5b: {  	[sflag:s0] =	ssyncset.done $0x0  }
0x5c: {  	[sflag:s0] =	ssyncadd.s32 $0xFFFFF800  }
0x5d: {  	_ =	swait.ge [sflag:s0], $0x800  }
0x5e: {  	[sflag:s0] =	ssyncset.done $0x0  }
0x5f: {  	s8 =	simm.s32 $0x1240;
	[sflag:s0] =	ssyncadd.s32 $0xFFFFF800  }
0x60: {  	v1 =	vld [tilespmem:s8+$0xFFFFFFC0]  }
0x61: {  	s9 =	simm.s32 $0x4240;
	v2 =	vld [tilespmem:s8+$0xFFFFFFD0]  }
0x62: {  	v3 =	vld [tilespmem:s9+$0xFC0]  }
0x63: {  	v4 =	vld [tilespmem:s9+$0xFD0]  }
0x64: {  	v5 =	vld [tilespmem:s8+$0xFFFFFFE0]  }
0x65: {  	v7 =	vld [tilespmem:s9+$0xFE0]  }
0x66: {  	v8 =	vld [tilespmem:s8+$0xFFFFFFF0]  }
0x67: {  	v9 =	vld [tilespmem:s9+$0xFF0]  }
0x68: {  	v10 =	vld [tilespmem:s8+$0x0]  }
0x69: {  	v11 =	vld [tilespmem:s9+$0x1000]  }
0x6a: {  	v12 =	vld [tilespmem:s8+$0x10]  }
0x6b: {  	v13 =	vld [tilespmem:s9+$0x1010]  }
0x6c: {  	v14 =	vld [tilespmem:s8+$0x20]  }
0x6d: {  	v15 =	vld [tilespmem:s9+$0x1020]  }
0x6e: {  	v6 =	vld [tilespmem:s8+$0x30]  }
0x6f: {  	v16 =	vld [tilespmem:s9+$0x1030]  }
0x70: {  	v17 =	vld [tilespmem:s9+$0xFFFFEFC0]  }
0x71: {  	v18 =	vld [tilespmem:s9+$0xFFFFEFD0]  }
0x72: {  	v19 =	vld [tilespmem:s9+$0xFFFFF7D0];
	v3 =	vmul.f32 v3, v1;
	v4 =	vmul.f32 v4, v2  }
0x73: {  	v20 =	vld [tilespmem:s9+$0xFFFFFFD0]  }
0x74: {  	v21 =	vld [tilespmem:s9+$0x7D0];
	v3 =	vadd.f32 v4, v3;
	v4 =	vmul.f32 v7, v5  }
0x75: {  	v22 =	vld [tilespmem:s9+$0xFFFFF7E0]  }
0x76: {  	v23 =	vld [tilespmem:s9+$0x7E0];
	v3 =	vadd.f32 v4, v3;
	v4 =	vmul.f32 v9, v8  }
0x77: {  	v24 =	vld [tilespmem:s9+$0xFFFFF7F0]  }
0x78: {  	v25 =	vld [tilespmem:s9+$0x7F0];
	v3 =	vadd.f32 v4, v3;
	v4 =	vmul.f32 v11, v10  }
0x79: {  	v7 =	vld [tilespmem:s9+$0xFFFFF7C0]  }
0x7a: {  	v62 =	vld [tilespmem:s9+$0xFFFFF800];
	v3 =	vadd.f32 v4, v3;
	v4 =	vmul.f32 v13, v12  }
0x7b: {  	v63 =	vld [tilespmem:s9+$0xFFFFF020]  }
0x7c: {  	v9 =	vld [tilespmem:s9+$0xFFFFFFC0];
	v3 =	vadd.f32 v4, v3;
	v4 =	vmul.f32 v15, v14  }
0x7d: {  	v19 =	vmul.f32 v19, v2;
	v11 =	vld [tilespmem:s9+$0x7C0]  }
0x7e: {  	v7 =	vmul.f32 v7, v1;
	v13 =	vld [tilespmem:s9+$0xFFFFEFE0];
	v3 =	vadd.f32 v4, v3;
	v4 =	vmul.f32 v16, v6  }
0x7f: {  	v17 =	vmul.f32 v17, v1;
	v18 =	vmul.f32 v18, v2;
	v15 =	vld [tilespmem:s9+$0xFFFFFFE0]  }
0x80: {  	v7 =	vadd.f32 v19, v7;
	v19 =	vld [tilespmem:s9+$0x800];
	v3 =	vadd.f32 v4, v3  }
0x81: {  	v17 =	vadd.f32 v18, v17;
	v18 =	vmul.f32 v20, v2;
	v9 =	vmul.f32 v9, v1;
	v16 =	vld [tilespmem:s9+$0xFFFFEFF0]  }
0x82: {  	v2 =	vmul.f32 v21, v2;
	v1 =	vmul.f32 v11, v1;
	v4 =	vld [tilespmem:s9+$0xFFFFFFF0];
	(xrf2) =	vadd.scan.msk.f32 $0xffff, v3  }
0x83: {  	v11 =	vld [tilespmem:s9+$0x0];
	v9 =	vadd.f32 v18, v9;
	v18 =	vmul.f32 v22, v5;
	v13 =	vmul.f32 v13, v5  }
0x84: {  	v1 =	vadd.f32 v2, v1;
	v2 =	vmul.f32 v15, v5;
	v3 =	vld [tilespmem:s9+$0xFFFFF000]  }
0x85: {  	v7 =	vadd.f32 v18, v7;
	v5 =	vmul.f32 v23, v5;
	v15 =	vld [tilespmem:s9+$0xFFFFF010];
	v13 =	vadd.f32 v13, v17  }
0x86: {  	v17 =	vld [tilespmem:s9+$0xFFFFF810];
	v16 =	vmul.f32 v16, v8;
	v9 =	vadd.f32 v2, v9;
	v2 =	vmul.f32 v24, v8  }
0x87: {  	v1 =	vadd.f32 v5, v1;
	v5 =	vld [tilespmem:s9+$0x10];
	v4 =	vmul.f32 v4, v8;
	v8 =	vmul.f32 v25, v8  }
0x88: {  	v18 =	vmul.f32 v62, v10;
	v13 =	vadd.f32 v16, v13;
	v16 =	vld [tilespmem:s9+$0x810]  }
0x89: {  	v7 =	vadd.f32 v2, v7;
	v3 =	vmul.f32 v3, v10;
	v1 =	vadd.f32 v8, v1;
	v8 =	vld [tilespmem:s9+$0xFFFFF820]  }
0x8a: {  	s22 =	simm.s32 $0x0;
	v11 =	vmul.f32 v11, v10;
	v4 =	vadd.f32 v4, v9;
	v10 =	vmul.f32 v19, v10;
	v19 =	vld [tilespmem:s9+$0x820]  }
0x8b: {  	v7 =	vadd.f32 v18, v7;
	v18 =	vmov s22;
	v3 =	vadd.f32 v3, v13;
	v13 =	vld [tilespmem:s9+$0x20]  }
0x8c: {  	v2 =	vimm.f32 $0.0e+00;
	v15 =	vmul.f32 v15, v12;
	vm0 =	veq.s32 v18, v0;
	v18 =	vld [tilespmem:s9+$0xFFFFF830];
	v9, _, _ =	vpop (xrf2)  }
0x8d: {  	v5 =	vmul.f32 v5, v12;
	v4 =	vadd.f32 v11, v4;
	v11 =	vld [tilespmem:s9+$0xFFFFF030];
	v9 =	vbroadcast v9, $0xF  }
0x8e: {  	v17 =	vmul.f32 v17, v12;
	v10 =	vadd.f32 v10, v1;
	v3 =	vadd.f32 v15, v3;
	v15 =	vld [tilespmem:s9+$0x30]  }
0x8f: {  	v4 =	vadd.f32 v5, v4;
	v1 =	vsel vm0, v9, v2;
	v9 =	vmul.f32 v16, v12  }
0x90: {  	v5 =	vmul.f32 v8, v14;
	v13 =	vmul.f32 v13, v14;
	v12 =	vadd.f32 v17, v7  }
0x91: {  	s22 =	simm.s32 $0x12C0;
	v7 =	vmul.f32 v63, v14;
	v17 =	vmul.f32 v19, v14;
	v9 =	vadd.f32 v9, v10;
	v10 =	vld [tilespmem:s9+$0x830]  }
0x92: {  	s6 =	simm.s32 $0x42C0;
	v8 =	vld [tilespmem:s22+$0xFFFFFFD0];
	v19 =	vmul.f32 v11, v6;
	v14 =	vmul.f32 v18, v6  }
0x93: {  	v16 =	vld [tilespmem:s6+$0xFC0];
	v15 =	vmul.f32 v15, v6;
	v3 =	vadd.f32 v7, v3;
	v11 =	vadd.f32 v5, v12  }
0x94: {  	v7 =	vld [tilespmem:s22+$0xFFFFFFC0];
	v12 =	vadd.f32 v13, v4;
	v5 =	vimm.f32 $0.0e+00;
	v4 =	vimm.f32 $0.0e+00  }
0x95: {  	s7 =	simm.s32 $0x2;
	s5 =	simm.s32 $0x1;
	v13 =	vadd.f32 v17, v9;
	v9 =	vadd.f32 v19, v3;
	v17 =	vld [tilespmem:s6+$0xFD0];
	v3 =	vimm.f32 $0.0e+00  }
.LBB2_3:
0x96: {  	p0 =	sne.s32 s7, $0xF;
	v18 =	vld [tilespmem:s22+$0xFFFFFFE0];
	v14 =	vadd.f32 v14, v11;
	v6 =	vmul.f32 v10, v6  }
0x97: {  	v19 =	vld [tilespmem:s6+$0xFE0];
	v12 =	vadd.f32 v15, v12;
	(xrf2) =	vadd.scan.msk.f32 $0xffff, v9  }
0x98: {  	v15 =	vld [tilespmem:s22+$0xFFFFFFF0];
	v13 =	vadd.f32 v6, v13  }
0x99: {  	v6 =	vld [tilespmem:s6+$0xFF0]  }
0x9a: {  	v9 =	vmul.f32 v16, v7;
	v11 =	vld [tilespmem:s22+$0x0];
	v16 =	vmul.f32 v17, v8;
	(xrf2) =	vadd.scan.msk.f32 $0xffff, v14  }
0x9b: {  	v14 =	vld [tilespmem:s6+$0x1000]  }
0x9c: {  	v10 =	vld [tilespmem:s22+$0x10];
	v16 =	vadd.f32 v16, v9;
	v17 =	vmul.f32 v19, v18  }
0x9d: {  	v19 =	vld [tilespmem:s6+$0x1010];
	(xrf2) =	vadd.scan.msk.f32 $0xffff, v12  }
0x9e: {  	v9 =	vld [tilespmem:s22+$0x20];
	v12 =	vadd.f32 v17, v16;
	v20 =	vmul.f32 v6, v15  }
0x9f: {  	v17 =	vld [tilespmem:s6+$0x1020]  }
0xa0: {  	v6 =	vld [tilespmem:s22+$0x30];
	v12 =	vadd.f32 v20, v12;
	v14 =	vmul.f32 v14, v11;
	(xrf2) =	vadd.scan.msk.f32 $0xffff, v13  }
0xa1: {  	v13 =	vld [tilespmem:s6+$0x1030];
	v16, _, _ =	vpop (xrf2)  }
0xa2: {  	v20 =	vld [tilespmem:s6+$0xFFFFEFC0];
	v12 =	vadd.f32 v14, v12;
	v14 =	vmul.f32 v19, v10;
	v22 =	vbroadcast v16, $0xF  }
0xa3: {  	v19 =	vld [tilespmem:s6+$0xFFFFEFD0]  }
0xa4: {  	v21 =	vld [tilespmem:s6+$0xFFFFF7C0];
	v12 =	vadd.f32 v14, v12;
	v14 =	vmul.f32 v17, v9;
	v2 =	vsel vm0, v22, v2;
	v16, _, _ =	vpop (xrf2)  }
0xa5: {  	v17 =	vld [tilespmem:s6+$0xFFFFF7D0];
	v23 =	vbroadcast v16, $0xF  }
0xa6: {  	v22 =	vld [tilespmem:s6+$0xFFFFFFC0];
	v12 =	vadd.f32 v14, v12;
	v13 =	vmul.f32 v13, v6  }
0xa7: {  	v14 =	vmul.f32 v20, v7;
	v20 =	vld [tilespmem:s6+$0xFFFFFFD0];
	v5 =	vsel vm0, v23, v5;
	v16, _, _ =	vpop (xrf2)  }
0xa8: {  	v19 =	vmul.f32 v19, v8;
	v23 =	vld [tilespmem:s6+$0x7C0];
	v24 =	vadd.f32 v13, v12;
	v13 =	vbroadcast v16, $0xF  }
0xa9: {  	v16 =	vmul.f32 v21, v7;
	v21 =	vld [tilespmem:s6+$0x7D0]  }
0xaa: {  	v14 =	vadd.f32 v19, v14;
	v19 =	vld [tilespmem:s6+$0xFFFFEFE0];
	v17 =	vmul.f32 v17, v8;
	(xrf2) =	vadd.scan.msk.f32 $0xffff, v24;
	v4 =	vsel vm0, v13, v4;
	v12, _, _ =	vpop (xrf2)  }
0xab: {  	v13 =	vld [tilespmem:s6+$0xFFFFF7E0];
	v22 =	vmul.f32 v22, v7;
	v12 =	vbroadcast v12, $0xF  }
0xac: {  	v16 =	vadd.f32 v17, v16;
	v17 =	vmul.f32 v20, v8;
	v20 =	vld [tilespmem:s6+$0xFFFFFFE0]  }
0xad: {  	v7 =	vmul.f32 v23, v7;
	v23 =	vld [tilespmem:s6+$0x7E0];
	v3 =	vsel vm0, v12, v3  }
0xae: {  	v12 =	vld [tilespmem:s6+$0xFFFFEFF0];
	v17 =	vadd.f32 v17, v22;
	v8 =	vmul.f32 v21, v8  }
0xaf: {  	v19 =	vmul.f32 v19, v18;
	v21 =	vld [tilespmem:s6+$0xFFFFF7F0]  }
0xb0: {  	v13 =	vmul.f32 v13, v18;
	v22 =	vld [tilespmem:s6+$0xFFFFFFF0];
	v7 =	vadd.f32 v8, v7  }
0xb1: {  	v8 =	vadd.f32 v19, v14;
	v14 =	vmul.f32 v20, v18;
	v19 =	vld [tilespmem:s6+$0x7F0]  }
0xb2: {  	v20 =	vld [tilespmem:s6+$0xFFFFF000];
	v13 =	vadd.f32 v13, v16;
	v23 =	vmul.f32 v23, v18  }
0xb3: {  	v12 =	vmul.f32 v12, v15;
	v18 =	vld [tilespmem:s6+$0xFFFFF800];
	v14 =	vadd.f32 v14, v17  }
0xb4: {  	v17 =	vmul.f32 v21, v15;
	v21 =	vld [tilespmem:s6+$0x0];
	v7 =	vadd.f32 v23, v7;
	v16, _, _ =	vpop (xrf2)  }
0xb5: {  	v23 =	vmov s5;
	s5 =	smov.u32 s7;
	v22 =	vmul.f32 v22, v15;
	v24 =	vld [tilespmem:s6+$0x800];
	v16 =	vbroadcast v16, $0xF  }
0xb6: {  	v8 =	vadd.f32 v12, v8;
	vm0 =	veq.s32 v23, v0;
	v12 =	vld [tilespmem:s6+$0xFFFFF010];
	v15 =	vmul.f32 v19, v15  }
0xb7: {  	v13 =	vadd.f32 v17, v13;
	v17 =	vld [tilespmem:s6+$0xFFFFF810];
	v14 =	vadd.f32 v22, v14;
	v1 =	vsel vm0, v16, v1  }
0xb8: {  	v16 =	vmul.f32 v20, v11;
	v18 =	vmul.f32 v18, v11;
	v19 =	vld [tilespmem:s6+$0x10];
	v7 =	vadd.f32 v15, v7  }
0xb9: {  	v15 =	vmul.f32 v21, v11;
	v20 =	vld [tilespmem:s6+$0x810]  }
0xba: {  	v8 =	vadd.f32 v16, v8;
	v16 =	vld [tilespmem:s6+$0xFFFFF020];
	v13 =	vadd.f32 v18, v13;
	v11 =	vmul.f32 v24, v11  }
0xbb: {  	v12 =	vmul.f32 v12, v10;
	v18 =	vld [tilespmem:s6+$0xFFFFF820];
	v14 =	vadd.f32 v15, v14  }
0xbc: {  	v15 =	vmul.f32 v17, v10;
	v17 =	vld [tilespmem:s6+$0x20];
	v7 =	vadd.f32 v11, v7  }
0xbd: {  	v8 =	vadd.f32 v12, v8;
	v11 =	vmul.f32 v19, v10;
	v12 =	vld [tilespmem:s6+$0x820]  }
0xbe: {  	v19 =	vld [tilespmem:s6+$0xFFFFF030];
	v13 =	vadd.f32 v15, v13;
	v10 =	vmul.f32 v20, v10  }
0xbf: {  	v15 =	vmul.f32 v16, v9;
	v20 =	vld [tilespmem:s6+$0xFFFFF830];
	v14 =	vadd.f32 v11, v14  }
0xc0: {  	v11 =	vmul.f32 v18, v9;
	v18 =	vld [tilespmem:s6+$0x30];
	v21 =	vadd.f32 v10, v7  }
.Ltmp0:
0xc1: {  	s22 =	sadd.s32 $0x80, s22;
	v15 =	vadd.f32 v15, v8;
	v16 =	vmul.f32 v17, v9;
	v10 =	vld [tilespmem:s6+$0x830];
	(pc) =	sbr.rel @p0 .LBB2_3-.Ltmp0, $4  }
0xc2: {  	v7 =	vld [tilespmem:s22+$0xFFFFFFC0];
	v11 =	vadd.f32 v11, v13;
	v9 =	vmul.f32 v12, v9  }
0xc3: {  	s6 =	sadd.s32 $0x80, s6;
	v8 =	vld [tilespmem:s22+$0xFFFFFFD0];
	v19 =	vmul.f32 v19, v6;
	v12 =	vadd.f32 v16, v14  }
0xc4: {  	v16 =	vld [tilespmem:s6+$0xFC0];
	v14 =	vmul.f32 v20, v6;
	v13 =	vadd.f32 v9, v21  }
0xc5: {  	s7 =	sadd.s32 $0x1, s7;
	v17 =	vld [tilespmem:s6+$0xFD0];
	v9 =	vadd.f32 v19, v15;
	v15 =	vmul.f32 v18, v6  }
0xc6: {  	v18 =	vld [tilespmem:s22+$0xFFFFFFE0]  }
0xc7: {  	v19 =	vld [tilespmem:s6+$0xFE0]  }
0xc8: {  	v20 =	vld [tilespmem:s22+$0xFFFFFFF0]  }
0xc9: {  	v21 =	vld [tilespmem:s6+$0xFF0]  }
0xca: {  	v22 =	vld [tilespmem:s22+$0x0]  }
0xcb: {  	v23 =	vld [tilespmem:s6+$0x1000]  }
0xcc: {  	v24 =	vld [tilespmem:s22+$0x10]  }
0xcd: {  	v25 =	vld [tilespmem:s6+$0x1010]  }
0xce: {  	v26 =	vld [tilespmem:s22+$0x20]  }
0xcf: {  	v27 =	vld [tilespmem:s6+$0x1020]  }
0xd0: {  	v28 =	vld [tilespmem:s22+$0x30]  }
0xd1: {  	v29 =	vld [tilespmem:s6+$0x1030]  }
0xd2: {  	v30 =	vld [tilespmem:s6+$0xFFFFEFC0]  }
0xd3: {  	v31 =	vld [tilespmem:s6+$0xFFFFEFD0]  }
0xd4: {  	v32 =	vld [tilespmem:s6+$0xFFFFF7C0]  }
0xd5: {  	v33 =	vld [tilespmem:s6+$0xFFFFF7D0]  }
0xd6: {  	v34 =	vld [tilespmem:s6+$0xFFFFFFC0]  }
0xd7: {  	v35 =	vld [tilespmem:s6+$0xFFFFFFD0];
	v16 =	vmul.f32 v16, v7;
	v17 =	vmul.f32 v17, v8  }
0xd8: {  	v36 =	vld [tilespmem:s6+$0x7D0]  }
0xd9: {  	v58 =	vld [tilespmem:s6+$0xFFFFEFE0];
	v16 =	vadd.f32 v17, v16;
	v17 =	vmul.f32 v19, v18  }
0xda: {  	v37 =	vld [tilespmem:s6+$0xFFFFF7E0]  }
0xdb: {  	v59 =	vld [tilespmem:s6+$0xFFFFFFE0];
	v16 =	vadd.f32 v17, v16;
	v17 =	vmul.f32 v21, v20  }
0xdc: {  	v38 =	vld [tilespmem:s6+$0x7E0]  }
0xdd: {  	v60 =	vld [tilespmem:s6+$0xFFFFEFF0];
	v16 =	vadd.f32 v17, v16;
	v17 =	vmul.f32 v23, v22  }
0xde: {  	v39 =	vld [tilespmem:s6+$0xFFFFF7F0]  }
0xdf: {  	v61 =	vld [tilespmem:s6+$0xFFFFFFF0];
	v16 =	vadd.f32 v17, v16;
	v17 =	vmul.f32 v25, v24  }
0xe0: {  	v11 =	vadd.f32 v14, v11;
	v6 =	vmul.f32 v10, v6;
	v10 =	vld [tilespmem:s6+$0x7F0]  }
0xe1: {  	v12 =	vadd.f32 v15, v12;
	v19 =	vld [tilespmem:s6+$0x7C0];
	v16 =	vadd.f32 v17, v16;
	v17 =	vmul.f32 v27, v26  }
0xe2: {  	v62 =	vld [tilespmem:s6+$0xFFFFF800];
	v6 =	vadd.f32 v6, v13;
	v15 =	vmul.f32 v29, v28;
	v13 =	vmul.f32 v30, v7  }
0xe3: {  	v40 =	vld [tilespmem:s6+$0x0];
	v63 =	vmul.f32 v33, v8;
	v41 =	vmul.f32 v35, v8;
	v14 =	vadd.f32 v17, v16  }
0xe4: {  	v42 =	vld [tilespmem:s6+$0x800];
	v43 =	vmul.f32 v37, v18;
	v17 =	vmul.f32 v31, v8  }
0xe5: {  	v44 =	vld [tilespmem:s6+$0xFFFFF810];
	v8 =	vmul.f32 v36, v8;
	v14 =	vadd.f32 v15, v14;
	v15 =	vmul.f32 v32, v7  }
0xe6: {  	v16 =	vld [tilespmem:s6+$0xFFFFF000];
	v13 =	vadd.f32 v17, v13;
	v17 =	vmul.f32 v34, v7;
	v7 =	vmul.f32 v19, v7  }
0xe7: {  	v45 =	vld [tilespmem:s6+$0x10];
	v46 =	vmul.f32 v60, v20;
	v21 =	vmul.f32 v58, v18;
	v15 =	vadd.f32 v63, v15  }
0xe8: {  	v47 =	vld [tilespmem:s6+$0x810];
	v17 =	vadd.f32 v41, v17;
	v7 =	vadd.f32 v8, v7;
	v8 =	vmul.f32 v59, v18  }
0xe9: {  	v49 =	vld [tilespmem:s6+$0xFFFFF820];
	v48 =	vmul.f32 v61, v20;
	v18 =	vmul.f32 v38, v18;
	v13 =	vadd.f32 v21, v13  }
0xea: {  	v19 =	vld [tilespmem:s6+$0xFFFFF010];
	v15 =	vadd.f32 v43, v15;
	v8 =	vadd.f32 v8, v17;
	v17 =	vmul.f32 v39, v20  }
0xeb: {  	v50 =	vld [tilespmem:s6+$0x20];
	v10 =	vmul.f32 v10, v20;
	v16 =	vmul.f32 v16, v22;
	v7 =	vadd.f32 v18, v7  }
0xec: {  	v18 =	vld [tilespmem:s6+$0xFFFFF020];
	v13 =	vadd.f32 v46, v13;
	v15 =	vadd.f32 v17, v15;
	v17 =	vmul.f32 v62, v22  }
0xed: {  	v52 =	vld [tilespmem:s6+$0xFFFFF830];
	v8 =	vadd.f32 v48, v8;
	v7 =	vadd.f32 v10, v7;
	v10 =	vmul.f32 v40, v22  }
0xee: {  	v13 =	vadd.f32 v16, v13;
	v16 =	vmul.f32 v42, v22;
	v15 =	vadd.f32 v17, v15;
	v17 =	vld [tilespmem:s6+$0xFFFFF030]  }
0xef: {  	v51 =	vld [tilespmem:s6+$0x820];
	v19 =	vmul.f32 v19, v24;
	v8 =	vadd.f32 v10, v8;
	v10 =	vmul.f32 v44, v24  }
0xf0: {  	v54 =	vld [tilespmem:s6+$0x30];
	(xrf2) =	vadd.scan.msk.f32 $0xffff, v9;
	v53 =	vmul.f32 v47, v24;
	v7 =	vadd.f32 v16, v7;
	v16 =	vmul.f32 v45, v24  }
0xf1: {  	(xrf2) =	vadd.scan.msk.f32 $0xffff, v11;
	v13 =	vadd.f32 v19, v13;
	v10 =	vadd.f32 v10, v15;
	v15 =	vmul.f32 v18, v26;
	v18 =	vld [tilespmem:s6+$0x830]  }
0xf2: {  	(xrf2) =	vadd.scan.msk.f32 $0xffff, v12;
	v9 =	vmul.f32 v49, v26;
	v12 =	vmul.f32 v52, v28;
	v8 =	vadd.f32 v16, v8  }
0xf3: {  	v11 =	vadd.f32 v15, v13;
	v13 =	vmul.f32 v50, v26;
	v15 =	vmul.f32 v17, v28  }
0xf4: {  	v7 =	vadd.f32 v53, v7;
	v9 =	vadd.f32 v9, v10;
	v10 =	vmul.f32 v51, v26  }
0xf5: {  	(xrf2) =	vadd.scan.msk.f32 $0xffff, v6;
	v6 =	vadd.f32 v13, v8;
	v8 =	vadd.f32 v15, v11;
	v11 =	vmul.f32 v54, v28  }
0xf6: {  	(xrf2) =	vadd.scan.msk.f32 $0xffff, v14;
	v7 =	vadd.f32 v10, v7;
	v9 =	vadd.f32 v12, v9;
	v10 =	vmul.f32 v18, v28  }
0xf7: {  	v6 =	vadd.f32 v11, v6;
	(xrf2) =	vadd.scan.msk.f32 $0xffff, v8  }
0xf8: {  	v7 =	vadd.f32 v10, v7;
	(xrf2) =	vadd.scan.msk.f32 $0xffff, v9  }
0xf9: {  	(xrf2) =	vadd.scan.msk.f32 $0xffff, v6  }
0xfa: {  	(xrf2) =	vadd.scan.msk.f32 $0xffff, v7;
	_ =	sdelay $0x1  }
0xfb: {  	v6, _, _ =	vpop (xrf2)  }
0xfc: {  	v7, _, _ =	vpop (xrf2);
	v6 =	vbroadcast v6, $0xF  }
0xfd: {  	v8, _, _ =	vpop (xrf2)  }
0xfe: {  	v9, _, _ =	vpop (xrf2)  }
0xff: {  	v7 =	vbroadcast v7, $0xF;
	v10, _, _ =	vpop (xrf2)  }
0x100: {  	v2 =	vsel vm0, v6, v2;
	v6, _, _ =	vpop (xrf2)  }
0x101: {  	v5 =	vsel vm0, v7, v5;
	v7 =	vmov s5;
	v6 =	vbroadcast v6, $0xF;
	v11, _, _ =	vpop (xrf2)  }
0x102: {  	s10 =	sand.u32 $0x40, s10;
	s22 =	sadd.s32 $0xD200, s17;
	v8 =	vbroadcast v8, $0xF;
	vm1 =	veq.s32 v7, v0;
	v7 =	vbroadcast v11, $0xF;
	v11, _, _ =	vpop (xrf2)  }
0x103: {  	s6 =	sadd.s32 s10, s22;
	v9 =	vbroadcast v9, $0xF;
	v2 =	vsel vm1, v6, v2;
	v6 =	vbroadcast v11, $0xF;
	v11, _, _ =	vpop (xrf2)  }
0x104: {  	v4 =	vsel vm0, v8, v4;
	v5 =	vsel vm1, v7, v5;
	v7 =	vbroadcast v11, $0xF;
	[tilespmem:s6+$0x0] =	vst v2  }
0x105: {  	v2 =	vsel vm0, v9, v3;
	v3 =	vbroadcast v10, $0xF;
	v4 =	vsel vm1, v6, v4;
	[tilespmem:s6+$0x80] =	vst v5  }
0x106: {  	s17 =	sshll.u32 s19, $0x2;
	p0 =	seq.s32 s19, $0x7;
	s7 =	sor.u32 s10, s23;
	v2 =	vsel vm1, v7, v2;
	[tilespmem:s6+$0x100] =	vst v4  }
0x107: {  	s8 =	sor.u32 $0x200, s7;
	s7 =	simm.s32 @!p0 $0x10;
	v1 =	vsel vm1, v3, v1;
	[tilespmem:s6+$0x180] =	vst v2;
	s6 =	sadd.s32 @!p0 $0x4, s17  }
0x108: {  	[tilespmem:s8+$0xD200] =	vst v1;
	s5 =	sshll.u32 @!p0 s6, $0x4;
	s8 =	simm.s32 @!p0 $0x1200;
	s6 =	sshll.u32 @!p0 s6, $0x7  }
0x109: {  	[tilespmem:s8], [sflag:$0x1] =	stream.indirect.gather @!p0 [hbm4b:s1+s7], $0x80, s5, s7, $0xb8;
	[tilespmem:$0xE200] =	vst v63  }
0x10a: {  	s5 =	sand.u32 @!p0 $0x40, s5;
	s8 =	sand.u32 @!p0 $0x1C00, s6  }
0x10b: {  	s8 =	sor.u32 @!p0 s5, s8  }
0x10c: {  	s9 =	simm.s32 @!p0 $0x3200;
	s4 =	sor.u32 @!p0 $0x200, s8  }
0x10d: {  	[tilespmem:s9], [sflag:$0x2] =	stream.indirect.gather @!p0 [hbm4b:s3+s7], $0x80, s4, s7, $0xb8;
	[tilespmem:$0xE200] =	vst v63  }
0x10e: {  	s4 =	sor.u32 @!p0 $0x280, s8;
	s9 =	simm.s32 @!p0 $0x3A00  }
0x10f: {  	[tilespmem:s9], [sflag:$0x2] =	stream.indirect.gather @!p0 [hbm4b:s3+s7], $0x80, s4, s7, $0xb8;
	[tilespmem:$0xE200] =	vst v63  }
0x110: {  	s4 =	sor.u32 @!p0 $0x300, s8;
	s9 =	simm.s32 @!p0 $0x4200  }
0x111: {  	[tilespmem:s9], [sflag:$0x2] =	stream.indirect.gather @!p0 [hbm4b:s3+s7], $0x80, s4, s7, $0xb8;
	[tilespmem:$0xE200] =	vst v63  }
0x112: {  	s4 =	sor.u32 @!p0 $0x380, s8;
	s8 =	simm.s32 @!p0 $0x4A00  }
0x113: {  	[tilespmem:s8], [sflag:$0x2] =	stream.indirect.gather @!p0 [hbm4b:s3+s7], $0x80, s4, s7, $0xb8;
	[tilespmem:$0xE200] =	vst v63  }
0x114: {  	s4 =	sor.u32 @!p0 s5, s6  }
0x115: {  	s4 =	sor.u32 @!p0 $0x200, s4  }
0x116: {  	s5 =	simm.s32 @!p0 $0x5200;
	s4 =	sadd.s32 @!p0 $0x200, s4  }
0x117: {  	[tilespmem:s5], [sflag:$0x2] =	stream.indirect.gather @!p0 [hbm4b:s3+s7], $0x80, s4, s7, $0xb8;
	[tilespmem:$0xE200] =	vst v63  }
0x118: {  	_ =	swait.ge [sflag:s2], $0x800  }
0x119: {  	[sflag:s2] =	ssyncset.done $0x0  }
0x11a: {  	[sflag:s2] =	ssyncadd.s32 $0xFFFFF800  }
0x11b: {  	_ =	swait.ge [sflag:s12], $0x800  }
0x11c: {  	[sflag:s12] =	ssyncset.done $0x0  }
0x11d: {  	[sflag:s12] =	ssyncadd.s32 $0xFFFFF800  }
0x11e: {  	_ =	swait.ge [sflag:s12], $0x800  }
0x11f: {  	[sflag:s12] =	ssyncset.done $0x0  }
0x120: {  	[sflag:s12] =	ssyncadd.s32 $0xFFFFF800  }
0x121: {  	_ =	swait.ge [sflag:s12], $0x800  }
0x122: {  	[sflag:s12] =	ssyncset.done $0x0  }
0x123: {  	[sflag:s12] =	ssyncadd.s32 $0xFFFFF800  }
0x124: {  	_ =	swait.ge [sflag:s12], $0x800  }
0x125: {  	[sflag:s12] =	ssyncset.done $0x0  }
0x126: {  	[sflag:s12] =	ssyncadd.s32 $0xFFFFF800  }
0x127: {  	_ =	swait.ge [sflag:s12], $0x800  }
0x128: {  	[sflag:s12] =	ssyncset.done $0x0  }
0x129: {  	s9 =	simm.s32 $0x0;
	[sflag:s12] =	ssyncadd.s32 $0xFFFFF800  }
0x12a: {  	v1 =	vld [tilespmem:s9+$0x1A00]  }
0x12b: {  	v2 =	vld [tilespmem:s9+$0x1A10]  }
0x12c: {  	v3 =	vld [tilespmem:s9+$0x7A00]  }
0x12d: {  	v4 =	vld [tilespmem:s9+$0x7A10]  }
0x12e: {  	v5 =	vld [tilespmem:s9+$0x1A20]  }
0x12f: {  	v6 =	vld [tilespmem:s9+$0x7A20]  }
0x130: {  	v7 =	vld [tilespmem:s9+$0x1A30]  }
0x131: {  	v8 =	vld [tilespmem:s9+$0x7A30]  }
0x132: {  	v9 =	vld [tilespmem:s9+$0x1A40]  }
0x133: {  	v10 =	vld [tilespmem:s9+$0x7A40]  }
0x134: {  	v11 =	vld [tilespmem:s9+$0x1A50]  }
0x135: {  	v12 =	vld [tilespmem:s9+$0x7A50]  }
0x136: {  	v13 =	vld [tilespmem:s9+$0x1A60]  }
0x137: {  	v14 =	vld [tilespmem:s9+$0x7A60]  }
0x138: {  	v15 =	vld [tilespmem:s9+$0x7A70]  }
0x139: {  	v16 =	vld [tilespmem:s9+$0x5A10]  }
0x13a: {  	v17 =	vld [tilespmem:s9+$0x6210]  }
0x13b: {  	v18 =	vld [tilespmem:s9+$0x6A10];
	v3 =	vmul.f32 v3, v1;
	v4 =	vmul.f32 v4, v2  }
0x13c: {  	v19 =	vld [tilespmem:s9+$0x7210]  }
0x13d: {  	v55 =	vld [tilespmem:s9+$0x6220];
	v3 =	vadd.f32 v4, v3;
	v4 =	vmul.f32 v6, v5  }
0x13e: {  	v56 =	vld [tilespmem:s9+$0x7220]  }
0x13f: {  	v57 =	vld [tilespmem:s9+$0x6230];
	v3 =	vadd.f32 v4, v3;
	v4 =	vmul.f32 v8, v7  }
0x140: {  	v58 =	vld [tilespmem:s9+$0x6A30]  }
0x141: {  	v59 =	vld [tilespmem:s9+$0x7230];
	v3 =	vadd.f32 v4, v3;
	v4 =	vmul.f32 v10, v9  }
0x142: {  	v6 =	vld [tilespmem:s9+$0x1A70]  }
0x143: {  	v60 =	vld [tilespmem:s9+$0x7240];
	v3 =	vadd.f32 v4, v3;
	v4 =	vmul.f32 v12, v11  }
0x144: {  	v10 =	vld [tilespmem:s9+$0x6200]  }
0x145: {  	v8 =	vld [tilespmem:s9+$0x5A00];
	v3 =	vadd.f32 v4, v3;
	v4 =	vmul.f32 v14, v13  }
0x146: {  	v12 =	vld [tilespmem:s9+$0x6A00]  }
0x147: {  	v63 =	vld [tilespmem:s9+$0x7250];
	v3 =	vadd.f32 v4, v3;
	v4 =	vmul.f32 v15, v6  }
0x148: {  	v14 =	vld [tilespmem:s9+$0x7200]  }
0x149: {  	s5 =	simm.s32 $0x0;
	v17 =	vmul.f32 v17, v2;
	v10 =	vmul.f32 v10, v1;
	v15 =	vld [tilespmem:s9+$0x5A20];
	v3 =	vadd.f32 v4, v3  }
0x14a: {  	v61 =	vmov s5;
	v16 =	vmul.f32 v16, v2;
	v8 =	vmul.f32 v8, v1;
	v4 =	vld [tilespmem:s9+$0x6A20]  }
0x14b: {  	v12 =	vmul.f32 v12, v1;
	v10 =	vadd.f32 v17, v10;
	v17 =	vmul.f32 v18, v2;
	(xrf2) =	vadd.scan.msk.f32 $0xffff, v3;
	v3 =	vld [tilespmem:s9+$0x5A30]  }
0x14c: {  	vm0 =	veq.s32 v61, v0;
	v8 =	vadd.f32 v16, v8;
	v18 =	vld [tilespmem:s9+$0x6240];
	v2 =	vmul.f32 v19, v2  }
0x14d: {  	v16 =	vld [tilespmem:s9+$0x5A40];
	v14 =	vmul.f32 v14, v1;
	v12 =	vadd.f32 v17, v12;
	v17 =	vmul.f32 v55, v5  }
0x14e: {  	v62 =	vmul.f32 v58, v7;
	v19 =	vld [tilespmem:s9+$0x6A40];
	v1 =	vimm.f32 $0.0e+00;
	v15 =	vmul.f32 v15, v5  }
0x14f: {  	v2 =	vadd.f32 v2, v14;
	v14 =	vld [tilespmem:s9+$0x5A50];
	v10 =	vadd.f32 v17, v10;
	v4 =	vmul.f32 v4, v5  }
0x150: {  	v17 =	vld [tilespmem:s9+$0x6A50];
	v5 =	vmul.f32 v56, v5;
	v8 =	vadd.f32 v15, v8;
	v3 =	vmul.f32 v3, v7  }
0x151: {  	v18 =	vmul.f32 v18, v9;
	v15 =	vld [tilespmem:s9+$0x6250];
	v4 =	vadd.f32 v4, v12;
	v12 =	vmul.f32 v57, v7  }
0x152: {  	v5 =	vadd.f32 v5, v2;
	v7 =	vmul.f32 v59, v7;
	v3 =	vadd.f32 v3, v8;
	v8 =	vld [tilespmem:s9+$0x5A60]  }
0x153: {  	v19 =	vmul.f32 v19, v9;
	v10 =	vadd.f32 v12, v10;
	v12 =	vmul.f32 v16, v9;
	v16 =	vld [tilespmem:s9+$0x6260]  }
0x154: {  	v4 =	vadd.f32 v62, v4;
	v5 =	vadd.f32 v7, v5;
	v7 =	vld [tilespmem:s9+$0x6A60];
	v9 =	vmul.f32 v60, v9  }
0x155: {  	v14 =	vmul.f32 v14, v11;
	v3 =	vadd.f32 v12, v3;
	v12 =	vld [tilespmem:s9+$0x7260];
	v10 =	vadd.f32 v18, v10  }
0x156: {  	v15 =	vmul.f32 v15, v11;
	v18 =	vld [tilespmem:s9+$0x5A70];
	v4 =	vadd.f32 v19, v4;
	v5 =	vadd.f32 v9, v5;
	v2, _, _ =	vpop (xrf2)  }
0x157: {  	v9 =	vmul.f32 v17, v11;
	v17 =	vld [tilespmem:s9+$0x6270];
	v2 =	vbroadcast v2, $0xF;
	v3 =	vadd.f32 v14, v3  }
0x158: {  	v14 =	vadd.f32 v15, v10;
	v10 =	vmul.f32 v63, v11;
	v8 =	vmul.f32 v8, v13  }
0x159: {  	v4 =	vadd.f32 v9, v4;
	v11 =	vld [tilespmem:s9+$0x6A70];
	v9 =	vmul.f32 v16, v13;
	v16 =	vmul.f32 v7, v13  }
0x15a: {  	s6 =	simm.s32 $0x80;
	v2 =	vsel vm0, v2, v1;
	v5 =	vadd.f32 v10, v5;
	v10 =	vld [tilespmem:s9+$0x7270];
	v19 =	vmul.f32 v12, v13  }
0x15b: {  	v7 =	vld [tilespmem:s6+$0x1A00];
	v12 =	vadd.f32 v8, v3;
	v13 =	vadd.f32 v9, v14;
	v15 =	vmul.f32 v18, v6  }
0x15c: {  	v8 =	vld [tilespmem:s6+$0x1A10];
	v14 =	vadd.f32 v16, v4;
	v16 =	vmul.f32 v17, v6;
	v4 =	vimm.f32 $0.0e+00  }
0x15d: {  	s7 =	simm.s32 $0x400;
	v17 =	vld [tilespmem:s6+$0x7A00];
	v3 =	vimm.f32 $0.0e+00;
	v9 =	vadd.f32 v19, v5;
	v5 =	vimm.f32 $0.0e+00  }
.LBB2_5:
0x15e: {  	p1 =	sne.s32 s7, $0x1E00;
	v18 =	vld [tilespmem:s6+$0x7A10];
	v12 =	vadd.f32 v15, v12;
	v11 =	vmul.f32 v11, v6  }
0x15f: {  	v15 =	vld [tilespmem:s6+$0x1A20];
	v13 =	vadd.f32 v16, v13;
	v6 =	vmul.f32 v10, v6  }
0x160: {  	v16 =	vld [tilespmem:s6+$0x7A20];
	v14 =	vadd.f32 v11, v14;
	(xrf2) =	vadd.scan.msk.f32 $0xffff, v12  }
0x161: {  	v12 =	vld [tilespmem:s6+$0x1A30];
	v19 =	vadd.f32 v6, v9  }
0x162: {  	v6 =	vld [tilespmem:s6+$0x7A30]  }
0x163: {  	v9 =	vmul.f32 v17, v7;
	v11 =	vld [tilespmem:s6+$0x1A40];
	v17 =	vmul.f32 v18, v8;
	(xrf2) =	vadd.scan.msk.f32 $0xffff, v13  }
0x164: {  	v13 =	vld [tilespmem:s6+$0x7A40]  }
0x165: {  	v10 =	vld [tilespmem:s6+$0x1A50];
	v17 =	vadd.f32 v17, v9;
	v16 =	vmul.f32 v16, v15  }
0x166: {  	v18 =	vld [tilespmem:s6+$0x7A50];
	(xrf2) =	vadd.scan.msk.f32 $0xffff, v14  }
0x167: {  	v9 =	vld [tilespmem:s6+$0x1A60];
	v14 =	vadd.f32 v16, v17;
	v16 =	vmul.f32 v6, v12  }
0x168: {  	v17 =	vld [tilespmem:s6+$0x7A60]  }
0x169: {  	v6 =	vld [tilespmem:s6+$0x1A70];
	v14 =	vadd.f32 v16, v14;
	v13 =	vmul.f32 v13, v11;
	(xrf2) =	vadd.scan.msk.f32 $0xffff, v19  }
0x16a: {  	v16 =	vld [tilespmem:s6+$0x7A70];
	v19, _, _ =	vpop (xrf2)  }
0x16b: {  	v20 =	vld [tilespmem:s6+$0x5A00];
	v13 =	vadd.f32 v13, v14;
	v14 =	vmul.f32 v18, v10;
	v18 =	vbroadcast v19, $0xF  }
0x16c: {  	v19 =	vld [tilespmem:s6+$0x5A10]  }
0x16d: {  	v21 =	vld [tilespmem:s6+$0x6200];
	v13 =	vadd.f32 v14, v13;
	v14 =	vmul.f32 v17, v9;
	v1 =	vsel vm0, v18, v1;
	v17, _, _ =	vpop (xrf2)  }
0x16e: {  	v18 =	vld [tilespmem:s6+$0x6210];
	v23 =	vbroadcast v17, $0xF  }
0x16f: {  	v22 =	vld [tilespmem:s6+$0x6A00];
	v13 =	vadd.f32 v14, v13;
	v14 =	vmul.f32 v16, v6  }
0x170: {  	v16 =	vmul.f32 v20, v7;
	v20 =	vld [tilespmem:s6+$0x6A10];
	v5 =	vsel vm0, v23, v5;
	v17, _, _ =	vpop (xrf2)  }
0x171: {  	v19 =	vmul.f32 v19, v8;
	v23 =	vld [tilespmem:s6+$0x7200];
	v24 =	vadd.f32 v14, v13;
	v14 =	vbroadcast v17, $0xF  }
0x172: {  	v17 =	vmul.f32 v21, v7;
	v21 =	vld [tilespmem:s6+$0x7210]  }
0x173: {  	v16 =	vadd.f32 v19, v16;
	v19 =	vld [tilespmem:s6+$0x5A20];
	v18 =	vmul.f32 v18, v8;
	(xrf2) =	vadd.scan.msk.f32 $0xffff, v24;
	v4 =	vsel vm0, v14, v4;
	v13, _, _ =	vpop (xrf2)  }
0x174: {  	v14 =	vld [tilespmem:s6+$0x6220];
	v22 =	vmul.f32 v22, v7;
	v13 =	vbroadcast v13, $0xF  }
0x175: {  	v17 =	vadd.f32 v18, v17;
	v18 =	vmul.f32 v20, v8;
	v20 =	vld [tilespmem:s6+$0x6A20]  }
0x176: {  	v7 =	vmul.f32 v23, v7;
	v23 =	vld [tilespmem:s6+$0x7220];
	v3 =	vsel vm0, v13, v3  }
0x177: {  	v13 =	vld [tilespmem:s6+$0x5A30];
	v18 =	vadd.f32 v18, v22;
	v8 =	vmul.f32 v21, v8  }
0x178: {  	v19 =	vmul.f32 v19, v15;
	v21 =	vld [tilespmem:s6+$0x6230]  }
0x179: {  	v14 =	vmul.f32 v14, v15;
	v22 =	vld [tilespmem:s6+$0x6A30];
	v7 =	vadd.f32 v8, v7  }
0x17a: {  	v8 =	vadd.f32 v19, v16;
	v16 =	vmul.f32 v20, v15;
	v19 =	vld [tilespmem:s6+$0x7230]  }
0x17b: {  	v20 =	vld [tilespmem:s6+$0x5A40];
	v14 =	vadd.f32 v14, v17;
	v23 =	vmul.f32 v23, v15  }
0x17c: {  	v13 =	vmul.f32 v13, v12;
	v17 =	vld [tilespmem:s6+$0x6240];
	v16 =	vadd.f32 v16, v18  }
0x17d: {  	s5 =	sadd.s32 $0x1, s5;
	v18 =	vmul.f32 v21, v12;
	v21 =	vld [tilespmem:s6+$0x6A40];
	v7 =	vadd.f32 v23, v7;
	v15, _, _ =	vpop (xrf2)  }
0x17e: {  	v23 =	vmov s5;
	v22 =	vmul.f32 v22, v12;
	v24 =	vld [tilespmem:s6+$0x7240];
	v15 =	vbroadcast v15, $0xF  }
0x17f: {  	v8 =	vadd.f32 v13, v8;
	vm0 =	veq.s32 v23, v0;
	v13 =	vld [tilespmem:s6+$0x5A50];
	v12 =	vmul.f32 v19, v12  }
0x180: {  	v14 =	vadd.f32 v18, v14;
	v18 =	vld [tilespmem:s6+$0x6250];
	v16 =	vadd.f32 v22, v16;
	v2 =	vsel vm0, v15, v2  }
0x181: {  	v15 =	vmul.f32 v20, v11;
	v17 =	vmul.f32 v17, v11;
	v19 =	vld [tilespmem:s6+$0x6A50];
	v7 =	vadd.f32 v12, v7  }
0x182: {  	v12 =	vmul.f32 v21, v11;
	v20 =	vld [tilespmem:s6+$0x7250]  }
0x183: {  	v8 =	vadd.f32 v15, v8;
	v15 =	vld [tilespmem:s6+$0x5A60];
	v14 =	vadd.f32 v17, v14;
	v11 =	vmul.f32 v24, v11  }
0x184: {  	v13 =	vmul.f32 v13, v10;
	v17 =	vld [tilespmem:s6+$0x6260];
	v12 =	vadd.f32 v12, v16  }
0x185: {  	v16 =	vmul.f32 v18, v10;
	v18 =	vld [tilespmem:s6+$0x6A60];
	v7 =	vadd.f32 v11, v7  }
0x186: {  	v8 =	vadd.f32 v13, v8;
	v11 =	vmul.f32 v19, v10;
	v19 =	vld [tilespmem:s6+$0x7260]  }
0x187: {  	v21 =	vld [tilespmem:s6+$0x5A70];
	v13 =	vadd.f32 v16, v14;
	v10 =	vmul.f32 v20, v10  }
0x188: {  	v14 =	vmul.f32 v15, v9;
	v16 =	vld [tilespmem:s6+$0x6270];
	v20 =	vadd.f32 v11, v12  }
.Ltmp1:
0x189: {  	v15 =	vmul.f32 v17, v9;
	v11 =	vld [tilespmem:s6+$0x6A70];
	v22 =	vadd.f32 v10, v7;
	(pc) =	sbr.rel @p1 .LBB2_5-.Ltmp1, $4  }
0x18a: {  	v12 =	vadd.f32 v14, v8;
	v14 =	vmul.f32 v18, v9;
	v10 =	vld [tilespmem:s6+$0x7270];
	s6 =	sshra.s32 s7, $0x2  }
0x18b: {  	v7 =	vld [tilespmem:s6+$0x1A00];
	v13 =	vadd.f32 v15, v13;
	v9 =	vmul.f32 v19, v9  }
0x18c: {  	v8 =	vld [tilespmem:s6+$0x1A10];
	v15 =	vmul.f32 v21, v6;
	v14 =	vadd.f32 v14, v20  }
0x18d: {  	s7 =	sadd.s32 $0x200, s7;
	v17 =	vld [tilespmem:s6+$0x7A00];
	v16 =	vmul.f32 v16, v6;
	v9 =	vadd.f32 v9, v22  }
0x18e: {  	v18 =	vld [tilespmem:s6+$0x7A10]  }
0x18f: {  	v19 =	vld [tilespmem:s6+$0x1A20]  }
0x190: {  	v20 =	vld [tilespmem:s6+$0x7A20]  }
0x191: {  	v21 =	vld [tilespmem:s6+$0x1A30]  }
0x192: {  	v22 =	vld [tilespmem:s6+$0x7A30]  }
0x193: {  	v23 =	vld [tilespmem:s6+$0x1A40]  }
0x194: {  	v24 =	vld [tilespmem:s6+$0x7A40]  }
0x195: {  	v25 =	vld [tilespmem:s6+$0x1A50]  }
0x196: {  	v26 =	vld [tilespmem:s6+$0x7A50]  }
0x197: {  	v27 =	vld [tilespmem:s6+$0x1A60]  }
0x198: {  	v28 =	vld [tilespmem:s6+$0x7A60]  }
0x199: {  	v29 =	vld [tilespmem:s6+$0x1A70]  }
0x19a: {  	v30 =	vld [tilespmem:s6+$0x7A70]  }
0x19b: {  	v31 =	vld [tilespmem:s6+$0x5A00]  }
0x19c: {  	v32 =	vld [tilespmem:s6+$0x5A10]  }
0x19d: {  	v33 =	vld [tilespmem:s6+$0x6200]  }
0x19e: {  	v34 =	vld [tilespmem:s6+$0x6210]  }
0x19f: {  	v35 =	vld [tilespmem:s6+$0x6A00]  }
0x1a0: {  	v36 =	vld [tilespmem:s6+$0x6A10];
	v17 =	vmul.f32 v17, v7;
	v18 =	vmul.f32 v18, v8  }
0x1a1: {  	v57 =	vld [tilespmem:s6+$0x7200]  }
0x1a2: {  	v37 =	vld [tilespmem:s6+$0x7210];
	v17 =	vadd.f32 v18, v17;
	v18 =	vmul.f32 v20, v19  }
0x1a3: {  	v58 =	vld [tilespmem:s6+$0x5A20]  }
0x1a4: {  	v38 =	vld [tilespmem:s6+$0x6220];
	v17 =	vadd.f32 v18, v17;
	v18 =	vmul.f32 v22, v21  }
0x1a5: {  	v59 =	vld [tilespmem:s6+$0x6A20]  }
0x1a6: {  	v39 =	vld [tilespmem:s6+$0x7220];
	v17 =	vadd.f32 v18, v17;
	v18 =	vmul.f32 v24, v23  }
0x1a7: {  	v60 =	vld [tilespmem:s6+$0x5A30]  }
0x1a8: {  	v40 =	vld [tilespmem:s6+$0x6230];
	v11 =	vmul.f32 v11, v6;
	v17 =	vadd.f32 v18, v17;
	v18 =	vmul.f32 v26, v25  }
0x1a9: {  	v61 =	vld [tilespmem:s6+$0x6A30];
	v12 =	vadd.f32 v15, v12;
	v6 =	vmul.f32 v10, v6  }
0x1aa: {  	v63 =	vld [tilespmem:s6+$0x6A40];
	v11 =	vadd.f32 v11, v14;
	v17 =	vadd.f32 v18, v17;
	v18 =	vmul.f32 v28, v27  }
0x1ab: {  	v42 =	vld [tilespmem:s6+$0x7240];
	v6 =	vadd.f32 v6, v9;
	v15 =	vmul.f32 v30, v29;
	v9 =	vmul.f32 v31, v7  }
0x1ac: {  	v43 =	vld [tilespmem:s6+$0x5A50];
	v62 =	vmul.f32 v34, v8;
	v41 =	vmul.f32 v36, v8;
	v14 =	vadd.f32 v18, v17  }
0x1ad: {  	v45 =	vld [tilespmem:s6+$0x6250];
	v13 =	vadd.f32 v16, v13;
	v44 =	vmul.f32 v38, v19;
	v17 =	vmul.f32 v32, v8  }
0x1ae: {  	v10 =	vld [tilespmem:s6+$0x7230];
	v8 =	vmul.f32 v37, v8;
	v14 =	vadd.f32 v15, v14;
	v15 =	vmul.f32 v33, v7  }
0x1af: {  	v16 =	vld [tilespmem:s6+$0x5A40];
	v9 =	vadd.f32 v17, v9;
	v17 =	vmul.f32 v35, v7;
	v7 =	vmul.f32 v57, v7  }
0x1b0: {  	v47 =	vmul.f32 v60, v21;
	v22 =	vmul.f32 v58, v19;
	v18 =	vld [tilespmem:s6+$0x6240];
	v15 =	vadd.f32 v62, v15  }
0x1b1: {  	v46 =	vld [tilespmem:s6+$0x6A50];
	v17 =	vadd.f32 v41, v17;
	v7 =	vadd.f32 v8, v7;
	v8 =	vmul.f32 v59, v19  }
0x1b2: {  	v48 =	vld [tilespmem:s6+$0x7250];
	v49 =	vmul.f32 v61, v21;
	v19 =	vmul.f32 v39, v19;
	v9 =	vadd.f32 v22, v9  }
0x1b3: {  	v50 =	vld [tilespmem:s6+$0x6260];
	v15 =	vadd.f32 v44, v15;
	v8 =	vadd.f32 v8, v17;
	v17 =	vmul.f32 v40, v21  }
0x1b4: {  	v51 =	vld [tilespmem:s6+$0x7260];
	v10 =	vmul.f32 v10, v21;
	v16 =	vmul.f32 v16, v23;
	v7 =	vadd.f32 v19, v7  }
0x1b5: {  	v19 =	vld [tilespmem:s6+$0x5A60];
	v9 =	vadd.f32 v47, v9;
	v15 =	vadd.f32 v17, v15;
	v17 =	vmul.f32 v18, v23  }
0x1b6: {  	v18 =	vld [tilespmem:s6+$0x6A60];
	v8 =	vadd.f32 v49, v8;
	v7 =	vadd.f32 v10, v7;
	v10 =	vmul.f32 v63, v23  }
0x1b7: {  	v9 =	vadd.f32 v16, v9;
	v16 =	vmul.f32 v42, v23;
	v15 =	vadd.f32 v17, v15;
	v17 =	vld [tilespmem:s6+$0x5A70]  }
0x1b8: {  	v52 =	vld [tilespmem:s6+$0x6270];
	v20 =	vmul.f32 v43, v25;
	v8 =	vadd.f32 v10, v8;
	v10 =	vmul.f32 v45, v25  }
0x1b9: {  	v54 =	vld [tilespmem:s6+$0x6A70];
	(xrf2) =	vadd.scan.msk.f32 $0xffff, v12;
	v53 =	vmul.f32 v48, v25;
	v7 =	vadd.f32 v16, v7;
	v16 =	vmul.f32 v46, v25  }
0x1ba: {  	(xrf2) =	vadd.scan.msk.f32 $0xffff, v13;
	v9 =	vadd.f32 v20, v9;
	v10 =	vadd.f32 v10, v15;
	v15 =	vmul.f32 v19, v27;
	v19 =	vld [tilespmem:s6+$0x7270]  }
0x1bb: {  	(xrf2) =	vadd.scan.msk.f32 $0xffff, v11;
	v12 =	vmul.f32 v50, v27;
	v11 =	vmul.f32 v51, v27;
	v8 =	vadd.f32 v16, v8  }
0x1bc: {  	v13 =	vmul.f32 v18, v27;
	v9 =	vadd.f32 v15, v9;
	v15 =	vmul.f32 v17, v29  }
0x1bd: {  	v7 =	vadd.f32 v53, v7;
	v10 =	vadd.f32 v12, v10;
	v12 =	vmul.f32 v52, v29  }
0x1be: {  	(xrf2) =	vadd.scan.msk.f32 $0xffff, v6;
	v6 =	vadd.f32 v13, v8;
	v8 =	vadd.f32 v15, v9;
	v9 =	vmul.f32 v54, v29  }
0x1bf: {  	(xrf2) =	vadd.scan.msk.f32 $0xffff, v14;
	v7 =	vadd.f32 v11, v7;
	v10 =	vadd.f32 v12, v10;
	v11 =	vmul.f32 v19, v29  }
0x1c0: {  	v6 =	vadd.f32 v9, v6;
	(xrf2) =	vadd.scan.msk.f32 $0xffff, v8  }
0x1c1: {  	v7 =	vadd.f32 v11, v7;
	(xrf2) =	vadd.scan.msk.f32 $0xffff, v10  }
0x1c2: {  	(xrf2) =	vadd.scan.msk.f32 $0xffff, v6  }
0x1c3: {  	(xrf2) =	vadd.scan.msk.f32 $0xffff, v7;
	_ =	sdelay $0x1  }
0x1c4: {  	v6, _, _ =	vpop (xrf2)  }
0x1c5: {  	v7, _, _ =	vpop (xrf2);
	v6 =	vbroadcast v6, $0xF  }
0x1c6: {  	v8, _, _ =	vpop (xrf2)  }
0x1c7: {  	v9, _, _ =	vpop (xrf2)  }
0x1c8: {  	v7 =	vbroadcast v7, $0xF;
	v10, _, _ =	vpop (xrf2)  }
0x1c9: {  	s4 =	sadd.s32 $0x1, s5;
	v1 =	vsel vm0, v6, v1;
	v6, _, _ =	vpop (xrf2)  }
0x1ca: {  	v5 =	vsel vm0, v7, v5;
	v7 =	vmov s4;
	v6 =	vbroadcast v6, $0xF;
	v11, _, _ =	vpop (xrf2)  }
0x1cb: {  	s7 =	sor.u32 $0x10, s10;
	v8 =	vbroadcast v8, $0xF;
	vm1 =	veq.s32 v7, v0;
	v7 =	vbroadcast v11, $0xF;
	v11, _, _ =	vpop (xrf2)  }
0x1cc: {  	s8 =	sadd.s32 s7, s22;
	v9 =	vbroadcast v9, $0xF;
	v1 =	vsel vm1, v6, v1;
	v6 =	vbroadcast v11, $0xF;
	v11, _, _ =	vpop (xrf2)  }
0x1cd: {  	v4 =	vsel vm0, v8, v4;
	v5 =	vsel vm1, v7, v5;
	v7 =	vbroadcast v11, $0xF;
	[tilespmem:s8+$0x0] =	vst v1  }
0x1ce: {  	v1 =	vsel vm0, v9, v3;
	v3 =	vbroadcast v10, $0xF;
	v4 =	vsel vm1, v6, v4;
	[tilespmem:s8+$0x80] =	vst v5  }
0x1cf: {  	s4 =	sor.u32 s7, s23;
	v1 =	vsel vm1, v7, v1;
	[tilespmem:s8+$0x100] =	vst v4  }
0x1d0: {  	s5 =	sadd.s32 @!p0 $0x5, s17;
	s6 =	simm.s32 @!p0 $0x10;
	s4 =	sor.u32 $0x200, s4;
	v2 =	vsel vm1, v3, v2;
	[tilespmem:s8+$0x180] =	vst v1  }
0x1d1: {  	s7 =	simm.s32 @!p0 $0x1A00;
	[tilespmem:s4+$0xD200] =	vst v2;
	s4 =	sshll.u32 @!p0 s5, $0x4;
	s5 =	sshll.u32 @!p0 s5, $0x7  }
0x1d2: {  	[tilespmem:s7], [sflag:$0x3] =	stream.indirect.gather @!p0 [hbm4b:s1+s6], $0x80, s4, s6, $0xb8;
	[tilespmem:$0xE200] =	vst v63  }
0x1d3: {  	s4 =	sand.u32 @!p0 $0x50, s4;
	s5 =	sand.u32 @!p0 $0x1C00, s5  }
0x1d4: {  	s4 =	sor.u32 @!p0 s4, s5  }
0x1d5: {  	s7 =	simm.s32 @!p0 $0x5A00;
	s5 =	sor.u32 @!p0 $0x200, s4  }
0x1d6: {  	[tilespmem:s7], [sflag:$0x4] =	stream.indirect.gather @!p0 [hbm4b:s3+s6], $0x80, s5, s6, $0xb8;
	[tilespmem:$0xE200] =	vst v63  }
0x1d7: {  	s5 =	sor.u32 @!p0 $0x280, s4;
	s7 =	simm.s32 @!p0 $0x6200  }
0x1d8: {  	[tilespmem:s7], [sflag:$0x4] =	stream.indirect.gather @!p0 [hbm4b:s3+s6], $0x80, s5, s6, $0xb8;
	[tilespmem:$0xE200] =	vst v63  }
0x1d9: {  	s5 =	sor.u32 @!p0 $0x300, s4;
	s7 =	simm.s32 @!p0 $0x6A00  }
0x1da: {  	[tilespmem:s7], [sflag:$0x4] =	stream.indirect.gather @!p0 [hbm4b:s3+s6], $0x80, s5, s6, $0xb8;
	[tilespmem:$0xE200] =	vst v63  }
0x1db: {  	s5 =	sor.u32 @!p0 $0x380, s4;
	s7 =	simm.s32 @!p0 $0x7200  }
0x1dc: {  	[tilespmem:s7], [sflag:$0x4] =	stream.indirect.gather @!p0 [hbm4b:s3+s6], $0x80, s5, s6, $0xb8;
	[tilespmem:$0xE200] =	vst v63  }
0x1dd: {  	s4 =	sadd.s32 @!p0 $0x400, s4;
	s5 =	simm.s32 @!p0 $0x7A00  }
0x1de: {  	[tilespmem:s5], [sflag:$0x4] =	stream.indirect.gather @!p0 [hbm4b:s3+s6], $0x80, s4, s6, $0xb8;
	[tilespmem:$0xE200] =	vst v63  }
0x1df: {  	_ =	swait.ge [sflag:s13], $0x800  }
0x1e0: {  	[sflag:s13] =	ssyncset.done $0x0  }
0x1e1: {  	[sflag:s13] =	ssyncadd.s32 $0xFFFFF800  }
0x1e2: {  	_ =	swait.ge [sflag:s14], $0x800  }
0x1e3: {  	[sflag:s14] =	ssyncset.done $0x0  }
0x1e4: {  	[sflag:s14] =	ssyncadd.s32 $0xFFFFF800  }
0x1e5: {  	_ =	swait.ge [sflag:s14], $0x800  }
0x1e6: {  	[sflag:s14] =	ssyncset.done $0x0  }
0x1e7: {  	[sflag:s14] =	ssyncadd.s32 $0xFFFFF800  }
0x1e8: {  	_ =	swait.ge [sflag:s14], $0x800  }
0x1e9: {  	[sflag:s14] =	ssyncset.done $0x0  }
0x1ea: {  	[sflag:s14] =	ssyncadd.s32 $0xFFFFF800  }
0x1eb: {  	_ =	swait.ge [sflag:s14], $0x800  }
0x1ec: {  	[sflag:s14] =	ssyncset.done $0x0  }
0x1ed: {  	[sflag:s14] =	ssyncadd.s32 $0xFFFFF800  }
0x1ee: {  	_ =	swait.ge [sflag:s14], $0x800  }
0x1ef: {  	[sflag:s14] =	ssyncset.done $0x0  }
0x1f0: {  	s9 =	simm.s32 $0x0;
	[sflag:s14] =	ssyncadd.s32 $0xFFFFF800  }
0x1f1: {  	v1 =	vld [tilespmem:s9+$0x2200]  }
0x1f2: {  	v2 =	vld [tilespmem:s9+$0x2210]  }
0x1f3: {  	v3 =	vld [tilespmem:s9+$0xA200]  }
0x1f4: {  	v4 =	vld [tilespmem:s9+$0xA210]  }
0x1f5: {  	v5 =	vld [tilespmem:s9+$0x2220]  }
0x1f6: {  	v6 =	vld [tilespmem:s9+$0xA220]  }
0x1f7: {  	v7 =	vld [tilespmem:s9+$0x2230]  }
0x1f8: {  	v8 =	vld [tilespmem:s9+$0xA230]  }
0x1f9: {  	v9 =	vld [tilespmem:s9+$0x2240]  }
0x1fa: {  	v10 =	vld [tilespmem:s9+$0xA240]  }
0x1fb: {  	v11 =	vld [tilespmem:s9+$0x2250]  }
0x1fc: {  	v12 =	vld [tilespmem:s9+$0xA250]  }
0x1fd: {  	v13 =	vld [tilespmem:s9+$0x2260]  }
0x1fe: {  	v14 =	vld [tilespmem:s9+$0xA260]  }
0x1ff: {  	v15 =	vld [tilespmem:s9+$0xA270]  }
0x200: {  	v16 =	vld [tilespmem:s9+$0x8210]  }
0x201: {  	v17 =	vld [tilespmem:s9+$0x8A10]  }
0x202: {  	v18 =	vld [tilespmem:s9+$0x9210];
	v3 =	vmul.f32 v3, v1;
	v4 =	vmul.f32 v4, v2  }
0x203: {  	v19 =	vld [tilespmem:s9+$0x9A10]  }
0x204: {  	v55 =	vld [tilespmem:s9+$0x8A20];
	v3 =	vadd.f32 v4, v3;
	v4 =	vmul.f32 v6, v5  }
0x205: {  	v56 =	vld [tilespmem:s9+$0x9A20]  }
0x206: {  	v57 =	vld [tilespmem:s9+$0x8A30];
	v3 =	vadd.f32 v4, v3;
	v4 =	vmul.f32 v8, v7  }
0x207: {  	v58 =	vld [tilespmem:s9+$0x9230]  }
0x208: {  	v59 =	vld [tilespmem:s9+$0x9A30];
	v3 =	vadd.f32 v4, v3;
	v4 =	vmul.f32 v10, v9  }
0x209: {  	v6 =	vld [tilespmem:s9+$0x2270]  }
0x20a: {  	v60 =	vld [tilespmem:s9+$0x9A40];
	v3 =	vadd.f32 v4, v3;
	v4 =	vmul.f32 v12, v11  }
0x20b: {  	v10 =	vld [tilespmem:s9+$0x8A00]  }
0x20c: {  	v8 =	vld [tilespmem:s9+$0x8200];
	v3 =	vadd.f32 v4, v3;
	v4 =	vmul.f32 v14, v13  }
0x20d: {  	v12 =	vld [tilespmem:s9+$0x9200]  }
0x20e: {  	v63 =	vld [tilespmem:s9+$0x9A50];
	v3 =	vadd.f32 v4, v3;
	v4 =	vmul.f32 v15, v6  }
0x20f: {  	v14 =	vld [tilespmem:s9+$0x9A00]  }
0x210: {  	s5 =	simm.s32 $0x0;
	v17 =	vmul.f32 v17, v2;
	v10 =	vmul.f32 v10, v1;
	v15 =	vld [tilespmem:s9+$0x8220];
	v3 =	vadd.f32 v4, v3  }
0x211: {  	v61 =	vmov s5;
	v16 =	vmul.f32 v16, v2;
	v8 =	vmul.f32 v8, v1;
	v4 =	vld [tilespmem:s9+$0x9220]  }
0x212: {  	v12 =	vmul.f32 v12, v1;
	v10 =	vadd.f32 v17, v10;
	v17 =	vmul.f32 v18, v2;
	(xrf2) =	vadd.scan.msk.f32 $0xffff, v3;
	v3 =	vld [tilespmem:s9+$0x8230]  }
0x213: {  	vm0 =	veq.s32 v61, v0;
	v8 =	vadd.f32 v16, v8;
	v18 =	vld [tilespmem:s9+$0x8A40];
	v2 =	vmul.f32 v19, v2  }
0x214: {  	v16 =	vld [tilespmem:s9+$0x8240];
	v14 =	vmul.f32 v14, v1;
	v12 =	vadd.f32 v17, v12;
	v17 =	vmul.f32 v55, v5  }
0x215: {  	v62 =	vmul.f32 v58, v7;
	v19 =	vld [tilespmem:s9+$0x9240];
	v1 =	vimm.f32 $0.0e+00;
	v15 =	vmul.f32 v15, v5  }
0x216: {  	v2 =	vadd.f32 v2, v14;
	v14 =	vld [tilespmem:s9+$0x8250];
	v10 =	vadd.f32 v17, v10;
	v4 =	vmul.f32 v4, v5  }
0x217: {  	v17 =	vld [tilespmem:s9+$0x9250];
	v5 =	vmul.f32 v56, v5;
	v8 =	vadd.f32 v15, v8;
	v3 =	vmul.f32 v3, v7  }
0x218: {  	v18 =	vmul.f32 v18, v9;
	v15 =	vld [tilespmem:s9+$0x8A50];
	v4 =	vadd.f32 v4, v12;
	v12 =	vmul.f32 v57, v7  }
0x219: {  	v5 =	vadd.f32 v5, v2;
	v7 =	vmul.f32 v59, v7;
	v3 =	vadd.f32 v3, v8;
	v8 =	vld [tilespmem:s9+$0x8260]  }
0x21a: {  	v19 =	vmul.f32 v19, v9;
	v10 =	vadd.f32 v12, v10;
	v12 =	vmul.f32 v16, v9;
	v16 =	vld [tilespmem:s9+$0x8A60]  }
0x21b: {  	v4 =	vadd.f32 v62, v4;
	v5 =	vadd.f32 v7, v5;
	v7 =	vld [tilespmem:s9+$0x9260];
	v9 =	vmul.f32 v60, v9  }
0x21c: {  	v14 =	vmul.f32 v14, v11;
	v3 =	vadd.f32 v12, v3;
	v12 =	vld [tilespmem:s9+$0x9A60];
	v10 =	vadd.f32 v18, v10  }
0x21d: {  	v15 =	vmul.f32 v15, v11;
	v18 =	vld [tilespmem:s9+$0x8270];
	v4 =	vadd.f32 v19, v4;
	v5 =	vadd.f32 v9, v5;
	v2, _, _ =	vpop (xrf2)  }
0x21e: {  	v9 =	vmul.f32 v17, v11;
	v17 =	vld [tilespmem:s9+$0x8A70];
	v2 =	vbroadcast v2, $0xF;
	v3 =	vadd.f32 v14, v3  }
0x21f: {  	v14 =	vadd.f32 v15, v10;
	v10 =	vmul.f32 v63, v11;
	v8 =	vmul.f32 v8, v13  }
0x220: {  	v4 =	vadd.f32 v9, v4;
	v11 =	vld [tilespmem:s9+$0x9270];
	v9 =	vmul.f32 v16, v13;
	v16 =	vmul.f32 v7, v13  }
0x221: {  	s6 =	simm.s32 $0x80;
	v2 =	vsel vm0, v2, v1;
	v5 =	vadd.f32 v10, v5;
	v10 =	vld [tilespmem:s9+$0x9A70];
	v19 =	vmul.f32 v12, v13  }
0x222: {  	v7 =	vld [tilespmem:s6+$0x2200];
	v12 =	vadd.f32 v8, v3;
	v13 =	vadd.f32 v9, v14;
	v15 =	vmul.f32 v18, v6  }
0x223: {  	v8 =	vld [tilespmem:s6+$0x2210];
	v14 =	vadd.f32 v16, v4;
	v16 =	vmul.f32 v17, v6;
	v4 =	vimm.f32 $0.0e+00  }
0x224: {  	s7 =	simm.s32 $0x400;
	v17 =	vld [tilespmem:s6+$0xA200];
	v3 =	vimm.f32 $0.0e+00;
	v9 =	vadd.f32 v19, v5;
	v5 =	vimm.f32 $0.0e+00  }
.LBB2_7:
0x225: {  	p1 =	sne.s32 s7, $0x1E00;
	v18 =	vld [tilespmem:s6+$0xA210];
	v12 =	vadd.f32 v15, v12;
	v11 =	vmul.f32 v11, v6  }
0x226: {  	v15 =	vld [tilespmem:s6+$0x2220];
	v13 =	vadd.f32 v16, v13;
	v6 =	vmul.f32 v10, v6  }
0x227: {  	v16 =	vld [tilespmem:s6+$0xA220];
	v14 =	vadd.f32 v11, v14;
	(xrf2) =	vadd.scan.msk.f32 $0xffff, v12  }
0x228: {  	v12 =	vld [tilespmem:s6+$0x2230];
	v19 =	vadd.f32 v6, v9  }
0x229: {  	v6 =	vld [tilespmem:s6+$0xA230]  }
0x22a: {  	v9 =	vmul.f32 v17, v7;
	v11 =	vld [tilespmem:s6+$0x2240];
	v17 =	vmul.f32 v18, v8;
	(xrf2) =	vadd.scan.msk.f32 $0xffff, v13  }
0x22b: {  	v13 =	vld [tilespmem:s6+$0xA240]  }
0x22c: {  	v10 =	vld [tilespmem:s6+$0x2250];
	v17 =	vadd.f32 v17, v9;
	v16 =	vmul.f32 v16, v15  }
0x22d: {  	v18 =	vld [tilespmem:s6+$0xA250];
	(xrf2) =	vadd.scan.msk.f32 $0xffff, v14  }
0x22e: {  	v9 =	vld [tilespmem:s6+$0x2260];
	v14 =	vadd.f32 v16, v17;
	v16 =	vmul.f32 v6, v12  }
0x22f: {  	v17 =	vld [tilespmem:s6+$0xA260]  }
0x230: {  	v6 =	vld [tilespmem:s6+$0x2270];
	v14 =	vadd.f32 v16, v14;
	v13 =	vmul.f32 v13, v11;
	(xrf2) =	vadd.scan.msk.f32 $0xffff, v19  }
0x231: {  	v16 =	vld [tilespmem:s6+$0xA270];
	v19, _, _ =	vpop (xrf2)  }
0x232: {  	v20 =	vld [tilespmem:s6+$0x8200];
	v13 =	vadd.f32 v13, v14;
	v14 =	vmul.f32 v18, v10;
	v18 =	vbroadcast v19, $0xF  }
0x233: {  	v19 =	vld [tilespmem:s6+$0x8210]  }
0x234: {  	v21 =	vld [tilespmem:s6+$0x8A00];
	v13 =	vadd.f32 v14, v13;
	v14 =	vmul.f32 v17, v9;
	v1 =	vsel vm0, v18, v1;
	v17, _, _ =	vpop (xrf2)  }
0x235: {  	v18 =	vld [tilespmem:s6+$0x8A10];
	v23 =	vbroadcast v17, $0xF  }
0x236: {  	v22 =	vld [tilespmem:s6+$0x9200];
	v13 =	vadd.f32 v14, v13;
	v14 =	vmul.f32 v16, v6  }
0x237: {  	v16 =	vmul.f32 v20, v7;
	v20 =	vld [tilespmem:s6+$0x9210];
	v5 =	vsel vm0, v23, v5;
	v17, _, _ =	vpop (xrf2)  }
0x238: {  	v19 =	vmul.f32 v19, v8;
	v23 =	vld [tilespmem:s6+$0x9A00];
	v24 =	vadd.f32 v14, v13;
	v14 =	vbroadcast v17, $0xF  }
0x239: {  	v17 =	vmul.f32 v21, v7;
	v21 =	vld [tilespmem:s6+$0x9A10]  }
0x23a: {  	v16 =	vadd.f32 v19, v16;
	v19 =	vld [tilespmem:s6+$0x8220];
	v18 =	vmul.f32 v18, v8;
	(xrf2) =	vadd.scan.msk.f32 $0xffff, v24;
	v4 =	vsel vm0, v14, v4;
	v13, _, _ =	vpop (xrf2)  }
0x23b: {  	v14 =	vld [tilespmem:s6+$0x8A20];
	v22 =	vmul.f32 v22, v7;
	v13 =	vbroadcast v13, $0xF  }
0x23c: {  	v17 =	vadd.f32 v18, v17;
	v18 =	vmul.f32 v20, v8;
	v20 =	vld [tilespmem:s6+$0x9220]  }
0x23d: {  	v7 =	vmul.f32 v23, v7;
	v23 =	vld [tilespmem:s6+$0x9A20];
	v3 =	vsel vm0, v13, v3  }
0x23e: {  	v13 =	vld [tilespmem:s6+$0x8230];
	v18 =	vadd.f32 v18, v22;
	v8 =	vmul.f32 v21, v8  }
0x23f: {  	v19 =	vmul.f32 v19, v15;
	v21 =	vld [tilespmem:s6+$0x8A30]  }
0x240: {  	v14 =	vmul.f32 v14, v15;
	v22 =	vld [tilespmem:s6+$0x9230];
	v7 =	vadd.f32 v8, v7  }
0x241: {  	v8 =	vadd.f32 v19, v16;
	v16 =	vmul.f32 v20, v15;
	v19 =	vld [tilespmem:s6+$0x9A30]  }
0x242: {  	v20 =	vld [tilespmem:s6+$0x8240];
	v14 =	vadd.f32 v14, v17;
	v23 =	vmul.f32 v23, v15  }
0x243: {  	v13 =	vmul.f32 v13, v12;
	v17 =	vld [tilespmem:s6+$0x8A40];
	v16 =	vadd.f32 v16, v18  }
0x244: {  	s5 =	sadd.s32 $0x1, s5;
	v18 =	vmul.f32 v21, v12;
	v21 =	vld [tilespmem:s6+$0x9240];
	v7 =	vadd.f32 v23, v7;
	v15, _, _ =	vpop (xrf2)  }
0x245: {  	v23 =	vmov s5;
	v22 =	vmul.f32 v22, v12;
	v24 =	vld [tilespmem:s6+$0x9A40];
	v15 =	vbroadcast v15, $0xF  }
0x246: {  	v8 =	vadd.f32 v13, v8;
	vm0 =	veq.s32 v23, v0;
	v13 =	vld [tilespmem:s6+$0x8250];
	v12 =	vmul.f32 v19, v12  }
0x247: {  	v14 =	vadd.f32 v18, v14;
	v18 =	vld [tilespmem:s6+$0x8A50];
	v16 =	vadd.f32 v22, v16;
	v2 =	vsel vm0, v15, v2  }
0x248: {  	v15 =	vmul.f32 v20, v11;
	v17 =	vmul.f32 v17, v11;
	v19 =	vld [tilespmem:s6+$0x9250];
	v7 =	vadd.f32 v12, v7  }
0x249: {  	v12 =	vmul.f32 v21, v11;
	v20 =	vld [tilespmem:s6+$0x9A50]  }
0x24a: {  	v8 =	vadd.f32 v15, v8;
	v15 =	vld [tilespmem:s6+$0x8260];
	v14 =	vadd.f32 v17, v14;
	v11 =	vmul.f32 v24, v11  }
0x24b: {  	v13 =	vmul.f32 v13, v10;
	v17 =	vld [tilespmem:s6+$0x8A60];
	v12 =	vadd.f32 v12, v16  }
0x24c: {  	v16 =	vmul.f32 v18, v10;
	v18 =	vld [tilespmem:s6+$0x9260];
	v7 =	vadd.f32 v11, v7  }
0x24d: {  	v8 =	vadd.f32 v13, v8;
	v11 =	vmul.f32 v19, v10;
	v19 =	vld [tilespmem:s6+$0x9A60]  }
0x24e: {  	v21 =	vld [tilespmem:s6+$0x8270];
	v13 =	vadd.f32 v16, v14;
	v10 =	vmul.f32 v20, v10  }
0x24f: {  	v14 =	vmul.f32 v15, v9;
	v16 =	vld [tilespmem:s6+$0x8A70];
	v20 =	vadd.f32 v11, v12  }
.Ltmp2:
0x250: {  	v15 =	vmul.f32 v17, v9;
	v11 =	vld [tilespmem:s6+$0x9270];
	v22 =	vadd.f32 v10, v7;
	(pc) =	sbr.rel @p1 .LBB2_7-.Ltmp2, $4  }
0x251: {  	v12 =	vadd.f32 v14, v8;
	v14 =	vmul.f32 v18, v9;
	v10 =	vld [tilespmem:s6+$0x9A70];
	s6 =	sshra.s32 s7, $0x2  }
0x252: {  	v7 =	vld [tilespmem:s6+$0x2200];
	v13 =	vadd.f32 v15, v13;
	v9 =	vmul.f32 v19, v9  }
0x253: {  	v8 =	vld [tilespmem:s6+$0x2210];
	v15 =	vmul.f32 v21, v6;
	v14 =	vadd.f32 v14, v20  }
0x254: {  	s7 =	sadd.s32 $0x200, s7;
	v17 =	vld [tilespmem:s6+$0xA200];
	v16 =	vmul.f32 v16, v6;
	v9 =	vadd.f32 v9, v22  }
0x255: {  	v18 =	vld [tilespmem:s6+$0xA210]  }
0x256: {  	v19 =	vld [tilespmem:s6+$0x2220]  }
0x257: {  	v20 =	vld [tilespmem:s6+$0xA220]  }
0x258: {  	v21 =	vld [tilespmem:s6+$0x2230]  }
0x259: {  	v22 =	vld [tilespmem:s6+$0xA230]  }
0x25a: {  	v23 =	vld [tilespmem:s6+$0x2240]  }
0x25b: {  	v24 =	vld [tilespmem:s6+$0xA240]  }
0x25c: {  	v25 =	vld [tilespmem:s6+$0x2250]  }
0x25d: {  	v26 =	vld [tilespmem:s6+$0xA250]  }
0x25e: {  	v27 =	vld [tilespmem:s6+$0x2260]  }
0x25f: {  	v28 =	vld [tilespmem:s6+$0xA260]  }
0x260: {  	v29 =	vld [tilespmem:s6+$0x2270]  }
0x261: {  	v30 =	vld [tilespmem:s6+$0xA270]  }
0x262: {  	v31 =	vld [tilespmem:s6+$0x8200]  }
0x263: {  	v32 =	vld [tilespmem:s6+$0x8210]  }
0x264: {  	v33 =	vld [tilespmem:s6+$0x8A00]  }
0x265: {  	v34 =	vld [tilespmem:s6+$0x8A10]  }
0x266: {  	v35 =	vld [tilespmem:s6+$0x9200]  }
0x267: {  	v36 =	vld [tilespmem:s6+$0x9210];
	v17 =	vmul.f32 v17, v7;
	v18 =	vmul.f32 v18, v8  }
0x268: {  	v57 =	vld [tilespmem:s6+$0x9A00]  }
0x269: {  	v37 =	vld [tilespmem:s6+$0x9A10];
	v17 =	vadd.f32 v18, v17;
	v18 =	vmul.f32 v20, v19  }
0x26a: {  	v58 =	vld [tilespmem:s6+$0x8220]  }
0x26b: {  	v38 =	vld [tilespmem:s6+$0x8A20];
	v17 =	vadd.f32 v18, v17;
	v18 =	vmul.f32 v22, v21  }
0x26c: {  	v59 =	vld [tilespmem:s6+$0x9220]  }
0x26d: {  	v39 =	vld [tilespmem:s6+$0x9A20];
	v17 =	vadd.f32 v18, v17;
	v18 =	vmul.f32 v24, v23  }
0x26e: {  	v60 =	vld [tilespmem:s6+$0x8230]  }
0x26f: {  	v40 =	vld [tilespmem:s6+$0x8A30];
	v11 =	vmul.f32 v11, v6;
	v17 =	vadd.f32 v18, v17;
	v18 =	vmul.f32 v26, v25  }
0x270: {  	v61 =	vld [tilespmem:s6+$0x9230];
	v12 =	vadd.f32 v15, v12;
	v6 =	vmul.f32 v10, v6  }
0x271: {  	v63 =	vld [tilespmem:s6+$0x9240];
	v11 =	vadd.f32 v11, v14;
	v17 =	vadd.f32 v18, v17;
	v18 =	vmul.f32 v28, v27  }
0x272: {  	v42 =	vld [tilespmem:s6+$0x9A40];
	v6 =	vadd.f32 v6, v9;
	v15 =	vmul.f32 v30, v29;
	v9 =	vmul.f32 v31, v7  }
0x273: {  	v43 =	vld [tilespmem:s6+$0x8250];
	v62 =	vmul.f32 v34, v8;
	v41 =	vmul.f32 v36, v8;
	v14 =	vadd.f32 v18, v17  }
0x274: {  	v45 =	vld [tilespmem:s6+$0x8A50];
	v13 =	vadd.f32 v16, v13;
	v44 =	vmul.f32 v38, v19;
	v17 =	vmul.f32 v32, v8  }
0x275: {  	v10 =	vld [tilespmem:s6+$0x9A30];
	v8 =	vmul.f32 v37, v8;
	v14 =	vadd.f32 v15, v14;
	v15 =	vmul.f32 v33, v7  }
0x276: {  	v16 =	vld [tilespmem:s6+$0x8240];
	v9 =	vadd.f32 v17, v9;
	v17 =	vmul.f32 v35, v7;
	v7 =	vmul.f32 v57, v7  }
0x277: {  	v47 =	vmul.f32 v60, v21;
	v22 =	vmul.f32 v58, v19;
	v18 =	vld [tilespmem:s6+$0x8A40];
	v15 =	vadd.f32 v62, v15  }
0x278: {  	v46 =	vld [tilespmem:s6+$0x9250];
	v17 =	vadd.f32 v41, v17;
	v7 =	vadd.f32 v8, v7;
	v8 =	vmul.f32 v59, v19  }
0x279: {  	v48 =	vld [tilespmem:s6+$0x9A50];
	v49 =	vmul.f32 v61, v21;
	v19 =	vmul.f32 v39, v19;
	v9 =	vadd.f32 v22, v9  }
0x27a: {  	v50 =	vld [tilespmem:s6+$0x8A60];
	v15 =	vadd.f32 v44, v15;
	v8 =	vadd.f32 v8, v17;
	v17 =	vmul.f32 v40, v21  }
0x27b: {  	v51 =	vld [tilespmem:s6+$0x9A60];
	v10 =	vmul.f32 v10, v21;
	v16 =	vmul.f32 v16, v23;
	v7 =	vadd.f32 v19, v7  }
0x27c: {  	v19 =	vld [tilespmem:s6+$0x8260];
	v9 =	vadd.f32 v47, v9;
	v15 =	vadd.f32 v17, v15;
	v17 =	vmul.f32 v18, v23  }
0x27d: {  	v18 =	vld [tilespmem:s6+$0x9260];
	v8 =	vadd.f32 v49, v8;
	v7 =	vadd.f32 v10, v7;
	v10 =	vmul.f32 v63, v23  }
0x27e: {  	v9 =	vadd.f32 v16, v9;
	v16 =	vmul.f32 v42, v23;
	v15 =	vadd.f32 v17, v15;
	v17 =	vld [tilespmem:s6+$0x8270]  }
0x27f: {  	v52 =	vld [tilespmem:s6+$0x8A70];
	v20 =	vmul.f32 v43, v25;
	v8 =	vadd.f32 v10, v8;
	v10 =	vmul.f32 v45, v25  }
0x280: {  	v54 =	vld [tilespmem:s6+$0x9270];
	(xrf2) =	vadd.scan.msk.f32 $0xffff, v12;
	v53 =	vmul.f32 v48, v25;
	v7 =	vadd.f32 v16, v7;
	v16 =	vmul.f32 v46, v25  }
0x281: {  	(xrf2) =	vadd.scan.msk.f32 $0xffff, v13;
	v9 =	vadd.f32 v20, v9;
	v10 =	vadd.f32 v10, v15;
	v15 =	vmul.f32 v19, v27;
	v19 =	vld [tilespmem:s6+$0x9A70]  }
0x282: {  	(xrf2) =	vadd.scan.msk.f32 $0xffff, v11;
	v12 =	vmul.f32 v50, v27;
	v11 =	vmul.f32 v51, v27;
	v8 =	vadd.f32 v16, v8  }
0x283: {  	v13 =	vmul.f32 v18, v27;
	v9 =	vadd.f32 v15, v9;
	v15 =	vmul.f32 v17, v29  }
0x284: {  	v7 =	vadd.f32 v53, v7;
	v10 =	vadd.f32 v12, v10;
	v12 =	vmul.f32 v52, v29  }
0x285: {  	(xrf2) =	vadd.scan.msk.f32 $0xffff, v6;
	v6 =	vadd.f32 v13, v8;
	v8 =	vadd.f32 v15, v9;
	v9 =	vmul.f32 v54, v29  }
0x286: {  	(xrf2) =	vadd.scan.msk.f32 $0xffff, v14;
	v7 =	vadd.f32 v11, v7;
	v10 =	vadd.f32 v12, v10;
	v11 =	vmul.f32 v19, v29  }
0x287: {  	v6 =	vadd.f32 v9, v6;
	(xrf2) =	vadd.scan.msk.f32 $0xffff, v8  }
0x288: {  	v7 =	vadd.f32 v11, v7;
	(xrf2) =	vadd.scan.msk.f32 $0xffff, v10  }
0x289: {  	(xrf2) =	vadd.scan.msk.f32 $0xffff, v6  }
0x28a: {  	(xrf2) =	vadd.scan.msk.f32 $0xffff, v7;
	_ =	sdelay $0x1  }
0x28b: {  	v6, _, _ =	vpop (xrf2)  }
0x28c: {  	v7, _, _ =	vpop (xrf2);
	v6 =	vbroadcast v6, $0xF  }
0x28d: {  	v8, _, _ =	vpop (xrf2)  }
0x28e: {  	v9, _, _ =	vpop (xrf2)  }
0x28f: {  	v7 =	vbroadcast v7, $0xF;
	v10, _, _ =	vpop (xrf2)  }
0x290: {  	s4 =	sadd.s32 $0x1, s5;
	v1 =	vsel vm0, v6, v1;
	v6, _, _ =	vpop (xrf2)  }
0x291: {  	v5 =	vsel vm0, v7, v5;
	v7 =	vmov s4;
	v6 =	vbroadcast v6, $0xF;
	v11, _, _ =	vpop (xrf2)  }
0x292: {  	s9 =	sor.u32 $0x20, s10;
	v8 =	vbroadcast v8, $0xF;
	vm1 =	veq.s32 v7, v0;
	v7 =	vbroadcast v11, $0xF;
	v11, _, _ =	vpop (xrf2)  }
0x293: {  	s10 =	sadd.s32 s9, s22;
	v9 =	vbroadcast v9, $0xF;
	v1 =	vsel vm1, v6, v1;
	v6 =	vbroadcast v11, $0xF;
	v11, _, _ =	vpop (xrf2)  }
0x294: {  	v4 =	vsel vm0, v8, v4;
	v5 =	vsel vm1, v7, v5;
	v7 =	vbroadcast v11, $0xF;
	[tilespmem:s10+$0x0] =	vst v1  }
0x295: {  	v1 =	vsel vm0, v9, v3;
	v3 =	vbroadcast v10, $0xF;
	v4 =	vsel vm1, v6, v4;
	[tilespmem:s10+$0x80] =	vst v5  }
0x296: {  	s4 =	sor.u32 s9, s23;
	v1 =	vsel vm1, v7, v1;
	[tilespmem:s10+$0x100] =	vst v4  }
0x297: {  	s5 =	sadd.s32 @!p0 $0x6, s17;
	s7 =	simm.s32 @!p0 $0x2200;
	s4 =	sor.u32 $0x200, s4;
	v2 =	vsel vm1, v3, v2;
	[tilespmem:s10+$0x180] =	vst v1  }
0x298: {  	s6 =	simm.s32 @!p0 $0x10;
	[tilespmem:s4+$0xD200] =	vst v2;
	s4 =	sshll.u32 @!p0 s5, $0x4;
	s5 =	sshll.u32 @!p0 s5, $0x7  }
0x299: {  	[tilespmem:s7], [sflag:$0x5] =	stream.indirect.gather @!p0 [hbm4b:s1+s6], $0x80, s4, s6, $0xb8;
	[tilespmem:$0xE200] =	vst v63  }
0x29a: {  	s4 =	sand.u32 @!p0 $0x60, s4;
	s5 =	sand.u32 @!p0 $0x1C00, s5  }
0x29b: {  	s4 =	sor.u32 @!p0 s4, s5  }
0x29c: {  	s7 =	simm.s32 @!p0 $0x8200;
	s5 =	sor.u32 @!p0 $0x200, s4  }
0x29d: {  	[tilespmem:s7], [sflag:$0x6] =	stream.indirect.gather @!p0 [hbm4b:s3+s6], $0x80, s5, s6, $0xb8;
	[tilespmem:$0xE200] =	vst v63  }
0x29e: {  	s5 =	sor.u32 @!p0 $0x280, s4;
	s7 =	simm.s32 @!p0 $0x8A00  }
0x29f: {  	[tilespmem:s7], [sflag:$0x6] =	stream.indirect.gather @!p0 [hbm4b:s3+s6], $0x80, s5, s6, $0xb8;
	[tilespmem:$0xE200] =	vst v63  }
0x2a0: {  	s5 =	sor.u32 @!p0 $0x300, s4;
	s7 =	simm.s32 @!p0 $0x9200  }
0x2a1: {  	[tilespmem:s7], [sflag:$0x6] =	stream.indirect.gather @!p0 [hbm4b:s3+s6], $0x80, s5, s6, $0xb8;
	[tilespmem:$0xE200] =	vst v63  }
0x2a2: {  	s5 =	sor.u32 @!p0 $0x380, s4;
	s7 =	simm.s32 @!p0 $0x9A00  }
0x2a3: {  	[tilespmem:s7], [sflag:$0x6] =	stream.indirect.gather @!p0 [hbm4b:s3+s6], $0x80, s5, s6, $0xb8;
	[tilespmem:$0xE200] =	vst v63  }
0x2a4: {  	s4 =	sadd.s32 @!p0 $0x400, s4;
	s5 =	simm.s32 @!p0 $0xA200  }
0x2a5: {  	[tilespmem:s5], [sflag:$0x6] =	stream.indirect.gather @!p0 [hbm4b:s3+s6], $0x80, s4, s6, $0xb8;
	[tilespmem:$0xE200] =	vst v63  }
0x2a6: {  	_ =	swait.ge [sflag:s15], $0x800  }
0x2a7: {  	[sflag:s15] =	ssyncset.done $0x0  }
0x2a8: {  	[sflag:s15] =	ssyncadd.s32 $0xFFFFF800  }
0x2a9: {  	_ =	swait.ge [sflag:s16], $0x800  }
0x2aa: {  	[sflag:s16] =	ssyncset.done $0x0  }
0x2ab: {  	[sflag:s16] =	ssyncadd.s32 $0xFFFFF800  }
0x2ac: {  	_ =	swait.ge [sflag:s16], $0x800  }
0x2ad: {  	[sflag:s16] =	ssyncset.done $0x0  }
0x2ae: {  	[sflag:s16] =	ssyncadd.s32 $0xFFFFF800  }
0x2af: {  	_ =	swait.ge [sflag:s16], $0x800  }
0x2b0: {  	[sflag:s16] =	ssyncset.done $0x0  }
0x2b1: {  	[sflag:s16] =	ssyncadd.s32 $0xFFFFF800  }
0x2b2: {  	_ =	swait.ge [sflag:s16], $0x800  }
0x2b3: {  	[sflag:s16] =	ssyncset.done $0x0  }
0x2b4: {  	[sflag:s16] =	ssyncadd.s32 $0xFFFFF800  }
0x2b5: {  	_ =	swait.ge [sflag:s16], $0x800  }
0x2b6: {  	[sflag:s16] =	ssyncset.done $0x0  }
0x2b7: {  	s23 =	simm.s32 $0x0;
	[sflag:s16] =	ssyncadd.s32 $0xFFFFF800  }
0x2b8: {  	v1 =	vld [tilespmem:s23+$0x2A00]  }
0x2b9: {  	v2 =	vld [tilespmem:s23+$0x2A10]  }
0x2ba: {  	v3 =	vld [tilespmem:s23+$0xCA00]  }
0x2bb: {  	v4 =	vld [tilespmem:s23+$0xCA10]  }
0x2bc: {  	v5 =	vld [tilespmem:s23+$0x2A20]  }
0x2bd: {  	v6 =	vld [tilespmem:s23+$0xCA20]  }
0x2be: {  	v7 =	vld [tilespmem:s23+$0x2A30]  }
0x2bf: {  	v8 =	vld [tilespmem:s23+$0xCA30]  }
0x2c0: {  	v9 =	vld [tilespmem:s23+$0x2A40]  }
0x2c1: {  	v10 =	vld [tilespmem:s23+$0xCA40]  }
0x2c2: {  	v11 =	vld [tilespmem:s23+$0x2A50]  }
0x2c3: {  	v12 =	vld [tilespmem:s23+$0xCA50]  }
0x2c4: {  	v13 =	vld [tilespmem:s23+$0x2A60]  }
0x2c5: {  	v14 =	vld [tilespmem:s23+$0xCA60]  }
0x2c6: {  	v15 =	vld [tilespmem:s23+$0xCA70]  }
0x2c7: {  	v16 =	vld [tilespmem:s23+$0xAA10]  }
0x2c8: {  	v17 =	vld [tilespmem:s23+$0xB210]  }
0x2c9: {  	v18 =	vld [tilespmem:s23+$0xBA10];
	v3 =	vmul.f32 v3, v1;
	v4 =	vmul.f32 v4, v2  }
0x2ca: {  	v19 =	vld [tilespmem:s23+$0xC210]  }
0x2cb: {  	v55 =	vld [tilespmem:s23+$0xB220];
	v3 =	vadd.f32 v4, v3;
	v4 =	vmul.f32 v6, v5  }
0x2cc: {  	v56 =	vld [tilespmem:s23+$0xC220]  }
0x2cd: {  	v57 =	vld [tilespmem:s23+$0xB230];
	v3 =	vadd.f32 v4, v3;
	v4 =	vmul.f32 v8, v7  }
0x2ce: {  	v58 =	vld [tilespmem:s23+$0xBA30]  }
0x2cf: {  	v59 =	vld [tilespmem:s23+$0xC230];
	v3 =	vadd.f32 v4, v3;
	v4 =	vmul.f32 v10, v9  }
0x2d0: {  	v6 =	vld [tilespmem:s23+$0x2A70]  }
0x2d1: {  	v60 =	vld [tilespmem:s23+$0xC240];
	v3 =	vadd.f32 v4, v3;
	v4 =	vmul.f32 v12, v11  }
0x2d2: {  	v10 =	vld [tilespmem:s23+$0xB200]  }
0x2d3: {  	v8 =	vld [tilespmem:s23+$0xAA00];
	v3 =	vadd.f32 v4, v3;
	v4 =	vmul.f32 v14, v13  }
0x2d4: {  	v12 =	vld [tilespmem:s23+$0xBA00]  }
0x2d5: {  	v63 =	vld [tilespmem:s23+$0xC250];
	v3 =	vadd.f32 v4, v3;
	v4 =	vmul.f32 v15, v6  }
0x2d6: {  	v14 =	vld [tilespmem:s23+$0xC200]  }
0x2d7: {  	s5 =	simm.s32 $0x0;
	v17 =	vmul.f32 v17, v2;
	v10 =	vmul.f32 v10, v1;
	v15 =	vld [tilespmem:s23+$0xAA20];
	v3 =	vadd.f32 v4, v3  }
0x2d8: {  	v61 =	vmov s5;
	v16 =	vmul.f32 v16, v2;
	v8 =	vmul.f32 v8, v1;
	v4 =	vld [tilespmem:s23+$0xBA20]  }
0x2d9: {  	v12 =	vmul.f32 v12, v1;
	v10 =	vadd.f32 v17, v10;
	v17 =	vmul.f32 v18, v2;
	(xrf2) =	vadd.scan.msk.f32 $0xffff, v3;
	v3 =	vld [tilespmem:s23+$0xAA30]  }
0x2da: {  	vm0 =	veq.s32 v61, v0;
	v8 =	vadd.f32 v16, v8;
	v18 =	vld [tilespmem:s23+$0xB240];
	v2 =	vmul.f32 v19, v2  }
0x2db: {  	v16 =	vld [tilespmem:s23+$0xAA40];
	v14 =	vmul.f32 v14, v1;
	v12 =	vadd.f32 v17, v12;
	v17 =	vmul.f32 v55, v5  }
0x2dc: {  	v62 =	vmul.f32 v58, v7;
	v19 =	vld [tilespmem:s23+$0xBA40];
	v1 =	vimm.f32 $0.0e+00;
	v15 =	vmul.f32 v15, v5  }
0x2dd: {  	v2 =	vadd.f32 v2, v14;
	v14 =	vld [tilespmem:s23+$0xAA50];
	v10 =	vadd.f32 v17, v10;
	v4 =	vmul.f32 v4, v5  }
0x2de: {  	v17 =	vld [tilespmem:s23+$0xBA50];
	v5 =	vmul.f32 v56, v5;
	v8 =	vadd.f32 v15, v8;
	v3 =	vmul.f32 v3, v7  }
0x2df: {  	v18 =	vmul.f32 v18, v9;
	v15 =	vld [tilespmem:s23+$0xB250];
	v4 =	vadd.f32 v4, v12;
	v12 =	vmul.f32 v57, v7  }
0x2e0: {  	v5 =	vadd.f32 v5, v2;
	v7 =	vmul.f32 v59, v7;
	v3 =	vadd.f32 v3, v8;
	v8 =	vld [tilespmem:s23+$0xAA60]  }
0x2e1: {  	v19 =	vmul.f32 v19, v9;
	v10 =	vadd.f32 v12, v10;
	v12 =	vmul.f32 v16, v9;
	v16 =	vld [tilespmem:s23+$0xB260]  }
0x2e2: {  	v4 =	vadd.f32 v62, v4;
	v5 =	vadd.f32 v7, v5;
	v7 =	vld [tilespmem:s23+$0xBA60];
	v9 =	vmul.f32 v60, v9  }
0x2e3: {  	v14 =	vmul.f32 v14, v11;
	v3 =	vadd.f32 v12, v3;
	v12 =	vld [tilespmem:s23+$0xC260];
	v10 =	vadd.f32 v18, v10  }
0x2e4: {  	v15 =	vmul.f32 v15, v11;
	v18 =	vld [tilespmem:s23+$0xAA70];
	v4 =	vadd.f32 v19, v4;
	v5 =	vadd.f32 v9, v5;
	v2, _, _ =	vpop (xrf2)  }
0x2e5: {  	v9 =	vmul.f32 v17, v11;
	v17 =	vld [tilespmem:s23+$0xB270];
	v2 =	vbroadcast v2, $0xF;
	v3 =	vadd.f32 v14, v3  }
0x2e6: {  	v14 =	vadd.f32 v15, v10;
	v10 =	vmul.f32 v63, v11;
	v8 =	vmul.f32 v8, v13  }
0x2e7: {  	v4 =	vadd.f32 v9, v4;
	v11 =	vld [tilespmem:s23+$0xBA70];
	v9 =	vmul.f32 v16, v13;
	v16 =	vmul.f32 v7, v13  }
0x2e8: {  	s6 =	simm.s32 $0x80;
	v2 =	vsel vm0, v2, v1;
	v5 =	vadd.f32 v10, v5;
	v10 =	vld [tilespmem:s23+$0xC270];
	v19 =	vmul.f32 v12, v13  }
0x2e9: {  	v7 =	vld [tilespmem:s6+$0x2A00];
	v12 =	vadd.f32 v8, v3;
	v13 =	vadd.f32 v9, v14;
	v15 =	vmul.f32 v18, v6  }
0x2ea: {  	v8 =	vld [tilespmem:s6+$0x2A10];
	v14 =	vadd.f32 v16, v4;
	v16 =	vmul.f32 v17, v6;
	v4 =	vimm.f32 $0.0e+00  }
0x2eb: {  	s7 =	simm.s32 $0x400;
	v17 =	vld [tilespmem:s6+$0xCA00];
	v3 =	vimm.f32 $0.0e+00;
	v9 =	vadd.f32 v19, v5;
	v5 =	vimm.f32 $0.0e+00  }
.LBB2_9:
0x2ec: {  	p0 =	sne.s32 s7, $0x1E00;
	v18 =	vld [tilespmem:s6+$0xCA10];
	v12 =	vadd.f32 v15, v12;
	v11 =	vmul.f32 v11, v6  }
0x2ed: {  	v15 =	vld [tilespmem:s6+$0x2A20];
	v13 =	vadd.f32 v16, v13;
	v6 =	vmul.f32 v10, v6  }
0x2ee: {  	v16 =	vld [tilespmem:s6+$0xCA20];
	v14 =	vadd.f32 v11, v14;
	(xrf2) =	vadd.scan.msk.f32 $0xffff, v12  }
0x2ef: {  	v12 =	vld [tilespmem:s6+$0x2A30];
	v19 =	vadd.f32 v6, v9  }
0x2f0: {  	v6 =	vld [tilespmem:s6+$0xCA30]  }
0x2f1: {  	v9 =	vmul.f32 v17, v7;
	v11 =	vld [tilespmem:s6+$0x2A40];
	v17 =	vmul.f32 v18, v8;
	(xrf2) =	vadd.scan.msk.f32 $0xffff, v13  }
0x2f2: {  	v13 =	vld [tilespmem:s6+$0xCA40]  }
0x2f3: {  	v10 =	vld [tilespmem:s6+$0x2A50];
	v17 =	vadd.f32 v17, v9;
	v16 =	vmul.f32 v16, v15  }
0x2f4: {  	v18 =	vld [tilespmem:s6+$0xCA50];
	(xrf2) =	vadd.scan.msk.f32 $0xffff, v14  }
0x2f5: {  	v9 =	vld [tilespmem:s6+$0x2A60];
	v14 =	vadd.f32 v16, v17;
	v16 =	vmul.f32 v6, v12  }
0x2f6: {  	v17 =	vld [tilespmem:s6+$0xCA60]  }
0x2f7: {  	v6 =	vld [tilespmem:s6+$0x2A70];
	v14 =	vadd.f32 v16, v14;
	v13 =	vmul.f32 v13, v11;
	(xrf2) =	vadd.scan.msk.f32 $0xffff, v19  }
0x2f8: {  	v16 =	vld [tilespmem:s6+$0xCA70];
	v19, _, _ =	vpop (xrf2)  }
0x2f9: {  	v20 =	vld [tilespmem:s6+$0xAA00];
	v13 =	vadd.f32 v13, v14;
	v14 =	vmul.f32 v18, v10;
	v18 =	vbroadcast v19, $0xF  }
0x2fa: {  	v19 =	vld [tilespmem:s6+$0xAA10]  }
0x2fb: {  	v21 =	vld [tilespmem:s6+$0xB200];
	v13 =	vadd.f32 v14, v13;
	v14 =	vmul.f32 v17, v9;
	v1 =	vsel vm0, v18, v1;
	v17, _, _ =	vpop (xrf2)  }
0x2fc: {  	v18 =	vld [tilespmem:s6+$0xB210];
	v23 =	vbroadcast v17, $0xF  }
0x2fd: {  	v22 =	vld [tilespmem:s6+$0xBA00];
	v13 =	vadd.f32 v14, v13;
	v14 =	vmul.f32 v16, v6  }
0x2fe: {  	v16 =	vmul.f32 v20, v7;
	v20 =	vld [tilespmem:s6+$0xBA10];
	v5 =	vsel vm0, v23, v5;
	v17, _, _ =	vpop (xrf2)  }
0x2ff: {  	v19 =	vmul.f32 v19, v8;
	v23 =	vld [tilespmem:s6+$0xC200];
	v24 =	vadd.f32 v14, v13;
	v14 =	vbroadcast v17, $0xF  }
0x300: {  	v17 =	vmul.f32 v21, v7;
	v21 =	vld [tilespmem:s6+$0xC210]  }
0x301: {  	v16 =	vadd.f32 v19, v16;
	v19 =	vld [tilespmem:s6+$0xAA20];
	v18 =	vmul.f32 v18, v8;
	(xrf2) =	vadd.scan.msk.f32 $0xffff, v24;
	v4 =	vsel vm0, v14, v4;
	v13, _, _ =	vpop (xrf2)  }
0x302: {  	v14 =	vld [tilespmem:s6+$0xB220];
	v22 =	vmul.f32 v22, v7;
	v13 =	vbroadcast v13, $0xF  }
0x303: {  	v17 =	vadd.f32 v18, v17;
	v18 =	vmul.f32 v20, v8;
	v20 =	vld [tilespmem:s6+$0xBA20]  }
0x304: {  	v7 =	vmul.f32 v23, v7;
	v23 =	vld [tilespmem:s6+$0xC220];
	v3 =	vsel vm0, v13, v3  }
0x305: {  	v13 =	vld [tilespmem:s6+$0xAA30];
	v18 =	vadd.f32 v18, v22;
	v8 =	vmul.f32 v21, v8  }
0x306: {  	v19 =	vmul.f32 v19, v15;
	v21 =	vld [tilespmem:s6+$0xB230]  }
0x307: {  	v14 =	vmul.f32 v14, v15;
	v22 =	vld [tilespmem:s6+$0xBA30];
	v7 =	vadd.f32 v8, v7  }
0x308: {  	v8 =	vadd.f32 v19, v16;
	v16 =	vmul.f32 v20, v15;
	v19 =	vld [tilespmem:s6+$0xC230]  }
0x309: {  	v20 =	vld [tilespmem:s6+$0xAA40];
	v14 =	vadd.f32 v14, v17;
	v23 =	vmul.f32 v23, v15  }
0x30a: {  	v13 =	vmul.f32 v13, v12;
	v17 =	vld [tilespmem:s6+$0xB240];
	v16 =	vadd.f32 v16, v18  }
0x30b: {  	s5 =	sadd.s32 $0x1, s5;
	v18 =	vmul.f32 v21, v12;
	v21 =	vld [tilespmem:s6+$0xBA40];
	v7 =	vadd.f32 v23, v7;
	v15, _, _ =	vpop (xrf2)  }
0x30c: {  	v23 =	vmov s5;
	v22 =	vmul.f32 v22, v12;
	v24 =	vld [tilespmem:s6+$0xC240];
	v15 =	vbroadcast v15, $0xF  }
0x30d: {  	v8 =	vadd.f32 v13, v8;
	vm0 =	veq.s32 v23, v0;
	v13 =	vld [tilespmem:s6+$0xAA50];
	v12 =	vmul.f32 v19, v12  }
0x30e: {  	v14 =	vadd.f32 v18, v14;
	v18 =	vld [tilespmem:s6+$0xB250];
	v16 =	vadd.f32 v22, v16;
	v2 =	vsel vm0, v15, v2  }
0x30f: {  	v15 =	vmul.f32 v20, v11;
	v17 =	vmul.f32 v17, v11;
	v19 =	vld [tilespmem:s6+$0xBA50];
	v7 =	vadd.f32 v12, v7  }
0x310: {  	v12 =	vmul.f32 v21, v11;
	v20 =	vld [tilespmem:s6+$0xC250]  }
0x311: {  	v8 =	vadd.f32 v15, v8;
	v15 =	vld [tilespmem:s6+$0xAA60];
	v14 =	vadd.f32 v17, v14;
	v11 =	vmul.f32 v24, v11  }
0x312: {  	v13 =	vmul.f32 v13, v10;
	v17 =	vld [tilespmem:s6+$0xB260];
	v12 =	vadd.f32 v12, v16  }
0x313: {  	v16 =	vmul.f32 v18, v10;
	v18 =	vld [tilespmem:s6+$0xBA60];
	v7 =	vadd.f32 v11, v7  }
0x314: {  	v8 =	vadd.f32 v13, v8;
	v11 =	vmul.f32 v19, v10;
	v19 =	vld [tilespmem:s6+$0xC260]  }
0x315: {  	v21 =	vld [tilespmem:s6+$0xAA70];
	v13 =	vadd.f32 v16, v14;
	v10 =	vmul.f32 v20, v10  }
0x316: {  	v14 =	vmul.f32 v15, v9;
	v16 =	vld [tilespmem:s6+$0xB270];
	v20 =	vadd.f32 v11, v12  }
.Ltmp3:
0x317: {  	v15 =	vmul.f32 v17, v9;
	v11 =	vld [tilespmem:s6+$0xBA70];
	v22 =	vadd.f32 v10, v7;
	(pc) =	sbr.rel @p0 .LBB2_9-.Ltmp3, $4  }
0x318: {  	v12 =	vadd.f32 v14, v8;
	v14 =	vmul.f32 v18, v9;
	v10 =	vld [tilespmem:s6+$0xC270];
	s6 =	sshra.s32 s7, $0x2  }
0x319: {  	v7 =	vld [tilespmem:s6+$0x2A00];
	v13 =	vadd.f32 v15, v13;
	v9 =	vmul.f32 v19, v9  }
0x31a: {  	v8 =	vld [tilespmem:s6+$0x2A10];
	v15 =	vmul.f32 v21, v6;
	v14 =	vadd.f32 v14, v20  }
0x31b: {  	s7 =	sadd.s32 $0x200, s7;
	v17 =	vld [tilespmem:s6+$0xCA00];
	v16 =	vmul.f32 v16, v6;
	v9 =	vadd.f32 v9, v22  }
0x31c: {  	v18 =	vld [tilespmem:s6+$0xCA10]  }
0x31d: {  	v19 =	vld [tilespmem:s6+$0x2A20]  }
0x31e: {  	v20 =	vld [tilespmem:s6+$0xCA20]  }
0x31f: {  	v21 =	vld [tilespmem:s6+$0x2A30]  }
0x320: {  	v22 =	vld [tilespmem:s6+$0xCA30]  }
0x321: {  	v23 =	vld [tilespmem:s6+$0x2A40]  }
0x322: {  	v24 =	vld [tilespmem:s6+$0xCA40]  }
0x323: {  	v25 =	vld [tilespmem:s6+$0x2A50]  }
0x324: {  	v26 =	vld [tilespmem:s6+$0xCA50]  }
0x325: {  	v27 =	vld [tilespmem:s6+$0x2A60]  }
0x326: {  	v28 =	vld [tilespmem:s6+$0xCA60]  }
0x327: {  	v29 =	vld [tilespmem:s6+$0x2A70]  }
0x328: {  	v30 =	vld [tilespmem:s6+$0xCA70]  }
0x329: {  	v31 =	vld [tilespmem:s6+$0xAA00]  }
0x32a: {  	v32 =	vld [tilespmem:s6+$0xAA10]  }
0x32b: {  	v33 =	vld [tilespmem:s6+$0xB200]  }
0x32c: {  	v34 =	vld [tilespmem:s6+$0xB210]  }
0x32d: {  	v35 =	vld [tilespmem:s6+$0xBA00]  }
0x32e: {  	v36 =	vld [tilespmem:s6+$0xBA10]  }
0x32f: {  	v52 =	vld [tilespmem:s6+$0xC200]  }
0x330: {  	v37 =	vld [tilespmem:s6+$0xC210]  }
0x331: {  	v54 =	vld [tilespmem:s6+$0xAA20]  }
0x332: {  	v38 =	vld [tilespmem:s6+$0xB220];
	v11 =	vmul.f32 v11, v6  }
0x333: {  	v56 =	vld [tilespmem:s6+$0xBA20];
	v60 =	vmul.f32 v10, v6;
	v17 =	vmul.f32 v17, v7  }
0x334: {  	v63 =	vld [tilespmem:s6+$0xAA40];
	v18 =	vmul.f32 v18, v8;
	v51 =	vmul.f32 v20, v19  }
0x335: {  	v43 =	vld [tilespmem:s6+$0xB240];
	v53 =	vmul.f32 v22, v21;
	v55 =	vmul.f32 v24, v23  }
0x336: {  	v12 =	vadd.f32 v15, v12;
	v46 =	vld [tilespmem:s6+$0xBA40];
	v57 =	vmul.f32 v26, v25;
	v59 =	vmul.f32 v28, v27  }
0x337: {  	v49 =	vld [tilespmem:s6+$0xC240];
	v13 =	vadd.f32 v16, v13;
	v62 =	vmul.f32 v30, v29;
	v41 =	vmul.f32 v31, v7  }
0x338: {  	v10 =	vld [tilespmem:s6+$0xC230];
	v42 =	vmul.f32 v32, v8;
	v44 =	vmul.f32 v33, v7;
	v17 =	vadd.f32 v18, v17  }
0x339: {  	v39 =	vld [tilespmem:s6+$0xC220];
	v11 =	vadd.f32 v11, v14;
	v45 =	vmul.f32 v34, v8;
	v47 =	vmul.f32 v35, v7  }
0x33a: {  	v48 =	vmul.f32 v36, v8;
	v50 =	vmul.f32 v52, v7;
	v52 =	vld [tilespmem:s6+$0xAA50];
	v17 =	vadd.f32 v51, v17  }
0x33b: {  	v58 =	vld [tilespmem:s6+$0xAA30];
	v6 =	vadd.f32 v60, v9;
	v22 =	vmul.f32 v54, v19;
	v16 =	vmul.f32 v63, v23  }
0x33c: {  	v40 =	vld [tilespmem:s6+$0xB230];
	v63 =	vmul.f32 v43, v23;
	v30 =	vmul.f32 v46, v23;
	v17 =	vadd.f32 v53, v17  }
0x33d: {  	v54 =	vld [tilespmem:s6+$0xB250];
	v33 =	vmul.f32 v49, v23;
	v10 =	vmul.f32 v10, v21;
	v9 =	vadd.f32 v42, v41  }
0x33e: {  	v60 =	vld [tilespmem:s6+$0xAA60];
	v15 =	vadd.f32 v45, v44;
	v51 =	vmul.f32 v37, v8;
	v17 =	vadd.f32 v55, v17  }
0x33f: {  	v28 =	vld [tilespmem:s6+$0xBA30];
	v9 =	vadd.f32 v22, v9;
	v20 =	vmul.f32 v52, v25;
	v53 =	vmul.f32 v38, v19  }
0x340: {  	v34 =	vld [tilespmem:s6+$0xAA70];
	v7 =	vadd.f32 v51, v50;
	v55 =	vmul.f32 v56, v19;
	v17 =	vadd.f32 v57, v17  }
0x341: {  	v31 =	vld [tilespmem:s6+$0xC260];
	v19 =	vmul.f32 v39, v19;
	v15 =	vadd.f32 v53, v15;
	v57 =	vmul.f32 v58, v21  }
0x342: {  	v35 =	vmul.f32 v54, v25;
	v56 =	vld [tilespmem:s6+$0xBA50];
	v61 =	vadd.f32 v59, v17;
	v17 =	vadd.f32 v48, v47  }
0x343: {  	v58 =	vld [tilespmem:s6+$0xC250];
	v7 =	vadd.f32 v19, v7;
	v59 =	vmul.f32 v40, v21;
	v9 =	vadd.f32 v57, v9  }
0x344: {  	v14 =	vadd.f32 v62, v61;
	v8 =	vadd.f32 v55, v17;
	v61 =	vmul.f32 v28, v21;
	v62 =	vld [tilespmem:s6+$0xB260]  }
0x345: {  	v44 =	vmul.f32 v34, v29;
	v7 =	vadd.f32 v10, v7;
	v15 =	vadd.f32 v59, v15;
	v28 =	vld [tilespmem:s6+$0xBA60]  }
0x346: {  	v36 =	vld [tilespmem:s6+$0xB270];
	v45 =	vmul.f32 v31, v27;
	v9 =	vadd.f32 v16, v9;
	v8 =	vadd.f32 v61, v8  }
0x347: {  	v39 =	vld [tilespmem:s6+$0xBA70];
	v40 =	vmul.f32 v60, v27;
	v7 =	vadd.f32 v33, v7;
	v15 =	vadd.f32 v63, v15  }
0x348: {  	v41 =	vld [tilespmem:s6+$0xC270];
	v37 =	vmul.f32 v56, v25;
	v9 =	vadd.f32 v20, v9;
	v8 =	vadd.f32 v30, v8  }
0x349: {  	(xrf2) =	vadd.scan.msk.f32 $0xffff, v12;
	v38 =	vmul.f32 v58, v25;
	v10 =	vadd.f32 v35, v15;
	v42 =	vmul.f32 v62, v27  }
0x34a: {  	(xrf2) =	vadd.scan.msk.f32 $0xffff, v13;
	v9 =	vadd.f32 v40, v9;
	v43 =	vmul.f32 v28, v27;
	v8 =	vadd.f32 v37, v8  }
0x34b: {  	(xrf2) =	vadd.scan.msk.f32 $0xffff, v11;
	v46 =	vmul.f32 v36, v29;
	v7 =	vadd.f32 v38, v7;
	v10 =	vadd.f32 v42, v10  }
0x34c: {  	(xrf2) =	vadd.scan.msk.f32 $0xffff, v6;
	v49 =	vmul.f32 v39, v29;
	v48 =	vadd.f32 v44, v9;
	v47 =	vadd.f32 v43, v8  }
0x34d: {  	v50 =	vmul.f32 v41, v29;
	(xrf2) =	vadd.scan.msk.f32 $0xffff, v14;
	v7 =	vadd.f32 v45, v7;
	v10 =	vadd.f32 v46, v10  }
0x34e: {  	(xrf2) =	vadd.scan.msk.f32 $0xffff, v48;
	v6 =	vadd.f32 v49, v47  }
0x34f: {  	v7 =	vadd.f32 v50, v7;
	(xrf2) =	vadd.scan.msk.f32 $0xffff, v10  }
0x350: {  	(xrf2) =	vadd.scan.msk.f32 $0xffff, v6  }
0x351: {  	(xrf2) =	vadd.scan.msk.f32 $0xffff, v7;
	_ =	sdelay $0x1  }
0x352: {  	v51, _, _ =	vpop (xrf2)  }
0x353: {  	v52, _, _ =	vpop (xrf2)  }
0x354: {  	v53, _, _ =	vpop (xrf2)  }
0x355: {  	v54, _, _ =	vpop (xrf2)  }
0x356: {  	s4 =	sadd.s32 $0x1, s5;
	v6 =	vbroadcast v51, $0xF;
	v55, _, _ =	vpop (xrf2)  }
0x357: {  	v57 =	vmov s4;
	v9 =	vbroadcast v54, $0xF;
	v56, _, _ =	vpop (xrf2)  }
0x358: {  	v7 =	vbroadcast v52, $0xF;
	v1 =	vsel vm0, v6, v1;
	v6 =	vbroadcast v56, $0xF;
	v58, _, _ =	vpop (xrf2)  }
0x359: {  	s19 =	sadd.s32 $0x1, s19;
	vm1 =	veq.s32 v57, v0;
	v8 =	vbroadcast v53, $0xF;
	v59 =	vbroadcast v58, $0xF;
	v60, _, _ =	vpop (xrf2)  }
0x35a: {  	s23 =	sadd.s32 s21, s22;
	p0 =	sne.s32 s19, $0x8;
	v5 =	vsel vm0, v7, v5;
	v1 =	vsel vm1, v6, v1;
	v61 =	vbroadcast v60, $0xF;
	v62, _, _ =	vpop (xrf2)  }
.Ltmp4:
0x35b: {  	v4 =	vsel vm0, v8, v4;
	[tilespmem:s23+$0x0] =	vst v1;
	v5 =	vsel vm1, v59, v5;
	v63 =	vbroadcast v62, $0xF;
	(pc) =	sbr.rel @p0 .LBB2_2-.Ltmp4, $4  }
0x35c: {  	v1 =	vsel vm0, v9, v3;
	v3 =	vbroadcast v55, $0xF;
	v4 =	vsel vm1, v61, v4;
	[tilespmem:s23+$0x80] =	vst v5  }
0x35d: {  	v1 =	vsel vm1, v63, v1;
	[tilespmem:s23+$0x100] =	vst v4  }
0x35e: {  	v2 =	vsel vm1, v3, v2;
	[tilespmem:s23+$0x180] =	vst v1  }
0x35f: {  	[tilespmem:s20+$0xD200] =	vst v2  }
0x360: {  	s4 =	simm.s32 $0x0;
	s5 =	rddreg [dreg:$0x8];
	s6 =	simm.s32 $0xD200  }
0x361: {  	[hbm4b:s5+s4] =	stream.linear.scatter [tilespmem:s6], [sflag:$0x9], $0x1000, $0x38;
	[tilespmem:$0xE200] =	vst v63  }
0x362: {  	s6 =	simm.s32 $0x9  }
0x363: {  	_ =	swait.ge [sflag:s6], $0x1000  }
0x364: {  	s18 =	sadd.s32 $0x1, s18;
	s23 =	rddreg [dreg:$0x9]  }
0x365: {  	p0 =	sne.s32 s18, s23  }
.Ltmp5:
0x366: {  	_ = 	snop;
	(pc) =	sbr.rel @p0 .LBB2_1-.Ltmp5, $3  }
0x367: {  	_ =	sdelay $0x1  }
0x368: {  	[sflag:s6] =	ssyncset.done $0x0  }
0x369: {  	[sflag:s6] =	ssyncadd.s32 $0xFFFFF000  }
0x36a: {  	_ =	sfence.sel $0x180000  }
0x36b: {  	[bflag:$0x0] =	sbarrier.arrive $0xFFFF  }
0x36c: {  	_ =	strace $0x90000047  }
0x36d: {  	s0 =	stileid.u32;
	[bflag:$0x2] =	sbarrier.arrive $0xFFFF  }
0x36e: {  	p0 =	sne.s32 s0, $0x0;
	s0 =	rddreg [dreg:$0x5]  }
0x36f: {  	s0 =	sadd.s32 @!p0 $0x100000, s0  }
0x370: {  	[sflag:s0] =	ssyncadd.tile.s32 @!p0 $0x1;
	_ =	shalt  }
.Lfunc_end2:
_tile_overlayer_lowered:
.L_overlay_start_2:
0x371: {  	(tag) =	ssettag $0x2  }
0x372: {  	s0 =	rddreg [dreg:$0x0];
	s2 =	stileid.u32  }
0x373: {  	s1 =	rddreg [dreg:$0x1];
	p0 =	sne.s32 s2, $0x0  }
0x374: {  	s3 =	rddreg [dreg:$0x2];
	[bflag:$0x3] =	sbarrier.arrive $0xFFFF;
	s2 =	simm.s32 @!p0 $0x1C09  }
0x375: {  	[timem:s3], [sflag:s2] =	dma.local @!p0 [hbm:s0], s1  }
0x376: {  	s0 =	simm.s32 @!p0 $0x9  }
0x377: {  	_ =	swait.ge @!p0 [sflag:s0], s1  }
0x378: {  	s1 =	ssub.s32 @!p0 $0x0, s1;
	[sflag:s0] =	ssyncset.done @!p0 $0x0  }
0x379: {  	[sflag:s0] =	ssyncadd.s32 @!p0 s1  }
0x37a: {  	[bflag:$0x3] =	sbarrier.arrive $0xFFFF  }
0x37b: {  	_ =	shalt  }

</sc_bundles>
